<compile_context>
chip_gen: v7x
topology: tpu7x:2x2x1
jax: 0.10.2.dev20260603
libtpu: 0.0.44.dev20260713+nightly
codegen_flags: <defaults>
</compile_context>

<pallas_src>
import functools
import math

import jax
import jax.numpy as jnp
import numpy as np
from jax import lax
from jax.experimental import pallas as pl
from jax.experimental.pallas import tpu as pltpu
from jax.experimental.pallas import tpu_sc as plsc

N = 10000
E = 160000
NS = 16
NV = 8
NR = 8
WNE = 896
ALPHA = 1.0 / math.sqrt(24.0)

E_PAD = 163840
N_PAD = 10240

EB = 2048
NB = 1024

NW = 32
EPW = E_PAD // NW
CH = 1024
NCH = EPW // CH
ZR = N_PAD // 16

_ISQ3 = 1.0 / math.sqrt(3.0)


def _build_consts():
    bcast = np.zeros((8, 128), dtype=np.float32)
    bcast[0, 0:16] = 1.0
    bcast[1, 16:24] = 1.0
    bcast[2, 24:32] = 1.0
    bcast[3, 32:40] = 1.0
    bcast[4, 40:48] = 1.0
    bcast[5, 64:80] = 1.0
    bcast[0, 80:104] = 1.0

    umat = np.zeros((128, 64), dtype=np.float32)
    for i in range(NS):
        umat[i, i] = 1.0
    for a in range(NV):
        for k in range(3):
            umat[16 + 8 * k + a, 16 + a] = _ISQ3
    for i in range(NS):
        umat[64 + i, 24 + i] = 1.0
    for p in range(24):
        umat[80 + p, 40 + p] = 1.0

    r = np.zeros((64, WNE), dtype=np.float32)
    s = np.zeros((WNE, 64), dtype=np.float32)
    for i in range(NS):
        for j in range(NS):
            c = i * 16 + j
            r[i, c] = 1.0
            s[c, j] = 1.0
    for a in range(NV):
        for j in range(NS):
            c = 256 + a * 16 + j
            r[16 + a, c] = 1.0
            s[c, j] = 1.0
    for i in range(NS):
        for a in range(NV):
            c = 384 + i * 8 + a
            r[i, c] = 1.0
            s[c, 16 + a] = 1.0
    for b in range(NV):
        for a in range(NV):
            c = 512 + b * 8 + a
            r[16 + b, c] = 1.0
            s[c, 16 + a] = 1.0
    for i in range(NS):
        for a in range(NV):
            c = 576 + i * 8 + a
            r[24 + i, c] = 1.0
            s[c, 48 + a] = 1.0
    for k in range(3):
        for b in range(NV):
            for a in range(NV):
                c = 704 + k * 64 + b * 8 + a
                r[40 + 8 * k + b, c] = 1.0
                s[c, 24 + 8 * k + a] = 1.0
    return bcast, umat, r, s


_BCAST, _UMAT, _R_MAT, _S_MAT = _build_consts()


_SC_MESH = plsc.VectorSubcoreMesh(core_axis_name="c", subcore_axis_name="s")


def _sc_gather(x_pad, src2d):
    @functools.partial(
        pl.kernel,
        out_type=jax.ShapeDtypeStruct((E_PAD, 128), jnp.float32),
        mesh=_SC_MESH,
        scratch_types=[
            pltpu.VMEM((8, 128), jnp.int32),
            pltpu.VMEM((CH, 64), jnp.float32),
            pltpu.VMEM_SHARED((N_PAD, 64), jnp.float32),
            pltpu.SemaphoreType.DMA,
        ],
        compiler_params=pltpu.CompilerParams(use_tc_tiling_on_sc=False),
    )
    def body(x_hbm, src_hbm, out_hbm, idx_v, rows_v, tbl, sem):
        sid = lax.axis_index("s")
        cid = lax.axis_index("c")
        wid = sid * 2 + cid
        pltpu.sync_copy(x_hbm.at[pl.ds(sid * ZR, ZR)],
                        tbl.at[pl.ds(sid * ZR, ZR)])
        plsc.subcore_barrier()
        row0 = wid * (EPW // 128)
        base = wid * EPW
        for c in range(NCH):
            pltpu.sync_copy(src_hbm.at[pl.ds(row0 + c * 8, 8), :], idx_v)
            copies = [
                pltpu.async_copy(tbl.at[idx_v.at[j]],
                                 rows_v.at[pl.ds(j * 128, 128)], sem)
                for j in range(8)
            ]
            for cp in copies:
                cp.wait()
            pltpu.sync_copy(
                rows_v, out_hbm.at[pl.ds(base + c * CH, CH), pl.ds(0, 64)])

    return body(x_pad, src2d)


def _sc_scatter(m, dst2d):
    @functools.partial(
        pl.kernel,
        out_type=jax.ShapeDtypeStruct((2 * N_PAD, 64), jnp.float32),
        mesh=_SC_MESH,
        scratch_types=[
            pltpu.VMEM((8, 128), jnp.int32),
            pltpu.VMEM((CH, 64), jnp.float32),
            pltpu.VMEM_SHARED((N_PAD, 64), jnp.float32),
            pltpu.SemaphoreType.DMA,
        ],
        compiler_params=pltpu.CompilerParams(use_tc_tiling_on_sc=False),
    )
    def body(m_hbm, dst_hbm, out_hbm, idx_v, rows_v, acc, sem):
        cid = lax.axis_index("c")
        sid = lax.axis_index("s")
        wid = sid * 2 + cid

        def zrow(i, carry):
            for j in range(4):
                rows_v[i, pl.ds(j * 16, 16)] = jnp.zeros((16,), jnp.float32)
            return carry

        lax.fori_loop(0, ZR, zrow, 0)
        pltpu.sync_copy(rows_v.at[pl.ds(0, ZR)], acc.at[pl.ds(sid * ZR, ZR)])
        plsc.subcore_barrier()

        row0 = wid * (EPW // 128)
        base = wid * EPW
        for c in range(NCH):
            pltpu.sync_copy(dst_hbm.at[pl.ds(row0 + c * 8, 8), :], idx_v)
            pltpu.sync_copy(
                m_hbm.at[pl.ds(base + c * CH, CH), pl.ds(0, 64)], rows_v)
            for j in range(8):
                pltpu.sync_copy(rows_v.at[pl.ds(j * 128, 128)],
                                acc.at[idx_v.at[j]], add=True)
        plsc.subcore_barrier()
        pltpu.sync_copy(acc.at[pl.ds(sid * ZR, ZR)],
                        out_hbm.at[pl.ds(cid * N_PAD + sid * ZR, ZR)])

    return body(m, dst2d)


def _edge_kernel(eb_ref, xj_ref, bc_ref, w1_ref, um_ref, w2e_ref, r_ref,
                 s_ref, out_ref):
    ebt = eb_ref[...]
    xj = xj_ref[...][:, 0:64]
    ebw = lax.dot_general(
        ebt, bc_ref[...], (((0,), (0,)), ((), ())),
        preferred_element_type=jnp.float32)
    centers = lax.broadcasted_iota(
        jnp.int32, (1, NR), 1).astype(jnp.float32) * (5.0 / 7.0)
    radial = jnp.exp(-0.5 * (ebw[:, 40:48] - centers) ** 2)
    h = jnp.dot(radial, w1_ref[...], preferred_element_type=jnp.float32)
    h = h * jax.nn.sigmoid(h)
    w = jnp.dot(h.astype(jnp.bfloat16), w2e_ref[...],
                preferred_element_type=jnp.float32).astype(jnp.bfloat16)

    q = jnp.concatenate(
        [xj * ebw[:, 0:64], xj * ebw[:, 64:128]],
        axis=1).astype(jnp.bfloat16)
    u = jnp.dot(q, um_ref[...], preferred_element_type=jnp.float32)
    f = jnp.dot(u.astype(jnp.bfloat16), r_ref[...],
                preferred_element_type=jnp.float32).astype(jnp.bfloat16)
    mp = jnp.dot(w * f, s_ref[...], preferred_element_type=jnp.float32)

    t5 = mp[:, 48:56]
    vecx = mp[:, 24:32] + t5 * ebw[:, 16:24]
    vecy = mp[:, 32:40] + t5 * ebw[:, 24:32]
    vecz = mp[:, 40:48] + t5 * ebw[:, 32:40]
    cnt = jnp.where(
        lax.broadcasted_iota(jnp.int32, (xj.shape[0], 16), 1) == 0, 1.0, 0.0)
    out_ref[...] = jnp.concatenate(
        [mp[:, 0:24], vecx, vecy, vecz, cnt,
         jnp.zeros((xj.shape[0], 64), jnp.float32)], axis=1)


def _edge_stage(eb, xj, bc, w1s, um, w2e, r_mat, s_mat):
    grid = E_PAD // EB
    return pl.pallas_call(
        _edge_kernel,
        grid=(grid,),
        in_specs=[
            pl.BlockSpec((8, EB), lambda i: (0, i)),
            pl.BlockSpec((EB, 128), lambda i: (i, 0)),
            pl.BlockSpec((8, 128), lambda i: (0, 0)),
            pl.BlockSpec((NR, 64), lambda i: (0, 0)),
            pl.BlockSpec((128, 64), lambda i: (0, 0)),
            pl.BlockSpec((64, WNE), lambda i: (0, 0)),
            pl.BlockSpec((64, WNE), lambda i: (0, 0)),
            pl.BlockSpec((WNE, 64), lambda i: (0, 0)),
        ],
        out_specs=pl.BlockSpec((EB, 128), lambda i: (i, 0)),
        out_shape=jax.ShapeDtypeStruct((E_PAD, 128), jnp.float32),
    )(eb, xj, bc, w1s, um, w2e, r_mat, s_mat)


def _node_kernel(ma_ref, mb_ref, x_ref, ws_ref, wvt_ref, out_ref):
    m = ma_ref[...] + mb_ref[...]
    x = x_ref[...]
    inv = 1.0 / jnp.maximum(m[:, 48:49], 1.0)
    gs = m[:, 0:16] * inv
    gs = gs * jax.nn.sigmoid(gs)
    gg = jax.nn.sigmoid(m[:, 16:24] * inv)
    sc_s = jnp.dot(x[:, 0:16], ws_ref[...],
                   preferred_element_type=jnp.float32) * 0.25
    wvt = wvt_ref[...]
    isq8 = 1.0 / math.sqrt(8.0)
    outs = gs + sc_s
    ox = m[:, 24:32] * inv * gg + jnp.dot(
        x[:, 16:24], wvt, preferred_element_type=jnp.float32) * isq8
    oy = m[:, 32:40] * inv * gg + jnp.dot(
        x[:, 24:32], wvt, preferred_element_type=jnp.float32) * isq8
    oz = m[:, 40:48] * inv * gg + jnp.dot(
        x[:, 32:40], wvt, preferred_element_type=jnp.float32) * isq8
    nv = jnp.sqrt(ox * ox + oy * oy + oz * oz)
    out_ref[...] = jnp.concatenate([jnp.abs(outs), nv], axis=1)


def _node_stage(acc2, x_pad, sc_ws, sc_wv_t):
    grid = N_PAD // NB
    return pl.pallas_call(
        _node_kernel,
        grid=(grid,),
        in_specs=[
            pl.BlockSpec((NB, 64), lambda i: (i, 0)),
            pl.BlockSpec((NB, 64), lambda i: (i + N_PAD // NB, 0)),
            pl.BlockSpec((NB, 64), lambda i: (i, 0)),
            pl.BlockSpec((NS, NS), lambda i: (0, 0)),
            pl.BlockSpec((NV, NV), lambda i: (0, 0)),
        ],
        out_specs=pl.BlockSpec((NB, 24), lambda i: (i, 0)),
        out_shape=jax.ShapeDtypeStruct((N_PAD, 24), jnp.float32),
    )(acc2, acc2, x_pad, sc_ws, sc_wv_t)


def kernel(x, edge_attr, edge_length, edge_src, edge_dst,
           fc_w1, fc_w2, sc_ws, sc_wv):
    s = x[:, :NS]
    v = x[:, NS:].reshape(N, NV, 3)
    x_pad = jnp.pad(jnp.concatenate(
        [s, v[:, :, 0], v[:, :, 1], v[:, :, 2],
         jnp.zeros((N, 24), jnp.float32)], axis=1),
        ((0, N_PAD - N), (0, 0)))

    eb = jnp.concatenate(
        [edge_attr.T, edge_length[None, :],
         jnp.ones((1, E), jnp.float32), jnp.zeros((2, E), jnp.float32)],
        axis=0)
    eb = jnp.pad(eb, ((0, 0), (0, E_PAD - E)))
    src2d = jnp.pad(edge_src, (0, E_PAD - E)).reshape(E_PAD // 128, 128)
    dst2d = jnp.pad(edge_dst, (0, E_PAD - E),
                    constant_values=N).reshape(E_PAD // 128, 128)

    bc = jnp.asarray(_BCAST)
    w1s = fc_w1 / math.sqrt(float(NR))
    um = jnp.asarray(_UMAT).astype(jnp.bfloat16)
    w2e = (jnp.concatenate(
        [fc_w2, fc_w2[:, 704:768], fc_w2[:, 704:768]], axis=1)
        * (ALPHA / 8.0)).astype(jnp.bfloat16)
    r_mat = jnp.asarray(_R_MAT).astype(jnp.bfloat16)
    s_mat = jnp.asarray(_S_MAT).astype(jnp.bfloat16)

    xj = _sc_gather(x_pad, src2d)
    m = _edge_stage(eb, xj, bc, w1s, um, w2e, r_mat, s_mat)
    acc2 = _sc_scatter(m, dst2d)
    out = _node_stage(acc2, x_pad, sc_ws, sc_wv.T)
    return out[:N]

# --- scband reference (transcript-rebuilt; emitter-appended) ---
"""Pipeline reference for scband-custom-interaction-block-64450279244117 (READ-ONLY COPY).

The authoritative reference and input builder live on the scoring server;
editing this copy changes nothing except your own understanding.
"""

import jax, jax.numpy as jnp
import numpy as np

N = 10000
E = 160000
NS = 16   # scalar multiplicity (16x0e)
NV = 8    # vector multiplicity (8x1o)
NR = 8    # radial basis functions
WN = NS*NS + NV*NS + NS*NV + NV*NV + NS*NV + NV*NV  # 768 per-edge TP weights
ALPHA = 1.0 / jnp.sqrt(24.0)  # path normalization: fan_in = 16 + 8 per output irrep


def setup_inputs(seed: int = 0) -> dict:
    key = jax.random.key(seed)
    ks = jax.random.split(key, 9)
    x = jax.random.normal(ks[0], (N, NS + 3 * NV), dtype=jnp.float32)
    edge_attr = jax.random.normal(ks[1], (E, 4), dtype=jnp.float32)
    edge_length = jax.random.uniform(ks[2], (E,), minval=0.0, maxval=5.0, dtype=jnp.float32)
    edge_src = jax.random.randint(ks[3], (E,), 0, N, dtype=jnp.int32)
    edge_dst = jax.random.randint(ks[4], (E,), 0, N, dtype=jnp.int32)
    fc_w1 = jax.random.normal(ks[5], (NR, 64), dtype=jnp.float32)
    fc_w2 = jax.random.normal(ks[6], (64, WN), dtype=jnp.float32)
    sc_ws = jax.random.normal(ks[7], (NS, NS), dtype=jnp.float32)
    sc_wv = jax.random.normal(ks[8], (NV, NV), dtype=jnp.float32)
    return {"x": x, "edge_attr": edge_attr, "edge_length": edge_length,
            "edge_src": edge_src, "edge_dst": edge_dst,
            "fc_w1": fc_w1, "fc_w2": fc_w2, "sc_ws": sc_ws, "sc_wv": sc_wv}


def _forward(x, edge_attr, edge_length, fc_w1, fc_w2, sc_ws, sc_wv, edge_src, edge_dst):
    # radial basis: exp(-(d - mu)^2 / (2 sigma^2)), sigma = 1.0, centers linspace(0, 5, NR)
    centers = jnp.linspace(0.0, 5.0, NR)
    radial = jnp.exp(-((edge_length[:, None] - centers[None, :]) ** 2) / 2.0)
    # FullyConnectedNet [NR, 64, WN] with silu, 1/sqrt(fan_in) weight normalization
    h = jax.nn.silu(radial @ fc_w1 / jnp.sqrt(float(NR)))
    w = h @ fc_w2 / jnp.sqrt(64.0)  # [E, WN]
    # split per-edge weights per instruction
    o1 = NS * NS; o2 = o1 + NV * NS; o3 = o2 + NS * NV; o4 = o3 + NV * NV; o5 = o4 + NS * NV
    w1 = w[:, :o1].reshape(-1, NS, NS)      # 0e x 0e -> scalars
    w2 = w[:, o1:o2].reshape(-1, NV, NS)    # 1o x 1o -> scalars
    w3 = w[:, o2:o3].reshape(-1, NS, NV)    # 0e x 0e -> gates
    w4 = w[:, o3:o4].reshape(-1, NV, NV)    # 1o x 1o -> gates
    w5 = w[:, o4:o5].reshape(-1, NS, NV)    # 0e x 1o -> vectors
    w6 = w[:, o5:].reshape(-1, NV, NV)      # 1o x 0e -> vectors
    # gather source node features (SparseCore gather)
    x_j = jnp.take(x, edge_src, axis=0)
    s = x_j[:, :NS]
    v = x_j[:, NS:].reshape(-1, NV, 3)
    y0 = edge_attr[:, 0]
    y1 = edge_attr[:, 1:4]
    # 1o x 1o -> 0e path via w3j(1,1,0): dot / sqrt(3)
    d = jnp.sum(v * y1[:, None, :], axis=-1) / jnp.sqrt(3.0)  # [E, NV]
    scal = (jnp.einsum('eij,ei->ej', w1, s) * y0[:, None]
            + jnp.einsum('eaj,ea->ej', w2, d)) * ALPHA
    gates = (jnp.einsum('eia,ei->ea', w3, s) * y0[:, None]
             + jnp.einsum('eba,eb->ea', w4, d)) * ALPHA
    vec = (jnp.einsum('eia,ei->ea', w5, s)[:, :, None] * y1[:, None, :]
           + jnp.einsum('eba,ebk->eak', w6, v) * y0[:, None, None]) * ALPHA
    m_ij = jnp.concatenate([scal, gates, vec.reshape(-1, NV * 3)], axis=1)  # [E, 48]
    # scatter-mean aggregation (SparseCore scatter-add)
    m_sum = jax.ops.segment_sum(m_ij, edge_dst, num_segments=N)
    cnt = jax.ops.segment_sum(jnp.ones((m_ij.shape[0],), dtype=m_ij.dtype), edge_dst, num_segments=N)
    m_i = m_sum / jnp.maximum(cnt, 1.0)[:, None]
    # Gate: silu on scalars, sigmoid gates on vectors
    gs = jax.nn.silu(m_i[:, :NS])
    gg = jax.nn.sigmoid(m_i[:, NS:NS + NV])
    gv = m_i[:, NS + NV:].reshape(-1, NV, 3) * gg[:, :, None]
    gated = jnp.concatenate([gs, gv.reshape(-1, NV * 3)], axis=1)  # [N, 40]
    # residual self-connection: o3.Linear (per-irrep channel mixing, 1/sqrt(fan_in))
    sc_s = x[:, :NS] @ sc_ws / jnp.sqrt(float(NS))
    sc_v = jnp.einsum('ab,nbk->nak', sc_wv, x[:, NS:].reshape(-1, NV, 3)) / jnp.sqrt(float(NV))
    out = gated + jnp.concatenate([sc_s, sc_v.reshape(-1, NV * 3)], axis=1)
    # o3.Norm: per-irrep L2 norm -> [N, NS + NV]
    n_s = jnp.abs(out[:, :NS])
    n_v = jnp.sqrt(jnp.sum(out[:, NS:].reshape(-1, NV, 3) ** 2, axis=-1))
    return jnp.concatenate([n_s, n_v], axis=1)


def reference(x, edge_attr, edge_length, edge_src, edge_dst, fc_w1, fc_w2, sc_ws, sc_wv):
    return _forward(x, edge_attr, edge_length, fc_w1, fc_w2, sc_ws, sc_wv, edge_src, edge_dst)

if __name__ == "__main__":
    import jax
    _d = setup_inputs()
    print(jax.jit(kernel)(*tuple(_d.values())))

</pallas_src>

<mosaic_0001>
#map = affine_map<(d0, d1) -> (0, 0)>
module attributes {stable_mosaic.version = 14 : i64} {
  func.func @body(%arg0: i32, %arg1: i32, %arg2: memref<10240x64xf32, #tpu.memory_space<hbm>>, %arg3: memref<1280x128xi32, #tpu.memory_space<hbm>>, %arg4: memref<163840x128xf32, #tpu.memory_space<hbm>>, %arg5: memref<8x128xi32, #tpu.memory_space<vmem>>, %arg6: memref<1024x64xf32, #tpu.memory_space<vmem>>, %arg7: memref<10240x64xf32, #tpu.memory_space<vmem_shared>>, %arg8: memref<!tpu.dma_semaphore, #tpu.memory_space<semaphore_mem>>) attributes {dimension_semantics = [#tpu.dimension_semantics<core_parallel>, #tpu.dimension_semantics<subcore_parallel>], iteration_bounds = array<i64: 2, 16>, scalar_prefetch = 0 : i64, scratch_operands = 4 : i64, tpu.core_type = #tpu.core_type<sc_vector_subcore>, window_params = [{transform_indices = #map}, {transform_indices = #map}, {transform_indices = #map}]} {
    %mul3A = arith.constant 2 : i32
    %mul3A_0 = arith.muli %arg1, %mul3A : i32
    %add3A = arith.addi %mul3A_0, %arg0 : i32
    %mul3A_1 = arith.constant 640 : i32
    %mul3A_2 = arith.muli %arg1, %mul3A_1 : i32
    %mul3A_3 = arith.constant 640 : i32
    %mul3A_4 = arith.muli %arg1, %mul3A_3 : i32
    "tpu.region"() ({
      %run_scoped3A = tpu.sem_alloc : memref<!tpu.dma_semaphore, #tpu.memory_space<semaphore_mem>>
      %dma_start3A_827 = arith.constant 0 : i32
      %dma_start3A_828 = tpu.memref_slice %arg7[%mul3A_4, %dma_start3A_827] : memref<10240x64xf32, #tpu.memory_space<vmem_shared>> -> memref<640x64xf32, #tpu.memory_space<vmem_shared>>
      %dma_start3A_829 = arith.constant 0 : i32
      %dma_start3A_830 = tpu.memref_slice %arg2[%mul3A_2, %dma_start3A_829] : memref<10240x64xf32, #tpu.memory_space<hbm>> -> memref<640x64xf32, #tpu.memory_space<hbm>>
      tpu.enqueue_dma source(%dma_start3A_830 : memref<640x64xf32, #tpu.memory_space<hbm>>) target(%dma_start3A_828 : memref<640x64xf32, #tpu.memory_space<vmem_shared>>) target_semaphore(%run_scoped3A : memref<!tpu.dma_semaphore, #tpu.memory_space<semaphore_mem>>)
      %dma_wait3A_831 = arith.constant 0 : i32
      %dma_wait3A_832 = tpu.memref_slice %arg7[%mul3A_4, %dma_wait3A_831] : memref<10240x64xf32, #tpu.memory_space<vmem_shared>> -> memref<640x64xf32, #tpu.memory_space<vmem_shared>>
      %dma_wait3A_833 = arith.constant 0 : i32
      %dma_wait3A_834 = tpu.memref_slice %arg2[%mul3A_2, %dma_wait3A_833] : memref<10240x64xf32, #tpu.memory_space<hbm>> -> memref<640x64xf32, #tpu.memory_space<hbm>>
      tpu.wait_dma2 semaphore(%run_scoped3A : memref<!tpu.dma_semaphore, #tpu.memory_space<semaphore_mem>>) src(%dma_wait3A_834 : memref<640x64xf32, #tpu.memory_space<hbm>>) dst(%dma_wait3A_832 : memref<640x64xf32, #tpu.memory_space<vmem_shared>>)
      tpu.yield
    }) : () -> ()
    %barrier3A = arith.constant 0 : index
    tpu.barrier barrier_id(%barrier3A)
    %mul3A_5 = arith.constant 40 : i32
    %mul3A_6 = arith.muli %add3A, %mul3A_5 : i32
    %mul3A_7 = arith.constant 5120 : i32
    %mul3A_8 = arith.muli %add3A, %mul3A_7 : i32
    %add3A_9 = arith.constant 0 : i32
    %add3A_10 = arith.addi %mul3A_6, %add3A_9 : i32
    "tpu.region"() ({
      %run_scoped3A = tpu.sem_alloc : memref<!tpu.dma_semaphore, #tpu.memory_space<semaphore_mem>>
      %dma_start3A_827 = arith.constant 0 : i32
      %dma_start3A_828 = tpu.memref_slice %arg3[%add3A_10, %dma_start3A_827] : memref<1280x128xi32, #tpu.memory_space<hbm>> -> memref<8x128xi32, #tpu.memory_space<hbm>>
      %dma_start3A_829 = arith.constant 0 : i32
      %dma_start3A_830 = tpu.memref_slice %arg3[%add3A_10, %dma_start3A_829] : memref<1280x128xi32, #tpu.memory_space<hbm>> -> memref<8x128xi32, #tpu.memory_space<hbm>>
      tpu.enqueue_dma source(%dma_start3A_830 : memref<8x128xi32, #tpu.memory_space<hbm>>) target(%arg5 : memref<8x128xi32, #tpu.memory_space<vmem>>) target_semaphore(%run_scoped3A : memref<!tpu.dma_semaphore, #tpu.memory_space<semaphore_mem>>)
      %dma_wait3A_831 = arith.constant 0 : i32
      %dma_wait3A_832 = tpu.memref_slice %arg3[%add3A_10, %dma_wait3A_831] : memref<1280x128xi32, #tpu.memory_space<hbm>> -> memref<8x128xi32, #tpu.memory_space<hbm>>
      %dma_wait3A_833 = arith.constant 0 : i32
      %dma_wait3A_834 = tpu.memref_slice %arg3[%add3A_10, %dma_wait3A_833] : memref<1280x128xi32, #tpu.memory_space<hbm>> -> memref<8x128xi32, #tpu.memory_space<hbm>>
      tpu.wait_dma2 semaphore(%run_scoped3A : memref<!tpu.dma_semaphore, #tpu.memory_space<semaphore_mem>>) src(%dma_wait3A_834 : memref<8x128xi32, #tpu.memory_space<hbm>>) dst(%arg5 : memref<8x128xi32, #tpu.memory_space<vmem>>)
      tpu.yield
    }) : () -> ()
    %dma_start3A = arith.constant 0 : i32
    %dma_start3A_11 = arith.constant 0 : i32
    %dma_start3A_12 = arith.constant 0 : i32
    %dma_start3A_13 = tpu.memref_slice %arg6[%dma_start3A_11, %dma_start3A_12] : memref<1024x64xf32, #tpu.memory_space<vmem>> -> memref<128x64xf32, #tpu.memory_space<vmem>>
    %dma_start3A_14 = arith.constant 0 : i32
    %dma_start3A_15 = tpu.memref_slice %arg5[%dma_start3A, %dma_start3A_14] : memref<8x128xi32, #tpu.memory_space<vmem>> -> memref<1x128xi32, #tpu.memory_space<vmem>>
    %dma_start3A_16 = tpu.memref_squeeze %dma_start3A_15 : memref<1x128xi32, #tpu.memory_space<vmem>> -> memref<128xi32, #tpu.memory_space<vmem>>
    %dma_start3A_17 = arith.constant 0 : i32
    %dma_start3A_18 = arith.constant 0 : i32
    %dma_start3A_19 = tpu.memref_slice %arg7[%dma_start3A_17, %dma_start3A_18] : memref<10240x64xf32, #tpu.memory_space<vmem_shared>> -> memref<10240x64xf32, #tpu.memory_space<vmem_shared>>
    tpu.enqueue_indirect_dma source(%dma_start3A_19 : memref<10240x64xf32, #tpu.memory_space<vmem_shared>>) target(%dma_start3A_13 : memref<128x64xf32, #tpu.memory_space<vmem>>) offsets(%dma_start3A_16 : memref<128xi32, #tpu.memory_space<vmem>>) semaphore(%arg8 : memref<!tpu.dma_semaphore, #tpu.memory_space<semaphore_mem>>)
    %dma_start3A_20 = arith.constant 1 : i32
    %dma_start3A_21 = arith.constant 128 : i32
    %dma_start3A_22 = arith.constant 0 : i32
    %dma_start3A_23 = tpu.memref_slice %arg6[%dma_start3A_21, %dma_start3A_22] : memref<1024x64xf32, #tpu.memory_space<vmem>> -> memref<128x64xf32, #tpu.memory_space<vmem>>
    %dma_start3A_24 = arith.constant 0 : i32
    %dma_start3A_25 = tpu.memref_slice %arg5[%dma_start3A_20, %dma_start3A_24] : memref<8x128xi32, #tpu.memory_space<vmem>> -> memref<1x128xi32, #tpu.memory_space<vmem>>
    %dma_start3A_26 = tpu.memref_squeeze %dma_start3A_25 : memref<1x128xi32, #tpu.memory_space<vmem>> -> memref<128xi32, #tpu.memory_space<vmem>>
    %dma_start3A_27 = arith.constant 0 : i32
    %dma_start3A_28 = arith.constant 0 : i32
    %dma_start3A_29 = tpu.memref_slice %arg7[%dma_start3A_27, %dma_start3A_28] : memref<10240x64xf32, #tpu.memory_space<vmem_shared>> -> memref<10240x64xf32, #tpu.memory_space<vmem_shared>>
    tpu.enqueue_indirect_dma source(%dma_start3A_29 : memref<10240x64xf32, #tpu.memory_space<vmem_shared>>) target(%dma_start3A_23 : memref<128x64xf32, #tpu.memory_space<vmem>>) offsets(%dma_start3A_26 : memref<128xi32, #tpu.memory_space<vmem>>) semaphore(%arg8 : memref<!tpu.dma_semaphore, #tpu.memory_space<semaphore_mem>>)
    %dma_start3A_30 = arith.constant 2 : i32
    %dma_start3A_31 = arith.constant 256 : i32
    %dma_start3A_32 = arith.constant 0 : i32
    %dma_start3A_33 = tpu.memref_slice %arg6[%dma_start3A_31, %dma_start3A_32] : memref<1024x64xf32, #tpu.memory_space<vmem>> -> memref<128x64xf32, #tpu.memory_space<vmem>>
    %dma_start3A_34 = arith.constant 0 : i32
    %dma_start3A_35 = tpu.memref_slice %arg5[%dma_start3A_30, %dma_start3A_34] : memref<8x128xi32, #tpu.memory_space<vmem>> -> memref<1x128xi32, #tpu.memory_space<vmem>>
    %dma_start3A_36 = tpu.memref_squeeze %dma_start3A_35 : memref<1x128xi32, #tpu.memory_space<vmem>> -> memref<128xi32, #tpu.memory_space<vmem>>
    %dma_start3A_37 = arith.constant 0 : i32
    %dma_start3A_38 = arith.constant 0 : i32
    %dma_start3A_39 = tpu.memref_slice %arg7[%dma_start3A_37, %dma_start3A_38] : memref<10240x64xf32, #tpu.memory_space<vmem_shared>> -> memref<10240x64xf32, #tpu.memory_space<vmem_shared>>
    tpu.enqueue_indirect_dma source(%dma_start3A_39 : memref<10240x64xf32, #tpu.memory_space<vmem_shared>>) target(%dma_start3A_33 : memref<128x64xf32, #tpu.memory_space<vmem>>) offsets(%dma_start3A_36 : memref<128xi32, #tpu.memory_space<vmem>>) semaphore(%arg8 : memref<!tpu.dma_semaphore, #tpu.memory_space<semaphore_mem>>)
    %dma_start3A_40 = arith.constant 3 : i32
    %dma_start3A_41 = arith.constant 384 : i32
    %dma_start3A_42 = arith.constant 0 : i32
    %dma_start3A_43 = tpu.memref_slice %arg6[%dma_start3A_41, %dma_start3A_42] : memref<1024x64xf32, #tpu.memory_space<vmem>> -> memref<128x64xf32, #tpu.memory_space<vmem>>
    %dma_start3A_44 = arith.constant 0 : i32
    %dma_start3A_45 = tpu.memref_slice %arg5[%dma_start3A_40, %dma_start3A_44] : memref<8x128xi32, #tpu.memory_space<vmem>> -> memref<1x128xi32, #tpu.memory_space<vmem>>
    %dma_start3A_46 = tpu.memref_squeeze %dma_start3A_45 : memref<1x128xi32, #tpu.memory_space<vmem>> -> memref<128xi32, #tpu.memory_space<vmem>>
    %dma_start3A_47 = arith.constant 0 : i32
    %dma_start3A_48 = arith.constant 0 : i32
    %dma_start3A_49 = tpu.memref_slice %arg7[%dma_start3A_47, %dma_start3A_48] : memref<10240x64xf32, #tpu.memory_space<vmem_shared>> -> memref<10240x64xf32, #tpu.memory_space<vmem_shared>>
    tpu.enqueue_indirect_dma source(%dma_start3A_49 : memref<10240x64xf32, #tpu.memory_space<vmem_shared>>) target(%dma_start3A_43 : memref<128x64xf32, #tpu.memory_space<vmem>>) offsets(%dma_start3A_46 : memref<128xi32, #tpu.memory_space<vmem>>) semaphore(%arg8 : memref<!tpu.dma_semaphore, #tpu.memory_space<semaphore_mem>>)
    %dma_start3A_50 = arith.constant 4 : i32
    %dma_start3A_51 = arith.constant 512 : i32
    %dma_start3A_52 = arith.constant 0 : i32
    %dma_start3A_53 = tpu.memref_slice %arg6[%dma_start3A_51, %dma_start3A_52] : memref<1024x64xf32, #tpu.memory_space<vmem>> -> memref<128x64xf32, #tpu.memory_space<vmem>>
    %dma_start3A_54 = arith.constant 0 : i32
    %dma_start3A_55 = tpu.memref_slice %arg5[%dma_start3A_50, %dma_start3A_54] : memref<8x128xi32, #tpu.memory_space<vmem>> -> memref<1x128xi32, #tpu.memory_space<vmem>>
    %dma_start3A_56 = tpu.memref_squeeze %dma_start3A_55 : memref<1x128xi32, #tpu.memory_space<vmem>> -> memref<128xi32, #tpu.memory_space<vmem>>
    %dma_start3A_57 = arith.constant 0 : i32
    %dma_start3A_58 = arith.constant 0 : i32
    %dma_start3A_59 = tpu.memref_slice %arg7[%dma_start3A_57, %dma_start3A_58] : memref<10240x64xf32, #tpu.memory_space<vmem_shared>> -> memref<10240x64xf32, #tpu.memory_space<vmem_shared>>
    tpu.enqueue_indirect_dma source(%dma_start3A_59 : memref<10240x64xf32, #tpu.memory_space<vmem_shared>>) target(%dma_start3A_53 : memref<128x64xf32, #tpu.memory_space<vmem>>) offsets(%dma_start3A_56 : memref<128xi32, #tpu.memory_space<vmem>>) semaphore(%arg8 : memref<!tpu.dma_semaphore, #tpu.memory_space<semaphore_mem>>)
    %dma_start3A_60 = arith.constant 5 : i32
    %dma_start3A_61 = arith.constant 640 : i32
    %dma_start3A_62 = arith.constant 0 : i32
    %dma_start3A_63 = tpu.memref_slice %arg6[%dma_start3A_61, %dma_start3A_62] : memref<1024x64xf32, #tpu.memory_space<vmem>> -> memref<128x64xf32, #tpu.memory_space<vmem>>
    %dma_start3A_64 = arith.constant 0 : i32
    %dma_start3A_65 = tpu.memref_slice %arg5[%dma_start3A_60, %dma_start3A_64] : memref<8x128xi32, #tpu.memory_space<vmem>> -> memref<1x128xi32, #tpu.memory_space<vmem>>
    %dma_start3A_66 = tpu.memref_squeeze %dma_start3A_65 : memref<1x128xi32, #tpu.memory_space<vmem>> -> memref<128xi32, #tpu.memory_space<vmem>>
    %dma_start3A_67 = arith.constant 0 : i32
    %dma_start3A_68 = arith.constant 0 : i32
    %dma_start3A_69 = tpu.memref_slice %arg7[%dma_start3A_67, %dma_start3A_68] : memref<10240x64xf32, #tpu.memory_space<vmem_shared>> -> memref<10240x64xf32, #tpu.memory_space<vmem_shared>>
    tpu.enqueue_indirect_dma source(%dma_start3A_69 : memref<10240x64xf32, #tpu.memory_space<vmem_shared>>) target(%dma_start3A_63 : memref<128x64xf32, #tpu.memory_space<vmem>>) offsets(%dma_start3A_66 : memref<128xi32, #tpu.memory_space<vmem>>) semaphore(%arg8 : memref<!tpu.dma_semaphore, #tpu.memory_space<semaphore_mem>>)
    %dma_start3A_70 = arith.constant 6 : i32
    %dma_start3A_71 = arith.constant 768 : i32
    %dma_start3A_72 = arith.constant 0 : i32
    %dma_start3A_73 = tpu.memref_slice %arg6[%dma_start3A_71, %dma_start3A_72] : memref<1024x64xf32, #tpu.memory_space<vmem>> -> memref<128x64xf32, #tpu.memory_space<vmem>>
    %dma_start3A_74 = arith.constant 0 : i32
    %dma_start3A_75 = tpu.memref_slice %arg5[%dma_start3A_70, %dma_start3A_74] : memref<8x128xi32, #tpu.memory_space<vmem>> -> memref<1x128xi32, #tpu.memory_space<vmem>>
    %dma_start3A_76 = tpu.memref_squeeze %dma_start3A_75 : memref<1x128xi32, #tpu.memory_space<vmem>> -> memref<128xi32, #tpu.memory_space<vmem>>
    %dma_start3A_77 = arith.constant 0 : i32
    %dma_start3A_78 = arith.constant 0 : i32
    %dma_start3A_79 = tpu.memref_slice %arg7[%dma_start3A_77, %dma_start3A_78] : memref<10240x64xf32, #tpu.memory_space<vmem_shared>> -> memref<10240x64xf32, #tpu.memory_space<vmem_shared>>
    tpu.enqueue_indirect_dma source(%dma_start3A_79 : memref<10240x64xf32, #tpu.memory_space<vmem_shared>>) target(%dma_start3A_73 : memref<128x64xf32, #tpu.memory_space<vmem>>) offsets(%dma_start3A_76 : memref<128xi32, #tpu.memory_space<vmem>>) semaphore(%arg8 : memref<!tpu.dma_semaphore, #tpu.memory_space<semaphore_mem>>)
    %dma_start3A_80 = arith.constant 7 : i32
    %dma_start3A_81 = arith.constant 896 : i32
    %dma_start3A_82 = arith.constant 0 : i32
    %dma_start3A_83 = tpu.memref_slice %arg6[%dma_start3A_81, %dma_start3A_82] : memref<1024x64xf32, #tpu.memory_space<vmem>> -> memref<128x64xf32, #tpu.memory_space<vmem>>
    %dma_start3A_84 = arith.constant 0 : i32
    %dma_start3A_85 = tpu.memref_slice %arg5[%dma_start3A_80, %dma_start3A_84] : memref<8x128xi32, #tpu.memory_space<vmem>> -> memref<1x128xi32, #tpu.memory_space<vmem>>
    %dma_start3A_86 = tpu.memref_squeeze %dma_start3A_85 : memref<1x128xi32, #tpu.memory_space<vmem>> -> memref<128xi32, #tpu.memory_space<vmem>>
    %dma_start3A_87 = arith.constant 0 : i32
    %dma_start3A_88 = arith.constant 0 : i32
    %dma_start3A_89 = tpu.memref_slice %arg7[%dma_start3A_87, %dma_start3A_88] : memref<10240x64xf32, #tpu.memory_space<vmem_shared>> -> memref<10240x64xf32, #tpu.memory_space<vmem_shared>>
    tpu.enqueue_indirect_dma source(%dma_start3A_89 : memref<10240x64xf32, #tpu.memory_space<vmem_shared>>) target(%dma_start3A_83 : memref<128x64xf32, #tpu.memory_space<vmem>>) offsets(%dma_start3A_86 : memref<128xi32, #tpu.memory_space<vmem>>) semaphore(%arg8 : memref<!tpu.dma_semaphore, #tpu.memory_space<semaphore_mem>>)
    %dma_wait3A = arith.constant 0 : i32
    %dma_wait3A_90 = arith.constant 0 : i32
    %dma_wait3A_91 = arith.constant 0 : i32
    %dma_wait3A_92 = tpu.memref_slice %arg6[%dma_wait3A_90, %dma_wait3A_91] : memref<1024x64xf32, #tpu.memory_space<vmem>> -> memref<128x64xf32, #tpu.memory_space<vmem>>
    %dma_wait3A_93 = arith.constant 0 : i32
    %dma_wait3A_94 = tpu.memref_slice %arg5[%dma_wait3A, %dma_wait3A_93] : memref<8x128xi32, #tpu.memory_space<vmem>> -> memref<1x128xi32, #tpu.memory_space<vmem>>
    %dma_wait3A_95 = tpu.memref_squeeze %dma_wait3A_94 : memref<1x128xi32, #tpu.memory_space<vmem>> -> memref<128xi32, #tpu.memory_space<vmem>>
    %dma_wait3A_96 = arith.constant 0 : i32
    %dma_wait3A_97 = arith.constant 0 : i32
    %dma_wait3A_98 = tpu.memref_slice %arg7[%dma_wait3A_96, %dma_wait3A_97] : memref<10240x64xf32, #tpu.memory_space<vmem_shared>> -> memref<10240x64xf32, #tpu.memory_space<vmem_shared>>
    tpu.wait_indirect_dma semaphore(%arg8 : memref<!tpu.dma_semaphore, #tpu.memory_space<semaphore_mem>>) src(%dma_wait3A_98 : memref<10240x64xf32, #tpu.memory_space<vmem_shared>>) dst(%dma_wait3A_92 : memref<128x64xf32, #tpu.memory_space<vmem>>)
    %dma_wait3A_99 = arith.constant 1 : i32
    %dma_wait3A_100 = arith.constant 128 : i32
    %dma_wait3A_101 = arith.constant 0 : i32
    %dma_wait3A_102 = tpu.memref_slice %arg6[%dma_wait3A_100, %dma_wait3A_101] : memref<1024x64xf32, #tpu.memory_space<vmem>> -> memref<128x64xf32, #tpu.memory_space<vmem>>
    %dma_wait3A_103 = arith.constant 0 : i32
    %dma_wait3A_104 = tpu.memref_slice %arg5[%dma_wait3A_99, %dma_wait3A_103] : memref<8x128xi32, #tpu.memory_space<vmem>> -> memref<1x128xi32, #tpu.memory_space<vmem>>
    %dma_wait3A_105 = tpu.memref_squeeze %dma_wait3A_104 : memref<1x128xi32, #tpu.memory_space<vmem>> -> memref<128xi32, #tpu.memory_space<vmem>>
    %dma_wait3A_106 = arith.constant 0 : i32
    %dma_wait3A_107 = arith.constant 0 : i32
    %dma_wait3A_108 = tpu.memref_slice %arg7[%dma_wait3A_106, %dma_wait3A_107] : memref<10240x64xf32, #tpu.memory_space<vmem_shared>> -> memref<10240x64xf32, #tpu.memory_space<vmem_shared>>
    tpu.wait_indirect_dma semaphore(%arg8 : memref<!tpu.dma_semaphore, #tpu.memory_space<semaphore_mem>>) src(%dma_wait3A_108 : memref<10240x64xf32, #tpu.memory_space<vmem_shared>>) dst(%dma_wait3A_102 : memref<128x64xf32, #tpu.memory_space<vmem>>)
    %dma_wait3A_109 = arith.constant 2 : i32
    %dma_wait3A_110 = arith.constant 256 : i32
    %dma_wait3A_111 = arith.constant 0 : i32
    %dma_wait3A_112 = tpu.memref_slice %arg6[%dma_wait3A_110, %dma_wait3A_111] : memref<1024x64xf32, #tpu.memory_space<vmem>> -> memref<128x64xf32, #tpu.memory_space<vmem>>
    %dma_wait3A_113 = arith.constant 0 : i32
    %dma_wait3A_114 = tpu.memref_slice %arg5[%dma_wait3A_109, %dma_wait3A_113] : memref<8x128xi32, #tpu.memory_space<vmem>> -> memref<1x128xi32, #tpu.memory_space<vmem>>
    %dma_wait3A_115 = tpu.memref_squeeze %dma_wait3A_114 : memref<1x128xi32, #tpu.memory_space<vmem>> -> memref<128xi32, #tpu.memory_space<vmem>>
    %dma_wait3A_116 = arith.constant 0 : i32
    %dma_wait3A_117 = arith.constant 0 : i32
    %dma_wait3A_118 = tpu.memref_slice %arg7[%dma_wait3A_116, %dma_wait3A_117] : memref<10240x64xf32, #tpu.memory_space<vmem_shared>> -> memref<10240x64xf32, #tpu.memory_space<vmem_shared>>
    tpu.wait_indirect_dma semaphore(%arg8 : memref<!tpu.dma_semaphore, #tpu.memory_space<semaphore_mem>>) src(%dma_wait3A_118 : memref<10240x64xf32, #tpu.memory_space<vmem_shared>>) dst(%dma_wait3A_112 : memref<128x64xf32, #tpu.memory_space<vmem>>)
    %dma_wait3A_119 = arith.constant 3 : i32
    %dma_wait3A_120 = arith.constant 384 : i32
    %dma_wait3A_121 = arith.constant 0 : i32
    %dma_wait3A_122 = tpu.memref_slice %arg6[%dma_wait3A_120, %dma_wait3A_121] : memref<1024x64xf32, #tpu.memory_space<vmem>> -> memref<128x64xf32, #tpu.memory_space<vmem>>
    %dma_wait3A_123 = arith.constant 0 : i32
    %dma_wait3A_124 = tpu.memref_slice %arg5[%dma_wait3A_119, %dma_wait3A_123] : memref<8x128xi32, #tpu.memory_space<vmem>> -> memref<1x128xi32, #tpu.memory_space<vmem>>
    %dma_wait3A_125 = tpu.memref_squeeze %dma_wait3A_124 : memref<1x128xi32, #tpu.memory_space<vmem>> -> memref<128xi32, #tpu.memory_space<vmem>>
    %dma_wait3A_126 = arith.constant 0 : i32
    %dma_wait3A_127 = arith.constant 0 : i32
    %dma_wait3A_128 = tpu.memref_slice %arg7[%dma_wait3A_126, %dma_wait3A_127] : memref<10240x64xf32, #tpu.memory_space<vmem_shared>> -> memref<10240x64xf32, #tpu.memory_space<vmem_shared>>
    tpu.wait_indirect_dma semaphore(%arg8 : memref<!tpu.dma_semaphore, #tpu.memory_space<semaphore_mem>>) src(%dma_wait3A_128 : memref<10240x64xf32, #tpu.memory_space<vmem_shared>>) dst(%dma_wait3A_122 : memref<128x64xf32, #tpu.memory_space<vmem>>)
    %dma_wait3A_129 = arith.constant 4 : i32
    %dma_wait3A_130 = arith.constant 512 : i32
    %dma_wait3A_131 = arith.constant 0 : i32
    %dma_wait3A_132 = tpu.memref_slice %arg6[%dma_wait3A_130, %dma_wait3A_131] : memref<1024x64xf32, #tpu.memory_space<vmem>> -> memref<128x64xf32, #tpu.memory_space<vmem>>
    %dma_wait3A_133 = arith.constant 0 : i32
    %dma_wait3A_134 = tpu.memref_slice %arg5[%dma_wait3A_129, %dma_wait3A_133] : memref<8x128xi32, #tpu.memory_space<vmem>> -> memref<1x128xi32, #tpu.memory_space<vmem>>
    %dma_wait3A_135 = tpu.memref_squeeze %dma_wait3A_134 : memref<1x128xi32, #tpu.memory_space<vmem>> -> memref<128xi32, #tpu.memory_space<vmem>>
    %dma_wait3A_136 = arith.constant 0 : i32
    %dma_wait3A_137 = arith.constant 0 : i32
    %dma_wait3A_138 = tpu.memref_slice %arg7[%dma_wait3A_136, %dma_wait3A_137] : memref<10240x64xf32, #tpu.memory_space<vmem_shared>> -> memref<10240x64xf32, #tpu.memory_space<vmem_shared>>
    tpu.wait_indirect_dma semaphore(%arg8 : memref<!tpu.dma_semaphore, #tpu.memory_space<semaphore_mem>>) src(%dma_wait3A_138 : memref<10240x64xf32, #tpu.memory_space<vmem_shared>>) dst(%dma_wait3A_132 : memref<128x64xf32, #tpu.memory_space<vmem>>)
    %dma_wait3A_139 = arith.constant 5 : i32
    %dma_wait3A_140 = arith.constant 640 : i32
    %dma_wait3A_141 = arith.constant 0 : i32
    %dma_wait3A_142 = tpu.memref_slice %arg6[%dma_wait3A_140, %dma_wait3A_141] : memref<1024x64xf32, #tpu.memory_space<vmem>> -> memref<128x64xf32, #tpu.memory_space<vmem>>
    %dma_wait3A_143 = arith.constant 0 : i32
    %dma_wait3A_144 = tpu.memref_slice %arg5[%dma_wait3A_139, %dma_wait3A_143] : memref<8x128xi32, #tpu.memory_space<vmem>> -> memref<1x128xi32, #tpu.memory_space<vmem>>
    %dma_wait3A_145 = tpu.memref_squeeze %dma_wait3A_144 : memref<1x128xi32, #tpu.memory_space<vmem>> -> memref<128xi32, #tpu.memory_space<vmem>>
    %dma_wait3A_146 = arith.constant 0 : i32
    %dma_wait3A_147 = arith.constant 0 : i32
    %dma_wait3A_148 = tpu.memref_slice %arg7[%dma_wait3A_146, %dma_wait3A_147] : memref<10240x64xf32, #tpu.memory_space<vmem_shared>> -> memref<10240x64xf32, #tpu.memory_space<vmem_shared>>
    tpu.wait_indirect_dma semaphore(%arg8 : memref<!tpu.dma_semaphore, #tpu.memory_space<semaphore_mem>>) src(%dma_wait3A_148 : memref<10240x64xf32, #tpu.memory_space<vmem_shared>>) dst(%dma_wait3A_142 : memref<128x64xf32, #tpu.memory_space<vmem>>)
    %dma_wait3A_149 = arith.constant 6 : i32
    %dma_wait3A_150 = arith.constant 768 : i32
    %dma_wait3A_151 = arith.constant 0 : i32
    %dma_wait3A_152 = tpu.memref_slice %arg6[%dma_wait3A_150, %dma_wait3A_151] : memref<1024x64xf32, #tpu.memory_space<vmem>> -> memref<128x64xf32, #tpu.memory_space<vmem>>
    %dma_wait3A_153 = arith.constant 0 : i32
    %dma_wait3A_154 = tpu.memref_slice %arg5[%dma_wait3A_149, %dma_wait3A_153] : memref<8x128xi32, #tpu.memory_space<vmem>> -> memref<1x128xi32, #tpu.memory_space<vmem>>
    %dma_wait3A_155 = tpu.memref_squeeze %dma_wait3A_154 : memref<1x128xi32, #tpu.memory_space<vmem>> -> memref<128xi32, #tpu.memory_space<vmem>>
    %dma_wait3A_156 = arith.constant 0 : i32
    %dma_wait3A_157 = arith.constant 0 : i32
    %dma_wait3A_158 = tpu.memref_slice %arg7[%dma_wait3A_156, %dma_wait3A_157] : memref<10240x64xf32, #tpu.memory_space<vmem_shared>> -> memref<10240x64xf32, #tpu.memory_space<vmem_shared>>
    tpu.wait_indirect_dma semaphore(%arg8 : memref<!tpu.dma_semaphore, #tpu.memory_space<semaphore_mem>>) src(%dma_wait3A_158 : memref<10240x64xf32, #tpu.memory_space<vmem_shared>>) dst(%dma_wait3A_152 : memref<128x64xf32, #tpu.memory_space<vmem>>)
    %dma_wait3A_159 = arith.constant 7 : i32
    %dma_wait3A_160 = arith.constant 896 : i32
    %dma_wait3A_161 = arith.constant 0 : i32
    %dma_wait3A_162 = tpu.memref_slice %arg6[%dma_wait3A_160, %dma_wait3A_161] : memref<1024x64xf32, #tpu.memory_space<vmem>> -> memref<128x64xf32, #tpu.memory_space<vmem>>
    %dma_wait3A_163 = arith.constant 0 : i32
    %dma_wait3A_164 = tpu.memref_slice %arg5[%dma_wait3A_159, %dma_wait3A_163] : memref<8x128xi32, #tpu.memory_space<vmem>> -> memref<1x128xi32, #tpu.memory_space<vmem>>
    %dma_wait3A_165 = tpu.memref_squeeze %dma_wait3A_164 : memref<1x128xi32, #tpu.memory_space<vmem>> -> memref<128xi32, #tpu.memory_space<vmem>>
    %dma_wait3A_166 = arith.constant 0 : i32
    %dma_wait3A_167 = arith.constant 0 : i32
    %dma_wait3A_168 = tpu.memref_slice %arg7[%dma_wait3A_166, %dma_wait3A_167] : memref<10240x64xf32, #tpu.memory_space<vmem_shared>> -> memref<10240x64xf32, #tpu.memory_space<vmem_shared>>
    tpu.wait_indirect_dma semaphore(%arg8 : memref<!tpu.dma_semaphore, #tpu.memory_space<semaphore_mem>>) src(%dma_wait3A_168 : memref<10240x64xf32, #tpu.memory_space<vmem_shared>>) dst(%dma_wait3A_162 : memref<128x64xf32, #tpu.memory_space<vmem>>)
    %add3A_169 = arith.constant 0 : i32
    %add3A_170 = arith.addi %mul3A_8, %add3A_169 : i32
    "tpu.region"() ({
      %run_scoped3A = tpu.sem_alloc : memref<!tpu.dma_semaphore, #tpu.memory_space<semaphore_mem>>
      %dma_start3A_827 = arith.constant 0 : i32
      %dma_start3A_828 = tpu.memref_slice %arg4[%add3A_170, %dma_start3A_827] : memref<163840x128xf32, #tpu.memory_space<hbm>> -> memref<1024x64xf32, #tpu.memory_space<hbm>>
      %dma_start3A_829 = arith.constant 0 : i32
      %dma_start3A_830 = tpu.memref_slice %arg4[%add3A_170, %dma_start3A_829] : memref<163840x128xf32, #tpu.memory_space<hbm>> -> memref<1024x64xf32, #tpu.memory_space<hbm>>
      tpu.enqueue_dma source(%arg6 : memref<1024x64xf32, #tpu.memory_space<vmem>>) target(%dma_start3A_830 : memref<1024x64xf32, #tpu.memory_space<hbm>>) target_semaphore(%run_scoped3A : memref<!tpu.dma_semaphore, #tpu.memory_space<semaphore_mem>>)
      %dma_wait3A_831 = arith.constant 0 : i32
      %dma_wait3A_832 = tpu.memref_slice %arg4[%add3A_170, %dma_wait3A_831] : memref<163840x128xf32, #tpu.memory_space<hbm>> -> memref<1024x64xf32, #tpu.memory_space<hbm>>
      %dma_wait3A_833 = arith.constant 0 : i32
      %dma_wait3A_834 = tpu.memref_slice %arg4[%add3A_170, %dma_wait3A_833] : memref<163840x128xf32, #tpu.memory_space<hbm>> -> memref<1024x64xf32, #tpu.memory_space<hbm>>
      tpu.wait_dma2 semaphore(%run_scoped3A : memref<!tpu.dma_semaphore, #tpu.memory_space<semaphore_mem>>) src(%arg6 : memref<1024x64xf32, #tpu.memory_space<vmem>>) dst(%dma_wait3A_834 : memref<1024x64xf32, #tpu.memory_space<hbm>>)
      tpu.yield
    }) : () -> ()
    %add3A_171 = arith.constant 8 : i32
    %add3A_172 = arith.addi %mul3A_6, %add3A_171 : i32
    "tpu.region"() ({
      %run_scoped3A = tpu.sem_alloc : memref<!tpu.dma_semaphore, #tpu.memory_space<semaphore_mem>>
      %dma_start3A_827 = arith.constant 0 : i32
      %dma_start3A_828 = tpu.memref_slice %arg3[%add3A_172, %dma_start3A_827] : memref<1280x128xi32, #tpu.memory_space<hbm>> -> memref<8x128xi32, #tpu.memory_space<hbm>>
      %dma_start3A_829 = arith.constant 0 : i32
      %dma_start3A_830 = tpu.memref_slice %arg3[%add3A_172, %dma_start3A_829] : memref<1280x128xi32, #tpu.memory_space<hbm>> -> memref<8x128xi32, #tpu.memory_space<hbm>>
      tpu.enqueue_dma source(%dma_start3A_830 : memref<8x128xi32, #tpu.memory_space<hbm>>) target(%arg5 : memref<8x128xi32, #tpu.memory_space<vmem>>) target_semaphore(%run_scoped3A : memref<!tpu.dma_semaphore, #tpu.memory_space<semaphore_mem>>)
      %dma_wait3A_831 = arith.constant 0 : i32
      %dma_wait3A_832 = tpu.memref_slice %arg3[%add3A_172, %dma_wait3A_831] : memref<1280x128xi32, #tpu.memory_space<hbm>> -> memref<8x128xi32, #tpu.memory_space<hbm>>
      %dma_wait3A_833 = arith.constant 0 : i32
      %dma_wait3A_834 = tpu.memref_slice %arg3[%add3A_172, %dma_wait3A_833] : memref<1280x128xi32, #tpu.memory_space<hbm>> -> memref<8x128xi32, #tpu.memory_space<hbm>>
      tpu.wait_dma2 semaphore(%run_scoped3A : memref<!tpu.dma_semaphore, #tpu.memory_space<semaphore_mem>>) src(%dma_wait3A_834 : memref<8x128xi32, #tpu.memory_space<hbm>>) dst(%arg5 : memref<8x128xi32, #tpu.memory_space<vmem>>)
      tpu.yield
    }) : () -> ()
    %dma_start3A_173 = arith.constant 0 : i32
    %dma_start3A_174 = arith.constant 0 : i32
    %dma_start3A_175 = arith.constant 0 : i32
    %dma_start3A_176 = tpu.memref_slice %arg6[%dma_start3A_174, %dma_start3A_175] : memref<1024x64xf32, #tpu.memory_space<vmem>> -> memref<128x64xf32, #tpu.memory_space<vmem>>
    %dma_start3A_177 = arith.constant 0 : i32
    %dma_start3A_178 = tpu.memref_slice %arg5[%dma_start3A_173, %dma_start3A_177] : memref<8x128xi32, #tpu.memory_space<vmem>> -> memref<1x128xi32, #tpu.memory_space<vmem>>
    %dma_start3A_179 = tpu.memref_squeeze %dma_start3A_178 : memref<1x128xi32, #tpu.memory_space<vmem>> -> memref<128xi32, #tpu.memory_space<vmem>>
    %dma_start3A_180 = arith.constant 0 : i32
    %dma_start3A_181 = arith.constant 0 : i32
    %dma_start3A_182 = tpu.memref_slice %arg7[%dma_start3A_180, %dma_start3A_181] : memref<10240x64xf32, #tpu.memory_space<vmem_shared>> -> memref<10240x64xf32, #tpu.memory_space<vmem_shared>>
    tpu.enqueue_indirect_dma source(%dma_start3A_182 : memref<10240x64xf32, #tpu.memory_space<vmem_shared>>) target(%dma_start3A_176 : memref<128x64xf32, #tpu.memory_space<vmem>>) offsets(%dma_start3A_179 : memref<128xi32, #tpu.memory_space<vmem>>) semaphore(%arg8 : memref<!tpu.dma_semaphore, #tpu.memory_space<semaphore_mem>>)
    %dma_start3A_183 = arith.constant 1 : i32
    %dma_start3A_184 = arith.constant 128 : i32
    %dma_start3A_185 = arith.constant 0 : i32
    %dma_start3A_186 = tpu.memref_slice %arg6[%dma_start3A_184, %dma_start3A_185] : memref<1024x64xf32, #tpu.memory_space<vmem>> -> memref<128x64xf32, #tpu.memory_space<vmem>>
    %dma_start3A_187 = arith.constant 0 : i32
    %dma_start3A_188 = tpu.memref_slice %arg5[%dma_start3A_183, %dma_start3A_187] : memref<8x128xi32, #tpu.memory_space<vmem>> -> memref<1x128xi32, #tpu.memory_space<vmem>>
    %dma_start3A_189 = tpu.memref_squeeze %dma_start3A_188 : memref<1x128xi32, #tpu.memory_space<vmem>> -> memref<128xi32, #tpu.memory_space<vmem>>
    %dma_start3A_190 = arith.constant 0 : i32
    %dma_start3A_191 = arith.constant 0 : i32
    %dma_start3A_192 = tpu.memref_slice %arg7[%dma_start3A_190, %dma_start3A_191] : memref<10240x64xf32, #tpu.memory_space<vmem_shared>> -> memref<10240x64xf32, #tpu.memory_space<vmem_shared>>
    tpu.enqueue_indirect_dma source(%dma_start3A_192 : memref<10240x64xf32, #tpu.memory_space<vmem_shared>>) target(%dma_start3A_186 : memref<128x64xf32, #tpu.memory_space<vmem>>) offsets(%dma_start3A_189 : memref<128xi32, #tpu.memory_space<vmem>>) semaphore(%arg8 : memref<!tpu.dma_semaphore, #tpu.memory_space<semaphore_mem>>)
    %dma_start3A_193 = arith.constant 2 : i32
    %dma_start3A_194 = arith.constant 256 : i32
    %dma_start3A_195 = arith.constant 0 : i32
    %dma_start3A_196 = tpu.memref_slice %arg6[%dma_start3A_194, %dma_start3A_195] : memref<1024x64xf32, #tpu.memory_space<vmem>> -> memref<128x64xf32, #tpu.memory_space<vmem>>
    %dma_start3A_197 = arith.constant 0 : i32
    %dma_start3A_198 = tpu.memref_slice %arg5[%dma_start3A_193, %dma_start3A_197] : memref<8x128xi32, #tpu.memory_space<vmem>> -> memref<1x128xi32, #tpu.memory_space<vmem>>
    %dma_start3A_199 = tpu.memref_squeeze %dma_start3A_198 : memref<1x128xi32, #tpu.memory_space<vmem>> -> memref<128xi32, #tpu.memory_space<vmem>>
    %dma_start3A_200 = arith.constant 0 : i32
    %dma_start3A_201 = arith.constant 0 : i32
    %dma_start3A_202 = tpu.memref_slice %arg7[%dma_start3A_200, %dma_start3A_201] : memref<10240x64xf32, #tpu.memory_space<vmem_shared>> -> memref<10240x64xf32, #tpu.memory_space<vmem_shared>>
    tpu.enqueue_indirect_dma source(%dma_start3A_202 : memref<10240x64xf32, #tpu.memory_space<vmem_shared>>) target(%dma_start3A_196 : memref<128x64xf32, #tpu.memory_space<vmem>>) offsets(%dma_start3A_199 : memref<128xi32, #tpu.memory_space<vmem>>) semaphore(%arg8 : memref<!tpu.dma_semaphore, #tpu.memory_space<semaphore_mem>>)
    %dma_start3A_203 = arith.constant 3 : i32
    %dma_start3A_204 = arith.constant 384 : i32
    %dma_start3A_205 = arith.constant 0 : i32
    %dma_start3A_206 = tpu.memref_slice %arg6[%dma_start3A_204, %dma_start3A_205] : memref<1024x64xf32, #tpu.memory_space<vmem>> -> memref<128x64xf32, #tpu.memory_space<vmem>>
    %dma_start3A_207 = arith.constant 0 : i32
    %dma_start3A_208 = tpu.memref_slice %arg5[%dma_start3A_203, %dma_start3A_207] : memref<8x128xi32, #tpu.memory_space<vmem>> -> memref<1x128xi32, #tpu.memory_space<vmem>>
    %dma_start3A_209 = tpu.memref_squeeze %dma_start3A_208 : memref<1x128xi32, #tpu.memory_space<vmem>> -> memref<128xi32, #tpu.memory_space<vmem>>
    %dma_start3A_210 = arith.constant 0 : i32
    %dma_start3A_211 = arith.constant 0 : i32
    %dma_start3A_212 = tpu.memref_slice %arg7[%dma_start3A_210, %dma_start3A_211] : memref<10240x64xf32, #tpu.memory_space<vmem_shared>> -> memref<10240x64xf32, #tpu.memory_space<vmem_shared>>
    tpu.enqueue_indirect_dma source(%dma_start3A_212 : memref<10240x64xf32, #tpu.memory_space<vmem_shared>>) target(%dma_start3A_206 : memref<128x64xf32, #tpu.memory_space<vmem>>) offsets(%dma_start3A_209 : memref<128xi32, #tpu.memory_space<vmem>>) semaphore(%arg8 : memref<!tpu.dma_semaphore, #tpu.memory_space<semaphore_mem>>)
    %dma_start3A_213 = arith.constant 4 : i32
    %dma_start3A_214 = arith.constant 512 : i32
    %dma_start3A_215 = arith.constant 0 : i32
    %dma_start3A_216 = tpu.memref_slice %arg6[%dma_start3A_214, %dma_start3A_215] : memref<1024x64xf32, #tpu.memory_space<vmem>> -> memref<128x64xf32, #tpu.memory_space<vmem>>
    %dma_start3A_217 = arith.constant 0 : i32
    %dma_start3A_218 = tpu.memref_slice %arg5[%dma_start3A_213, %dma_start3A_217] : memref<8x128xi32, #tpu.memory_space<vmem>> -> memref<1x128xi32, #tpu.memory_space<vmem>>
    %dma_start3A_219 = tpu.memref_squeeze %dma_start3A_218 : memref<1x128xi32, #tpu.memory_space<vmem>> -> memref<128xi32, #tpu.memory_space<vmem>>
    %dma_start3A_220 = arith.constant 0 : i32
    %dma_start3A_221 = arith.constant 0 : i32
    %dma_start3A_222 = tpu.memref_slice %arg7[%dma_start3A_220, %dma_start3A_221] : memref<10240x64xf32, #tpu.memory_space<vmem_shared>> -> memref<10240x64xf32, #tpu.memory_space<vmem_shared>>
    tpu.enqueue_indirect_dma source(%dma_start3A_222 : memref<10240x64xf32, #tpu.memory_space<vmem_shared>>) target(%dma_start3A_216 : memref<128x64xf32, #tpu.memory_space<vmem>>) offsets(%dma_start3A_219 : memref<128xi32, #tpu.memory_space<vmem>>) semaphore(%arg8 : memref<!tpu.dma_semaphore, #tpu.memory_space<semaphore_mem>>)
    %dma_start3A_223 = arith.constant 5 : i32
    %dma_start3A_224 = arith.constant 640 : i32
    %dma_start3A_225 = arith.constant 0 : i32
    %dma_start3A_226 = tpu.memref_slice %arg6[%dma_start3A_224, %dma_start3A_225] : memref<1024x64xf32, #tpu.memory_space<vmem>> -> memref<128x64xf32, #tpu.memory_space<vmem>>
    %dma_start3A_227 = arith.constant 0 : i32
    %dma_start3A_228 = tpu.memref_slice %arg5[%dma_start3A_223, %dma_start3A_227] : memref<8x128xi32, #tpu.memory_space<vmem>> -> memref<1x128xi32, #tpu.memory_space<vmem>>
    %dma_start3A_229 = tpu.memref_squeeze %dma_start3A_228 : memref<1x128xi32, #tpu.memory_space<vmem>> -> memref<128xi32, #tpu.memory_space<vmem>>
    %dma_start3A_230 = arith.constant 0 : i32
    %dma_start3A_231 = arith.constant 0 : i32
    %dma_start3A_232 = tpu.memref_slice %arg7[%dma_start3A_230, %dma_start3A_231] : memref<10240x64xf32, #tpu.memory_space<vmem_shared>> -> memref<10240x64xf32, #tpu.memory_space<vmem_shared>>
    tpu.enqueue_indirect_dma source(%dma_start3A_232 : memref<10240x64xf32, #tpu.memory_space<vmem_shared>>) target(%dma_start3A_226 : memref<128x64xf32, #tpu.memory_space<vmem>>) offsets(%dma_start3A_229 : memref<128xi32, #tpu.memory_space<vmem>>) semaphore(%arg8 : memref<!tpu.dma_semaphore, #tpu.memory_space<semaphore_mem>>)
    %dma_start3A_233 = arith.constant 6 : i32
    %dma_start3A_234 = arith.constant 768 : i32
    %dma_start3A_235 = arith.constant 0 : i32
    %dma_start3A_236 = tpu.memref_slice %arg6[%dma_start3A_234, %dma_start3A_235] : memref<1024x64xf32, #tpu.memory_space<vmem>> -> memref<128x64xf32, #tpu.memory_space<vmem>>
    %dma_start3A_237 = arith.constant 0 : i32
    %dma_start3A_238 = tpu.memref_slice %arg5[%dma_start3A_233, %dma_start3A_237] : memref<8x128xi32, #tpu.memory_space<vmem>> -> memref<1x128xi32, #tpu.memory_space<vmem>>
    %dma_start3A_239 = tpu.memref_squeeze %dma_start3A_238 : memref<1x128xi32, #tpu.memory_space<vmem>> -> memref<128xi32, #tpu.memory_space<vmem>>
    %dma_start3A_240 = arith.constant 0 : i32
    %dma_start3A_241 = arith.constant 0 : i32
    %dma_start3A_242 = tpu.memref_slice %arg7[%dma_start3A_240, %dma_start3A_241] : memref<10240x64xf32, #tpu.memory_space<vmem_shared>> -> memref<10240x64xf32, #tpu.memory_space<vmem_shared>>
    tpu.enqueue_indirect_dma source(%dma_start3A_242 : memref<10240x64xf32, #tpu.memory_space<vmem_shared>>) target(%dma_start3A_236 : memref<128x64xf32, #tpu.memory_space<vmem>>) offsets(%dma_start3A_239 : memref<128xi32, #tpu.memory_space<vmem>>) semaphore(%arg8 : memref<!tpu.dma_semaphore, #tpu.memory_space<semaphore_mem>>)
    %dma_start3A_243 = arith.constant 7 : i32
    %dma_start3A_244 = arith.constant 896 : i32
    %dma_start3A_245 = arith.constant 0 : i32
    %dma_start3A_246 = tpu.memref_slice %arg6[%dma_start3A_244, %dma_start3A_245] : memref<1024x64xf32, #tpu.memory_space<vmem>> -> memref<128x64xf32, #tpu.memory_space<vmem>>
    %dma_start3A_247 = arith.constant 0 : i32
    %dma_start3A_248 = tpu.memref_slice %arg5[%dma_start3A_243, %dma_start3A_247] : memref<8x128xi32, #tpu.memory_space<vmem>> -> memref<1x128xi32, #tpu.memory_space<vmem>>
    %dma_start3A_249 = tpu.memref_squeeze %dma_start3A_248 : memref<1x128xi32, #tpu.memory_space<vmem>> -> memref<128xi32, #tpu.memory_space<vmem>>
    %dma_start3A_250 = arith.constant 0 : i32
    %dma_start3A_251 = arith.constant 0 : i32
    %dma_start3A_252 = tpu.memref_slice %arg7[%dma_start3A_250, %dma_start3A_251] : memref<10240x64xf32, #tpu.memory_space<vmem_shared>> -> memref<10240x64xf32, #tpu.memory_space<vmem_shared>>
    tpu.enqueue_indirect_dma source(%dma_start3A_252 : memref<10240x64xf32, #tpu.memory_space<vmem_shared>>) target(%dma_start3A_246 : memref<128x64xf32, #tpu.memory_space<vmem>>) offsets(%dma_start3A_249 : memref<128xi32, #tpu.memory_space<vmem>>) semaphore(%arg8 : memref<!tpu.dma_semaphore, #tpu.memory_space<semaphore_mem>>)
    %dma_wait3A_253 = arith.constant 0 : i32
    %dma_wait3A_254 = arith.constant 0 : i32
    %dma_wait3A_255 = arith.constant 0 : i32
    %dma_wait3A_256 = tpu.memref_slice %arg6[%dma_wait3A_254, %dma_wait3A_255] : memref<1024x64xf32, #tpu.memory_space<vmem>> -> memref<128x64xf32, #tpu.memory_space<vmem>>
    %dma_wait3A_257 = arith.constant 0 : i32
    %dma_wait3A_258 = tpu.memref_slice %arg5[%dma_wait3A_253, %dma_wait3A_257] : memref<8x128xi32, #tpu.memory_space<vmem>> -> memref<1x128xi32, #tpu.memory_space<vmem>>
    %dma_wait3A_259 = tpu.memref_squeeze %dma_wait3A_258 : memref<1x128xi32, #tpu.memory_space<vmem>> -> memref<128xi32, #tpu.memory_space<vmem>>
    %dma_wait3A_260 = arith.constant 0 : i32
    %dma_wait3A_261 = arith.constant 0 : i32
    %dma_wait3A_262 = tpu.memref_slice %arg7[%dma_wait3A_260, %dma_wait3A_261] : memref<10240x64xf32, #tpu.memory_space<vmem_shared>> -> memref<10240x64xf32, #tpu.memory_space<vmem_shared>>
    tpu.wait_indirect_dma semaphore(%arg8 : memref<!tpu.dma_semaphore, #tpu.memory_space<semaphore_mem>>) src(%dma_wait3A_262 : memref<10240x64xf32, #tpu.memory_space<vmem_shared>>) dst(%dma_wait3A_256 : memref<128x64xf32, #tpu.memory_space<vmem>>)
    %dma_wait3A_263 = arith.constant 1 : i32
    %dma_wait3A_264 = arith.constant 128 : i32
    %dma_wait3A_265 = arith.constant 0 : i32
    %dma_wait3A_266 = tpu.memref_slice %arg6[%dma_wait3A_264, %dma_wait3A_265] : memref<1024x64xf32, #tpu.memory_space<vmem>> -> memref<128x64xf32, #tpu.memory_space<vmem>>
    %dma_wait3A_267 = arith.constant 0 : i32
    %dma_wait3A_268 = tpu.memref_slice %arg5[%dma_wait3A_263, %dma_wait3A_267] : memref<8x128xi32, #tpu.memory_space<vmem>> -> memref<1x128xi32, #tpu.memory_space<vmem>>
    %dma_wait3A_269 = tpu.memref_squeeze %dma_wait3A_268 : memref<1x128xi32, #tpu.memory_space<vmem>> -> memref<128xi32, #tpu.memory_space<vmem>>
    %dma_wait3A_270 = arith.constant 0 : i32
    %dma_wait3A_271 = arith.constant 0 : i32
    %dma_wait3A_272 = tpu.memref_slice %arg7[%dma_wait3A_270, %dma_wait3A_271] : memref<10240x64xf32, #tpu.memory_space<vmem_shared>> -> memref<10240x64xf32, #tpu.memory_space<vmem_shared>>
    tpu.wait_indirect_dma semaphore(%arg8 : memref<!tpu.dma_semaphore, #tpu.memory_space<semaphore_mem>>) src(%dma_wait3A_272 : memref<10240x64xf32, #tpu.memory_space<vmem_shared>>) dst(%dma_wait3A_266 : memref<128x64xf32, #tpu.memory_space<vmem>>)
    %dma_wait3A_273 = arith.constant 2 : i32
    %dma_wait3A_274 = arith.constant 256 : i32
    %dma_wait3A_275 = arith.constant 0 : i32
    %dma_wait3A_276 = tpu.memref_slice %arg6[%dma_wait3A_274, %dma_wait3A_275] : memref<1024x64xf32, #tpu.memory_space<vmem>> -> memref<128x64xf32, #tpu.memory_space<vmem>>
    %dma_wait3A_277 = arith.constant 0 : i32
    %dma_wait3A_278 = tpu.memref_slice %arg5[%dma_wait3A_273, %dma_wait3A_277] : memref<8x128xi32, #tpu.memory_space<vmem>> -> memref<1x128xi32, #tpu.memory_space<vmem>>
    %dma_wait3A_279 = tpu.memref_squeeze %dma_wait3A_278 : memref<1x128xi32, #tpu.memory_space<vmem>> -> memref<128xi32, #tpu.memory_space<vmem>>
    %dma_wait3A_280 = arith.constant 0 : i32
    %dma_wait3A_281 = arith.constant 0 : i32
    %dma_wait3A_282 = tpu.memref_slice %arg7[%dma_wait3A_280, %dma_wait3A_281] : memref<10240x64xf32, #tpu.memory_space<vmem_shared>> -> memref<10240x64xf32, #tpu.memory_space<vmem_shared>>
    tpu.wait_indirect_dma semaphore(%arg8 : memref<!tpu.dma_semaphore, #tpu.memory_space<semaphore_mem>>) src(%dma_wait3A_282 : memref<10240x64xf32, #tpu.memory_space<vmem_shared>>) dst(%dma_wait3A_276 : memref<128x64xf32, #tpu.memory_space<vmem>>)
    %dma_wait3A_283 = arith.constant 3 : i32
    %dma_wait3A_284 = arith.constant 384 : i32
    %dma_wait3A_285 = arith.constant 0 : i32
    %dma_wait3A_286 = tpu.memref_slice %arg6[%dma_wait3A_284, %dma_wait3A_285] : memref<1024x64xf32, #tpu.memory_space<vmem>> -> memref<128x64xf32, #tpu.memory_space<vmem>>
    %dma_wait3A_287 = arith.constant 0 : i32
    %dma_wait3A_288 = tpu.memref_slice %arg5[%dma_wait3A_283, %dma_wait3A_287] : memref<8x128xi32, #tpu.memory_space<vmem>> -> memref<1x128xi32, #tpu.memory_space<vmem>>
    %dma_wait3A_289 = tpu.memref_squeeze %dma_wait3A_288 : memref<1x128xi32, #tpu.memory_space<vmem>> -> memref<128xi32, #tpu.memory_space<vmem>>
    %dma_wait3A_290 = arith.constant 0 : i32
    %dma_wait3A_291 = arith.constant 0 : i32
    %dma_wait3A_292 = tpu.memref_slice %arg7[%dma_wait3A_290, %dma_wait3A_291] : memref<10240x64xf32, #tpu.memory_space<vmem_shared>> -> memref<10240x64xf32, #tpu.memory_space<vmem_shared>>
    tpu.wait_indirect_dma semaphore(%arg8 : memref<!tpu.dma_semaphore, #tpu.memory_space<semaphore_mem>>) src(%dma_wait3A_292 : memref<10240x64xf32, #tpu.memory_space<vmem_shared>>) dst(%dma_wait3A_286 : memref<128x64xf32, #tpu.memory_space<vmem>>)
    %dma_wait3A_293 = arith.constant 4 : i32
    %dma_wait3A_294 = arith.constant 512 : i32
    %dma_wait3A_295 = arith.constant 0 : i32
    %dma_wait3A_296 = tpu.memref_slice %arg6[%dma_wait3A_294, %dma_wait3A_295] : memref<1024x64xf32, #tpu.memory_space<vmem>> -> memref<128x64xf32, #tpu.memory_space<vmem>>
    %dma_wait3A_297 = arith.constant 0 : i32
    %dma_wait3A_298 = tpu.memref_slice %arg5[%dma_wait3A_293, %dma_wait3A_297] : memref<8x128xi32, #tpu.memory_space<vmem>> -> memref<1x128xi32, #tpu.memory_space<vmem>>
    %dma_wait3A_299 = tpu.memref_squeeze %dma_wait3A_298 : memref<1x128xi32, #tpu.memory_space<vmem>> -> memref<128xi32, #tpu.memory_space<vmem>>
    %dma_wait3A_300 = arith.constant 0 : i32
    %dma_wait3A_301 = arith.constant 0 : i32
    %dma_wait3A_302 = tpu.memref_slice %arg7[%dma_wait3A_300, %dma_wait3A_301] : memref<10240x64xf32, #tpu.memory_space<vmem_shared>> -> memref<10240x64xf32, #tpu.memory_space<vmem_shared>>
    tpu.wait_indirect_dma semaphore(%arg8 : memref<!tpu.dma_semaphore, #tpu.memory_space<semaphore_mem>>) src(%dma_wait3A_302 : memref<10240x64xf32, #tpu.memory_space<vmem_shared>>) dst(%dma_wait3A_296 : memref<128x64xf32, #tpu.memory_space<vmem>>)
    %dma_wait3A_303 = arith.constant 5 : i32
    %dma_wait3A_304 = arith.constant 640 : i32
    %dma_wait3A_305 = arith.constant 0 : i32
    %dma_wait3A_306 = tpu.memref_slice %arg6[%dma_wait3A_304, %dma_wait3A_305] : memref<1024x64xf32, #tpu.memory_space<vmem>> -> memref<128x64xf32, #tpu.memory_space<vmem>>
    %dma_wait3A_307 = arith.constant 0 : i32
    %dma_wait3A_308 = tpu.memref_slice %arg5[%dma_wait3A_303, %dma_wait3A_307] : memref<8x128xi32, #tpu.memory_space<vmem>> -> memref<1x128xi32, #tpu.memory_space<vmem>>
    %dma_wait3A_309 = tpu.memref_squeeze %dma_wait3A_308 : memref<1x128xi32, #tpu.memory_space<vmem>> -> memref<128xi32, #tpu.memory_space<vmem>>
    %dma_wait3A_310 = arith.constant 0 : i32
    %dma_wait3A_311 = arith.constant 0 : i32
    %dma_wait3A_312 = tpu.memref_slice %arg7[%dma_wait3A_310, %dma_wait3A_311] : memref<10240x64xf32, #tpu.memory_space<vmem_shared>> -> memref<10240x64xf32, #tpu.memory_space<vmem_shared>>
    tpu.wait_indirect_dma semaphore(%arg8 : memref<!tpu.dma_semaphore, #tpu.memory_space<semaphore_mem>>) src(%dma_wait3A_312 : memref<10240x64xf32, #tpu.memory_space<vmem_shared>>) dst(%dma_wait3A_306 : memref<128x64xf32, #tpu.memory_space<vmem>>)
    %dma_wait3A_313 = arith.constant 6 : i32
    %dma_wait3A_314 = arith.constant 768 : i32
    %dma_wait3A_315 = arith.constant 0 : i32
    %dma_wait3A_316 = tpu.memref_slice %arg6[%dma_wait3A_314, %dma_wait3A_315] : memref<1024x64xf32, #tpu.memory_space<vmem>> -> memref<128x64xf32, #tpu.memory_space<vmem>>
    %dma_wait3A_317 = arith.constant 0 : i32
    %dma_wait3A_318 = tpu.memref_slice %arg5[%dma_wait3A_313, %dma_wait3A_317] : memref<8x128xi32, #tpu.memory_space<vmem>> -> memref<1x128xi32, #tpu.memory_space<vmem>>
    %dma_wait3A_319 = tpu.memref_squeeze %dma_wait3A_318 : memref<1x128xi32, #tpu.memory_space<vmem>> -> memref<128xi32, #tpu.memory_space<vmem>>
    %dma_wait3A_320 = arith.constant 0 : i32
    %dma_wait3A_321 = arith.constant 0 : i32
    %dma_wait3A_322 = tpu.memref_slice %arg7[%dma_wait3A_320, %dma_wait3A_321] : memref<10240x64xf32, #tpu.memory_space<vmem_shared>> -> memref<10240x64xf32, #tpu.memory_space<vmem_shared>>
    tpu.wait_indirect_dma semaphore(%arg8 : memref<!tpu.dma_semaphore, #tpu.memory_space<semaphore_mem>>) src(%dma_wait3A_322 : memref<10240x64xf32, #tpu.memory_space<vmem_shared>>) dst(%dma_wait3A_316 : memref<128x64xf32, #tpu.memory_space<vmem>>)
    %dma_wait3A_323 = arith.constant 7 : i32
    %dma_wait3A_324 = arith.constant 896 : i32
    %dma_wait3A_325 = arith.constant 0 : i32
    %dma_wait3A_326 = tpu.memref_slice %arg6[%dma_wait3A_324, %dma_wait3A_325] : memref<1024x64xf32, #tpu.memory_space<vmem>> -> memref<128x64xf32, #tpu.memory_space<vmem>>
    %dma_wait3A_327 = arith.constant 0 : i32
    %dma_wait3A_328 = tpu.memref_slice %arg5[%dma_wait3A_323, %dma_wait3A_327] : memref<8x128xi32, #tpu.memory_space<vmem>> -> memref<1x128xi32, #tpu.memory_space<vmem>>
    %dma_wait3A_329 = tpu.memref_squeeze %dma_wait3A_328 : memref<1x128xi32, #tpu.memory_space<vmem>> -> memref<128xi32, #tpu.memory_space<vmem>>
    %dma_wait3A_330 = arith.constant 0 : i32
    %dma_wait3A_331 = arith.constant 0 : i32
    %dma_wait3A_332 = tpu.memref_slice %arg7[%dma_wait3A_330, %dma_wait3A_331] : memref<10240x64xf32, #tpu.memory_space<vmem_shared>> -> memref<10240x64xf32, #tpu.memory_space<vmem_shared>>
    tpu.wait_indirect_dma semaphore(%arg8 : memref<!tpu.dma_semaphore, #tpu.memory_space<semaphore_mem>>) src(%dma_wait3A_332 : memref<10240x64xf32, #tpu.memory_space<vmem_shared>>) dst(%dma_wait3A_326 : memref<128x64xf32, #tpu.memory_space<vmem>>)
    %add3A_333 = arith.constant 1024 : i32
    %add3A_334 = arith.addi %mul3A_8, %add3A_333 : i32
    "tpu.region"() ({
      %run_scoped3A = tpu.sem_alloc : memref<!tpu.dma_semaphore, #tpu.memory_space<semaphore_mem>>
      %dma_start3A_827 = arith.constant 0 : i32
      %dma_start3A_828 = tpu.memref_slice %arg4[%add3A_334, %dma_start3A_827] : memref<163840x128xf32, #tpu.memory_space<hbm>> -> memref<1024x64xf32, #tpu.memory_space<hbm>>
      %dma_start3A_829 = arith.constant 0 : i32
      %dma_start3A_830 = tpu.memref_slice %arg4[%add3A_334, %dma_start3A_829] : memref<163840x128xf32, #tpu.memory_space<hbm>> -> memref<1024x64xf32, #tpu.memory_space<hbm>>
      tpu.enqueue_dma source(%arg6 : memref<1024x64xf32, #tpu.memory_space<vmem>>) target(%dma_start3A_830 : memref<1024x64xf32, #tpu.memory_space<hbm>>) target_semaphore(%run_scoped3A : memref<!tpu.dma_semaphore, #tpu.memory_space<semaphore_mem>>)
      %dma_wait3A_831 = arith.constant 0 : i32
      %dma_wait3A_832 = tpu.memref_slice %arg4[%add3A_334, %dma_wait3A_831] : memref<163840x128xf32, #tpu.memory_space<hbm>> -> memref<1024x64xf32, #tpu.memory_space<hbm>>
      %dma_wait3A_833 = arith.constant 0 : i32
      %dma_wait3A_834 = tpu.memref_slice %arg4[%add3A_334, %dma_wait3A_833] : memref<163840x128xf32, #tpu.memory_space<hbm>> -> memref<1024x64xf32, #tpu.memory_space<hbm>>
      tpu.wait_dma2 semaphore(%run_scoped3A : memref<!tpu.dma_semaphore, #tpu.memory_space<semaphore_mem>>) src(%arg6 : memref<1024x64xf32, #tpu.memory_space<vmem>>) dst(%dma_wait3A_834 : memref<1024x64xf32, #tpu.memory_space<hbm>>)
      tpu.yield
    }) : () -> ()
    %add3A_335 = arith.constant 16 : i32
    %add3A_336 = arith.addi %mul3A_6, %add3A_335 : i32
    "tpu.region"() ({
      %run_scoped3A = tpu.sem_alloc : memref<!tpu.dma_semaphore, #tpu.memory_space<semaphore_mem>>
      %dma_start3A_827 = arith.constant 0 : i32
      %dma_start3A_828 = tpu.memref_slice %arg3[%add3A_336, %dma_start3A_827] : memref<1280x128xi32, #tpu.memory_space<hbm>> -> memref<8x128xi32, #tpu.memory_space<hbm>>
      %dma_start3A_829 = arith.constant 0 : i32
      %dma_start3A_830 = tpu.memref_slice %arg3[%add3A_336, %dma_start3A_829] : memref<1280x128xi32, #tpu.memory_space<hbm>> -> memref<8x128xi32, #tpu.memory_space<hbm>>
      tpu.enqueue_dma source(%dma_start3A_830 : memref<8x128xi32, #tpu.memory_space<hbm>>) target(%arg5 : memref<8x128xi32, #tpu.memory_space<vmem>>) target_semaphore(%run_scoped3A : memref<!tpu.dma_semaphore, #tpu.memory_space<semaphore_mem>>)
      %dma_wait3A_831 = arith.constant 0 : i32
      %dma_wait3A_832 = tpu.memref_slice %arg3[%add3A_336, %dma_wait3A_831] : memref<1280x128xi32, #tpu.memory_space<hbm>> -> memref<8x128xi32, #tpu.memory_space<hbm>>
      %dma_wait3A_833 = arith.constant 0 : i32
      %dma_wait3A_834 = tpu.memref_slice %arg3[%add3A_336, %dma_wait3A_833] : memref<1280x128xi32, #tpu.memory_space<hbm>> -> memref<8x128xi32, #tpu.memory_space<hbm>>
      tpu.wait_dma2 semaphore(%run_scoped3A : memref<!tpu.dma_semaphore, #tpu.memory_space<semaphore_mem>>) src(%dma_wait3A_834 : memref<8x128xi32, #tpu.memory_space<hbm>>) dst(%arg5 : memref<8x128xi32, #tpu.memory_space<vmem>>)
      tpu.yield
    }) : () -> ()
    %dma_start3A_337 = arith.constant 0 : i32
    %dma_start3A_338 = arith.constant 0 : i32
    %dma_start3A_339 = arith.constant 0 : i32
    %dma_start3A_340 = tpu.memref_slice %arg6[%dma_start3A_338, %dma_start3A_339] : memref<1024x64xf32, #tpu.memory_space<vmem>> -> memref<128x64xf32, #tpu.memory_space<vmem>>
    %dma_start3A_341 = arith.constant 0 : i32
    %dma_start3A_342 = tpu.memref_slice %arg5[%dma_start3A_337, %dma_start3A_341] : memref<8x128xi32, #tpu.memory_space<vmem>> -> memref<1x128xi32, #tpu.memory_space<vmem>>
    %dma_start3A_343 = tpu.memref_squeeze %dma_start3A_342 : memref<1x128xi32, #tpu.memory_space<vmem>> -> memref<128xi32, #tpu.memory_space<vmem>>
    %dma_start3A_344 = arith.constant 0 : i32
    %dma_start3A_345 = arith.constant 0 : i32
    %dma_start3A_346 = tpu.memref_slice %arg7[%dma_start3A_344, %dma_start3A_345] : memref<10240x64xf32, #tpu.memory_space<vmem_shared>> -> memref<10240x64xf32, #tpu.memory_space<vmem_shared>>
    tpu.enqueue_indirect_dma source(%dma_start3A_346 : memref<10240x64xf32, #tpu.memory_space<vmem_shared>>) target(%dma_start3A_340 : memref<128x64xf32, #tpu.memory_space<vmem>>) offsets(%dma_start3A_343 : memref<128xi32, #tpu.memory_space<vmem>>) semaphore(%arg8 : memref<!tpu.dma_semaphore, #tpu.memory_space<semaphore_mem>>)
    %dma_start3A_347 = arith.constant 1 : i32
    %dma_start3A_348 = arith.constant 128 : i32
    %dma_start3A_349 = arith.constant 0 : i32
    %dma_start3A_350 = tpu.memref_slice %arg6[%dma_start3A_348, %dma_start3A_349] : memref<1024x64xf32, #tpu.memory_space<vmem>> -> memref<128x64xf32, #tpu.memory_space<vmem>>
    %dma_start3A_351 = arith.constant 0 : i32
    %dma_start3A_352 = tpu.memref_slice %arg5[%dma_start3A_347, %dma_start3A_351] : memref<8x128xi32, #tpu.memory_space<vmem>> -> memref<1x128xi32, #tpu.memory_space<vmem>>
    %dma_start3A_353 = tpu.memref_squeeze %dma_start3A_352 : memref<1x128xi32, #tpu.memory_space<vmem>> -> memref<128xi32, #tpu.memory_space<vmem>>
    %dma_start3A_354 = arith.constant 0 : i32
    %dma_start3A_355 = arith.constant 0 : i32
    %dma_start3A_356 = tpu.memref_slice %arg7[%dma_start3A_354, %dma_start3A_355] : memref<10240x64xf32, #tpu.memory_space<vmem_shared>> -> memref<10240x64xf32, #tpu.memory_space<vmem_shared>>
    tpu.enqueue_indirect_dma source(%dma_start3A_356 : memref<10240x64xf32, #tpu.memory_space<vmem_shared>>) target(%dma_start3A_350 : memref<128x64xf32, #tpu.memory_space<vmem>>) offsets(%dma_start3A_353 : memref<128xi32, #tpu.memory_space<vmem>>) semaphore(%arg8 : memref<!tpu.dma_semaphore, #tpu.memory_space<semaphore_mem>>)
    %dma_start3A_357 = arith.constant 2 : i32
    %dma_start3A_358 = arith.constant 256 : i32
    %dma_start3A_359 = arith.constant 0 : i32
    %dma_start3A_360 = tpu.memref_slice %arg6[%dma_start3A_358, %dma_start3A_359] : memref<1024x64xf32, #tpu.memory_space<vmem>> -> memref<128x64xf32, #tpu.memory_space<vmem>>
    %dma_start3A_361 = arith.constant 0 : i32
    %dma_start3A_362 = tpu.memref_slice %arg5[%dma_start3A_357, %dma_start3A_361] : memref<8x128xi32, #tpu.memory_space<vmem>> -> memref<1x128xi32, #tpu.memory_space<vmem>>
    %dma_start3A_363 = tpu.memref_squeeze %dma_start3A_362 : memref<1x128xi32, #tpu.memory_space<vmem>> -> memref<128xi32, #tpu.memory_space<vmem>>
    %dma_start3A_364 = arith.constant 0 : i32
    %dma_start3A_365 = arith.constant 0 : i32
    %dma_start3A_366 = tpu.memref_slice %arg7[%dma_start3A_364, %dma_start3A_365] : memref<10240x64xf32, #tpu.memory_space<vmem_shared>> -> memref<10240x64xf32, #tpu.memory_space<vmem_shared>>
    tpu.enqueue_indirect_dma source(%dma_start3A_366 : memref<10240x64xf32, #tpu.memory_space<vmem_shared>>) target(%dma_start3A_360 : memref<128x64xf32, #tpu.memory_space<vmem>>) offsets(%dma_start3A_363 : memref<128xi32, #tpu.memory_space<vmem>>) semaphore(%arg8 : memref<!tpu.dma_semaphore, #tpu.memory_space<semaphore_mem>>)
    %dma_start3A_367 = arith.constant 3 : i32
    %dma_start3A_368 = arith.constant 384 : i32
    %dma_start3A_369 = arith.constant 0 : i32
    %dma_start3A_370 = tpu.memref_slice %arg6[%dma_start3A_368, %dma_start3A_369] : memref<1024x64xf32, #tpu.memory_space<vmem>> -> memref<128x64xf32, #tpu.memory_space<vmem>>
    %dma_start3A_371 = arith.constant 0 : i32
    %dma_start3A_372 = tpu.memref_slice %arg5[%dma_start3A_367, %dma_start3A_371] : memref<8x128xi32, #tpu.memory_space<vmem>> -> memref<1x128xi32, #tpu.memory_space<vmem>>
    %dma_start3A_373 = tpu.memref_squeeze %dma_start3A_372 : memref<1x128xi32, #tpu.memory_space<vmem>> -> memref<128xi32, #tpu.memory_space<vmem>>
    %dma_start3A_374 = arith.constant 0 : i32
    %dma_start3A_375 = arith.constant 0 : i32
    %dma_start3A_376 = tpu.memref_slice %arg7[%dma_start3A_374, %dma_start3A_375] : memref<10240x64xf32, #tpu.memory_space<vmem_shared>> -> memref<10240x64xf32, #tpu.memory_space<vmem_shared>>
    tpu.enqueue_indirect_dma source(%dma_start3A_376 : memref<10240x64xf32, #tpu.memory_space<vmem_shared>>) target(%dma_start3A_370 : memref<128x64xf32, #tpu.memory_space<vmem>>) offsets(%dma_start3A_373 : memref<128xi32, #tpu.memory_space<vmem>>) semaphore(%arg8 : memref<!tpu.dma_semaphore, #tpu.memory_space<semaphore_mem>>)
    %dma_start3A_377 = arith.constant 4 : i32
    %dma_start3A_378 = arith.constant 512 : i32
    %dma_start3A_379 = arith.constant 0 : i32
    %dma_start3A_380 = tpu.memref_slice %arg6[%dma_start3A_378, %dma_start3A_379] : memref<1024x64xf32, #tpu.memory_space<vmem>> -> memref<128x64xf32, #tpu.memory_space<vmem>>
    %dma_start3A_381 = arith.constant 0 : i32
    %dma_start3A_382 = tpu.memref_slice %arg5[%dma_start3A_377, %dma_start3A_381] : memref<8x128xi32, #tpu.memory_space<vmem>> -> memref<1x128xi32, #tpu.memory_space<vmem>>
    %dma_start3A_383 = tpu.memref_squeeze %dma_start3A_382 : memref<1x128xi32, #tpu.memory_space<vmem>> -> memref<128xi32, #tpu.memory_space<vmem>>
    %dma_start3A_384 = arith.constant 0 : i32
    %dma_start3A_385 = arith.constant 0 : i32
    %dma_start3A_386 = tpu.memref_slice %arg7[%dma_start3A_384, %dma_start3A_385] : memref<10240x64xf32, #tpu.memory_space<vmem_shared>> -> memref<10240x64xf32, #tpu.memory_space<vmem_shared>>
    tpu.enqueue_indirect_dma source(%dma_start3A_386 : memref<10240x64xf32, #tpu.memory_space<vmem_shared>>) target(%dma_start3A_380 : memref<128x64xf32, #tpu.memory_space<vmem>>) offsets(%dma_start3A_383 : memref<128xi32, #tpu.memory_space<vmem>>) semaphore(%arg8 : memref<!tpu.dma_semaphore, #tpu.memory_space<semaphore_mem>>)
    %dma_start3A_387 = arith.constant 5 : i32
    %dma_start3A_388 = arith.constant 640 : i32
    %dma_start3A_389 = arith.constant 0 : i32
    %dma_start3A_390 = tpu.memref_slice %arg6[%dma_start3A_388, %dma_start3A_389] : memref<1024x64xf32, #tpu.memory_space<vmem>> -> memref<128x64xf32, #tpu.memory_space<vmem>>
    %dma_start3A_391 = arith.constant 0 : i32
    %dma_start3A_392 = tpu.memref_slice %arg5[%dma_start3A_387, %dma_start3A_391] : memref<8x128xi32, #tpu.memory_space<vmem>> -> memref<1x128xi32, #tpu.memory_space<vmem>>
    %dma_start3A_393 = tpu.memref_squeeze %dma_start3A_392 : memref<1x128xi32, #tpu.memory_space<vmem>> -> memref<128xi32, #tpu.memory_space<vmem>>
    %dma_start3A_394 = arith.constant 0 : i32
    %dma_start3A_395 = arith.constant 0 : i32
    %dma_start3A_396 = tpu.memref_slice %arg7[%dma_start3A_394, %dma_start3A_395] : memref<10240x64xf32, #tpu.memory_space<vmem_shared>> -> memref<10240x64xf32, #tpu.memory_space<vmem_shared>>
    tpu.enqueue_indirect_dma source(%dma_start3A_396 : memref<10240x64xf32, #tpu.memory_space<vmem_shared>>) target(%dma_start3A_390 : memref<128x64xf32, #tpu.memory_space<vmem>>) offsets(%dma_start3A_393 : memref<128xi32, #tpu.memory_space<vmem>>) semaphore(%arg8 : memref<!tpu.dma_semaphore, #tpu.memory_space<semaphore_mem>>)
    %dma_start3A_397 = arith.constant 6 : i32
    %dma_start3A_398 = arith.constant 768 : i32
    %dma_start3A_399 = arith.constant 0 : i32
    %dma_start3A_400 = tpu.memref_slice %arg6[%dma_start3A_398, %dma_start3A_399] : memref<1024x64xf32, #tpu.memory_space<vmem>> -> memref<128x64xf32, #tpu.memory_space<vmem>>
    %dma_start3A_401 = arith.constant 0 : i32
    %dma_start3A_402 = tpu.memref_slice %arg5[%dma_start3A_397, %dma_start3A_401] : memref<8x128xi32, #tpu.memory_space<vmem>> -> memref<1x128xi32, #tpu.memory_space<vmem>>
    %dma_start3A_403 = tpu.memref_squeeze %dma_start3A_402 : memref<1x128xi32, #tpu.memory_space<vmem>> -> memref<128xi32, #tpu.memory_space<vmem>>
    %dma_start3A_404 = arith.constant 0 : i32
    %dma_start3A_405 = arith.constant 0 : i32
    %dma_start3A_406 = tpu.memref_slice %arg7[%dma_start3A_404, %dma_start3A_405] : memref<10240x64xf32, #tpu.memory_space<vmem_shared>> -> memref<10240x64xf32, #tpu.memory_space<vmem_shared>>
    tpu.enqueue_indirect_dma source(%dma_start3A_406 : memref<10240x64xf32, #tpu.memory_space<vmem_shared>>) target(%dma_start3A_400 : memref<128x64xf32, #tpu.memory_space<vmem>>) offsets(%dma_start3A_403 : memref<128xi32, #tpu.memory_space<vmem>>) semaphore(%arg8 : memref<!tpu.dma_semaphore, #tpu.memory_space<semaphore_mem>>)
    %dma_start3A_407 = arith.constant 7 : i32
    %dma_start3A_408 = arith.constant 896 : i32
    %dma_start3A_409 = arith.constant 0 : i32
    %dma_start3A_410 = tpu.memref_slice %arg6[%dma_start3A_408, %dma_start3A_409] : memref<1024x64xf32, #tpu.memory_space<vmem>> -> memref<128x64xf32, #tpu.memory_space<vmem>>
    %dma_start3A_411 = arith.constant 0 : i32
    %dma_start3A_412 = tpu.memref_slice %arg5[%dma_start3A_407, %dma_start3A_411] : memref<8x128xi32, #tpu.memory_space<vmem>> -> memref<1x128xi32, #tpu.memory_space<vmem>>
    %dma_start3A_413 = tpu.memref_squeeze %dma_start3A_412 : memref<1x128xi32, #tpu.memory_space<vmem>> -> memref<128xi32, #tpu.memory_space<vmem>>
    %dma_start3A_414 = arith.constant 0 : i32
    %dma_start3A_415 = arith.constant 0 : i32
    %dma_start3A_416 = tpu.memref_slice %arg7[%dma_start3A_414, %dma_start3A_415] : memref<10240x64xf32, #tpu.memory_space<vmem_shared>> -> memref<10240x64xf32, #tpu.memory_space<vmem_shared>>
    tpu.enqueue_indirect_dma source(%dma_start3A_416 : memref<10240x64xf32, #tpu.memory_space<vmem_shared>>) target(%dma_start3A_410 : memref<128x64xf32, #tpu.memory_space<vmem>>) offsets(%dma_start3A_413 : memref<128xi32, #tpu.memory_space<vmem>>) semaphore(%arg8 : memref<!tpu.dma_semaphore, #tpu.memory_space<semaphore_mem>>)
    %dma_wait3A_417 = arith.constant 0 : i32
    %dma_wait3A_418 = arith.constant 0 : i32
    %dma_wait3A_419 = arith.constant 0 : i32
    %dma_wait3A_420 = tpu.memref_slice %arg6[%dma_wait3A_418, %dma_wait3A_419] : memref<1024x64xf32, #tpu.memory_space<vmem>> -> memref<128x64xf32, #tpu.memory_space<vmem>>
    %dma_wait3A_421 = arith.constant 0 : i32
    %dma_wait3A_422 = tpu.memref_slice %arg5[%dma_wait3A_417, %dma_wait3A_421] : memref<8x128xi32, #tpu.memory_space<vmem>> -> memref<1x128xi32, #tpu.memory_space<vmem>>
    %dma_wait3A_423 = tpu.memref_squeeze %dma_wait3A_422 : memref<1x128xi32, #tpu.memory_space<vmem>> -> memref<128xi32, #tpu.memory_space<vmem>>
    %dma_wait3A_424 = arith.constant 0 : i32
    %dma_wait3A_425 = arith.constant 0 : i32
    %dma_wait3A_426 = tpu.memref_slice %arg7[%dma_wait3A_424, %dma_wait3A_425] : memref<10240x64xf32, #tpu.memory_space<vmem_shared>> -> memref<10240x64xf32, #tpu.memory_space<vmem_shared>>
    tpu.wait_indirect_dma semaphore(%arg8 : memref<!tpu.dma_semaphore, #tpu.memory_space<semaphore_mem>>) src(%dma_wait3A_426 : memref<10240x64xf32, #tpu.memory_space<vmem_shared>>) dst(%dma_wait3A_420 : memref<128x64xf32, #tpu.memory_space<vmem>>)
    %dma_wait3A_427 = arith.constant 1 : i32
    %dma_wait3A_428 = arith.constant 128 : i32
    %dma_wait3A_429 = arith.constant 0 : i32
    %dma_wait3A_430 = tpu.memref_slice %arg6[%dma_wait3A_428, %dma_wait3A_429] : memref<1024x64xf32, #tpu.memory_space<vmem>> -> memref<128x64xf32, #tpu.memory_space<vmem>>
    %dma_wait3A_431 = arith.constant 0 : i32
    %dma_wait3A_432 = tpu.memref_slice %arg5[%dma_wait3A_427, %dma_wait3A_431] : memref<8x128xi32, #tpu.memory_space<vmem>> -> memref<1x128xi32, #tpu.memory_space<vmem>>
    %dma_wait3A_433 = tpu.memref_squeeze %dma_wait3A_432 : memref<1x128xi32, #tpu.memory_space<vmem>> -> memref<128xi32, #tpu.memory_space<vmem>>
    %dma_wait3A_434 = arith.constant 0 : i32
    %dma_wait3A_435 = arith.constant 0 : i32
    %dma_wait3A_436 = tpu.memref_slice %arg7[%dma_wait3A_434, %dma_wait3A_435] : memref<10240x64xf32, #tpu.memory_space<vmem_shared>> -> memref<10240x64xf32, #tpu.memory_space<vmem_shared>>
    tpu.wait_indirect_dma semaphore(%arg8 : memref<!tpu.dma_semaphore, #tpu.memory_space<semaphore_mem>>) src(%dma_wait3A_436 : memref<10240x64xf32, #tpu.memory_space<vmem_shared>>) dst(%dma_wait3A_430 : memref<128x64xf32, #tpu.memory_space<vmem>>)
    %dma_wait3A_437 = arith.constant 2 : i32
    %dma_wait3A_438 = arith.constant 256 : i32
    %dma_wait3A_439 = arith.constant 0 : i32
    %dma_wait3A_440 = tpu.memref_slice %arg6[%dma_wait3A_438, %dma_wait3A_439] : memref<1024x64xf32, #tpu.memory_space<vmem>> -> memref<128x64xf32, #tpu.memory_space<vmem>>
    %dma_wait3A_441 = arith.constant 0 : i32
    %dma_wait3A_442 = tpu.memref_slice %arg5[%dma_wait3A_437, %dma_wait3A_441] : memref<8x128xi32, #tpu.memory_space<vmem>> -> memref<1x128xi32, #tpu.memory_space<vmem>>
    %dma_wait3A_443 = tpu.memref_squeeze %dma_wait3A_442 : memref<1x128xi32, #tpu.memory_space<vmem>> -> memref<128xi32, #tpu.memory_space<vmem>>
    %dma_wait3A_444 = arith.constant 0 : i32
    %dma_wait3A_445 = arith.constant 0 : i32
    %dma_wait3A_446 = tpu.memref_slice %arg7[%dma_wait3A_444, %dma_wait3A_445] : memref<10240x64xf32, #tpu.memory_space<vmem_shared>> -> memref<10240x64xf32, #tpu.memory_space<vmem_shared>>
    tpu.wait_indirect_dma semaphore(%arg8 : memref<!tpu.dma_semaphore, #tpu.memory_space<semaphore_mem>>) src(%dma_wait3A_446 : memref<10240x64xf32, #tpu.memory_space<vmem_shared>>) dst(%dma_wait3A_440 : memref<128x64xf32, #tpu.memory_space<vmem>>)
    %dma_wait3A_447 = arith.constant 3 : i32
    %dma_wait3A_448 = arith.constant 384 : i32
    %dma_wait3A_449 = arith.constant 0 : i32
    %dma_wait3A_450 = tpu.memref_slice %arg6[%dma_wait3A_448, %dma_wait3A_449] : memref<1024x64xf32, #tpu.memory_space<vmem>> -> memref<128x64xf32, #tpu.memory_space<vmem>>
    %dma_wait3A_451 = arith.constant 0 : i32
    %dma_wait3A_452 = tpu.memref_slice %arg5[%dma_wait3A_447, %dma_wait3A_451] : memref<8x128xi32, #tpu.memory_space<vmem>> -> memref<1x128xi32, #tpu.memory_space<vmem>>
    %dma_wait3A_453 = tpu.memref_squeeze %dma_wait3A_452 : memref<1x128xi32, #tpu.memory_space<vmem>> -> memref<128xi32, #tpu.memory_space<vmem>>
    %dma_wait3A_454 = arith.constant 0 : i32
    %dma_wait3A_455 = arith.constant 0 : i32
    %dma_wait3A_456 = tpu.memref_slice %arg7[%dma_wait3A_454, %dma_wait3A_455] : memref<10240x64xf32, #tpu.memory_space<vmem_shared>> -> memref<10240x64xf32, #tpu.memory_space<vmem_shared>>
    tpu.wait_indirect_dma semaphore(%arg8 : memref<!tpu.dma_semaphore, #tpu.memory_space<semaphore_mem>>) src(%dma_wait3A_456 : memref<10240x64xf32, #tpu.memory_space<vmem_shared>>) dst(%dma_wait3A_450 : memref<128x64xf32, #tpu.memory_space<vmem>>)
    %dma_wait3A_457 = arith.constant 4 : i32
    %dma_wait3A_458 = arith.constant 512 : i32
    %dma_wait3A_459 = arith.constant 0 : i32
    %dma_wait3A_460 = tpu.memref_slice %arg6[%dma_wait3A_458, %dma_wait3A_459] : memref<1024x64xf32, #tpu.memory_space<vmem>> -> memref<128x64xf32, #tpu.memory_space<vmem>>
    %dma_wait3A_461 = arith.constant 0 : i32
    %dma_wait3A_462 = tpu.memref_slice %arg5[%dma_wait3A_457, %dma_wait3A_461] : memref<8x128xi32, #tpu.memory_space<vmem>> -> memref<1x128xi32, #tpu.memory_space<vmem>>
    %dma_wait3A_463 = tpu.memref_squeeze %dma_wait3A_462 : memref<1x128xi32, #tpu.memory_space<vmem>> -> memref<128xi32, #tpu.memory_space<vmem>>
    %dma_wait3A_464 = arith.constant 0 : i32
    %dma_wait3A_465 = arith.constant 0 : i32
    %dma_wait3A_466 = tpu.memref_slice %arg7[%dma_wait3A_464, %dma_wait3A_465] : memref<10240x64xf32, #tpu.memory_space<vmem_shared>> -> memref<10240x64xf32, #tpu.memory_space<vmem_shared>>
    tpu.wait_indirect_dma semaphore(%arg8 : memref<!tpu.dma_semaphore, #tpu.memory_space<semaphore_mem>>) src(%dma_wait3A_466 : memref<10240x64xf32, #tpu.memory_space<vmem_shared>>) dst(%dma_wait3A_460 : memref<128x64xf32, #tpu.memory_space<vmem>>)
    %dma_wait3A_467 = arith.constant 5 : i32
    %dma_wait3A_468 = arith.constant 640 : i32
    %dma_wait3A_469 = arith.constant 0 : i32
    %dma_wait3A_470 = tpu.memref_slice %arg6[%dma_wait3A_468, %dma_wait3A_469] : memref<1024x64xf32, #tpu.memory_space<vmem>> -> memref<128x64xf32, #tpu.memory_space<vmem>>
    %dma_wait3A_471 = arith.constant 0 : i32
    %dma_wait3A_472 = tpu.memref_slice %arg5[%dma_wait3A_467, %dma_wait3A_471] : memref<8x128xi32, #tpu.memory_space<vmem>> -> memref<1x128xi32, #tpu.memory_space<vmem>>
    %dma_wait3A_473 = tpu.memref_squeeze %dma_wait3A_472 : memref<1x128xi32, #tpu.memory_space<vmem>> -> memref<128xi32, #tpu.memory_space<vmem>>
    %dma_wait3A_474 = arith.constant 0 : i32
    %dma_wait3A_475 = arith.constant 0 : i32
    %dma_wait3A_476 = tpu.memref_slice %arg7[%dma_wait3A_474, %dma_wait3A_475] : memref<10240x64xf32, #tpu.memory_space<vmem_shared>> -> memref<10240x64xf32, #tpu.memory_space<vmem_shared>>
    tpu.wait_indirect_dma semaphore(%arg8 : memref<!tpu.dma_semaphore, #tpu.memory_space<semaphore_mem>>) src(%dma_wait3A_476 : memref<10240x64xf32, #tpu.memory_space<vmem_shared>>) dst(%dma_wait3A_470 : memref<128x64xf32, #tpu.memory_space<vmem>>)
    %dma_wait3A_477 = arith.constant 6 : i32
    %dma_wait3A_478 = arith.constant 768 : i32
    %dma_wait3A_479 = arith.constant 0 : i32
    %dma_wait3A_480 = tpu.memref_slice %arg6[%dma_wait3A_478, %dma_wait3A_479] : memref<1024x64xf32, #tpu.memory_space<vmem>> -> memref<128x64xf32, #tpu.memory_space<vmem>>
    %dma_wait3A_481 = arith.constant 0 : i32
    %dma_wait3A_482 = tpu.memref_slice %arg5[%dma_wait3A_477, %dma_wait3A_481] : memref<8x128xi32, #tpu.memory_space<vmem>> -> memref<1x128xi32, #tpu.memory_space<vmem>>
    %dma_wait3A_483 = tpu.memref_squeeze %dma_wait3A_482 : memref<1x128xi32, #tpu.memory_space<vmem>> -> memref<128xi32, #tpu.memory_space<vmem>>
    %dma_wait3A_484 = arith.constant 0 : i32
    %dma_wait3A_485 = arith.constant 0 : i32
    %dma_wait3A_486 = tpu.memref_slice %arg7[%dma_wait3A_484, %dma_wait3A_485] : memref<10240x64xf32, #tpu.memory_space<vmem_shared>> -> memref<10240x64xf32, #tpu.memory_space<vmem_shared>>
    tpu.wait_indirect_dma semaphore(%arg8 : memref<!tpu.dma_semaphore, #tpu.memory_space<semaphore_mem>>) src(%dma_wait3A_486 : memref<10240x64xf32, #tpu.memory_space<vmem_shared>>) dst(%dma_wait3A_480 : memref<128x64xf32, #tpu.memory_space<vmem>>)
    %dma_wait3A_487 = arith.constant 7 : i32
    %dma_wait3A_488 = arith.constant 896 : i32
    %dma_wait3A_489 = arith.constant 0 : i32
    %dma_wait3A_490 = tpu.memref_slice %arg6[%dma_wait3A_488, %dma_wait3A_489] : memref<1024x64xf32, #tpu.memory_space<vmem>> -> memref<128x64xf32, #tpu.memory_space<vmem>>
    %dma_wait3A_491 = arith.constant 0 : i32
    %dma_wait3A_492 = tpu.memref_slice %arg5[%dma_wait3A_487, %dma_wait3A_491] : memref<8x128xi32, #tpu.memory_space<vmem>> -> memref<1x128xi32, #tpu.memory_space<vmem>>
    %dma_wait3A_493 = tpu.memref_squeeze %dma_wait3A_492 : memref<1x128xi32, #tpu.memory_space<vmem>> -> memref<128xi32, #tpu.memory_space<vmem>>
    %dma_wait3A_494 = arith.constant 0 : i32
    %dma_wait3A_495 = arith.constant 0 : i32
    %dma_wait3A_496 = tpu.memref_slice %arg7[%dma_wait3A_494, %dma_wait3A_495] : memref<10240x64xf32, #tpu.memory_space<vmem_shared>> -> memref<10240x64xf32, #tpu.memory_space<vmem_shared>>
    tpu.wait_indirect_dma semaphore(%arg8 : memref<!tpu.dma_semaphore, #tpu.memory_space<semaphore_mem>>) src(%dma_wait3A_496 : memref<10240x64xf32, #tpu.memory_space<vmem_shared>>) dst(%dma_wait3A_490 : memref<128x64xf32, #tpu.memory_space<vmem>>)
    %add3A_497 = arith.constant 2048 : i32
    %add3A_498 = arith.addi %mul3A_8, %add3A_497 : i32
    "tpu.region"() ({
      %run_scoped3A = tpu.sem_alloc : memref<!tpu.dma_semaphore, #tpu.memory_space<semaphore_mem>>
      %dma_start3A_827 = arith.constant 0 : i32
      %dma_start3A_828 = tpu.memref_slice %arg4[%add3A_498, %dma_start3A_827] : memref<163840x128xf32, #tpu.memory_space<hbm>> -> memref<1024x64xf32, #tpu.memory_space<hbm>>
      %dma_start3A_829 = arith.constant 0 : i32
      %dma_start3A_830 = tpu.memref_slice %arg4[%add3A_498, %dma_start3A_829] : memref<163840x128xf32, #tpu.memory_space<hbm>> -> memref<1024x64xf32, #tpu.memory_space<hbm>>
      tpu.enqueue_dma source(%arg6 : memref<1024x64xf32, #tpu.memory_space<vmem>>) target(%dma_start3A_830 : memref<1024x64xf32, #tpu.memory_space<hbm>>) target_semaphore(%run_scoped3A : memref<!tpu.dma_semaphore, #tpu.memory_space<semaphore_mem>>)
      %dma_wait3A_831 = arith.constant 0 : i32
      %dma_wait3A_832 = tpu.memref_slice %arg4[%add3A_498, %dma_wait3A_831] : memref<163840x128xf32, #tpu.memory_space<hbm>> -> memref<1024x64xf32, #tpu.memory_space<hbm>>
      %dma_wait3A_833 = arith.constant 0 : i32
      %dma_wait3A_834 = tpu.memref_slice %arg4[%add3A_498, %dma_wait3A_833] : memref<163840x128xf32, #tpu.memory_space<hbm>> -> memref<1024x64xf32, #tpu.memory_space<hbm>>
      tpu.wait_dma2 semaphore(%run_scoped3A : memref<!tpu.dma_semaphore, #tpu.memory_space<semaphore_mem>>) src(%arg6 : memref<1024x64xf32, #tpu.memory_space<vmem>>) dst(%dma_wait3A_834 : memref<1024x64xf32, #tpu.memory_space<hbm>>)
      tpu.yield
    }) : () -> ()
    %add3A_499 = arith.constant 24 : i32
    %add3A_500 = arith.addi %mul3A_6, %add3A_499 : i32
    "tpu.region"() ({
      %run_scoped3A = tpu.sem_alloc : memref<!tpu.dma_semaphore, #tpu.memory_space<semaphore_mem>>
      %dma_start3A_827 = arith.constant 0 : i32
      %dma_start3A_828 = tpu.memref_slice %arg3[%add3A_500, %dma_start3A_827] : memref<1280x128xi32, #tpu.memory_space<hbm>> -> memref<8x128xi32, #tpu.memory_space<hbm>>
      %dma_start3A_829 = arith.constant 0 : i32
      %dma_start3A_830 = tpu.memref_slice %arg3[%add3A_500, %dma_start3A_829] : memref<1280x128xi32, #tpu.memory_space<hbm>> -> memref<8x128xi32, #tpu.memory_space<hbm>>
      tpu.enqueue_dma source(%dma_start3A_830 : memref<8x128xi32, #tpu.memory_space<hbm>>) target(%arg5 : memref<8x128xi32, #tpu.memory_space<vmem>>) target_semaphore(%run_scoped3A : memref<!tpu.dma_semaphore, #tpu.memory_space<semaphore_mem>>)
      %dma_wait3A_831 = arith.constant 0 : i32
      %dma_wait3A_832 = tpu.memref_slice %arg3[%add3A_500, %dma_wait3A_831] : memref<1280x128xi32, #tpu.memory_space<hbm>> -> memref<8x128xi32, #tpu.memory_space<hbm>>
      %dma_wait3A_833 = arith.constant 0 : i32
      %dma_wait3A_834 = tpu.memref_slice %arg3[%add3A_500, %dma_wait3A_833] : memref<1280x128xi32, #tpu.memory_space<hbm>> -> memref<8x128xi32, #tpu.memory_space<hbm>>
      tpu.wait_dma2 semaphore(%run_scoped3A : memref<!tpu.dma_semaphore, #tpu.memory_space<semaphore_mem>>) src(%dma_wait3A_834 : memref<8x128xi32, #tpu.memory_space<hbm>>) dst(%arg5 : memref<8x128xi32, #tpu.memory_space<vmem>>)
      tpu.yield
    }) : () -> ()
    %dma_start3A_501 = arith.constant 0 : i32
    %dma_start3A_502 = arith.constant 0 : i32
    %dma_start3A_503 = arith.constant 0 : i32
    %dma_start3A_504 = tpu.memref_slice %arg6[%dma_start3A_502, %dma_start3A_503] : memref<1024x64xf32, #tpu.memory_space<vmem>> -> memref<128x64xf32, #tpu.memory_space<vmem>>
    %dma_start3A_505 = arith.constant 0 : i32
    %dma_start3A_506 = tpu.memref_slice %arg5[%dma_start3A_501, %dma_start3A_505] : memref<8x128xi32, #tpu.memory_space<vmem>> -> memref<1x128xi32, #tpu.memory_space<vmem>>
    %dma_start3A_507 = tpu.memref_squeeze %dma_start3A_506 : memref<1x128xi32, #tpu.memory_space<vmem>> -> memref<128xi32, #tpu.memory_space<vmem>>
    %dma_start3A_508 = arith.constant 0 : i32
    %dma_start3A_509 = arith.constant 0 : i32
    %dma_start3A_510 = tpu.memref_slice %arg7[%dma_start3A_508, %dma_start3A_509] : memref<10240x64xf32, #tpu.memory_space<vmem_shared>> -> memref<10240x64xf32, #tpu.memory_space<vmem_shared>>
    tpu.enqueue_indirect_dma source(%dma_start3A_510 : memref<10240x64xf32, #tpu.memory_space<vmem_shared>>) target(%dma_start3A_504 : memref<128x64xf32, #tpu.memory_space<vmem>>) offsets(%dma_start3A_507 : memref<128xi32, #tpu.memory_space<vmem>>) semaphore(%arg8 : memref<!tpu.dma_semaphore, #tpu.memory_space<semaphore_mem>>)
    %dma_start3A_511 = arith.constant 1 : i32
    %dma_start3A_512 = arith.constant 128 : i32
    %dma_start3A_513 = arith.constant 0 : i32
    %dma_start3A_514 = tpu.memref_slice %arg6[%dma_start3A_512, %dma_start3A_513] : memref<1024x64xf32, #tpu.memory_space<vmem>> -> memref<128x64xf32, #tpu.memory_space<vmem>>
    %dma_start3A_515 = arith.constant 0 : i32
    %dma_start3A_516 = tpu.memref_slice %arg5[%dma_start3A_511, %dma_start3A_515] : memref<8x128xi32, #tpu.memory_space<vmem>> -> memref<1x128xi32, #tpu.memory_space<vmem>>
    %dma_start3A_517 = tpu.memref_squeeze %dma_start3A_516 : memref<1x128xi32, #tpu.memory_space<vmem>> -> memref<128xi32, #tpu.memory_space<vmem>>
    %dma_start3A_518 = arith.constant 0 : i32
    %dma_start3A_519 = arith.constant 0 : i32
    %dma_start3A_520 = tpu.memref_slice %arg7[%dma_start3A_518, %dma_start3A_519] : memref<10240x64xf32, #tpu.memory_space<vmem_shared>> -> memref<10240x64xf32, #tpu.memory_space<vmem_shared>>
    tpu.enqueue_indirect_dma source(%dma_start3A_520 : memref<10240x64xf32, #tpu.memory_space<vmem_shared>>) target(%dma_start3A_514 : memref<128x64xf32, #tpu.memory_space<vmem>>) offsets(%dma_start3A_517 : memref<128xi32, #tpu.memory_space<vmem>>) semaphore(%arg8 : memref<!tpu.dma_semaphore, #tpu.memory_space<semaphore_mem>>)
    %dma_start3A_521 = arith.constant 2 : i32
    %dma_start3A_522 = arith.constant 256 : i32
    %dma_start3A_523 = arith.constant 0 : i32
    %dma_start3A_524 = tpu.memref_slice %arg6[%dma_start3A_522, %dma_start3A_523] : memref<1024x64xf32, #tpu.memory_space<vmem>> -> memref<128x64xf32, #tpu.memory_space<vmem>>
    %dma_start3A_525 = arith.constant 0 : i32
    %dma_start3A_526 = tpu.memref_slice %arg5[%dma_start3A_521, %dma_start3A_525] : memref<8x128xi32, #tpu.memory_space<vmem>> -> memref<1x128xi32, #tpu.memory_space<vmem>>
    %dma_start3A_527 = tpu.memref_squeeze %dma_start3A_526 : memref<1x128xi32, #tpu.memory_space<vmem>> -> memref<128xi32, #tpu.memory_space<vmem>>
    %dma_start3A_528 = arith.constant 0 : i32
    %dma_start3A_529 = arith.constant 0 : i32
    %dma_start3A_530 = tpu.memref_slice %arg7[%dma_start3A_528, %dma_start3A_529] : memref<10240x64xf32, #tpu.memory_space<vmem_shared>> -> memref<10240x64xf32, #tpu.memory_space<vmem_shared>>
    tpu.enqueue_indirect_dma source(%dma_start3A_530 : memref<10240x64xf32, #tpu.memory_space<vmem_shared>>) target(%dma_start3A_524 : memref<128x64xf32, #tpu.memory_space<vmem>>) offsets(%dma_start3A_527 : memref<128xi32, #tpu.memory_space<vmem>>) semaphore(%arg8 : memref<!tpu.dma_semaphore, #tpu.memory_space<semaphore_mem>>)
    %dma_start3A_531 = arith.constant 3 : i32
    %dma_start3A_532 = arith.constant 384 : i32
    %dma_start3A_533 = arith.constant 0 : i32
    %dma_start3A_534 = tpu.memref_slice %arg6[%dma_start3A_532, %dma_start3A_533] : memref<1024x64xf32, #tpu.memory_space<vmem>> -> memref<128x64xf32, #tpu.memory_space<vmem>>
    %dma_start3A_535 = arith.constant 0 : i32
    %dma_start3A_536 = tpu.memref_slice %arg5[%dma_start3A_531, %dma_start3A_535] : memref<8x128xi32, #tpu.memory_space<vmem>> -> memref<1x128xi32, #tpu.memory_space<vmem>>
    %dma_start3A_537 = tpu.memref_squeeze %dma_start3A_536 : memref<1x128xi32, #tpu.memory_space<vmem>> -> memref<128xi32, #tpu.memory_space<vmem>>
    %dma_start3A_538 = arith.constant 0 : i32
    %dma_start3A_539 = arith.constant 0 : i32
    %dma_start3A_540 = tpu.memref_slice %arg7[%dma_start3A_538, %dma_start3A_539] : memref<10240x64xf32, #tpu.memory_space<vmem_shared>> -> memref<10240x64xf32, #tpu.memory_space<vmem_shared>>
    tpu.enqueue_indirect_dma source(%dma_start3A_540 : memref<10240x64xf32, #tpu.memory_space<vmem_shared>>) target(%dma_start3A_534 : memref<128x64xf32, #tpu.memory_space<vmem>>) offsets(%dma_start3A_537 : memref<128xi32, #tpu.memory_space<vmem>>) semaphore(%arg8 : memref<!tpu.dma_semaphore, #tpu.memory_space<semaphore_mem>>)
    %dma_start3A_541 = arith.constant 4 : i32
    %dma_start3A_542 = arith.constant 512 : i32
    %dma_start3A_543 = arith.constant 0 : i32
    %dma_start3A_544 = tpu.memref_slice %arg6[%dma_start3A_542, %dma_start3A_543] : memref<1024x64xf32, #tpu.memory_space<vmem>> -> memref<128x64xf32, #tpu.memory_space<vmem>>
    %dma_start3A_545 = arith.constant 0 : i32
    %dma_start3A_546 = tpu.memref_slice %arg5[%dma_start3A_541, %dma_start3A_545] : memref<8x128xi32, #tpu.memory_space<vmem>> -> memref<1x128xi32, #tpu.memory_space<vmem>>
    %dma_start3A_547 = tpu.memref_squeeze %dma_start3A_546 : memref<1x128xi32, #tpu.memory_space<vmem>> -> memref<128xi32, #tpu.memory_space<vmem>>
    %dma_start3A_548 = arith.constant 0 : i32
    %dma_start3A_549 = arith.constant 0 : i32
    %dma_start3A_550 = tpu.memref_slice %arg7[%dma_start3A_548, %dma_start3A_549] : memref<10240x64xf32, #tpu.memory_space<vmem_shared>> -> memref<10240x64xf32, #tpu.memory_space<vmem_shared>>
    tpu.enqueue_indirect_dma source(%dma_start3A_550 : memref<10240x64xf32, #tpu.memory_space<vmem_shared>>) target(%dma_start3A_544 : memref<128x64xf32, #tpu.memory_space<vmem>>) offsets(%dma_start3A_547 : memref<128xi32, #tpu.memory_space<vmem>>) semaphore(%arg8 : memref<!tpu.dma_semaphore, #tpu.memory_space<semaphore_mem>>)
    %dma_start3A_551 = arith.constant 5 : i32
    %dma_start3A_552 = arith.constant 640 : i32
    %dma_start3A_553 = arith.constant 0 : i32
    %dma_start3A_554 = tpu.memref_slice %arg6[%dma_start3A_552, %dma_start3A_553] : memref<1024x64xf32, #tpu.memory_space<vmem>> -> memref<128x64xf32, #tpu.memory_space<vmem>>
    %dma_start3A_555 = arith.constant 0 : i32
    %dma_start3A_556 = tpu.memref_slice %arg5[%dma_start3A_551, %dma_start3A_555] : memref<8x128xi32, #tpu.memory_space<vmem>> -> memref<1x128xi32, #tpu.memory_space<vmem>>
    %dma_start3A_557 = tpu.memref_squeeze %dma_start3A_556 : memref<1x128xi32, #tpu.memory_space<vmem>> -> memref<128xi32, #tpu.memory_space<vmem>>
    %dma_start3A_558 = arith.constant 0 : i32
    %dma_start3A_559 = arith.constant 0 : i32
    %dma_start3A_560 = tpu.memref_slice %arg7[%dma_start3A_558, %dma_start3A_559] : memref<10240x64xf32, #tpu.memory_space<vmem_shared>> -> memref<10240x64xf32, #tpu.memory_space<vmem_shared>>
    tpu.enqueue_indirect_dma source(%dma_start3A_560 : memref<10240x64xf32, #tpu.memory_space<vmem_shared>>) target(%dma_start3A_554 : memref<128x64xf32, #tpu.memory_space<vmem>>) offsets(%dma_start3A_557 : memref<128xi32, #tpu.memory_space<vmem>>) semaphore(%arg8 : memref<!tpu.dma_semaphore, #tpu.memory_space<semaphore_mem>>)
    %dma_start3A_561 = arith.constant 6 : i32
    %dma_start3A_562 = arith.constant 768 : i32
    %dma_start3A_563 = arith.constant 0 : i32
    %dma_start3A_564 = tpu.memref_slice %arg6[%dma_start3A_562, %dma_start3A_563] : memref<1024x64xf32, #tpu.memory_space<vmem>> -> memref<128x64xf32, #tpu.memory_space<vmem>>
    %dma_start3A_565 = arith.constant 0 : i32
    %dma_start3A_566 = tpu.memref_slice %arg5[%dma_start3A_561, %dma_start3A_565] : memref<8x128xi32, #tpu.memory_space<vmem>> -> memref<1x128xi32, #tpu.memory_space<vmem>>
    %dma_start3A_567 = tpu.memref_squeeze %dma_start3A_566 : memref<1x128xi32, #tpu.memory_space<vmem>> -> memref<128xi32, #tpu.memory_space<vmem>>
    %dma_start3A_568 = arith.constant 0 : i32
    %dma_start3A_569 = arith.constant 0 : i32
    %dma_start3A_570 = tpu.memref_slice %arg7[%dma_start3A_568, %dma_start3A_569] : memref<10240x64xf32, #tpu.memory_space<vmem_shared>> -> memref<10240x64xf32, #tpu.memory_space<vmem_shared>>
    tpu.enqueue_indirect_dma source(%dma_start3A_570 : memref<10240x64xf32, #tpu.memory_space<vmem_shared>>) target(%dma_start3A_564 : memref<128x64xf32, #tpu.memory_space<vmem>>) offsets(%dma_start3A_567 : memref<128xi32, #tpu.memory_space<vmem>>) semaphore(%arg8 : memref<!tpu.dma_semaphore, #tpu.memory_space<semaphore_mem>>)
    %dma_start3A_571 = arith.constant 7 : i32
    %dma_start3A_572 = arith.constant 896 : i32
    %dma_start3A_573 = arith.constant 0 : i32
    %dma_start3A_574 = tpu.memref_slice %arg6[%dma_start3A_572, %dma_start3A_573] : memref<1024x64xf32, #tpu.memory_space<vmem>> -> memref<128x64xf32, #tpu.memory_space<vmem>>
    %dma_start3A_575 = arith.constant 0 : i32
    %dma_start3A_576 = tpu.memref_slice %arg5[%dma_start3A_571, %dma_start3A_575] : memref<8x128xi32, #tpu.memory_space<vmem>> -> memref<1x128xi32, #tpu.memory_space<vmem>>
    %dma_start3A_577 = tpu.memref_squeeze %dma_start3A_576 : memref<1x128xi32, #tpu.memory_space<vmem>> -> memref<128xi32, #tpu.memory_space<vmem>>
    %dma_start3A_578 = arith.constant 0 : i32
    %dma_start3A_579 = arith.constant 0 : i32
    %dma_start3A_580 = tpu.memref_slice %arg7[%dma_start3A_578, %dma_start3A_579] : memref<10240x64xf32, #tpu.memory_space<vmem_shared>> -> memref<10240x64xf32, #tpu.memory_space<vmem_shared>>
    tpu.enqueue_indirect_dma source(%dma_start3A_580 : memref<10240x64xf32, #tpu.memory_space<vmem_shared>>) target(%dma_start3A_574 : memref<128x64xf32, #tpu.memory_space<vmem>>) offsets(%dma_start3A_577 : memref<128xi32, #tpu.memory_space<vmem>>) semaphore(%arg8 : memref<!tpu.dma_semaphore, #tpu.memory_space<semaphore_mem>>)
    %dma_wait3A_581 = arith.constant 0 : i32
    %dma_wait3A_582 = arith.constant 0 : i32
    %dma_wait3A_583 = arith.constant 0 : i32
    %dma_wait3A_584 = tpu.memref_slice %arg6[%dma_wait3A_582, %dma_wait3A_583] : memref<1024x64xf32, #tpu.memory_space<vmem>> -> memref<128x64xf32, #tpu.memory_space<vmem>>
    %dma_wait3A_585 = arith.constant 0 : i32
    %dma_wait3A_586 = tpu.memref_slice %arg5[%dma_wait3A_581, %dma_wait3A_585] : memref<8x128xi32, #tpu.memory_space<vmem>> -> memref<1x128xi32, #tpu.memory_space<vmem>>
    %dma_wait3A_587 = tpu.memref_squeeze %dma_wait3A_586 : memref<1x128xi32, #tpu.memory_space<vmem>> -> memref<128xi32, #tpu.memory_space<vmem>>
    %dma_wait3A_588 = arith.constant 0 : i32
    %dma_wait3A_589 = arith.constant 0 : i32
    %dma_wait3A_590 = tpu.memref_slice %arg7[%dma_wait3A_588, %dma_wait3A_589] : memref<10240x64xf32, #tpu.memory_space<vmem_shared>> -> memref<10240x64xf32, #tpu.memory_space<vmem_shared>>
    tpu.wait_indirect_dma semaphore(%arg8 : memref<!tpu.dma_semaphore, #tpu.memory_space<semaphore_mem>>) src(%dma_wait3A_590 : memref<10240x64xf32, #tpu.memory_space<vmem_shared>>) dst(%dma_wait3A_584 : memref<128x64xf32, #tpu.memory_space<vmem>>)
    %dma_wait3A_591 = arith.constant 1 : i32
    %dma_wait3A_592 = arith.constant 128 : i32
    %dma_wait3A_593 = arith.constant 0 : i32
    %dma_wait3A_594 = tpu.memref_slice %arg6[%dma_wait3A_592, %dma_wait3A_593] : memref<1024x64xf32, #tpu.memory_space<vmem>> -> memref<128x64xf32, #tpu.memory_space<vmem>>
    %dma_wait3A_595 = arith.constant 0 : i32
    %dma_wait3A_596 = tpu.memref_slice %arg5[%dma_wait3A_591, %dma_wait3A_595] : memref<8x128xi32, #tpu.memory_space<vmem>> -> memref<1x128xi32, #tpu.memory_space<vmem>>
    %dma_wait3A_597 = tpu.memref_squeeze %dma_wait3A_596 : memref<1x128xi32, #tpu.memory_space<vmem>> -> memref<128xi32, #tpu.memory_space<vmem>>
    %dma_wait3A_598 = arith.constant 0 : i32
    %dma_wait3A_599 = arith.constant 0 : i32
    %dma_wait3A_600 = tpu.memref_slice %arg7[%dma_wait3A_598, %dma_wait3A_599] : memref<10240x64xf32, #tpu.memory_space<vmem_shared>> -> memref<10240x64xf32, #tpu.memory_space<vmem_shared>>
    tpu.wait_indirect_dma semaphore(%arg8 : memref<!tpu.dma_semaphore, #tpu.memory_space<semaphore_mem>>) src(%dma_wait3A_600 : memref<10240x64xf32, #tpu.memory_space<vmem_shared>>) dst(%dma_wait3A_594 : memref<128x64xf32, #tpu.memory_space<vmem>>)
    %dma_wait3A_601 = arith.constant 2 : i32
    %dma_wait3A_602 = arith.constant 256 : i32
    %dma_wait3A_603 = arith.constant 0 : i32
    %dma_wait3A_604 = tpu.memref_slice %arg6[%dma_wait3A_602, %dma_wait3A_603] : memref<1024x64xf32, #tpu.memory_space<vmem>> -> memref<128x64xf32, #tpu.memory_space<vmem>>
    %dma_wait3A_605 = arith.constant 0 : i32
    %dma_wait3A_606 = tpu.memref_slice %arg5[%dma_wait3A_601, %dma_wait3A_605] : memref<8x128xi32, #tpu.memory_space<vmem>> -> memref<1x128xi32, #tpu.memory_space<vmem>>
    %dma_wait3A_607 = tpu.memref_squeeze %dma_wait3A_606 : memref<1x128xi32, #tpu.memory_space<vmem>> -> memref<128xi32, #tpu.memory_space<vmem>>
    %dma_wait3A_608 = arith.constant 0 : i32
    %dma_wait3A_609 = arith.constant 0 : i32
    %dma_wait3A_610 = tpu.memref_slice %arg7[%dma_wait3A_608, %dma_wait3A_609] : memref<10240x64xf32, #tpu.memory_space<vmem_shared>> -> memref<10240x64xf32, #tpu.memory_space<vmem_shared>>
    tpu.wait_indirect_dma semaphore(%arg8 : memref<!tpu.dma_semaphore, #tpu.memory_space<semaphore_mem>>) src(%dma_wait3A_610 : memref<10240x64xf32, #tpu.memory_space<vmem_shared>>) dst(%dma_wait3A_604 : memref<128x64xf32, #tpu.memory_space<vmem>>)
    %dma_wait3A_611 = arith.constant 3 : i32
    %dma_wait3A_612 = arith.constant 384 : i32
    %dma_wait3A_613 = arith.constant 0 : i32
    %dma_wait3A_614 = tpu.memref_slice %arg6[%dma_wait3A_612, %dma_wait3A_613] : memref<1024x64xf32, #tpu.memory_space<vmem>> -> memref<128x64xf32, #tpu.memory_space<vmem>>
    %dma_wait3A_615 = arith.constant 0 : i32
    %dma_wait3A_616 = tpu.memref_slice %arg5[%dma_wait3A_611, %dma_wait3A_615] : memref<8x128xi32, #tpu.memory_space<vmem>> -> memref<1x128xi32, #tpu.memory_space<vmem>>
    %dma_wait3A_617 = tpu.memref_squeeze %dma_wait3A_616 : memref<1x128xi32, #tpu.memory_space<vmem>> -> memref<128xi32, #tpu.memory_space<vmem>>
    %dma_wait3A_618 = arith.constant 0 : i32
    %dma_wait3A_619 = arith.constant 0 : i32
    %dma_wait3A_620 = tpu.memref_slice %arg7[%dma_wait3A_618, %dma_wait3A_619] : memref<10240x64xf32, #tpu.memory_space<vmem_shared>> -> memref<10240x64xf32, #tpu.memory_space<vmem_shared>>
    tpu.wait_indirect_dma semaphore(%arg8 : memref<!tpu.dma_semaphore, #tpu.memory_space<semaphore_mem>>) src(%dma_wait3A_620 : memref<10240x64xf32, #tpu.memory_space<vmem_shared>>) dst(%dma_wait3A_614 : memref<128x64xf32, #tpu.memory_space<vmem>>)
    %dma_wait3A_621 = arith.constant 4 : i32
    %dma_wait3A_622 = arith.constant 512 : i32
    %dma_wait3A_623 = arith.constant 0 : i32
    %dma_wait3A_624 = tpu.memref_slice %arg6[%dma_wait3A_622, %dma_wait3A_623] : memref<1024x64xf32, #tpu.memory_space<vmem>> -> memref<128x64xf32, #tpu.memory_space<vmem>>
    %dma_wait3A_625 = arith.constant 0 : i32
    %dma_wait3A_626 = tpu.memref_slice %arg5[%dma_wait3A_621, %dma_wait3A_625] : memref<8x128xi32, #tpu.memory_space<vmem>> -> memref<1x128xi32, #tpu.memory_space<vmem>>
    %dma_wait3A_627 = tpu.memref_squeeze %dma_wait3A_626 : memref<1x128xi32, #tpu.memory_space<vmem>> -> memref<128xi32, #tpu.memory_space<vmem>>
    %dma_wait3A_628 = arith.constant 0 : i32
    %dma_wait3A_629 = arith.constant 0 : i32
    %dma_wait3A_630 = tpu.memref_slice %arg7[%dma_wait3A_628, %dma_wait3A_629] : memref<10240x64xf32, #tpu.memory_space<vmem_shared>> -> memref<10240x64xf32, #tpu.memory_space<vmem_shared>>
    tpu.wait_indirect_dma semaphore(%arg8 : memref<!tpu.dma_semaphore, #tpu.memory_space<semaphore_mem>>) src(%dma_wait3A_630 : memref<10240x64xf32, #tpu.memory_space<vmem_shared>>) dst(%dma_wait3A_624 : memref<128x64xf32, #tpu.memory_space<vmem>>)
    %dma_wait3A_631 = arith.constant 5 : i32
    %dma_wait3A_632 = arith.constant 640 : i32
    %dma_wait3A_633 = arith.constant 0 : i32
    %dma_wait3A_634 = tpu.memref_slice %arg6[%dma_wait3A_632, %dma_wait3A_633] : memref<1024x64xf32, #tpu.memory_space<vmem>> -> memref<128x64xf32, #tpu.memory_space<vmem>>
    %dma_wait3A_635 = arith.constant 0 : i32
    %dma_wait3A_636 = tpu.memref_slice %arg5[%dma_wait3A_631, %dma_wait3A_635] : memref<8x128xi32, #tpu.memory_space<vmem>> -> memref<1x128xi32, #tpu.memory_space<vmem>>
    %dma_wait3A_637 = tpu.memref_squeeze %dma_wait3A_636 : memref<1x128xi32, #tpu.memory_space<vmem>> -> memref<128xi32, #tpu.memory_space<vmem>>
    %dma_wait3A_638 = arith.constant 0 : i32
    %dma_wait3A_639 = arith.constant 0 : i32
    %dma_wait3A_640 = tpu.memref_slice %arg7[%dma_wait3A_638, %dma_wait3A_639] : memref<10240x64xf32, #tpu.memory_space<vmem_shared>> -> memref<10240x64xf32, #tpu.memory_space<vmem_shared>>
    tpu.wait_indirect_dma semaphore(%arg8 : memref<!tpu.dma_semaphore, #tpu.memory_space<semaphore_mem>>) src(%dma_wait3A_640 : memref<10240x64xf32, #tpu.memory_space<vmem_shared>>) dst(%dma_wait3A_634 : memref<128x64xf32, #tpu.memory_space<vmem>>)
    %dma_wait3A_641 = arith.constant 6 : i32
    %dma_wait3A_642 = arith.constant 768 : i32
    %dma_wait3A_643 = arith.constant 0 : i32
    %dma_wait3A_644 = tpu.memref_slice %arg6[%dma_wait3A_642, %dma_wait3A_643] : memref<1024x64xf32, #tpu.memory_space<vmem>> -> memref<128x64xf32, #tpu.memory_space<vmem>>
    %dma_wait3A_645 = arith.constant 0 : i32
    %dma_wait3A_646 = tpu.memref_slice %arg5[%dma_wait3A_641, %dma_wait3A_645] : memref<8x128xi32, #tpu.memory_space<vmem>> -> memref<1x128xi32, #tpu.memory_space<vmem>>
    %dma_wait3A_647 = tpu.memref_squeeze %dma_wait3A_646 : memref<1x128xi32, #tpu.memory_space<vmem>> -> memref<128xi32, #tpu.memory_space<vmem>>
    %dma_wait3A_648 = arith.constant 0 : i32
    %dma_wait3A_649 = arith.constant 0 : i32
    %dma_wait3A_650 = tpu.memref_slice %arg7[%dma_wait3A_648, %dma_wait3A_649] : memref<10240x64xf32, #tpu.memory_space<vmem_shared>> -> memref<10240x64xf32, #tpu.memory_space<vmem_shared>>
    tpu.wait_indirect_dma semaphore(%arg8 : memref<!tpu.dma_semaphore, #tpu.memory_space<semaphore_mem>>) src(%dma_wait3A_650 : memref<10240x64xf32, #tpu.memory_space<vmem_shared>>) dst(%dma_wait3A_644 : memref<128x64xf32, #tpu.memory_space<vmem>>)
    %dma_wait3A_651 = arith.constant 7 : i32
    %dma_wait3A_652 = arith.constant 896 : i32
    %dma_wait3A_653 = arith.constant 0 : i32
    %dma_wait3A_654 = tpu.memref_slice %arg6[%dma_wait3A_652, %dma_wait3A_653] : memref<1024x64xf32, #tpu.memory_space<vmem>> -> memref<128x64xf32, #tpu.memory_space<vmem>>
    %dma_wait3A_655 = arith.constant 0 : i32
    %dma_wait3A_656 = tpu.memref_slice %arg5[%dma_wait3A_651, %dma_wait3A_655] : memref<8x128xi32, #tpu.memory_space<vmem>> -> memref<1x128xi32, #tpu.memory_space<vmem>>
    %dma_wait3A_657 = tpu.memref_squeeze %dma_wait3A_656 : memref<1x128xi32, #tpu.memory_space<vmem>> -> memref<128xi32, #tpu.memory_space<vmem>>
    %dma_wait3A_658 = arith.constant 0 : i32
    %dma_wait3A_659 = arith.constant 0 : i32
    %dma_wait3A_660 = tpu.memref_slice %arg7[%dma_wait3A_658, %dma_wait3A_659] : memref<10240x64xf32, #tpu.memory_space<vmem_shared>> -> memref<10240x64xf32, #tpu.memory_space<vmem_shared>>
    tpu.wait_indirect_dma semaphore(%arg8 : memref<!tpu.dma_semaphore, #tpu.memory_space<semaphore_mem>>) src(%dma_wait3A_660 : memref<10240x64xf32, #tpu.memory_space<vmem_shared>>) dst(%dma_wait3A_654 : memref<128x64xf32, #tpu.memory_space<vmem>>)
    %add3A_661 = arith.constant 3072 : i32
    %add3A_662 = arith.addi %mul3A_8, %add3A_661 : i32
    "tpu.region"() ({
      %run_scoped3A = tpu.sem_alloc : memref<!tpu.dma_semaphore, #tpu.memory_space<semaphore_mem>>
      %dma_start3A_827 = arith.constant 0 : i32
      %dma_start3A_828 = tpu.memref_slice %arg4[%add3A_662, %dma_start3A_827] : memref<163840x128xf32, #tpu.memory_space<hbm>> -> memref<1024x64xf32, #tpu.memory_space<hbm>>
      %dma_start3A_829 = arith.constant 0 : i32
      %dma_start3A_830 = tpu.memref_slice %arg4[%add3A_662, %dma_start3A_829] : memref<163840x128xf32, #tpu.memory_space<hbm>> -> memref<1024x64xf32, #tpu.memory_space<hbm>>
      tpu.enqueue_dma source(%arg6 : memref<1024x64xf32, #tpu.memory_space<vmem>>) target(%dma_start3A_830 : memref<1024x64xf32, #tpu.memory_space<hbm>>) target_semaphore(%run_scoped3A : memref<!tpu.dma_semaphore, #tpu.memory_space<semaphore_mem>>)
      %dma_wait3A_831 = arith.constant 0 : i32
      %dma_wait3A_832 = tpu.memref_slice %arg4[%add3A_662, %dma_wait3A_831] : memref<163840x128xf32, #tpu.memory_space<hbm>> -> memref<1024x64xf32, #tpu.memory_space<hbm>>
      %dma_wait3A_833 = arith.constant 0 : i32
      %dma_wait3A_834 = tpu.memref_slice %arg4[%add3A_662, %dma_wait3A_833] : memref<163840x128xf32, #tpu.memory_space<hbm>> -> memref<1024x64xf32, #tpu.memory_space<hbm>>
      tpu.wait_dma2 semaphore(%run_scoped3A : memref<!tpu.dma_semaphore, #tpu.memory_space<semaphore_mem>>) src(%arg6 : memref<1024x64xf32, #tpu.memory_space<vmem>>) dst(%dma_wait3A_834 : memref<1024x64xf32, #tpu.memory_space<hbm>>)
      tpu.yield
    }) : () -> ()
    %add3A_663 = arith.constant 32 : i32
    %add3A_664 = arith.addi %mul3A_6, %add3A_663 : i32
    "tpu.region"() ({
      %run_scoped3A = tpu.sem_alloc : memref<!tpu.dma_semaphore, #tpu.memory_space<semaphore_mem>>
      %dma_start3A_827 = arith.constant 0 : i32
      %dma_start3A_828 = tpu.memref_slice %arg3[%add3A_664, %dma_start3A_827] : memref<1280x128xi32, #tpu.memory_space<hbm>> -> memref<8x128xi32, #tpu.memory_space<hbm>>
      %dma_start3A_829 = arith.constant 0 : i32
      %dma_start3A_830 = tpu.memref_slice %arg3[%add3A_664, %dma_start3A_829] : memref<1280x128xi32, #tpu.memory_space<hbm>> -> memref<8x128xi32, #tpu.memory_space<hbm>>
      tpu.enqueue_dma source(%dma_start3A_830 : memref<8x128xi32, #tpu.memory_space<hbm>>) target(%arg5 : memref<8x128xi32, #tpu.memory_space<vmem>>) target_semaphore(%run_scoped3A : memref<!tpu.dma_semaphore, #tpu.memory_space<semaphore_mem>>)
      %dma_wait3A_831 = arith.constant 0 : i32
      %dma_wait3A_832 = tpu.memref_slice %arg3[%add3A_664, %dma_wait3A_831] : memref<1280x128xi32, #tpu.memory_space<hbm>> -> memref<8x128xi32, #tpu.memory_space<hbm>>
      %dma_wait3A_833 = arith.constant 0 : i32
      %dma_wait3A_834 = tpu.memref_slice %arg3[%add3A_664, %dma_wait3A_833] : memref<1280x128xi32, #tpu.memory_space<hbm>> -> memref<8x128xi32, #tpu.memory_space<hbm>>
      tpu.wait_dma2 semaphore(%run_scoped3A : memref<!tpu.dma_semaphore, #tpu.memory_space<semaphore_mem>>) src(%dma_wait3A_834 : memref<8x128xi32, #tpu.memory_space<hbm>>) dst(%arg5 : memref<8x128xi32, #tpu.memory_space<vmem>>)
      tpu.yield
    }) : () -> ()
    %dma_start3A_665 = arith.constant 0 : i32
    %dma_start3A_666 = arith.constant 0 : i32
    %dma_start3A_667 = arith.constant 0 : i32
    %dma_start3A_668 = tpu.memref_slice %arg6[%dma_start3A_666, %dma_start3A_667] : memref<1024x64xf32, #tpu.memory_space<vmem>> -> memref<128x64xf32, #tpu.memory_space<vmem>>
    %dma_start3A_669 = arith.constant 0 : i32
    %dma_start3A_670 = tpu.memref_slice %arg5[%dma_start3A_665, %dma_start3A_669] : memref<8x128xi32, #tpu.memory_space<vmem>> -> memref<1x128xi32, #tpu.memory_space<vmem>>
    %dma_start3A_671 = tpu.memref_squeeze %dma_start3A_670 : memref<1x128xi32, #tpu.memory_space<vmem>> -> memref<128xi32, #tpu.memory_space<vmem>>
    %dma_start3A_672 = arith.constant 0 : i32
    %dma_start3A_673 = arith.constant 0 : i32
    %dma_start3A_674 = tpu.memref_slice %arg7[%dma_start3A_672, %dma_start3A_673] : memref<10240x64xf32, #tpu.memory_space<vmem_shared>> -> memref<10240x64xf32, #tpu.memory_space<vmem_shared>>
    tpu.enqueue_indirect_dma source(%dma_start3A_674 : memref<10240x64xf32, #tpu.memory_space<vmem_shared>>) target(%dma_start3A_668 : memref<128x64xf32, #tpu.memory_space<vmem>>) offsets(%dma_start3A_671 : memref<128xi32, #tpu.memory_space<vmem>>) semaphore(%arg8 : memref<!tpu.dma_semaphore, #tpu.memory_space<semaphore_mem>>)
    %dma_start3A_675 = arith.constant 1 : i32
    %dma_start3A_676 = arith.constant 128 : i32
    %dma_start3A_677 = arith.constant 0 : i32
    %dma_start3A_678 = tpu.memref_slice %arg6[%dma_start3A_676, %dma_start3A_677] : memref<1024x64xf32, #tpu.memory_space<vmem>> -> memref<128x64xf32, #tpu.memory_space<vmem>>
    %dma_start3A_679 = arith.constant 0 : i32
    %dma_start3A_680 = tpu.memref_slice %arg5[%dma_start3A_675, %dma_start3A_679] : memref<8x128xi32, #tpu.memory_space<vmem>> -> memref<1x128xi32, #tpu.memory_space<vmem>>
    %dma_start3A_681 = tpu.memref_squeeze %dma_start3A_680 : memref<1x128xi32, #tpu.memory_space<vmem>> -> memref<128xi32, #tpu.memory_space<vmem>>
    %dma_start3A_682 = arith.constant 0 : i32
    %dma_start3A_683 = arith.constant 0 : i32
    %dma_start3A_684 = tpu.memref_slice %arg7[%dma_start3A_682, %dma_start3A_683] : memref<10240x64xf32, #tpu.memory_space<vmem_shared>> -> memref<10240x64xf32, #tpu.memory_space<vmem_shared>>
    tpu.enqueue_indirect_dma source(%dma_start3A_684 : memref<10240x64xf32, #tpu.memory_space<vmem_shared>>) target(%dma_start3A_678 : memref<128x64xf32, #tpu.memory_space<vmem>>) offsets(%dma_start3A_681 : memref<128xi32, #tpu.memory_space<vmem>>) semaphore(%arg8 : memref<!tpu.dma_semaphore, #tpu.memory_space<semaphore_mem>>)
    %dma_start3A_685 = arith.constant 2 : i32
    %dma_start3A_686 = arith.constant 256 : i32
    %dma_start3A_687 = arith.constant 0 : i32
    %dma_start3A_688 = tpu.memref_slice %arg6[%dma_start3A_686, %dma_start3A_687] : memref<1024x64xf32, #tpu.memory_space<vmem>> -> memref<128x64xf32, #tpu.memory_space<vmem>>
    %dma_start3A_689 = arith.constant 0 : i32
    %dma_start3A_690 = tpu.memref_slice %arg5[%dma_start3A_685, %dma_start3A_689] : memref<8x128xi32, #tpu.memory_space<vmem>> -> memref<1x128xi32, #tpu.memory_space<vmem>>
    %dma_start3A_691 = tpu.memref_squeeze %dma_start3A_690 : memref<1x128xi32, #tpu.memory_space<vmem>> -> memref<128xi32, #tpu.memory_space<vmem>>
    %dma_start3A_692 = arith.constant 0 : i32
    %dma_start3A_693 = arith.constant 0 : i32
    %dma_start3A_694 = tpu.memref_slice %arg7[%dma_start3A_692, %dma_start3A_693] : memref<10240x64xf32, #tpu.memory_space<vmem_shared>> -> memref<10240x64xf32, #tpu.memory_space<vmem_shared>>
    tpu.enqueue_indirect_dma source(%dma_start3A_694 : memref<10240x64xf32, #tpu.memory_space<vmem_shared>>) target(%dma_start3A_688 : memref<128x64xf32, #tpu.memory_space<vmem>>) offsets(%dma_start3A_691 : memref<128xi32, #tpu.memory_space<vmem>>) semaphore(%arg8 : memref<!tpu.dma_semaphore, #tpu.memory_space<semaphore_mem>>)
    %dma_start3A_695 = arith.constant 3 : i32
    %dma_start3A_696 = arith.constant 384 : i32
    %dma_start3A_697 = arith.constant 0 : i32
    %dma_start3A_698 = tpu.memref_slice %arg6[%dma_start3A_696, %dma_start3A_697] : memref<1024x64xf32, #tpu.memory_space<vmem>> -> memref<128x64xf32, #tpu.memory_space<vmem>>
    %dma_start3A_699 = arith.constant 0 : i32
    %dma_start3A_700 = tpu.memref_slice %arg5[%dma_start3A_695, %dma_start3A_699] : memref<8x128xi32, #tpu.memory_space<vmem>> -> memref<1x128xi32, #tpu.memory_space<vmem>>
    %dma_start3A_701 = tpu.memref_squeeze %dma_start3A_700 : memref<1x128xi32, #tpu.memory_space<vmem>> -> memref<128xi32, #tpu.memory_space<vmem>>
    %dma_start3A_702 = arith.constant 0 : i32
    %dma_start3A_703 = arith.constant 0 : i32
    %dma_start3A_704 = tpu.memref_slice %arg7[%dma_start3A_702, %dma_start3A_703] : memref<10240x64xf32, #tpu.memory_space<vmem_shared>> -> memref<10240x64xf32, #tpu.memory_space<vmem_shared>>
    tpu.enqueue_indirect_dma source(%dma_start3A_704 : memref<10240x64xf32, #tpu.memory_space<vmem_shared>>) target(%dma_start3A_698 : memref<128x64xf32, #tpu.memory_space<vmem>>) offsets(%dma_start3A_701 : memref<128xi32, #tpu.memory_space<vmem>>) semaphore(%arg8 : memref<!tpu.dma_semaphore, #tpu.memory_space<semaphore_mem>>)
    %dma_start3A_705 = arith.constant 4 : i32
    %dma_start3A_706 = arith.constant 512 : i32
    %dma_start3A_707 = arith.constant 0 : i32
    %dma_start3A_708 = tpu.memref_slice %arg6[%dma_start3A_706, %dma_start3A_707] : memref<1024x64xf32, #tpu.memory_space<vmem>> -> memref<128x64xf32, #tpu.memory_space<vmem>>
    %dma_start3A_709 = arith.constant 0 : i32
    %dma_start3A_710 = tpu.memref_slice %arg5[%dma_start3A_705, %dma_start3A_709] : memref<8x128xi32, #tpu.memory_space<vmem>> -> memref<1x128xi32, #tpu.memory_space<vmem>>
    %dma_start3A_711 = tpu.memref_squeeze %dma_start3A_710 : memref<1x128xi32, #tpu.memory_space<vmem>> -> memref<128xi32, #tpu.memory_space<vmem>>
    %dma_start3A_712 = arith.constant 0 : i32
    %dma_start3A_713 = arith.constant 0 : i32
    %dma_start3A_714 = tpu.memref_slice %arg7[%dma_start3A_712, %dma_start3A_713] : memref<10240x64xf32, #tpu.memory_space<vmem_shared>> -> memref<10240x64xf32, #tpu.memory_space<vmem_shared>>
    tpu.enqueue_indirect_dma source(%dma_start3A_714 : memref<10240x64xf32, #tpu.memory_space<vmem_shared>>) target(%dma_start3A_708 : memref<128x64xf32, #tpu.memory_space<vmem>>) offsets(%dma_start3A_711 : memref<128xi32, #tpu.memory_space<vmem>>) semaphore(%arg8 : memref<!tpu.dma_semaphore, #tpu.memory_space<semaphore_mem>>)
    %dma_start3A_715 = arith.constant 5 : i32
    %dma_start3A_716 = arith.constant 640 : i32
    %dma_start3A_717 = arith.constant 0 : i32
    %dma_start3A_718 = tpu.memref_slice %arg6[%dma_start3A_716, %dma_start3A_717] : memref<1024x64xf32, #tpu.memory_space<vmem>> -> memref<128x64xf32, #tpu.memory_space<vmem>>
    %dma_start3A_719 = arith.constant 0 : i32
    %dma_start3A_720 = tpu.memref_slice %arg5[%dma_start3A_715, %dma_start3A_719] : memref<8x128xi32, #tpu.memory_space<vmem>> -> memref<1x128xi32, #tpu.memory_space<vmem>>
    %dma_start3A_721 = tpu.memref_squeeze %dma_start3A_720 : memref<1x128xi32, #tpu.memory_space<vmem>> -> memref<128xi32, #tpu.memory_space<vmem>>
    %dma_start3A_722 = arith.constant 0 : i32
    %dma_start3A_723 = arith.constant 0 : i32
    %dma_start3A_724 = tpu.memref_slice %arg7[%dma_start3A_722, %dma_start3A_723] : memref<10240x64xf32, #tpu.memory_space<vmem_shared>> -> memref<10240x64xf32, #tpu.memory_space<vmem_shared>>
    tpu.enqueue_indirect_dma source(%dma_start3A_724 : memref<10240x64xf32, #tpu.memory_space<vmem_shared>>) target(%dma_start3A_718 : memref<128x64xf32, #tpu.memory_space<vmem>>) offsets(%dma_start3A_721 : memref<128xi32, #tpu.memory_space<vmem>>) semaphore(%arg8 : memref<!tpu.dma_semaphore, #tpu.memory_space<semaphore_mem>>)
    %dma_start3A_725 = arith.constant 6 : i32
    %dma_start3A_726 = arith.constant 768 : i32
    %dma_start3A_727 = arith.constant 0 : i32
    %dma_start3A_728 = tpu.memref_slice %arg6[%dma_start3A_726, %dma_start3A_727] : memref<1024x64xf32, #tpu.memory_space<vmem>> -> memref<128x64xf32, #tpu.memory_space<vmem>>
    %dma_start3A_729 = arith.constant 0 : i32
    %dma_start3A_730 = tpu.memref_slice %arg5[%dma_start3A_725, %dma_start3A_729] : memref<8x128xi32, #tpu.memory_space<vmem>> -> memref<1x128xi32, #tpu.memory_space<vmem>>
    %dma_start3A_731 = tpu.memref_squeeze %dma_start3A_730 : memref<1x128xi32, #tpu.memory_space<vmem>> -> memref<128xi32, #tpu.memory_space<vmem>>
    %dma_start3A_732 = arith.constant 0 : i32
    %dma_start3A_733 = arith.constant 0 : i32
    %dma_start3A_734 = tpu.memref_slice %arg7[%dma_start3A_732, %dma_start3A_733] : memref<10240x64xf32, #tpu.memory_space<vmem_shared>> -> memref<10240x64xf32, #tpu.memory_space<vmem_shared>>
    tpu.enqueue_indirect_dma source(%dma_start3A_734 : memref<10240x64xf32, #tpu.memory_space<vmem_shared>>) target(%dma_start3A_728 : memref<128x64xf32, #tpu.memory_space<vmem>>) offsets(%dma_start3A_731 : memref<128xi32, #tpu.memory_space<vmem>>) semaphore(%arg8 : memref<!tpu.dma_semaphore, #tpu.memory_space<semaphore_mem>>)
    %dma_start3A_735 = arith.constant 7 : i32
    %dma_start3A_736 = arith.constant 896 : i32
    %dma_start3A_737 = arith.constant 0 : i32
    %dma_start3A_738 = tpu.memref_slice %arg6[%dma_start3A_736, %dma_start3A_737] : memref<1024x64xf32, #tpu.memory_space<vmem>> -> memref<128x64xf32, #tpu.memory_space<vmem>>
    %dma_start3A_739 = arith.constant 0 : i32
    %dma_start3A_740 = tpu.memref_slice %arg5[%dma_start3A_735, %dma_start3A_739] : memref<8x128xi32, #tpu.memory_space<vmem>> -> memref<1x128xi32, #tpu.memory_space<vmem>>
    %dma_start3A_741 = tpu.memref_squeeze %dma_start3A_740 : memref<1x128xi32, #tpu.memory_space<vmem>> -> memref<128xi32, #tpu.memory_space<vmem>>
    %dma_start3A_742 = arith.constant 0 : i32
    %dma_start3A_743 = arith.constant 0 : i32
    %dma_start3A_744 = tpu.memref_slice %arg7[%dma_start3A_742, %dma_start3A_743] : memref<10240x64xf32, #tpu.memory_space<vmem_shared>> -> memref<10240x64xf32, #tpu.memory_space<vmem_shared>>
    tpu.enqueue_indirect_dma source(%dma_start3A_744 : memref<10240x64xf32, #tpu.memory_space<vmem_shared>>) target(%dma_start3A_738 : memref<128x64xf32, #tpu.memory_space<vmem>>) offsets(%dma_start3A_741 : memref<128xi32, #tpu.memory_space<vmem>>) semaphore(%arg8 : memref<!tpu.dma_semaphore, #tpu.memory_space<semaphore_mem>>)
    %dma_wait3A_745 = arith.constant 0 : i32
    %dma_wait3A_746 = arith.constant 0 : i32
    %dma_wait3A_747 = arith.constant 0 : i32
    %dma_wait3A_748 = tpu.memref_slice %arg6[%dma_wait3A_746, %dma_wait3A_747] : memref<1024x64xf32, #tpu.memory_space<vmem>> -> memref<128x64xf32, #tpu.memory_space<vmem>>
    %dma_wait3A_749 = arith.constant 0 : i32
    %dma_wait3A_750 = tpu.memref_slice %arg5[%dma_wait3A_745, %dma_wait3A_749] : memref<8x128xi32, #tpu.memory_space<vmem>> -> memref<1x128xi32, #tpu.memory_space<vmem>>
    %dma_wait3A_751 = tpu.memref_squeeze %dma_wait3A_750 : memref<1x128xi32, #tpu.memory_space<vmem>> -> memref<128xi32, #tpu.memory_space<vmem>>
    %dma_wait3A_752 = arith.constant 0 : i32
    %dma_wait3A_753 = arith.constant 0 : i32
    %dma_wait3A_754 = tpu.memref_slice %arg7[%dma_wait3A_752, %dma_wait3A_753] : memref<10240x64xf32, #tpu.memory_space<vmem_shared>> -> memref<10240x64xf32, #tpu.memory_space<vmem_shared>>
    tpu.wait_indirect_dma semaphore(%arg8 : memref<!tpu.dma_semaphore, #tpu.memory_space<semaphore_mem>>) src(%dma_wait3A_754 : memref<10240x64xf32, #tpu.memory_space<vmem_shared>>) dst(%dma_wait3A_748 : memref<128x64xf32, #tpu.memory_space<vmem>>)
    %dma_wait3A_755 = arith.constant 1 : i32
    %dma_wait3A_756 = arith.constant 128 : i32
    %dma_wait3A_757 = arith.constant 0 : i32
    %dma_wait3A_758 = tpu.memref_slice %arg6[%dma_wait3A_756, %dma_wait3A_757] : memref<1024x64xf32, #tpu.memory_space<vmem>> -> memref<128x64xf32, #tpu.memory_space<vmem>>
    %dma_wait3A_759 = arith.constant 0 : i32
    %dma_wait3A_760 = tpu.memref_slice %arg5[%dma_wait3A_755, %dma_wait3A_759] : memref<8x128xi32, #tpu.memory_space<vmem>> -> memref<1x128xi32, #tpu.memory_space<vmem>>
    %dma_wait3A_761 = tpu.memref_squeeze %dma_wait3A_760 : memref<1x128xi32, #tpu.memory_space<vmem>> -> memref<128xi32, #tpu.memory_space<vmem>>
    %dma_wait3A_762 = arith.constant 0 : i32
    %dma_wait3A_763 = arith.constant 0 : i32
    %dma_wait3A_764 = tpu.memref_slice %arg7[%dma_wait3A_762, %dma_wait3A_763] : memref<10240x64xf32, #tpu.memory_space<vmem_shared>> -> memref<10240x64xf32, #tpu.memory_space<vmem_shared>>
    tpu.wait_indirect_dma semaphore(%arg8 : memref<!tpu.dma_semaphore, #tpu.memory_space<semaphore_mem>>) src(%dma_wait3A_764 : memref<10240x64xf32, #tpu.memory_space<vmem_shared>>) dst(%dma_wait3A_758 : memref<128x64xf32, #tpu.memory_space<vmem>>)
    %dma_wait3A_765 = arith.constant 2 : i32
    %dma_wait3A_766 = arith.constant 256 : i32
    %dma_wait3A_767 = arith.constant 0 : i32
    %dma_wait3A_768 = tpu.memref_slice %arg6[%dma_wait3A_766, %dma_wait3A_767] : memref<1024x64xf32, #tpu.memory_space<vmem>> -> memref<128x64xf32, #tpu.memory_space<vmem>>
    %dma_wait3A_769 = arith.constant 0 : i32
    %dma_wait3A_770 = tpu.memref_slice %arg5[%dma_wait3A_765, %dma_wait3A_769] : memref<8x128xi32, #tpu.memory_space<vmem>> -> memref<1x128xi32, #tpu.memory_space<vmem>>
    %dma_wait3A_771 = tpu.memref_squeeze %dma_wait3A_770 : memref<1x128xi32, #tpu.memory_space<vmem>> -> memref<128xi32, #tpu.memory_space<vmem>>
    %dma_wait3A_772 = arith.constant 0 : i32
    %dma_wait3A_773 = arith.constant 0 : i32
    %dma_wait3A_774 = tpu.memref_slice %arg7[%dma_wait3A_772, %dma_wait3A_773] : memref<10240x64xf32, #tpu.memory_space<vmem_shared>> -> memref<10240x64xf32, #tpu.memory_space<vmem_shared>>
    tpu.wait_indirect_dma semaphore(%arg8 : memref<!tpu.dma_semaphore, #tpu.memory_space<semaphore_mem>>) src(%dma_wait3A_774 : memref<10240x64xf32, #tpu.memory_space<vmem_shared>>) dst(%dma_wait3A_768 : memref<128x64xf32, #tpu.memory_space<vmem>>)
    %dma_wait3A_775 = arith.constant 3 : i32
    %dma_wait3A_776 = arith.constant 384 : i32
    %dma_wait3A_777 = arith.constant 0 : i32
    %dma_wait3A_778 = tpu.memref_slice %arg6[%dma_wait3A_776, %dma_wait3A_777] : memref<1024x64xf32, #tpu.memory_space<vmem>> -> memref<128x64xf32, #tpu.memory_space<vmem>>
    %dma_wait3A_779 = arith.constant 0 : i32
    %dma_wait3A_780 = tpu.memref_slice %arg5[%dma_wait3A_775, %dma_wait3A_779] : memref<8x128xi32, #tpu.memory_space<vmem>> -> memref<1x128xi32, #tpu.memory_space<vmem>>
    %dma_wait3A_781 = tpu.memref_squeeze %dma_wait3A_780 : memref<1x128xi32, #tpu.memory_space<vmem>> -> memref<128xi32, #tpu.memory_space<vmem>>
    %dma_wait3A_782 = arith.constant 0 : i32
    %dma_wait3A_783 = arith.constant 0 : i32
    %dma_wait3A_784 = tpu.memref_slice %arg7[%dma_wait3A_782, %dma_wait3A_783] : memref<10240x64xf32, #tpu.memory_space<vmem_shared>> -> memref<10240x64xf32, #tpu.memory_space<vmem_shared>>
    tpu.wait_indirect_dma semaphore(%arg8 : memref<!tpu.dma_semaphore, #tpu.memory_space<semaphore_mem>>) src(%dma_wait3A_784 : memref<10240x64xf32, #tpu.memory_space<vmem_shared>>) dst(%dma_wait3A_778 : memref<128x64xf32, #tpu.memory_space<vmem>>)
    %dma_wait3A_785 = arith.constant 4 : i32
    %dma_wait3A_786 = arith.constant 512 : i32
    %dma_wait3A_787 = arith.constant 0 : i32
    %dma_wait3A_788 = tpu.memref_slice %arg6[%dma_wait3A_786, %dma_wait3A_787] : memref<1024x64xf32, #tpu.memory_space<vmem>> -> memref<128x64xf32, #tpu.memory_space<vmem>>
    %dma_wait3A_789 = arith.constant 0 : i32
    %dma_wait3A_790 = tpu.memref_slice %arg5[%dma_wait3A_785, %dma_wait3A_789] : memref<8x128xi32, #tpu.memory_space<vmem>> -> memref<1x128xi32, #tpu.memory_space<vmem>>
    %dma_wait3A_791 = tpu.memref_squeeze %dma_wait3A_790 : memref<1x128xi32, #tpu.memory_space<vmem>> -> memref<128xi32, #tpu.memory_space<vmem>>
    %dma_wait3A_792 = arith.constant 0 : i32
    %dma_wait3A_793 = arith.constant 0 : i32
    %dma_wait3A_794 = tpu.memref_slice %arg7[%dma_wait3A_792, %dma_wait3A_793] : memref<10240x64xf32, #tpu.memory_space<vmem_shared>> -> memref<10240x64xf32, #tpu.memory_space<vmem_shared>>
    tpu.wait_indirect_dma semaphore(%arg8 : memref<!tpu.dma_semaphore, #tpu.memory_space<semaphore_mem>>) src(%dma_wait3A_794 : memref<10240x64xf32, #tpu.memory_space<vmem_shared>>) dst(%dma_wait3A_788 : memref<128x64xf32, #tpu.memory_space<vmem>>)
    %dma_wait3A_795 = arith.constant 5 : i32
    %dma_wait3A_796 = arith.constant 640 : i32
    %dma_wait3A_797 = arith.constant 0 : i32
    %dma_wait3A_798 = tpu.memref_slice %arg6[%dma_wait3A_796, %dma_wait3A_797] : memref<1024x64xf32, #tpu.memory_space<vmem>> -> memref<128x64xf32, #tpu.memory_space<vmem>>
    %dma_wait3A_799 = arith.constant 0 : i32
    %dma_wait3A_800 = tpu.memref_slice %arg5[%dma_wait3A_795, %dma_wait3A_799] : memref<8x128xi32, #tpu.memory_space<vmem>> -> memref<1x128xi32, #tpu.memory_space<vmem>>
    %dma_wait3A_801 = tpu.memref_squeeze %dma_wait3A_800 : memref<1x128xi32, #tpu.memory_space<vmem>> -> memref<128xi32, #tpu.memory_space<vmem>>
    %dma_wait3A_802 = arith.constant 0 : i32
    %dma_wait3A_803 = arith.constant 0 : i32
    %dma_wait3A_804 = tpu.memref_slice %arg7[%dma_wait3A_802, %dma_wait3A_803] : memref<10240x64xf32, #tpu.memory_space<vmem_shared>> -> memref<10240x64xf32, #tpu.memory_space<vmem_shared>>
    tpu.wait_indirect_dma semaphore(%arg8 : memref<!tpu.dma_semaphore, #tpu.memory_space<semaphore_mem>>) src(%dma_wait3A_804 : memref<10240x64xf32, #tpu.memory_space<vmem_shared>>) dst(%dma_wait3A_798 : memref<128x64xf32, #tpu.memory_space<vmem>>)
    %dma_wait3A_805 = arith.constant 6 : i32
    %dma_wait3A_806 = arith.constant 768 : i32
    %dma_wait3A_807 = arith.constant 0 : i32
    %dma_wait3A_808 = tpu.memref_slice %arg6[%dma_wait3A_806, %dma_wait3A_807] : memref<1024x64xf32, #tpu.memory_space<vmem>> -> memref<128x64xf32, #tpu.memory_space<vmem>>
    %dma_wait3A_809 = arith.constant 0 : i32
    %dma_wait3A_810 = tpu.memref_slice %arg5[%dma_wait3A_805, %dma_wait3A_809] : memref<8x128xi32, #tpu.memory_space<vmem>> -> memref<1x128xi32, #tpu.memory_space<vmem>>
    %dma_wait3A_811 = tpu.memref_squeeze %dma_wait3A_810 : memref<1x128xi32, #tpu.memory_space<vmem>> -> memref<128xi32, #tpu.memory_space<vmem>>
    %dma_wait3A_812 = arith.constant 0 : i32
    %dma_wait3A_813 = arith.constant 0 : i32
    %dma_wait3A_814 = tpu.memref_slice %arg7[%dma_wait3A_812, %dma_wait3A_813] : memref<10240x64xf32, #tpu.memory_space<vmem_shared>> -> memref<10240x64xf32, #tpu.memory_space<vmem_shared>>
    tpu.wait_indirect_dma semaphore(%arg8 : memref<!tpu.dma_semaphore, #tpu.memory_space<semaphore_mem>>) src(%dma_wait3A_814 : memref<10240x64xf32, #tpu.memory_space<vmem_shared>>) dst(%dma_wait3A_808 : memref<128x64xf32, #tpu.memory_space<vmem>>)
    %dma_wait3A_815 = arith.constant 7 : i32
    %dma_wait3A_816 = arith.constant 896 : i32
    %dma_wait3A_817 = arith.constant 0 : i32
    %dma_wait3A_818 = tpu.memref_slice %arg6[%dma_wait3A_816, %dma_wait3A_817] : memref<1024x64xf32, #tpu.memory_space<vmem>> -> memref<128x64xf32, #tpu.memory_space<vmem>>
    %dma_wait3A_819 = arith.constant 0 : i32
    %dma_wait3A_820 = tpu.memref_slice %arg5[%dma_wait3A_815, %dma_wait3A_819] : memref<8x128xi32, #tpu.memory_space<vmem>> -> memref<1x128xi32, #tpu.memory_space<vmem>>
    %dma_wait3A_821 = tpu.memref_squeeze %dma_wait3A_820 : memref<1x128xi32, #tpu.memory_space<vmem>> -> memref<128xi32, #tpu.memory_space<vmem>>
    %dma_wait3A_822 = arith.constant 0 : i32
    %dma_wait3A_823 = arith.constant 0 : i32
    %dma_wait3A_824 = tpu.memref_slice %arg7[%dma_wait3A_822, %dma_wait3A_823] : memref<10240x64xf32, #tpu.memory_space<vmem_shared>> -> memref<10240x64xf32, #tpu.memory_space<vmem_shared>>
    tpu.wait_indirect_dma semaphore(%arg8 : memref<!tpu.dma_semaphore, #tpu.memory_space<semaphore_mem>>) src(%dma_wait3A_824 : memref<10240x64xf32, #tpu.memory_space<vmem_shared>>) dst(%dma_wait3A_818 : memref<128x64xf32, #tpu.memory_space<vmem>>)
    %add3A_825 = arith.constant 4096 : i32
    %add3A_826 = arith.addi %mul3A_8, %add3A_825 : i32
    "tpu.region"() ({
      %run_scoped3A = tpu.sem_alloc : memref<!tpu.dma_semaphore, #tpu.memory_space<semaphore_mem>>
      %dma_start3A_827 = arith.constant 0 : i32
      %dma_start3A_828 = tpu.memref_slice %arg4[%add3A_826, %dma_start3A_827] : memref<163840x128xf32, #tpu.memory_space<hbm>> -> memref<1024x64xf32, #tpu.memory_space<hbm>>
      %dma_start3A_829 = arith.constant 0 : i32
      %dma_start3A_830 = tpu.memref_slice %arg4[%add3A_826, %dma_start3A_829] : memref<163840x128xf32, #tpu.memory_space<hbm>> -> memref<1024x64xf32, #tpu.memory_space<hbm>>
      tpu.enqueue_dma source(%arg6 : memref<1024x64xf32, #tpu.memory_space<vmem>>) target(%dma_start3A_830 : memref<1024x64xf32, #tpu.memory_space<hbm>>) target_semaphore(%run_scoped3A : memref<!tpu.dma_semaphore, #tpu.memory_space<semaphore_mem>>)
      %dma_wait3A_831 = arith.constant 0 : i32
      %dma_wait3A_832 = tpu.memref_slice %arg4[%add3A_826, %dma_wait3A_831] : memref<163840x128xf32, #tpu.memory_space<hbm>> -> memref<1024x64xf32, #tpu.memory_space<hbm>>
      %dma_wait3A_833 = arith.constant 0 : i32
      %dma_wait3A_834 = tpu.memref_slice %arg4[%add3A_826, %dma_wait3A_833] : memref<163840x128xf32, #tpu.memory_space<hbm>> -> memref<1024x64xf32, #tpu.memory_space<hbm>>
      tpu.wait_dma2 semaphore(%run_scoped3A : memref<!tpu.dma_semaphore, #tpu.memory_space<semaphore_mem>>) src(%arg6 : memref<1024x64xf32, #tpu.memory_space<vmem>>) dst(%dma_wait3A_834 : memref<1024x64xf32, #tpu.memory_space<hbm>>)
      tpu.yield
    }) : () -> ()
    return
  }
}

#map = affine_map<(d0, d1) -> (0, 0)>
module attributes {stable_mosaic.version = 14 : i64} {
  func.func @body(%arg0: i32, %arg1: i32, %arg2: memref<163840x128xf32, #tpu.memory_space<hbm>>, %arg3: memref<1280x128xi32, #tpu.memory_space<hbm>>, %arg4: memref<20480x64xf32, #tpu.memory_space<hbm>>, %arg5: memref<8x128xi32, #tpu.memory_space<vmem>>, %arg6: memref<1024x64xf32, #tpu.memory_space<vmem>>, %arg7: memref<10240x64xf32, #tpu.memory_space<vmem_shared>>, %arg8: memref<!tpu.dma_semaphore, #tpu.memory_space<semaphore_mem>>) attributes {dimension_semantics = [#tpu.dimension_semantics<core_parallel>, #tpu.dimension_semantics<subcore_parallel>], iteration_bounds = array<i64: 2, 16>, scalar_prefetch = 0 : i64, scratch_operands = 4 : i64, tpu.core_type = #tpu.core_type<sc_vector_subcore>, window_params = [{transform_indices = #map}, {transform_indices = #map}, {transform_indices = #map}]} {
    %mul3A = arith.constant 2 : i32
    %mul3A_0 = arith.muli %arg1, %mul3A : i32
    %add3A = arith.addi %mul3A_0, %arg0 : i32
    %scan3A = arith.constant 0 : i32
    %scan3A_1 = arith.constant 0 : i32
    %scan3A_2 = arith.constant 640 : i32
    %scan3A_3 = arith.addi %scan3A_1, %scan3A_2 : i32
    %scan3A_4 = arith.constant 1 : i32
    scf.for %scan3A_79 = %scan3A_1 to %scan3A_3 step %scan3A_4  : i32 {
      %broadcast_in_dim3A = arith.constant 0.000000e+00 : f32
      %broadcast_in_dim3A_80 = vector.broadcast %broadcast_in_dim3A : f32 to vector<16xf32>
      %swap3A = arith.index_cast %scan3A_79 : i32 to index
      %swap3A_81 = arith.constant 0 : index
      %swap3A_82 = tpu.vector_load %arg6[%swap3A, %swap3A_81] {strides = array<i32>} : memref<1024x64xf32, #tpu.memory_space<vmem>>, vector<1x16xf32>,
      %swap3A_83 = vector.shape_cast %swap3A_82 : vector<1x16xf32> to vector<16xf32>
      %swap3A_84 = vector.shape_cast %broadcast_in_dim3A_80 : vector<16xf32> to vector<1x16xf32>
      tpu.vector_store %arg6[%swap3A, %swap3A_81], %swap3A_84 {strides = array<i32>} : memref<1024x64xf32, #tpu.memory_space<vmem>>, vector<1x16xf32>,
      %broadcast_in_dim3A_85 = arith.constant 0.000000e+00 : f32
      %broadcast_in_dim3A_86 = vector.broadcast %broadcast_in_dim3A_85 : f32 to vector<16xf32>
      %swap3A_87 = arith.index_cast %scan3A_79 : i32 to index
      %swap3A_88 = arith.constant 16 : index
      %swap3A_89 = tpu.vector_load %arg6[%swap3A_87, %swap3A_88] {strides = array<i32>} : memref<1024x64xf32, #tpu.memory_space<vmem>>, vector<1x16xf32>,
      %swap3A_90 = vector.shape_cast %swap3A_89 : vector<1x16xf32> to vector<16xf32>
      %swap3A_91 = vector.shape_cast %broadcast_in_dim3A_86 : vector<16xf32> to vector<1x16xf32>
      tpu.vector_store %arg6[%swap3A_87, %swap3A_88], %swap3A_91 {strides = array<i32>} : memref<1024x64xf32, #tpu.memory_space<vmem>>, vector<1x16xf32>,
      %broadcast_in_dim3A_92 = arith.constant 0.000000e+00 : f32
      %broadcast_in_dim3A_93 = vector.broadcast %broadcast_in_dim3A_92 : f32 to vector<16xf32>
      %swap3A_94 = arith.index_cast %scan3A_79 : i32 to index
      %swap3A_95 = arith.constant 32 : index
      %swap3A_96 = tpu.vector_load %arg6[%swap3A_94, %swap3A_95] {strides = array<i32>} : memref<1024x64xf32, #tpu.memory_space<vmem>>, vector<1x16xf32>,
      %swap3A_97 = vector.shape_cast %swap3A_96 : vector<1x16xf32> to vector<16xf32>
      %swap3A_98 = vector.shape_cast %broadcast_in_dim3A_93 : vector<16xf32> to vector<1x16xf32>
      tpu.vector_store %arg6[%swap3A_94, %swap3A_95], %swap3A_98 {strides = array<i32>} : memref<1024x64xf32, #tpu.memory_space<vmem>>, vector<1x16xf32>,
      %broadcast_in_dim3A_99 = arith.constant 0.000000e+00 : f32
      %broadcast_in_dim3A_100 = vector.broadcast %broadcast_in_dim3A_99 : f32 to vector<16xf32>
      %swap3A_101 = arith.index_cast %scan3A_79 : i32 to index
      %swap3A_102 = arith.constant 48 : index
      %swap3A_103 = tpu.vector_load %arg6[%swap3A_101, %swap3A_102] {strides = array<i32>} : memref<1024x64xf32, #tpu.memory_space<vmem>>, vector<1x16xf32>,
      %swap3A_104 = vector.shape_cast %swap3A_103 : vector<1x16xf32> to vector<16xf32>
      %swap3A_105 = vector.shape_cast %broadcast_in_dim3A_100 : vector<16xf32> to vector<1x16xf32>
      tpu.vector_store %arg6[%swap3A_101, %swap3A_102], %swap3A_105 {strides = array<i32>} : memref<1024x64xf32, #tpu.memory_space<vmem>>, vector<1x16xf32>,
    }
    %scan3A_5 = arith.constant 640 : i32
    %mul3A_6 = arith.constant 640 : i32
    %mul3A_7 = arith.muli %arg1, %mul3A_6 : i32
    "tpu.region"() ({
      %run_scoped3A_79 = tpu.sem_alloc : memref<!tpu.dma_semaphore, #tpu.memory_space<semaphore_mem>>
      %dma_start3A = arith.constant 0 : i32
      %dma_start3A_80 = arith.constant 0 : i32
      %dma_start3A_81 = tpu.memref_slice %arg6[%dma_start3A, %dma_start3A_80] : memref<1024x64xf32, #tpu.memory_space<vmem>> -> memref<640x64xf32, #tpu.memory_space<vmem>>
      %dma_start3A_82 = arith.constant 0 : i32
      %dma_start3A_83 = tpu.memref_slice %arg7[%mul3A_7, %dma_start3A_82] : memref<10240x64xf32, #tpu.memory_space<vmem_shared>> -> memref<640x64xf32, #tpu.memory_space<vmem_shared>>
      %dma_start3A_84 = arith.constant 0 : i32
      %dma_start3A_85 = tpu.memref_slice %arg7[%mul3A_7, %dma_start3A_84] : memref<10240x64xf32, #tpu.memory_space<vmem_shared>> -> memref<640x64xf32, #tpu.memory_space<vmem_shared>>
      %dma_start3A_86 = arith.constant 0 : i32
      %dma_start3A_87 = arith.constant 0 : i32
      %dma_start3A_88 = tpu.memref_slice %arg6[%dma_start3A_86, %dma_start3A_87] : memref<1024x64xf32, #tpu.memory_space<vmem>> -> memref<640x64xf32, #tpu.memory_space<vmem>>
      tpu.enqueue_dma source(%dma_start3A_88 : memref<640x64xf32, #tpu.memory_space<vmem>>) target(%dma_start3A_85 : memref<640x64xf32, #tpu.memory_space<vmem_shared>>) target_semaphore(%run_scoped3A_79 : memref<!tpu.dma_semaphore, #tpu.memory_space<semaphore_mem>>)
      %dma_wait3A = arith.constant 0 : i32
      %dma_wait3A_89 = arith.constant 0 : i32
      %dma_wait3A_90 = tpu.memref_slice %arg6[%dma_wait3A, %dma_wait3A_89] : memref<1024x64xf32, #tpu.memory_space<vmem>> -> memref<640x64xf32, #tpu.memory_space<vmem>>
      %dma_wait3A_91 = arith.constant 0 : i32
      %dma_wait3A_92 = tpu.memref_slice %arg7[%mul3A_7, %dma_wait3A_91] : memref<10240x64xf32, #tpu.memory_space<vmem_shared>> -> memref<640x64xf32, #tpu.memory_space<vmem_shared>>
      %dma_wait3A_93 = arith.constant 0 : i32
      %dma_wait3A_94 = tpu.memref_slice %arg7[%mul3A_7, %dma_wait3A_93] : memref<10240x64xf32, #tpu.memory_space<vmem_shared>> -> memref<640x64xf32, #tpu.memory_space<vmem_shared>>
      %dma_wait3A_95 = arith.constant 0 : i32
      %dma_wait3A_96 = arith.constant 0 : i32
      %dma_wait3A_97 = tpu.memref_slice %arg6[%dma_wait3A_95, %dma_wait3A_96] : memref<1024x64xf32, #tpu.memory_space<vmem>> -> memref<640x64xf32, #tpu.memory_space<vmem>>
      tpu.wait_dma2 semaphore(%run_scoped3A_79 : memref<!tpu.dma_semaphore, #tpu.memory_space<semaphore_mem>>) src(%dma_wait3A_97 : memref<640x64xf32, #tpu.memory_space<vmem>>) dst(%dma_wait3A_94 : memref<640x64xf32, #tpu.memory_space<vmem_shared>>)
      tpu.yield
    }) : () -> ()
    %barrier3A = arith.constant 0 : index
    tpu.barrier barrier_id(%barrier3A)
    %mul3A_8 = arith.constant 40 : i32
    %mul3A_9 = arith.muli %add3A, %mul3A_8 : i32
    %mul3A_10 = arith.constant 5120 : i32
    %mul3A_11 = arith.muli %add3A, %mul3A_10 : i32
    %add3A_12 = arith.constant 0 : i32
    %add3A_13 = arith.addi %mul3A_9, %add3A_12 : i32
    "tpu.region"() ({
      %run_scoped3A_79 = tpu.sem_alloc : memref<!tpu.dma_semaphore, #tpu.memory_space<semaphore_mem>>
      %dma_start3A = arith.constant 0 : i32
      %dma_start3A_80 = tpu.memref_slice %arg3[%add3A_13, %dma_start3A] : memref<1280x128xi32, #tpu.memory_space<hbm>> -> memref<8x128xi32, #tpu.memory_space<hbm>>
      %dma_start3A_81 = arith.constant 0 : i32
      %dma_start3A_82 = tpu.memref_slice %arg3[%add3A_13, %dma_start3A_81] : memref<1280x128xi32, #tpu.memory_space<hbm>> -> memref<8x128xi32, #tpu.memory_space<hbm>>
      tpu.enqueue_dma source(%dma_start3A_82 : memref<8x128xi32, #tpu.memory_space<hbm>>) target(%arg5 : memref<8x128xi32, #tpu.memory_space<vmem>>) target_semaphore(%run_scoped3A_79 : memref<!tpu.dma_semaphore, #tpu.memory_space<semaphore_mem>>)
      %dma_wait3A = arith.constant 0 : i32
      %dma_wait3A_83 = tpu.memref_slice %arg3[%add3A_13, %dma_wait3A] : memref<1280x128xi32, #tpu.memory_space<hbm>> -> memref<8x128xi32, #tpu.memory_space<hbm>>
      %dma_wait3A_84 = arith.constant 0 : i32
      %dma_wait3A_85 = tpu.memref_slice %arg3[%add3A_13, %dma_wait3A_84] : memref<1280x128xi32, #tpu.memory_space<hbm>> -> memref<8x128xi32, #tpu.memory_space<hbm>>
      tpu.wait_dma2 semaphore(%run_scoped3A_79 : memref<!tpu.dma_semaphore, #tpu.memory_space<semaphore_mem>>) src(%dma_wait3A_85 : memref<8x128xi32, #tpu.memory_space<hbm>>) dst(%arg5 : memref<8x128xi32, #tpu.memory_space<vmem>>)
      tpu.yield
    }) : () -> ()
    %add3A_14 = arith.constant 0 : i32
    %add3A_15 = arith.addi %mul3A_11, %add3A_14 : i32
    "tpu.region"() ({
      %run_scoped3A_79 = tpu.sem_alloc : memref<!tpu.dma_semaphore, #tpu.memory_space<semaphore_mem>>
      %dma_start3A = arith.constant 0 : i32
      %dma_start3A_80 = tpu.memref_slice %arg2[%add3A_15, %dma_start3A] : memref<163840x128xf32, #tpu.memory_space<hbm>> -> memref<1024x64xf32, #tpu.memory_space<hbm>>
      %dma_start3A_81 = arith.constant 0 : i32
      %dma_start3A_82 = tpu.memref_slice %arg2[%add3A_15, %dma_start3A_81] : memref<163840x128xf32, #tpu.memory_space<hbm>> -> memref<1024x64xf32, #tpu.memory_space<hbm>>
      tpu.enqueue_dma source(%dma_start3A_82 : memref<1024x64xf32, #tpu.memory_space<hbm>>) target(%arg6 : memref<1024x64xf32, #tpu.memory_space<vmem>>) target_semaphore(%run_scoped3A_79 : memref<!tpu.dma_semaphore, #tpu.memory_space<semaphore_mem>>)
      %dma_wait3A = arith.constant 0 : i32
      %dma_wait3A_83 = tpu.memref_slice %arg2[%add3A_15, %dma_wait3A] : memref<163840x128xf32, #tpu.memory_space<hbm>> -> memref<1024x64xf32, #tpu.memory_space<hbm>>
      %dma_wait3A_84 = arith.constant 0 : i32
      %dma_wait3A_85 = tpu.memref_slice %arg2[%add3A_15, %dma_wait3A_84] : memref<163840x128xf32, #tpu.memory_space<hbm>> -> memref<1024x64xf32, #tpu.memory_space<hbm>>
      tpu.wait_dma2 semaphore(%run_scoped3A_79 : memref<!tpu.dma_semaphore, #tpu.memory_space<semaphore_mem>>) src(%dma_wait3A_85 : memref<1024x64xf32, #tpu.memory_space<hbm>>) dst(%arg6 : memref<1024x64xf32, #tpu.memory_space<vmem>>)
      tpu.yield
    }) : () -> ()
    %run_scoped3A = arith.constant 0 : i32
    "tpu.region"() ({
      %run_scoped3A_79 = tpu.sem_alloc : memref<!tpu.dma_semaphore, #tpu.memory_space<semaphore_mem>>
      %dma_start3A = arith.constant 0 : i32
      %dma_start3A_80 = arith.constant 0 : i32
      %dma_start3A_81 = tpu.memref_slice %arg6[%dma_start3A, %dma_start3A_80] : memref<1024x64xf32, #tpu.memory_space<vmem>> -> memref<128x64xf32, #tpu.memory_space<vmem>>
      %dma_start3A_82 = arith.constant 0 : i32
      %dma_start3A_83 = tpu.memref_slice %arg5[%run_scoped3A, %dma_start3A_82] : memref<8x128xi32, #tpu.memory_space<vmem>> -> memref<1x128xi32, #tpu.memory_space<vmem>>
      %dma_start3A_84 = tpu.memref_squeeze %dma_start3A_83 : memref<1x128xi32, #tpu.memory_space<vmem>> -> memref<128xi32, #tpu.memory_space<vmem>>
      %dma_start3A_85 = arith.constant 0 : i32
      %dma_start3A_86 = arith.constant 0 : i32
      %dma_start3A_87 = tpu.memref_slice %arg7[%dma_start3A_85, %dma_start3A_86] : memref<10240x64xf32, #tpu.memory_space<vmem_shared>> -> memref<10240x64xf32, #tpu.memory_space<vmem_shared>>
      tpu.enqueue_indirect_dma source(%dma_start3A_81 : memref<128x64xf32, #tpu.memory_space<vmem>>) target(%dma_start3A_87 : memref<10240x64xf32, #tpu.memory_space<vmem_shared>>) offsets(%dma_start3A_84 : memref<128xi32, #tpu.memory_space<vmem>>) semaphore(%run_scoped3A_79 : memref<!tpu.dma_semaphore, #tpu.memory_space<semaphore_mem>>) {add = true}
      %dma_wait3A = arith.constant 0 : i32
      %dma_wait3A_88 = arith.constant 0 : i32
      %dma_wait3A_89 = tpu.memref_slice %arg6[%dma_wait3A, %dma_wait3A_88] : memref<1024x64xf32, #tpu.memory_space<vmem>> -> memref<128x64xf32, #tpu.memory_space<vmem>>
      %dma_wait3A_90 = arith.constant 0 : i32
      %dma_wait3A_91 = tpu.memref_slice %arg5[%run_scoped3A, %dma_wait3A_90] : memref<8x128xi32, #tpu.memory_space<vmem>> -> memref<1x128xi32, #tpu.memory_space<vmem>>
      %dma_wait3A_92 = tpu.memref_squeeze %dma_wait3A_91 : memref<1x128xi32, #tpu.memory_space<vmem>> -> memref<128xi32, #tpu.memory_space<vmem>>
      %dma_wait3A_93 = arith.constant 0 : i32
      %dma_wait3A_94 = arith.constant 0 : i32
      %dma_wait3A_95 = tpu.memref_slice %arg7[%dma_wait3A_93, %dma_wait3A_94] : memref<10240x64xf32, #tpu.memory_space<vmem_shared>> -> memref<10240x64xf32, #tpu.memory_space<vmem_shared>>
      tpu.wait_indirect_dma semaphore(%run_scoped3A_79 : memref<!tpu.dma_semaphore, #tpu.memory_space<semaphore_mem>>) src(%dma_wait3A_89 : memref<128x64xf32, #tpu.memory_space<vmem>>) dst(%dma_wait3A_95 : memref<10240x64xf32, #tpu.memory_space<vmem_shared>>)
      tpu.yield
    }) : () -> ()
    %run_scoped3A_16 = arith.constant 1 : i32
    "tpu.region"() ({
      %run_scoped3A_79 = tpu.sem_alloc : memref<!tpu.dma_semaphore, #tpu.memory_space<semaphore_mem>>
      %dma_start3A = arith.constant 128 : i32
      %dma_start3A_80 = arith.constant 0 : i32
      %dma_start3A_81 = tpu.memref_slice %arg6[%dma_start3A, %dma_start3A_80] : memref<1024x64xf32, #tpu.memory_space<vmem>> -> memref<128x64xf32, #tpu.memory_space<vmem>>
      %dma_start3A_82 = arith.constant 0 : i32
      %dma_start3A_83 = tpu.memref_slice %arg5[%run_scoped3A_16, %dma_start3A_82] : memref<8x128xi32, #tpu.memory_space<vmem>> -> memref<1x128xi32, #tpu.memory_space<vmem>>
      %dma_start3A_84 = tpu.memref_squeeze %dma_start3A_83 : memref<1x128xi32, #tpu.memory_space<vmem>> -> memref<128xi32, #tpu.memory_space<vmem>>
      %dma_start3A_85 = arith.constant 0 : i32
      %dma_start3A_86 = arith.constant 0 : i32
      %dma_start3A_87 = tpu.memref_slice %arg7[%dma_start3A_85, %dma_start3A_86] : memref<10240x64xf32, #tpu.memory_space<vmem_shared>> -> memref<10240x64xf32, #tpu.memory_space<vmem_shared>>
      tpu.enqueue_indirect_dma source(%dma_start3A_81 : memref<128x64xf32, #tpu.memory_space<vmem>>) target(%dma_start3A_87 : memref<10240x64xf32, #tpu.memory_space<vmem_shared>>) offsets(%dma_start3A_84 : memref<128xi32, #tpu.memory_space<vmem>>) semaphore(%run_scoped3A_79 : memref<!tpu.dma_semaphore, #tpu.memory_space<semaphore_mem>>) {add = true}
      %dma_wait3A = arith.constant 128 : i32
      %dma_wait3A_88 = arith.constant 0 : i32
      %dma_wait3A_89 = tpu.memref_slice %arg6[%dma_wait3A, %dma_wait3A_88] : memref<1024x64xf32, #tpu.memory_space<vmem>> -> memref<128x64xf32, #tpu.memory_space<vmem>>
      %dma_wait3A_90 = arith.constant 0 : i32
      %dma_wait3A_91 = tpu.memref_slice %arg5[%run_scoped3A_16, %dma_wait3A_90] : memref<8x128xi32, #tpu.memory_space<vmem>> -> memref<1x128xi32, #tpu.memory_space<vmem>>
      %dma_wait3A_92 = tpu.memref_squeeze %dma_wait3A_91 : memref<1x128xi32, #tpu.memory_space<vmem>> -> memref<128xi32, #tpu.memory_space<vmem>>
      %dma_wait3A_93 = arith.constant 0 : i32
      %dma_wait3A_94 = arith.constant 0 : i32
      %dma_wait3A_95 = tpu.memref_slice %arg7[%dma_wait3A_93, %dma_wait3A_94] : memref<10240x64xf32, #tpu.memory_space<vmem_shared>> -> memref<10240x64xf32, #tpu.memory_space<vmem_shared>>
      tpu.wait_indirect_dma semaphore(%run_scoped3A_79 : memref<!tpu.dma_semaphore, #tpu.memory_space<semaphore_mem>>) src(%dma_wait3A_89 : memref<128x64xf32, #tpu.memory_space<vmem>>) dst(%dma_wait3A_95 : memref<10240x64xf32, #tpu.memory_space<vmem_shared>>)
      tpu.yield
    }) : () -> ()
    %run_scoped3A_17 = arith.constant 2 : i32
    "tpu.region"() ({
      %run_scoped3A_79 = tpu.sem_alloc : memref<!tpu.dma_semaphore, #tpu.memory_space<semaphore_mem>>
      %dma_start3A = arith.constant 256 : i32
      %dma_start3A_80 = arith.constant 0 : i32
      %dma_start3A_81 = tpu.memref_slice %arg6[%dma_start3A, %dma_start3A_80] : memref<1024x64xf32, #tpu.memory_space<vmem>> -> memref<128x64xf32, #tpu.memory_space<vmem>>
      %dma_start3A_82 = arith.constant 0 : i32
      %dma_start3A_83 = tpu.memref_slice %arg5[%run_scoped3A_17, %dma_start3A_82] : memref<8x128xi32, #tpu.memory_space<vmem>> -> memref<1x128xi32, #tpu.memory_space<vmem>>
      %dma_start3A_84 = tpu.memref_squeeze %dma_start3A_83 : memref<1x128xi32, #tpu.memory_space<vmem>> -> memref<128xi32, #tpu.memory_space<vmem>>
      %dma_start3A_85 = arith.constant 0 : i32
      %dma_start3A_86 = arith.constant 0 : i32
      %dma_start3A_87 = tpu.memref_slice %arg7[%dma_start3A_85, %dma_start3A_86] : memref<10240x64xf32, #tpu.memory_space<vmem_shared>> -> memref<10240x64xf32, #tpu.memory_space<vmem_shared>>
      tpu.enqueue_indirect_dma source(%dma_start3A_81 : memref<128x64xf32, #tpu.memory_space<vmem>>) target(%dma_start3A_87 : memref<10240x64xf32, #tpu.memory_space<vmem_shared>>) offsets(%dma_start3A_84 : memref<128xi32, #tpu.memory_space<vmem>>) semaphore(%run_scoped3A_79 : memref<!tpu.dma_semaphore, #tpu.memory_space<semaphore_mem>>) {add = true}
      %dma_wait3A = arith.constant 256 : i32
      %dma_wait3A_88 = arith.constant 0 : i32
      %dma_wait3A_89 = tpu.memref_slice %arg6[%dma_wait3A, %dma_wait3A_88] : memref<1024x64xf32, #tpu.memory_space<vmem>> -> memref<128x64xf32, #tpu.memory_space<vmem>>
      %dma_wait3A_90 = arith.constant 0 : i32
      %dma_wait3A_91 = tpu.memref_slice %arg5[%run_scoped3A_17, %dma_wait3A_90] : memref<8x128xi32, #tpu.memory_space<vmem>> -> memref<1x128xi32, #tpu.memory_space<vmem>>
      %dma_wait3A_92 = tpu.memref_squeeze %dma_wait3A_91 : memref<1x128xi32, #tpu.memory_space<vmem>> -> memref<128xi32, #tpu.memory_space<vmem>>
      %dma_wait3A_93 = arith.constant 0 : i32
      %dma_wait3A_94 = arith.constant 0 : i32
      %dma_wait3A_95 = tpu.memref_slice %arg7[%dma_wait3A_93, %dma_wait3A_94] : memref<10240x64xf32, #tpu.memory_space<vmem_shared>> -> memref<10240x64xf32, #tpu.memory_space<vmem_shared>>
      tpu.wait_indirect_dma semaphore(%run_scoped3A_79 : memref<!tpu.dma_semaphore, #tpu.memory_space<semaphore_mem>>) src(%dma_wait3A_89 : memref<128x64xf32, #tpu.memory_space<vmem>>) dst(%dma_wait3A_95 : memref<10240x64xf32, #tpu.memory_space<vmem_shared>>)
      tpu.yield
    }) : () -> ()
    %run_scoped3A_18 = arith.constant 3 : i32
    "tpu.region"() ({
      %run_scoped3A_79 = tpu.sem_alloc : memref<!tpu.dma_semaphore, #tpu.memory_space<semaphore_mem>>
      %dma_start3A = arith.constant 384 : i32
      %dma_start3A_80 = arith.constant 0 : i32
      %dma_start3A_81 = tpu.memref_slice %arg6[%dma_start3A, %dma_start3A_80] : memref<1024x64xf32, #tpu.memory_space<vmem>> -> memref<128x64xf32, #tpu.memory_space<vmem>>
      %dma_start3A_82 = arith.constant 0 : i32
      %dma_start3A_83 = tpu.memref_slice %arg5[%run_scoped3A_18, %dma_start3A_82] : memref<8x128xi32, #tpu.memory_space<vmem>> -> memref<1x128xi32, #tpu.memory_space<vmem>>
      %dma_start3A_84 = tpu.memref_squeeze %dma_start3A_83 : memref<1x128xi32, #tpu.memory_space<vmem>> -> memref<128xi32, #tpu.memory_space<vmem>>
      %dma_start3A_85 = arith.constant 0 : i32
      %dma_start3A_86 = arith.constant 0 : i32
      %dma_start3A_87 = tpu.memref_slice %arg7[%dma_start3A_85, %dma_start3A_86] : memref<10240x64xf32, #tpu.memory_space<vmem_shared>> -> memref<10240x64xf32, #tpu.memory_space<vmem_shared>>
      tpu.enqueue_indirect_dma source(%dma_start3A_81 : memref<128x64xf32, #tpu.memory_space<vmem>>) target(%dma_start3A_87 : memref<10240x64xf32, #tpu.memory_space<vmem_shared>>) offsets(%dma_start3A_84 : memref<128xi32, #tpu.memory_space<vmem>>) semaphore(%run_scoped3A_79 : memref<!tpu.dma_semaphore, #tpu.memory_space<semaphore_mem>>) {add = true}
      %dma_wait3A = arith.constant 384 : i32
      %dma_wait3A_88 = arith.constant 0 : i32
      %dma_wait3A_89 = tpu.memref_slice %arg6[%dma_wait3A, %dma_wait3A_88] : memref<1024x64xf32, #tpu.memory_space<vmem>> -> memref<128x64xf32, #tpu.memory_space<vmem>>
      %dma_wait3A_90 = arith.constant 0 : i32
      %dma_wait3A_91 = tpu.memref_slice %arg5[%run_scoped3A_18, %dma_wait3A_90] : memref<8x128xi32, #tpu.memory_space<vmem>> -> memref<1x128xi32, #tpu.memory_space<vmem>>
      %dma_wait3A_92 = tpu.memref_squeeze %dma_wait3A_91 : memref<1x128xi32, #tpu.memory_space<vmem>> -> memref<128xi32, #tpu.memory_space<vmem>>
      %dma_wait3A_93 = arith.constant 0 : i32
      %dma_wait3A_94 = arith.constant 0 : i32
      %dma_wait3A_95 = tpu.memref_slice %arg7[%dma_wait3A_93, %dma_wait3A_94] : memref<10240x64xf32, #tpu.memory_space<vmem_shared>> -> memref<10240x64xf32, #tpu.memory_space<vmem_shared>>
      tpu.wait_indirect_dma semaphore(%run_scoped3A_79 : memref<!tpu.dma_semaphore, #tpu.memory_space<semaphore_mem>>) src(%dma_wait3A_89 : memref<128x64xf32, #tpu.memory_space<vmem>>) dst(%dma_wait3A_95 : memref<10240x64xf32, #tpu.memory_space<vmem_shared>>)
      tpu.yield
    }) : () -> ()
    %run_scoped3A_19 = arith.constant 4 : i32
    "tpu.region"() ({
      %run_scoped3A_79 = tpu.sem_alloc : memref<!tpu.dma_semaphore, #tpu.memory_space<semaphore_mem>>
      %dma_start3A = arith.constant 512 : i32
      %dma_start3A_80 = arith.constant 0 : i32
      %dma_start3A_81 = tpu.memref_slice %arg6[%dma_start3A, %dma_start3A_80] : memref<1024x64xf32, #tpu.memory_space<vmem>> -> memref<128x64xf32, #tpu.memory_space<vmem>>
      %dma_start3A_82 = arith.constant 0 : i32
      %dma_start3A_83 = tpu.memref_slice %arg5[%run_scoped3A_19, %dma_start3A_82] : memref<8x128xi32, #tpu.memory_space<vmem>> -> memref<1x128xi32, #tpu.memory_space<vmem>>
      %dma_start3A_84 = tpu.memref_squeeze %dma_start3A_83 : memref<1x128xi32, #tpu.memory_space<vmem>> -> memref<128xi32, #tpu.memory_space<vmem>>
      %dma_start3A_85 = arith.constant 0 : i32
      %dma_start3A_86 = arith.constant 0 : i32
      %dma_start3A_87 = tpu.memref_slice %arg7[%dma_start3A_85, %dma_start3A_86] : memref<10240x64xf32, #tpu.memory_space<vmem_shared>> -> memref<10240x64xf32, #tpu.memory_space<vmem_shared>>
      tpu.enqueue_indirect_dma source(%dma_start3A_81 : memref<128x64xf32, #tpu.memory_space<vmem>>) target(%dma_start3A_87 : memref<10240x64xf32, #tpu.memory_space<vmem_shared>>) offsets(%dma_start3A_84 : memref<128xi32, #tpu.memory_space<vmem>>) semaphore(%run_scoped3A_79 : memref<!tpu.dma_semaphore, #tpu.memory_space<semaphore_mem>>) {add = true}
      %dma_wait3A = arith.constant 512 : i32
      %dma_wait3A_88 = arith.constant 0 : i32
      %dma_wait3A_89 = tpu.memref_slice %arg6[%dma_wait3A, %dma_wait3A_88] : memref<1024x64xf32, #tpu.memory_space<vmem>> -> memref<128x64xf32, #tpu.memory_space<vmem>>
      %dma_wait3A_90 = arith.constant 0 : i32
      %dma_wait3A_91 = tpu.memref_slice %arg5[%run_scoped3A_19, %dma_wait3A_90] : memref<8x128xi32, #tpu.memory_space<vmem>> -> memref<1x128xi32, #tpu.memory_space<vmem>>
      %dma_wait3A_92 = tpu.memref_squeeze %dma_wait3A_91 : memref<1x128xi32, #tpu.memory_space<vmem>> -> memref<128xi32, #tpu.memory_space<vmem>>
      %dma_wait3A_93 = arith.constant 0 : i32
      %dma_wait3A_94 = arith.constant 0 : i32
      %dma_wait3A_95 = tpu.memref_slice %arg7[%dma_wait3A_93, %dma_wait3A_94] : memref<10240x64xf32, #tpu.memory_space<vmem_shared>> -> memref<10240x64xf32, #tpu.memory_space<vmem_shared>>
      tpu.wait_indirect_dma semaphore(%run_scoped3A_79 : memref<!tpu.dma_semaphore, #tpu.memory_space<semaphore_mem>>) src(%dma_wait3A_89 : memref<128x64xf32, #tpu.memory_space<vmem>>) dst(%dma_wait3A_95 : memref<10240x64xf32, #tpu.memory_space<vmem_shared>>)
      tpu.yield
    }) : () -> ()
    %run_scoped3A_20 = arith.constant 5 : i32
    "tpu.region"() ({
      %run_scoped3A_79 = tpu.sem_alloc : memref<!tpu.dma_semaphore, #tpu.memory_space<semaphore_mem>>
      %dma_start3A = arith.constant 640 : i32
      %dma_start3A_80 = arith.constant 0 : i32
      %dma_start3A_81 = tpu.memref_slice %arg6[%dma_start3A, %dma_start3A_80] : memref<1024x64xf32, #tpu.memory_space<vmem>> -> memref<128x64xf32, #tpu.memory_space<vmem>>
      %dma_start3A_82 = arith.constant 0 : i32
      %dma_start3A_83 = tpu.memref_slice %arg5[%run_scoped3A_20, %dma_start3A_82] : memref<8x128xi32, #tpu.memory_space<vmem>> -> memref<1x128xi32, #tpu.memory_space<vmem>>
      %dma_start3A_84 = tpu.memref_squeeze %dma_start3A_83 : memref<1x128xi32, #tpu.memory_space<vmem>> -> memref<128xi32, #tpu.memory_space<vmem>>
      %dma_start3A_85 = arith.constant 0 : i32
      %dma_start3A_86 = arith.constant 0 : i32
      %dma_start3A_87 = tpu.memref_slice %arg7[%dma_start3A_85, %dma_start3A_86] : memref<10240x64xf32, #tpu.memory_space<vmem_shared>> -> memref<10240x64xf32, #tpu.memory_space<vmem_shared>>
      tpu.enqueue_indirect_dma source(%dma_start3A_81 : memref<128x64xf32, #tpu.memory_space<vmem>>) target(%dma_start3A_87 : memref<10240x64xf32, #tpu.memory_space<vmem_shared>>) offsets(%dma_start3A_84 : memref<128xi32, #tpu.memory_space<vmem>>) semaphore(%run_scoped3A_79 : memref<!tpu.dma_semaphore, #tpu.memory_space<semaphore_mem>>) {add = true}
      %dma_wait3A = arith.constant 640 : i32
      %dma_wait3A_88 = arith.constant 0 : i32
      %dma_wait3A_89 = tpu.memref_slice %arg6[%dma_wait3A, %dma_wait3A_88] : memref<1024x64xf32, #tpu.memory_space<vmem>> -> memref<128x64xf32, #tpu.memory_space<vmem>>
      %dma_wait3A_90 = arith.constant 0 : i32
      %dma_wait3A_91 = tpu.memref_slice %arg5[%run_scoped3A_20, %dma_wait3A_90] : memref<8x128xi32, #tpu.memory_space<vmem>> -> memref<1x128xi32, #tpu.memory_space<vmem>>
      %dma_wait3A_92 = tpu.memref_squeeze %dma_wait3A_91 : memref<1x128xi32, #tpu.memory_space<vmem>> -> memref<128xi32, #tpu.memory_space<vmem>>
      %dma_wait3A_93 = arith.constant 0 : i32
      %dma_wait3A_94 = arith.constant 0 : i32
      %dma_wait3A_95 = tpu.memref_slice %arg7[%dma_wait3A_93, %dma_wait3A_94] : memref<10240x64xf32, #tpu.memory_space<vmem_shared>> -> memref<10240x64xf32, #tpu.memory_space<vmem_shared>>
      tpu.wait_indirect_dma semaphore(%run_scoped3A_79 : memref<!tpu.dma_semaphore, #tpu.memory_space<semaphore_mem>>) src(%dma_wait3A_89 : memref<128x64xf32, #tpu.memory_space<vmem>>) dst(%dma_wait3A_95 : memref<10240x64xf32, #tpu.memory_space<vmem_shared>>)
      tpu.yield
    }) : () -> ()
    %run_scoped3A_21 = arith.constant 6 : i32
    "tpu.region"() ({
      %run_scoped3A_79 = tpu.sem_alloc : memref<!tpu.dma_semaphore, #tpu.memory_space<semaphore_mem>>
      %dma_start3A = arith.constant 768 : i32
      %dma_start3A_80 = arith.constant 0 : i32
      %dma_start3A_81 = tpu.memref_slice %arg6[%dma_start3A, %dma_start3A_80] : memref<1024x64xf32, #tpu.memory_space<vmem>> -> memref<128x64xf32, #tpu.memory_space<vmem>>
      %dma_start3A_82 = arith.constant 0 : i32
      %dma_start3A_83 = tpu.memref_slice %arg5[%run_scoped3A_21, %dma_start3A_82] : memref<8x128xi32, #tpu.memory_space<vmem>> -> memref<1x128xi32, #tpu.memory_space<vmem>>
      %dma_start3A_84 = tpu.memref_squeeze %dma_start3A_83 : memref<1x128xi32, #tpu.memory_space<vmem>> -> memref<128xi32, #tpu.memory_space<vmem>>
      %dma_start3A_85 = arith.constant 0 : i32
      %dma_start3A_86 = arith.constant 0 : i32
      %dma_start3A_87 = tpu.memref_slice %arg7[%dma_start3A_85, %dma_start3A_86] : memref<10240x64xf32, #tpu.memory_space<vmem_shared>> -> memref<10240x64xf32, #tpu.memory_space<vmem_shared>>
      tpu.enqueue_indirect_dma source(%dma_start3A_81 : memref<128x64xf32, #tpu.memory_space<vmem>>) target(%dma_start3A_87 : memref<10240x64xf32, #tpu.memory_space<vmem_shared>>) offsets(%dma_start3A_84 : memref<128xi32, #tpu.memory_space<vmem>>) semaphore(%run_scoped3A_79 : memref<!tpu.dma_semaphore, #tpu.memory_space<semaphore_mem>>) {add = true}
      %dma_wait3A = arith.constant 768 : i32
      %dma_wait3A_88 = arith.constant 0 : i32
      %dma_wait3A_89 = tpu.memref_slice %arg6[%dma_wait3A, %dma_wait3A_88] : memref<1024x64xf32, #tpu.memory_space<vmem>> -> memref<128x64xf32, #tpu.memory_space<vmem>>
      %dma_wait3A_90 = arith.constant 0 : i32
      %dma_wait3A_91 = tpu.memref_slice %arg5[%run_scoped3A_21, %dma_wait3A_90] : memref<8x128xi32, #tpu.memory_space<vmem>> -> memref<1x128xi32, #tpu.memory_space<vmem>>
      %dma_wait3A_92 = tpu.memref_squeeze %dma_wait3A_91 : memref<1x128xi32, #tpu.memory_space<vmem>> -> memref<128xi32, #tpu.memory_space<vmem>>
      %dma_wait3A_93 = arith.constant 0 : i32
      %dma_wait3A_94 = arith.constant 0 : i32
      %dma_wait3A_95 = tpu.memref_slice %arg7[%dma_wait3A_93, %dma_wait3A_94] : memref<10240x64xf32, #tpu.memory_space<vmem_shared>> -> memref<10240x64xf32, #tpu.memory_space<vmem_shared>>
      tpu.wait_indirect_dma semaphore(%run_scoped3A_79 : memref<!tpu.dma_semaphore, #tpu.memory_space<semaphore_mem>>) src(%dma_wait3A_89 : memref<128x64xf32, #tpu.memory_space<vmem>>) dst(%dma_wait3A_95 : memref<10240x64xf32, #tpu.memory_space<vmem_shared>>)
      tpu.yield
    }) : () -> ()
    %run_scoped3A_22 = arith.constant 7 : i32
    "tpu.region"() ({
      %run_scoped3A_79 = tpu.sem_alloc : memref<!tpu.dma_semaphore, #tpu.memory_space<semaphore_mem>>
      %dma_start3A = arith.constant 896 : i32
      %dma_start3A_80 = arith.constant 0 : i32
      %dma_start3A_81 = tpu.memref_slice %arg6[%dma_start3A, %dma_start3A_80] : memref<1024x64xf32, #tpu.memory_space<vmem>> -> memref<128x64xf32, #tpu.memory_space<vmem>>
      %dma_start3A_82 = arith.constant 0 : i32
      %dma_start3A_83 = tpu.memref_slice %arg5[%run_scoped3A_22, %dma_start3A_82] : memref<8x128xi32, #tpu.memory_space<vmem>> -> memref<1x128xi32, #tpu.memory_space<vmem>>
      %dma_start3A_84 = tpu.memref_squeeze %dma_start3A_83 : memref<1x128xi32, #tpu.memory_space<vmem>> -> memref<128xi32, #tpu.memory_space<vmem>>
      %dma_start3A_85 = arith.constant 0 : i32
      %dma_start3A_86 = arith.constant 0 : i32
      %dma_start3A_87 = tpu.memref_slice %arg7[%dma_start3A_85, %dma_start3A_86] : memref<10240x64xf32, #tpu.memory_space<vmem_shared>> -> memref<10240x64xf32, #tpu.memory_space<vmem_shared>>
      tpu.enqueue_indirect_dma source(%dma_start3A_81 : memref<128x64xf32, #tpu.memory_space<vmem>>) target(%dma_start3A_87 : memref<10240x64xf32, #tpu.memory_space<vmem_shared>>) offsets(%dma_start3A_84 : memref<128xi32, #tpu.memory_space<vmem>>) semaphore(%run_scoped3A_79 : memref<!tpu.dma_semaphore, #tpu.memory_space<semaphore_mem>>) {add = true}
      %dma_wait3A = arith.constant 896 : i32
      %dma_wait3A_88 = arith.constant 0 : i32
      %dma_wait3A_89 = tpu.memref_slice %arg6[%dma_wait3A, %dma_wait3A_88] : memref<1024x64xf32, #tpu.memory_space<vmem>> -> memref<128x64xf32, #tpu.memory_space<vmem>>
      %dma_wait3A_90 = arith.constant 0 : i32
      %dma_wait3A_91 = tpu.memref_slice %arg5[%run_scoped3A_22, %dma_wait3A_90] : memref<8x128xi32, #tpu.memory_space<vmem>> -> memref<1x128xi32, #tpu.memory_space<vmem>>
      %dma_wait3A_92 = tpu.memref_squeeze %dma_wait3A_91 : memref<1x128xi32, #tpu.memory_space<vmem>> -> memref<128xi32, #tpu.memory_space<vmem>>
      %dma_wait3A_93 = arith.constant 0 : i32
      %dma_wait3A_94 = arith.constant 0 : i32
      %dma_wait3A_95 = tpu.memref_slice %arg7[%dma_wait3A_93, %dma_wait3A_94] : memref<10240x64xf32, #tpu.memory_space<vmem_shared>> -> memref<10240x64xf32, #tpu.memory_space<vmem_shared>>
      tpu.wait_indirect_dma semaphore(%run_scoped3A_79 : memref<!tpu.dma_semaphore, #tpu.memory_space<semaphore_mem>>) src(%dma_wait3A_89 : memref<128x64xf32, #tpu.memory_space<vmem>>) dst(%dma_wait3A_95 : memref<10240x64xf32, #tpu.memory_space<vmem_shared>>)
      tpu.yield
    }) : () -> ()
    %add3A_23 = arith.constant 8 : i32
    %add3A_24 = arith.addi %mul3A_9, %add3A_23 : i32
    "tpu.region"() ({
      %run_scoped3A_79 = tpu.sem_alloc : memref<!tpu.dma_semaphore, #tpu.memory_space<semaphore_mem>>
      %dma_start3A = arith.constant 0 : i32
      %dma_start3A_80 = tpu.memref_slice %arg3[%add3A_24, %dma_start3A] : memref<1280x128xi32, #tpu.memory_space<hbm>> -> memref<8x128xi32, #tpu.memory_space<hbm>>
      %dma_start3A_81 = arith.constant 0 : i32
      %dma_start3A_82 = tpu.memref_slice %arg3[%add3A_24, %dma_start3A_81] : memref<1280x128xi32, #tpu.memory_space<hbm>> -> memref<8x128xi32, #tpu.memory_space<hbm>>
      tpu.enqueue_dma source(%dma_start3A_82 : memref<8x128xi32, #tpu.memory_space<hbm>>) target(%arg5 : memref<8x128xi32, #tpu.memory_space<vmem>>) target_semaphore(%run_scoped3A_79 : memref<!tpu.dma_semaphore, #tpu.memory_space<semaphore_mem>>)
      %dma_wait3A = arith.constant 0 : i32
      %dma_wait3A_83 = tpu.memref_slice %arg3[%add3A_24, %dma_wait3A] : memref<1280x128xi32, #tpu.memory_space<hbm>> -> memref<8x128xi32, #tpu.memory_space<hbm>>
      %dma_wait3A_84 = arith.constant 0 : i32
      %dma_wait3A_85 = tpu.memref_slice %arg3[%add3A_24, %dma_wait3A_84] : memref<1280x128xi32, #tpu.memory_space<hbm>> -> memref<8x128xi32, #tpu.memory_space<hbm>>
      tpu.wait_dma2 semaphore(%run_scoped3A_79 : memref<!tpu.dma_semaphore, #tpu.memory_space<semaphore_mem>>) src(%dma_wait3A_85 : memref<8x128xi32, #tpu.memory_space<hbm>>) dst(%arg5 : memref<8x128xi32, #tpu.memory_space<vmem>>)
      tpu.yield
    }) : () -> ()
    %add3A_25 = arith.constant 1024 : i32
    %add3A_26 = arith.addi %mul3A_11, %add3A_25 : i32
    "tpu.region"() ({
      %run_scoped3A_79 = tpu.sem_alloc : memref<!tpu.dma_semaphore, #tpu.memory_space<semaphore_mem>>
      %dma_start3A = arith.constant 0 : i32
      %dma_start3A_80 = tpu.memref_slice %arg2[%add3A_26, %dma_start3A] : memref<163840x128xf32, #tpu.memory_space<hbm>> -> memref<1024x64xf32, #tpu.memory_space<hbm>>
      %dma_start3A_81 = arith.constant 0 : i32
      %dma_start3A_82 = tpu.memref_slice %arg2[%add3A_26, %dma_start3A_81] : memref<163840x128xf32, #tpu.memory_space<hbm>> -> memref<1024x64xf32, #tpu.memory_space<hbm>>
      tpu.enqueue_dma source(%dma_start3A_82 : memref<1024x64xf32, #tpu.memory_space<hbm>>) target(%arg6 : memref<1024x64xf32, #tpu.memory_space<vmem>>) target_semaphore(%run_scoped3A_79 : memref<!tpu.dma_semaphore, #tpu.memory_space<semaphore_mem>>)
      %dma_wait3A = arith.constant 0 : i32
      %dma_wait3A_83 = tpu.memref_slice %arg2[%add3A_26, %dma_wait3A] : memref<163840x128xf32, #tpu.memory_space<hbm>> -> memref<1024x64xf32, #tpu.memory_space<hbm>>
      %dma_wait3A_84 = arith.constant 0 : i32
      %dma_wait3A_85 = tpu.memref_slice %arg2[%add3A_26, %dma_wait3A_84] : memref<163840x128xf32, #tpu.memory_space<hbm>> -> memref<1024x64xf32, #tpu.memory_space<hbm>>
      tpu.wait_dma2 semaphore(%run_scoped3A_79 : memref<!tpu.dma_semaphore, #tpu.memory_space<semaphore_mem>>) src(%dma_wait3A_85 : memref<1024x64xf32, #tpu.memory_space<hbm>>) dst(%arg6 : memref<1024x64xf32, #tpu.memory_space<vmem>>)
      tpu.yield
    }) : () -> ()
    %run_scoped3A_27 = arith.constant 0 : i32
    "tpu.region"() ({
      %run_scoped3A_79 = tpu.sem_alloc : memref<!tpu.dma_semaphore, #tpu.memory_space<semaphore_mem>>
      %dma_start3A = arith.constant 0 : i32
      %dma_start3A_80 = arith.constant 0 : i32
      %dma_start3A_81 = tpu.memref_slice %arg6[%dma_start3A, %dma_start3A_80] : memref<1024x64xf32, #tpu.memory_space<vmem>> -> memref<128x64xf32, #tpu.memory_space<vmem>>
      %dma_start3A_82 = arith.constant 0 : i32
      %dma_start3A_83 = tpu.memref_slice %arg5[%run_scoped3A_27, %dma_start3A_82] : memref<8x128xi32, #tpu.memory_space<vmem>> -> memref<1x128xi32, #tpu.memory_space<vmem>>
      %dma_start3A_84 = tpu.memref_squeeze %dma_start3A_83 : memref<1x128xi32, #tpu.memory_space<vmem>> -> memref<128xi32, #tpu.memory_space<vmem>>
      %dma_start3A_85 = arith.constant 0 : i32
      %dma_start3A_86 = arith.constant 0 : i32
      %dma_start3A_87 = tpu.memref_slice %arg7[%dma_start3A_85, %dma_start3A_86] : memref<10240x64xf32, #tpu.memory_space<vmem_shared>> -> memref<10240x64xf32, #tpu.memory_space<vmem_shared>>
      tpu.enqueue_indirect_dma source(%dma_start3A_81 : memref<128x64xf32, #tpu.memory_space<vmem>>) target(%dma_start3A_87 : memref<10240x64xf32, #tpu.memory_space<vmem_shared>>) offsets(%dma_start3A_84 : memref<128xi32, #tpu.memory_space<vmem>>) semaphore(%run_scoped3A_79 : memref<!tpu.dma_semaphore, #tpu.memory_space<semaphore_mem>>) {add = true}
      %dma_wait3A = arith.constant 0 : i32
      %dma_wait3A_88 = arith.constant 0 : i32
      %dma_wait3A_89 = tpu.memref_slice %arg6[%dma_wait3A, %dma_wait3A_88] : memref<1024x64xf32, #tpu.memory_space<vmem>> -> memref<128x64xf32, #tpu.memory_space<vmem>>
      %dma_wait3A_90 = arith.constant 0 : i32
      %dma_wait3A_91 = tpu.memref_slice %arg5[%run_scoped3A_27, %dma_wait3A_90] : memref<8x128xi32, #tpu.memory_space<vmem>> -> memref<1x128xi32, #tpu.memory_space<vmem>>
      %dma_wait3A_92 = tpu.memref_squeeze %dma_wait3A_91 : memref<1x128xi32, #tpu.memory_space<vmem>> -> memref<128xi32, #tpu.memory_space<vmem>>
      %dma_wait3A_93 = arith.constant 0 : i32
      %dma_wait3A_94 = arith.constant 0 : i32
      %dma_wait3A_95 = tpu.memref_slice %arg7[%dma_wait3A_93, %dma_wait3A_94] : memref<10240x64xf32, #tpu.memory_space<vmem_shared>> -> memref<10240x64xf32, #tpu.memory_space<vmem_shared>>
      tpu.wait_indirect_dma semaphore(%run_scoped3A_79 : memref<!tpu.dma_semaphore, #tpu.memory_space<semaphore_mem>>) src(%dma_wait3A_89 : memref<128x64xf32, #tpu.memory_space<vmem>>) dst(%dma_wait3A_95 : memref<10240x64xf32, #tpu.memory_space<vmem_shared>>)
      tpu.yield
    }) : () -> ()
    %run_scoped3A_28 = arith.constant 1 : i32
    "tpu.region"() ({
      %run_scoped3A_79 = tpu.sem_alloc : memref<!tpu.dma_semaphore, #tpu.memory_space<semaphore_mem>>
      %dma_start3A = arith.constant 128 : i32
      %dma_start3A_80 = arith.constant 0 : i32
      %dma_start3A_81 = tpu.memref_slice %arg6[%dma_start3A, %dma_start3A_80] : memref<1024x64xf32, #tpu.memory_space<vmem>> -> memref<128x64xf32, #tpu.memory_space<vmem>>
      %dma_start3A_82 = arith.constant 0 : i32
      %dma_start3A_83 = tpu.memref_slice %arg5[%run_scoped3A_28, %dma_start3A_82] : memref<8x128xi32, #tpu.memory_space<vmem>> -> memref<1x128xi32, #tpu.memory_space<vmem>>
      %dma_start3A_84 = tpu.memref_squeeze %dma_start3A_83 : memref<1x128xi32, #tpu.memory_space<vmem>> -> memref<128xi32, #tpu.memory_space<vmem>>
      %dma_start3A_85 = arith.constant 0 : i32
      %dma_start3A_86 = arith.constant 0 : i32
      %dma_start3A_87 = tpu.memref_slice %arg7[%dma_start3A_85, %dma_start3A_86] : memref<10240x64xf32, #tpu.memory_space<vmem_shared>> -> memref<10240x64xf32, #tpu.memory_space<vmem_shared>>
      tpu.enqueue_indirect_dma source(%dma_start3A_81 : memref<128x64xf32, #tpu.memory_space<vmem>>) target(%dma_start3A_87 : memref<10240x64xf32, #tpu.memory_space<vmem_shared>>) offsets(%dma_start3A_84 : memref<128xi32, #tpu.memory_space<vmem>>) semaphore(%run_scoped3A_79 : memref<!tpu.dma_semaphore, #tpu.memory_space<semaphore_mem>>) {add = true}
      %dma_wait3A = arith.constant 128 : i32
      %dma_wait3A_88 = arith.constant 0 : i32
      %dma_wait3A_89 = tpu.memref_slice %arg6[%dma_wait3A, %dma_wait3A_88] : memref<1024x64xf32, #tpu.memory_space<vmem>> -> memref<128x64xf32, #tpu.memory_space<vmem>>
      %dma_wait3A_90 = arith.constant 0 : i32
      %dma_wait3A_91 = tpu.memref_slice %arg5[%run_scoped3A_28, %dma_wait3A_90] : memref<8x128xi32, #tpu.memory_space<vmem>> -> memref<1x128xi32, #tpu.memory_space<vmem>>
      %dma_wait3A_92 = tpu.memref_squeeze %dma_wait3A_91 : memref<1x128xi32, #tpu.memory_space<vmem>> -> memref<128xi32, #tpu.memory_space<vmem>>
      %dma_wait3A_93 = arith.constant 0 : i32
      %dma_wait3A_94 = arith.constant 0 : i32
      %dma_wait3A_95 = tpu.memref_slice %arg7[%dma_wait3A_93, %dma_wait3A_94] : memref<10240x64xf32, #tpu.memory_space<vmem_shared>> -> memref<10240x64xf32, #tpu.memory_space<vmem_shared>>
      tpu.wait_indirect_dma semaphore(%run_scoped3A_79 : memref<!tpu.dma_semaphore, #tpu.memory_space<semaphore_mem>>) src(%dma_wait3A_89 : memref<128x64xf32, #tpu.memory_space<vmem>>) dst(%dma_wait3A_95 : memref<10240x64xf32, #tpu.memory_space<vmem_shared>>)
      tpu.yield
    }) : () -> ()
    %run_scoped3A_29 = arith.constant 2 : i32
    "tpu.region"() ({
      %run_scoped3A_79 = tpu.sem_alloc : memref<!tpu.dma_semaphore, #tpu.memory_space<semaphore_mem>>
      %dma_start3A = arith.constant 256 : i32
      %dma_start3A_80 = arith.constant 0 : i32
      %dma_start3A_81 = tpu.memref_slice %arg6[%dma_start3A, %dma_start3A_80] : memref<1024x64xf32, #tpu.memory_space<vmem>> -> memref<128x64xf32, #tpu.memory_space<vmem>>
      %dma_start3A_82 = arith.constant 0 : i32
      %dma_start3A_83 = tpu.memref_slice %arg5[%run_scoped3A_29, %dma_start3A_82] : memref<8x128xi32, #tpu.memory_space<vmem>> -> memref<1x128xi32, #tpu.memory_space<vmem>>
      %dma_start3A_84 = tpu.memref_squeeze %dma_start3A_83 : memref<1x128xi32, #tpu.memory_space<vmem>> -> memref<128xi32, #tpu.memory_space<vmem>>
      %dma_start3A_85 = arith.constant 0 : i32
      %dma_start3A_86 = arith.constant 0 : i32
      %dma_start3A_87 = tpu.memref_slice %arg7[%dma_start3A_85, %dma_start3A_86] : memref<10240x64xf32, #tpu.memory_space<vmem_shared>> -> memref<10240x64xf32, #tpu.memory_space<vmem_shared>>
      tpu.enqueue_indirect_dma source(%dma_start3A_81 : memref<128x64xf32, #tpu.memory_space<vmem>>) target(%dma_start3A_87 : memref<10240x64xf32, #tpu.memory_space<vmem_shared>>) offsets(%dma_start3A_84 : memref<128xi32, #tpu.memory_space<vmem>>) semaphore(%run_scoped3A_79 : memref<!tpu.dma_semaphore, #tpu.memory_space<semaphore_mem>>) {add = true}
      %dma_wait3A = arith.constant 256 : i32
      %dma_wait3A_88 = arith.constant 0 : i32
      %dma_wait3A_89 = tpu.memref_slice %arg6[%dma_wait3A, %dma_wait3A_88] : memref<1024x64xf32, #tpu.memory_space<vmem>> -> memref<128x64xf32, #tpu.memory_space<vmem>>
      %dma_wait3A_90 = arith.constant 0 : i32
      %dma_wait3A_91 = tpu.memref_slice %arg5[%run_scoped3A_29, %dma_wait3A_90] : memref<8x128xi32, #tpu.memory_space<vmem>> -> memref<1x128xi32, #tpu.memory_space<vmem>>
      %dma_wait3A_92 = tpu.memref_squeeze %dma_wait3A_91 : memref<1x128xi32, #tpu.memory_space<vmem>> -> memref<128xi32, #tpu.memory_space<vmem>>
      %dma_wait3A_93 = arith.constant 0 : i32
      %dma_wait3A_94 = arith.constant 0 : i32
      %dma_wait3A_95 = tpu.memref_slice %arg7[%dma_wait3A_93, %dma_wait3A_94] : memref<10240x64xf32, #tpu.memory_space<vmem_shared>> -> memref<10240x64xf32, #tpu.memory_space<vmem_shared>>
      tpu.wait_indirect_dma semaphore(%run_scoped3A_79 : memref<!tpu.dma_semaphore, #tpu.memory_space<semaphore_mem>>) src(%dma_wait3A_89 : memref<128x64xf32, #tpu.memory_space<vmem>>) dst(%dma_wait3A_95 : memref<10240x64xf32, #tpu.memory_space<vmem_shared>>)
      tpu.yield
    }) : () -> ()
    %run_scoped3A_30 = arith.constant 3 : i32
    "tpu.region"() ({
      %run_scoped3A_79 = tpu.sem_alloc : memref<!tpu.dma_semaphore, #tpu.memory_space<semaphore_mem>>
      %dma_start3A = arith.constant 384 : i32
      %dma_start3A_80 = arith.constant 0 : i32
      %dma_start3A_81 = tpu.memref_slice %arg6[%dma_start3A, %dma_start3A_80] : memref<1024x64xf32, #tpu.memory_space<vmem>> -> memref<128x64xf32, #tpu.memory_space<vmem>>
      %dma_start3A_82 = arith.constant 0 : i32
      %dma_start3A_83 = tpu.memref_slice %arg5[%run_scoped3A_30, %dma_start3A_82] : memref<8x128xi32, #tpu.memory_space<vmem>> -> memref<1x128xi32, #tpu.memory_space<vmem>>
      %dma_start3A_84 = tpu.memref_squeeze %dma_start3A_83 : memref<1x128xi32, #tpu.memory_space<vmem>> -> memref<128xi32, #tpu.memory_space<vmem>>
      %dma_start3A_85 = arith.constant 0 : i32
      %dma_start3A_86 = arith.constant 0 : i32
      %dma_start3A_87 = tpu.memref_slice %arg7[%dma_start3A_85, %dma_start3A_86] : memref<10240x64xf32, #tpu.memory_space<vmem_shared>> -> memref<10240x64xf32, #tpu.memory_space<vmem_shared>>
      tpu.enqueue_indirect_dma source(%dma_start3A_81 : memref<128x64xf32, #tpu.memory_space<vmem>>) target(%dma_start3A_87 : memref<10240x64xf32, #tpu.memory_space<vmem_shared>>) offsets(%dma_start3A_84 : memref<128xi32, #tpu.memory_space<vmem>>) semaphore(%run_scoped3A_79 : memref<!tpu.dma_semaphore, #tpu.memory_space<semaphore_mem>>) {add = true}
      %dma_wait3A = arith.constant 384 : i32
      %dma_wait3A_88 = arith.constant 0 : i32
      %dma_wait3A_89 = tpu.memref_slice %arg6[%dma_wait3A, %dma_wait3A_88] : memref<1024x64xf32, #tpu.memory_space<vmem>> -> memref<128x64xf32, #tpu.memory_space<vmem>>
      %dma_wait3A_90 = arith.constant 0 : i32
      %dma_wait3A_91 = tpu.memref_slice %arg5[%run_scoped3A_30, %dma_wait3A_90] : memref<8x128xi32, #tpu.memory_space<vmem>> -> memref<1x128xi32, #tpu.memory_space<vmem>>
      %dma_wait3A_92 = tpu.memref_squeeze %dma_wait3A_91 : memref<1x128xi32, #tpu.memory_space<vmem>> -> memref<128xi32, #tpu.memory_space<vmem>>
      %dma_wait3A_93 = arith.constant 0 : i32
      %dma_wait3A_94 = arith.constant 0 : i32
      %dma_wait3A_95 = tpu.memref_slice %arg7[%dma_wait3A_93, %dma_wait3A_94] : memref<10240x64xf32, #tpu.memory_space<vmem_shared>> -> memref<10240x64xf32, #tpu.memory_space<vmem_shared>>
      tpu.wait_indirect_dma semaphore(%run_scoped3A_79 : memref<!tpu.dma_semaphore, #tpu.memory_space<semaphore_mem>>) src(%dma_wait3A_89 : memref<128x64xf32, #tpu.memory_space<vmem>>) dst(%dma_wait3A_95 : memref<10240x64xf32, #tpu.memory_space<vmem_shared>>)
      tpu.yield
    }) : () -> ()
    %run_scoped3A_31 = arith.constant 4 : i32
    "tpu.region"() ({
      %run_scoped3A_79 = tpu.sem_alloc : memref<!tpu.dma_semaphore, #tpu.memory_space<semaphore_mem>>
      %dma_start3A = arith.constant 512 : i32
      %dma_start3A_80 = arith.constant 0 : i32
      %dma_start3A_81 = tpu.memref_slice %arg6[%dma_start3A, %dma_start3A_80] : memref<1024x64xf32, #tpu.memory_space<vmem>> -> memref<128x64xf32, #tpu.memory_space<vmem>>
      %dma_start3A_82 = arith.constant 0 : i32
      %dma_start3A_83 = tpu.memref_slice %arg5[%run_scoped3A_31, %dma_start3A_82] : memref<8x128xi32, #tpu.memory_space<vmem>> -> memref<1x128xi32, #tpu.memory_space<vmem>>
      %dma_start3A_84 = tpu.memref_squeeze %dma_start3A_83 : memref<1x128xi32, #tpu.memory_space<vmem>> -> memref<128xi32, #tpu.memory_space<vmem>>
      %dma_start3A_85 = arith.constant 0 : i32
      %dma_start3A_86 = arith.constant 0 : i32
      %dma_start3A_87 = tpu.memref_slice %arg7[%dma_start3A_85, %dma_start3A_86] : memref<10240x64xf32, #tpu.memory_space<vmem_shared>> -> memref<10240x64xf32, #tpu.memory_space<vmem_shared>>
      tpu.enqueue_indirect_dma source(%dma_start3A_81 : memref<128x64xf32, #tpu.memory_space<vmem>>) target(%dma_start3A_87 : memref<10240x64xf32, #tpu.memory_space<vmem_shared>>) offsets(%dma_start3A_84 : memref<128xi32, #tpu.memory_space<vmem>>) semaphore(%run_scoped3A_79 : memref<!tpu.dma_semaphore, #tpu.memory_space<semaphore_mem>>) {add = true}
      %dma_wait3A = arith.constant 512 : i32
      %dma_wait3A_88 = arith.constant 0 : i32
      %dma_wait3A_89 = tpu.memref_slice %arg6[%dma_wait3A, %dma_wait3A_88] : memref<1024x64xf32, #tpu.memory_space<vmem>> -> memref<128x64xf32, #tpu.memory_space<vmem>>
      %dma_wait3A_90 = arith.constant 0 : i32
      %dma_wait3A_91 = tpu.memref_slice %arg5[%run_scoped3A_31, %dma_wait3A_90] : memref<8x128xi32, #tpu.memory_space<vmem>> -> memref<1x128xi32, #tpu.memory_space<vmem>>
      %dma_wait3A_92 = tpu.memref_squeeze %dma_wait3A_91 : memref<1x128xi32, #tpu.memory_space<vmem>> -> memref<128xi32, #tpu.memory_space<vmem>>
      %dma_wait3A_93 = arith.constant 0 : i32
      %dma_wait3A_94 = arith.constant 0 : i32
      %dma_wait3A_95 = tpu.memref_slice %arg7[%dma_wait3A_93, %dma_wait3A_94] : memref<10240x64xf32, #tpu.memory_space<vmem_shared>> -> memref<10240x64xf32, #tpu.memory_space<vmem_shared>>
      tpu.wait_indirect_dma semaphore(%run_scoped3A_79 : memref<!tpu.dma_semaphore, #tpu.memory_space<semaphore_mem>>) src(%dma_wait3A_89 : memref<128x64xf32, #tpu.memory_space<vmem>>) dst(%dma_wait3A_95 : memref<10240x64xf32, #tpu.memory_space<vmem_shared>>)
      tpu.yield
    }) : () -> ()
    %run_scoped3A_32 = arith.constant 5 : i32
    "tpu.region"() ({
      %run_scoped3A_79 = tpu.sem_alloc : memref<!tpu.dma_semaphore, #tpu.memory_space<semaphore_mem>>
      %dma_start3A = arith.constant 640 : i32
      %dma_start3A_80 = arith.constant 0 : i32
      %dma_start3A_81 = tpu.memref_slice %arg6[%dma_start3A, %dma_start3A_80] : memref<1024x64xf32, #tpu.memory_space<vmem>> -> memref<128x64xf32, #tpu.memory_space<vmem>>
      %dma_start3A_82 = arith.constant 0 : i32
      %dma_start3A_83 = tpu.memref_slice %arg5[%run_scoped3A_32, %dma_start3A_82] : memref<8x128xi32, #tpu.memory_space<vmem>> -> memref<1x128xi32, #tpu.memory_space<vmem>>
      %dma_start3A_84 = tpu.memref_squeeze %dma_start3A_83 : memref<1x128xi32, #tpu.memory_space<vmem>> -> memref<128xi32, #tpu.memory_space<vmem>>
      %dma_start3A_85 = arith.constant 0 : i32
      %dma_start3A_86 = arith.constant 0 : i32
      %dma_start3A_87 = tpu.memref_slice %arg7[%dma_start3A_85, %dma_start3A_86] : memref<10240x64xf32, #tpu.memory_space<vmem_shared>> -> memref<10240x64xf32, #tpu.memory_space<vmem_shared>>
      tpu.enqueue_indirect_dma source(%dma_start3A_81 : memref<128x64xf32, #tpu.memory_space<vmem>>) target(%dma_start3A_87 : memref<10240x64xf32, #tpu.memory_space<vmem_shared>>) offsets(%dma_start3A_84 : memref<128xi32, #tpu.memory_space<vmem>>) semaphore(%run_scoped3A_79 : memref<!tpu.dma_semaphore, #tpu.memory_space<semaphore_mem>>) {add = true}
      %dma_wait3A = arith.constant 640 : i32
      %dma_wait3A_88 = arith.constant 0 : i32
      %dma_wait3A_89 = tpu.memref_slice %arg6[%dma_wait3A, %dma_wait3A_88] : memref<1024x64xf32, #tpu.memory_space<vmem>> -> memref<128x64xf32, #tpu.memory_space<vmem>>
      %dma_wait3A_90 = arith.constant 0 : i32
      %dma_wait3A_91 = tpu.memref_slice %arg5[%run_scoped3A_32, %dma_wait3A_90] : memref<8x128xi32, #tpu.memory_space<vmem>> -> memref<1x128xi32, #tpu.memory_space<vmem>>
      %dma_wait3A_92 = tpu.memref_squeeze %dma_wait3A_91 : memref<1x128xi32, #tpu.memory_space<vmem>> -> memref<128xi32, #tpu.memory_space<vmem>>
      %dma_wait3A_93 = arith.constant 0 : i32
      %dma_wait3A_94 = arith.constant 0 : i32
      %dma_wait3A_95 = tpu.memref_slice %arg7[%dma_wait3A_93, %dma_wait3A_94] : memref<10240x64xf32, #tpu.memory_space<vmem_shared>> -> memref<10240x64xf32, #tpu.memory_space<vmem_shared>>
      tpu.wait_indirect_dma semaphore(%run_scoped3A_79 : memref<!tpu.dma_semaphore, #tpu.memory_space<semaphore_mem>>) src(%dma_wait3A_89 : memref<128x64xf32, #tpu.memory_space<vmem>>) dst(%dma_wait3A_95 : memref<10240x64xf32, #tpu.memory_space<vmem_shared>>)
      tpu.yield
    }) : () -> ()
    %run_scoped3A_33 = arith.constant 6 : i32
    "tpu.region"() ({
      %run_scoped3A_79 = tpu.sem_alloc : memref<!tpu.dma_semaphore, #tpu.memory_space<semaphore_mem>>
      %dma_start3A = arith.constant 768 : i32
      %dma_start3A_80 = arith.constant 0 : i32
      %dma_start3A_81 = tpu.memref_slice %arg6[%dma_start3A, %dma_start3A_80] : memref<1024x64xf32, #tpu.memory_space<vmem>> -> memref<128x64xf32, #tpu.memory_space<vmem>>
      %dma_start3A_82 = arith.constant 0 : i32
      %dma_start3A_83 = tpu.memref_slice %arg5[%run_scoped3A_33, %dma_start3A_82] : memref<8x128xi32, #tpu.memory_space<vmem>> -> memref<1x128xi32, #tpu.memory_space<vmem>>
      %dma_start3A_84 = tpu.memref_squeeze %dma_start3A_83 : memref<1x128xi32, #tpu.memory_space<vmem>> -> memref<128xi32, #tpu.memory_space<vmem>>
      %dma_start3A_85 = arith.constant 0 : i32
      %dma_start3A_86 = arith.constant 0 : i32
      %dma_start3A_87 = tpu.memref_slice %arg7[%dma_start3A_85, %dma_start3A_86] : memref<10240x64xf32, #tpu.memory_space<vmem_shared>> -> memref<10240x64xf32, #tpu.memory_space<vmem_shared>>
      tpu.enqueue_indirect_dma source(%dma_start3A_81 : memref<128x64xf32, #tpu.memory_space<vmem>>) target(%dma_start3A_87 : memref<10240x64xf32, #tpu.memory_space<vmem_shared>>) offsets(%dma_start3A_84 : memref<128xi32, #tpu.memory_space<vmem>>) semaphore(%run_scoped3A_79 : memref<!tpu.dma_semaphore, #tpu.memory_space<semaphore_mem>>) {add = true}
      %dma_wait3A = arith.constant 768 : i32
      %dma_wait3A_88 = arith.constant 0 : i32
      %dma_wait3A_89 = tpu.memref_slice %arg6[%dma_wait3A, %dma_wait3A_88] : memref<1024x64xf32, #tpu.memory_space<vmem>> -> memref<128x64xf32, #tpu.memory_space<vmem>>
      %dma_wait3A_90 = arith.constant 0 : i32
      %dma_wait3A_91 = tpu.memref_slice %arg5[%run_scoped3A_33, %dma_wait3A_90] : memref<8x128xi32, #tpu.memory_space<vmem>> -> memref<1x128xi32, #tpu.memory_space<vmem>>
      %dma_wait3A_92 = tpu.memref_squeeze %dma_wait3A_91 : memref<1x128xi32, #tpu.memory_space<vmem>> -> memref<128xi32, #tpu.memory_space<vmem>>
      %dma_wait3A_93 = arith.constant 0 : i32
      %dma_wait3A_94 = arith.constant 0 : i32
      %dma_wait3A_95 = tpu.memref_slice %arg7[%dma_wait3A_93, %dma_wait3A_94] : memref<10240x64xf32, #tpu.memory_space<vmem_shared>> -> memref<10240x64xf32, #tpu.memory_space<vmem_shared>>
      tpu.wait_indirect_dma semaphore(%run_scoped3A_79 : memref<!tpu.dma_semaphore, #tpu.memory_space<semaphore_mem>>) src(%dma_wait3A_89 : memref<128x64xf32, #tpu.memory_space<vmem>>) dst(%dma_wait3A_95 : memref<10240x64xf32, #tpu.memory_space<vmem_shared>>)
      tpu.yield
    }) : () -> ()
    %run_scoped3A_34 = arith.constant 7 : i32
    "tpu.region"() ({
      %run_scoped3A_79 = tpu.sem_alloc : memref<!tpu.dma_semaphore, #tpu.memory_space<semaphore_mem>>
      %dma_start3A = arith.constant 896 : i32
      %dma_start3A_80 = arith.constant 0 : i32
      %dma_start3A_81 = tpu.memref_slice %arg6[%dma_start3A, %dma_start3A_80] : memref<1024x64xf32, #tpu.memory_space<vmem>> -> memref<128x64xf32, #tpu.memory_space<vmem>>
      %dma_start3A_82 = arith.constant 0 : i32
      %dma_start3A_83 = tpu.memref_slice %arg5[%run_scoped3A_34, %dma_start3A_82] : memref<8x128xi32, #tpu.memory_space<vmem>> -> memref<1x128xi32, #tpu.memory_space<vmem>>
      %dma_start3A_84 = tpu.memref_squeeze %dma_start3A_83 : memref<1x128xi32, #tpu.memory_space<vmem>> -> memref<128xi32, #tpu.memory_space<vmem>>
      %dma_start3A_85 = arith.constant 0 : i32
      %dma_start3A_86 = arith.constant 0 : i32
      %dma_start3A_87 = tpu.memref_slice %arg7[%dma_start3A_85, %dma_start3A_86] : memref<10240x64xf32, #tpu.memory_space<vmem_shared>> -> memref<10240x64xf32, #tpu.memory_space<vmem_shared>>
      tpu.enqueue_indirect_dma source(%dma_start3A_81 : memref<128x64xf32, #tpu.memory_space<vmem>>) target(%dma_start3A_87 : memref<10240x64xf32, #tpu.memory_space<vmem_shared>>) offsets(%dma_start3A_84 : memref<128xi32, #tpu.memory_space<vmem>>) semaphore(%run_scoped3A_79 : memref<!tpu.dma_semaphore, #tpu.memory_space<semaphore_mem>>) {add = true}
      %dma_wait3A = arith.constant 896 : i32
      %dma_wait3A_88 = arith.constant 0 : i32
      %dma_wait3A_89 = tpu.memref_slice %arg6[%dma_wait3A, %dma_wait3A_88] : memref<1024x64xf32, #tpu.memory_space<vmem>> -> memref<128x64xf32, #tpu.memory_space<vmem>>
      %dma_wait3A_90 = arith.constant 0 : i32
      %dma_wait3A_91 = tpu.memref_slice %arg5[%run_scoped3A_34, %dma_wait3A_90] : memref<8x128xi32, #tpu.memory_space<vmem>> -> memref<1x128xi32, #tpu.memory_space<vmem>>
      %dma_wait3A_92 = tpu.memref_squeeze %dma_wait3A_91 : memref<1x128xi32, #tpu.memory_space<vmem>> -> memref<128xi32, #tpu.memory_space<vmem>>
      %dma_wait3A_93 = arith.constant 0 : i32
      %dma_wait3A_94 = arith.constant 0 : i32
      %dma_wait3A_95 = tpu.memref_slice %arg7[%dma_wait3A_93, %dma_wait3A_94] : memref<10240x64xf32, #tpu.memory_space<vmem_shared>> -> memref<10240x64xf32, #tpu.memory_space<vmem_shared>>
      tpu.wait_indirect_dma semaphore(%run_scoped3A_79 : memref<!tpu.dma_semaphore, #tpu.memory_space<semaphore_mem>>) src(%dma_wait3A_89 : memref<128x64xf32, #tpu.memory_space<vmem>>) dst(%dma_wait3A_95 : memref<10240x64xf32, #tpu.memory_space<vmem_shared>>)
      tpu.yield
    }) : () -> ()
    %add3A_35 = arith.constant 16 : i32
    %add3A_36 = arith.addi %mul3A_9, %add3A_35 : i32
    "tpu.region"() ({
      %run_scoped3A_79 = tpu.sem_alloc : memref<!tpu.dma_semaphore, #tpu.memory_space<semaphore_mem>>
      %dma_start3A = arith.constant 0 : i32
      %dma_start3A_80 = tpu.memref_slice %arg3[%add3A_36, %dma_start3A] : memref<1280x128xi32, #tpu.memory_space<hbm>> -> memref<8x128xi32, #tpu.memory_space<hbm>>
      %dma_start3A_81 = arith.constant 0 : i32
      %dma_start3A_82 = tpu.memref_slice %arg3[%add3A_36, %dma_start3A_81] : memref<1280x128xi32, #tpu.memory_space<hbm>> -> memref<8x128xi32, #tpu.memory_space<hbm>>
      tpu.enqueue_dma source(%dma_start3A_82 : memref<8x128xi32, #tpu.memory_space<hbm>>) target(%arg5 : memref<8x128xi32, #tpu.memory_space<vmem>>) target_semaphore(%run_scoped3A_79 : memref<!tpu.dma_semaphore, #tpu.memory_space<semaphore_mem>>)
      %dma_wait3A = arith.constant 0 : i32
      %dma_wait3A_83 = tpu.memref_slice %arg3[%add3A_36, %dma_wait3A] : memref<1280x128xi32, #tpu.memory_space<hbm>> -> memref<8x128xi32, #tpu.memory_space<hbm>>
      %dma_wait3A_84 = arith.constant 0 : i32
      %dma_wait3A_85 = tpu.memref_slice %arg3[%add3A_36, %dma_wait3A_84] : memref<1280x128xi32, #tpu.memory_space<hbm>> -> memref<8x128xi32, #tpu.memory_space<hbm>>
      tpu.wait_dma2 semaphore(%run_scoped3A_79 : memref<!tpu.dma_semaphore, #tpu.memory_space<semaphore_mem>>) src(%dma_wait3A_85 : memref<8x128xi32, #tpu.memory_space<hbm>>) dst(%arg5 : memref<8x128xi32, #tpu.memory_space<vmem>>)
      tpu.yield
    }) : () -> ()
    %add3A_37 = arith.constant 2048 : i32
    %add3A_38 = arith.addi %mul3A_11, %add3A_37 : i32
    "tpu.region"() ({
      %run_scoped3A_79 = tpu.sem_alloc : memref<!tpu.dma_semaphore, #tpu.memory_space<semaphore_mem>>
      %dma_start3A = arith.constant 0 : i32
      %dma_start3A_80 = tpu.memref_slice %arg2[%add3A_38, %dma_start3A] : memref<163840x128xf32, #tpu.memory_space<hbm>> -> memref<1024x64xf32, #tpu.memory_space<hbm>>
      %dma_start3A_81 = arith.constant 0 : i32
      %dma_start3A_82 = tpu.memref_slice %arg2[%add3A_38, %dma_start3A_81] : memref<163840x128xf32, #tpu.memory_space<hbm>> -> memref<1024x64xf32, #tpu.memory_space<hbm>>
      tpu.enqueue_dma source(%dma_start3A_82 : memref<1024x64xf32, #tpu.memory_space<hbm>>) target(%arg6 : memref<1024x64xf32, #tpu.memory_space<vmem>>) target_semaphore(%run_scoped3A_79 : memref<!tpu.dma_semaphore, #tpu.memory_space<semaphore_mem>>)
      %dma_wait3A = arith.constant 0 : i32
      %dma_wait3A_83 = tpu.memref_slice %arg2[%add3A_38, %dma_wait3A] : memref<163840x128xf32, #tpu.memory_space<hbm>> -> memref<1024x64xf32, #tpu.memory_space<hbm>>
      %dma_wait3A_84 = arith.constant 0 : i32
      %dma_wait3A_85 = tpu.memref_slice %arg2[%add3A_38, %dma_wait3A_84] : memref<163840x128xf32, #tpu.memory_space<hbm>> -> memref<1024x64xf32, #tpu.memory_space<hbm>>
      tpu.wait_dma2 semaphore(%run_scoped3A_79 : memref<!tpu.dma_semaphore, #tpu.memory_space<semaphore_mem>>) src(%dma_wait3A_85 : memref<1024x64xf32, #tpu.memory_space<hbm>>) dst(%arg6 : memref<1024x64xf32, #tpu.memory_space<vmem>>)
      tpu.yield
    }) : () -> ()
    %run_scoped3A_39 = arith.constant 0 : i32
    "tpu.region"() ({
      %run_scoped3A_79 = tpu.sem_alloc : memref<!tpu.dma_semaphore, #tpu.memory_space<semaphore_mem>>
      %dma_start3A = arith.constant 0 : i32
      %dma_start3A_80 = arith.constant 0 : i32
      %dma_start3A_81 = tpu.memref_slice %arg6[%dma_start3A, %dma_start3A_80] : memref<1024x64xf32, #tpu.memory_space<vmem>> -> memref<128x64xf32, #tpu.memory_space<vmem>>
      %dma_start3A_82 = arith.constant 0 : i32
      %dma_start3A_83 = tpu.memref_slice %arg5[%run_scoped3A_39, %dma_start3A_82] : memref<8x128xi32, #tpu.memory_space<vmem>> -> memref<1x128xi32, #tpu.memory_space<vmem>>
      %dma_start3A_84 = tpu.memref_squeeze %dma_start3A_83 : memref<1x128xi32, #tpu.memory_space<vmem>> -> memref<128xi32, #tpu.memory_space<vmem>>
      %dma_start3A_85 = arith.constant 0 : i32
      %dma_start3A_86 = arith.constant 0 : i32
      %dma_start3A_87 = tpu.memref_slice %arg7[%dma_start3A_85, %dma_start3A_86] : memref<10240x64xf32, #tpu.memory_space<vmem_shared>> -> memref<10240x64xf32, #tpu.memory_space<vmem_shared>>
      tpu.enqueue_indirect_dma source(%dma_start3A_81 : memref<128x64xf32, #tpu.memory_space<vmem>>) target(%dma_start3A_87 : memref<10240x64xf32, #tpu.memory_space<vmem_shared>>) offsets(%dma_start3A_84 : memref<128xi32, #tpu.memory_space<vmem>>) semaphore(%run_scoped3A_79 : memref<!tpu.dma_semaphore, #tpu.memory_space<semaphore_mem>>) {add = true}
      %dma_wait3A = arith.constant 0 : i32
      %dma_wait3A_88 = arith.constant 0 : i32
      %dma_wait3A_89 = tpu.memref_slice %arg6[%dma_wait3A, %dma_wait3A_88] : memref<1024x64xf32, #tpu.memory_space<vmem>> -> memref<128x64xf32, #tpu.memory_space<vmem>>
      %dma_wait3A_90 = arith.constant 0 : i32
      %dma_wait3A_91 = tpu.memref_slice %arg5[%run_scoped3A_39, %dma_wait3A_90] : memref<8x128xi32, #tpu.memory_space<vmem>> -> memref<1x128xi32, #tpu.memory_space<vmem>>
      %dma_wait3A_92 = tpu.memref_squeeze %dma_wait3A_91 : memref<1x128xi32, #tpu.memory_space<vmem>> -> memref<128xi32, #tpu.memory_space<vmem>>
      %dma_wait3A_93 = arith.constant 0 : i32
      %dma_wait3A_94 = arith.constant 0 : i32
      %dma_wait3A_95 = tpu.memref_slice %arg7[%dma_wait3A_93, %dma_wait3A_94] : memref<10240x64xf32, #tpu.memory_space<vmem_shared>> -> memref<10240x64xf32, #tpu.memory_space<vmem_shared>>
      tpu.wait_indirect_dma semaphore(%run_scoped3A_79 : memref<!tpu.dma_semaphore, #tpu.memory_space<semaphore_mem>>) src(%dma_wait3A_89 : memref<128x64xf32, #tpu.memory_space<vmem>>) dst(%dma_wait3A_95 : memref<10240x64xf32, #tpu.memory_space<vmem_shared>>)
      tpu.yield
    }) : () -> ()
    %run_scoped3A_40 = arith.constant 1 : i32
    "tpu.region"() ({
      %run_scoped3A_79 = tpu.sem_alloc : memref<!tpu.dma_semaphore, #tpu.memory_space<semaphore_mem>>
      %dma_start3A = arith.constant 128 : i32
      %dma_start3A_80 = arith.constant 0 : i32
      %dma_start3A_81 = tpu.memref_slice %arg6[%dma_start3A, %dma_start3A_80] : memref<1024x64xf32, #tpu.memory_space<vmem>> -> memref<128x64xf32, #tpu.memory_space<vmem>>
      %dma_start3A_82 = arith.constant 0 : i32
      %dma_start3A_83 = tpu.memref_slice %arg5[%run_scoped3A_40, %dma_start3A_82] : memref<8x128xi32, #tpu.memory_space<vmem>> -> memref<1x128xi32, #tpu.memory_space<vmem>>
      %dma_start3A_84 = tpu.memref_squeeze %dma_start3A_83 : memref<1x128xi32, #tpu.memory_space<vmem>> -> memref<128xi32, #tpu.memory_space<vmem>>
      %dma_start3A_85 = arith.constant 0 : i32
      %dma_start3A_86 = arith.constant 0 : i32
      %dma_start3A_87 = tpu.memref_slice %arg7[%dma_start3A_85, %dma_start3A_86] : memref<10240x64xf32, #tpu.memory_space<vmem_shared>> -> memref<10240x64xf32, #tpu.memory_space<vmem_shared>>
      tpu.enqueue_indirect_dma source(%dma_start3A_81 : memref<128x64xf32, #tpu.memory_space<vmem>>) target(%dma_start3A_87 : memref<10240x64xf32, #tpu.memory_space<vmem_shared>>) offsets(%dma_start3A_84 : memref<128xi32, #tpu.memory_space<vmem>>) semaphore(%run_scoped3A_79 : memref<!tpu.dma_semaphore, #tpu.memory_space<semaphore_mem>>) {add = true}
      %dma_wait3A = arith.constant 128 : i32
      %dma_wait3A_88 = arith.constant 0 : i32
      %dma_wait3A_89 = tpu.memref_slice %arg6[%dma_wait3A, %dma_wait3A_88] : memref<1024x64xf32, #tpu.memory_space<vmem>> -> memref<128x64xf32, #tpu.memory_space<vmem>>
      %dma_wait3A_90 = arith.constant 0 : i32
      %dma_wait3A_91 = tpu.memref_slice %arg5[%run_scoped3A_40, %dma_wait3A_90] : memref<8x128xi32, #tpu.memory_space<vmem>> -> memref<1x128xi32, #tpu.memory_space<vmem>>
      %dma_wait3A_92 = tpu.memref_squeeze %dma_wait3A_91 : memref<1x128xi32, #tpu.memory_space<vmem>> -> memref<128xi32, #tpu.memory_space<vmem>>
      %dma_wait3A_93 = arith.constant 0 : i32
      %dma_wait3A_94 = arith.constant 0 : i32
      %dma_wait3A_95 = tpu.memref_slice %arg7[%dma_wait3A_93, %dma_wait3A_94] : memref<10240x64xf32, #tpu.memory_space<vmem_shared>> -> memref<10240x64xf32, #tpu.memory_space<vmem_shared>>
      tpu.wait_indirect_dma semaphore(%run_scoped3A_79 : memref<!tpu.dma_semaphore, #tpu.memory_space<semaphore_mem>>) src(%dma_wait3A_89 : memref<128x64xf32, #tpu.memory_space<vmem>>) dst(%dma_wait3A_95 : memref<10240x64xf32, #tpu.memory_space<vmem_shared>>)
      tpu.yield
    }) : () -> ()
    %run_scoped3A_41 = arith.constant 2 : i32
    "tpu.region"() ({
      %run_scoped3A_79 = tpu.sem_alloc : memref<!tpu.dma_semaphore, #tpu.memory_space<semaphore_mem>>
      %dma_start3A = arith.constant 256 : i32
      %dma_start3A_80 = arith.constant 0 : i32
      %dma_start3A_81 = tpu.memref_slice %arg6[%dma_start3A, %dma_start3A_80] : memref<1024x64xf32, #tpu.memory_space<vmem>> -> memref<128x64xf32, #tpu.memory_space<vmem>>
      %dma_start3A_82 = arith.constant 0 : i32
      %dma_start3A_83 = tpu.memref_slice %arg5[%run_scoped3A_41, %dma_start3A_82] : memref<8x128xi32, #tpu.memory_space<vmem>> -> memref<1x128xi32, #tpu.memory_space<vmem>>
      %dma_start3A_84 = tpu.memref_squeeze %dma_start3A_83 : memref<1x128xi32, #tpu.memory_space<vmem>> -> memref<128xi32, #tpu.memory_space<vmem>>
      %dma_start3A_85 = arith.constant 0 : i32
      %dma_start3A_86 = arith.constant 0 : i32
      %dma_start3A_87 = tpu.memref_slice %arg7[%dma_start3A_85, %dma_start3A_86] : memref<10240x64xf32, #tpu.memory_space<vmem_shared>> -> memref<10240x64xf32, #tpu.memory_space<vmem_shared>>
      tpu.enqueue_indirect_dma source(%dma_start3A_81 : memref<128x64xf32, #tpu.memory_space<vmem>>) target(%dma_start3A_87 : memref<10240x64xf32, #tpu.memory_space<vmem_shared>>) offsets(%dma_start3A_84 : memref<128xi32, #tpu.memory_space<vmem>>) semaphore(%run_scoped3A_79 : memref<!tpu.dma_semaphore, #tpu.memory_space<semaphore_mem>>) {add = true}
      %dma_wait3A = arith.constant 256 : i32
      %dma_wait3A_88 = arith.constant 0 : i32
      %dma_wait3A_89 = tpu.memref_slice %arg6[%dma_wait3A, %dma_wait3A_88] : memref<1024x64xf32, #tpu.memory_space<vmem>> -> memref<128x64xf32, #tpu.memory_space<vmem>>
      %dma_wait3A_90 = arith.constant 0 : i32
      %dma_wait3A_91 = tpu.memref_slice %arg5[%run_scoped3A_41, %dma_wait3A_90] : memref<8x128xi32, #tpu.memory_space<vmem>> -> memref<1x128xi32, #tpu.memory_space<vmem>>
      %dma_wait3A_92 = tpu.memref_squeeze %dma_wait3A_91 : memref<1x128xi32, #tpu.memory_space<vmem>> -> memref<128xi32, #tpu.memory_space<vmem>>
      %dma_wait3A_93 = arith.constant 0 : i32
      %dma_wait3A_94 = arith.constant 0 : i32
      %dma_wait3A_95 = tpu.memref_slice %arg7[%dma_wait3A_93, %dma_wait3A_94] : memref<10240x64xf32, #tpu.memory_space<vmem_shared>> -> memref<10240x64xf32, #tpu.memory_space<vmem_shared>>
      tpu.wait_indirect_dma semaphore(%run_scoped3A_79 : memref<!tpu.dma_semaphore, #tpu.memory_space<semaphore_mem>>) src(%dma_wait3A_89 : memref<128x64xf32, #tpu.memory_space<vmem>>) dst(%dma_wait3A_95 : memref<10240x64xf32, #tpu.memory_space<vmem_shared>>)
      tpu.yield
    }) : () -> ()
    %run_scoped3A_42 = arith.constant 3 : i32
    "tpu.region"() ({
      %run_scoped3A_79 = tpu.sem_alloc : memref<!tpu.dma_semaphore, #tpu.memory_space<semaphore_mem>>
      %dma_start3A = arith.constant 384 : i32
      %dma_start3A_80 = arith.constant 0 : i32
      %dma_start3A_81 = tpu.memref_slice %arg6[%dma_start3A, %dma_start3A_80] : memref<1024x64xf32, #tpu.memory_space<vmem>> -> memref<128x64xf32, #tpu.memory_space<vmem>>
      %dma_start3A_82 = arith.constant 0 : i32
      %dma_start3A_83 = tpu.memref_slice %arg5[%run_scoped3A_42, %dma_start3A_82] : memref<8x128xi32, #tpu.memory_space<vmem>> -> memref<1x128xi32, #tpu.memory_space<vmem>>
      %dma_start3A_84 = tpu.memref_squeeze %dma_start3A_83 : memref<1x128xi32, #tpu.memory_space<vmem>> -> memref<128xi32, #tpu.memory_space<vmem>>
      %dma_start3A_85 = arith.constant 0 : i32
      %dma_start3A_86 = arith.constant 0 : i32
      %dma_start3A_87 = tpu.memref_slice %arg7[%dma_start3A_85, %dma_start3A_86] : memref<10240x64xf32, #tpu.memory_space<vmem_shared>> -> memref<10240x64xf32, #tpu.memory_space<vmem_shared>>
      tpu.enqueue_indirect_dma source(%dma_start3A_81 : memref<128x64xf32, #tpu.memory_space<vmem>>) target(%dma_start3A_87 : memref<10240x64xf32, #tpu.memory_space<vmem_shared>>) offsets(%dma_start3A_84 : memref<128xi32, #tpu.memory_space<vmem>>) semaphore(%run_scoped3A_79 : memref<!tpu.dma_semaphore, #tpu.memory_space<semaphore_mem>>) {add = true}
      %dma_wait3A = arith.constant 384 : i32
      %dma_wait3A_88 = arith.constant 0 : i32
      %dma_wait3A_89 = tpu.memref_slice %arg6[%dma_wait3A, %dma_wait3A_88] : memref<1024x64xf32, #tpu.memory_space<vmem>> -> memref<128x64xf32, #tpu.memory_space<vmem>>
      %dma_wait3A_90 = arith.constant 0 : i32
      %dma_wait3A_91 = tpu.memref_slice %arg5[%run_scoped3A_42, %dma_wait3A_90] : memref<8x128xi32, #tpu.memory_space<vmem>> -> memref<1x128xi32, #tpu.memory_space<vmem>>
      %dma_wait3A_92 = tpu.memref_squeeze %dma_wait3A_91 : memref<1x128xi32, #tpu.memory_space<vmem>> -> memref<128xi32, #tpu.memory_space<vmem>>
      %dma_wait3A_93 = arith.constant 0 : i32
      %dma_wait3A_94 = arith.constant 0 : i32
      %dma_wait3A_95 = tpu.memref_slice %arg7[%dma_wait3A_93, %dma_wait3A_94] : memref<10240x64xf32, #tpu.memory_space<vmem_shared>> -> memref<10240x64xf32, #tpu.memory_space<vmem_shared>>
      tpu.wait_indirect_dma semaphore(%run_scoped3A_79 : memref<!tpu.dma_semaphore, #tpu.memory_space<semaphore_mem>>) src(%dma_wait3A_89 : memref<128x64xf32, #tpu.memory_space<vmem>>) dst(%dma_wait3A_95 : memref<10240x64xf32, #tpu.memory_space<vmem_shared>>)
      tpu.yield
    }) : () -> ()
    %run_scoped3A_43 = arith.constant 4 : i32
    "tpu.region"() ({
      %run_scoped3A_79 = tpu.sem_alloc : memref<!tpu.dma_semaphore, #tpu.memory_space<semaphore_mem>>
      %dma_start3A = arith.constant 512 : i32
      %dma_start3A_80 = arith.constant 0 : i32
      %dma_start3A_81 = tpu.memref_slice %arg6[%dma_start3A, %dma_start3A_80] : memref<1024x64xf32, #tpu.memory_space<vmem>> -> memref<128x64xf32, #tpu.memory_space<vmem>>
      %dma_start3A_82 = arith.constant 0 : i32
      %dma_start3A_83 = tpu.memref_slice %arg5[%run_scoped3A_43, %dma_start3A_82] : memref<8x128xi32, #tpu.memory_space<vmem>> -> memref<1x128xi32, #tpu.memory_space<vmem>>
      %dma_start3A_84 = tpu.memref_squeeze %dma_start3A_83 : memref<1x128xi32, #tpu.memory_space<vmem>> -> memref<128xi32, #tpu.memory_space<vmem>>
      %dma_start3A_85 = arith.constant 0 : i32
      %dma_start3A_86 = arith.constant 0 : i32
      %dma_start3A_87 = tpu.memref_slice %arg7[%dma_start3A_85, %dma_start3A_86] : memref<10240x64xf32, #tpu.memory_space<vmem_shared>> -> memref<10240x64xf32, #tpu.memory_space<vmem_shared>>
      tpu.enqueue_indirect_dma source(%dma_start3A_81 : memref<128x64xf32, #tpu.memory_space<vmem>>) target(%dma_start3A_87 : memref<10240x64xf32, #tpu.memory_space<vmem_shared>>) offsets(%dma_start3A_84 : memref<128xi32, #tpu.memory_space<vmem>>) semaphore(%run_scoped3A_79 : memref<!tpu.dma_semaphore, #tpu.memory_space<semaphore_mem>>) {add = true}
      %dma_wait3A = arith.constant 512 : i32
      %dma_wait3A_88 = arith.constant 0 : i32
      %dma_wait3A_89 = tpu.memref_slice %arg6[%dma_wait3A, %dma_wait3A_88] : memref<1024x64xf32, #tpu.memory_space<vmem>> -> memref<128x64xf32, #tpu.memory_space<vmem>>
      %dma_wait3A_90 = arith.constant 0 : i32
      %dma_wait3A_91 = tpu.memref_slice %arg5[%run_scoped3A_43, %dma_wait3A_90] : memref<8x128xi32, #tpu.memory_space<vmem>> -> memref<1x128xi32, #tpu.memory_space<vmem>>
      %dma_wait3A_92 = tpu.memref_squeeze %dma_wait3A_91 : memref<1x128xi32, #tpu.memory_space<vmem>> -> memref<128xi32, #tpu.memory_space<vmem>>
      %dma_wait3A_93 = arith.constant 0 : i32
      %dma_wait3A_94 = arith.constant 0 : i32
      %dma_wait3A_95 = tpu.memref_slice %arg7[%dma_wait3A_93, %dma_wait3A_94] : memref<10240x64xf32, #tpu.memory_space<vmem_shared>> -> memref<10240x64xf32, #tpu.memory_space<vmem_shared>>
      tpu.wait_indirect_dma semaphore(%run_scoped3A_79 : memref<!tpu.dma_semaphore, #tpu.memory_space<semaphore_mem>>) src(%dma_wait3A_89 : memref<128x64xf32, #tpu.memory_space<vmem>>) dst(%dma_wait3A_95 : memref<10240x64xf32, #tpu.memory_space<vmem_shared>>)
      tpu.yield
    }) : () -> ()
    %run_scoped3A_44 = arith.constant 5 : i32
    "tpu.region"() ({
      %run_scoped3A_79 = tpu.sem_alloc : memref<!tpu.dma_semaphore, #tpu.memory_space<semaphore_mem>>
      %dma_start3A = arith.constant 640 : i32
      %dma_start3A_80 = arith.constant 0 : i32
      %dma_start3A_81 = tpu.memref_slice %arg6[%dma_start3A, %dma_start3A_80] : memref<1024x64xf32, #tpu.memory_space<vmem>> -> memref<128x64xf32, #tpu.memory_space<vmem>>
      %dma_start3A_82 = arith.constant 0 : i32
      %dma_start3A_83 = tpu.memref_slice %arg5[%run_scoped3A_44, %dma_start3A_82] : memref<8x128xi32, #tpu.memory_space<vmem>> -> memref<1x128xi32, #tpu.memory_space<vmem>>
      %dma_start3A_84 = tpu.memref_squeeze %dma_start3A_83 : memref<1x128xi32, #tpu.memory_space<vmem>> -> memref<128xi32, #tpu.memory_space<vmem>>
      %dma_start3A_85 = arith.constant 0 : i32
      %dma_start3A_86 = arith.constant 0 : i32
      %dma_start3A_87 = tpu.memref_slice %arg7[%dma_start3A_85, %dma_start3A_86] : memref<10240x64xf32, #tpu.memory_space<vmem_shared>> -> memref<10240x64xf32, #tpu.memory_space<vmem_shared>>
      tpu.enqueue_indirect_dma source(%dma_start3A_81 : memref<128x64xf32, #tpu.memory_space<vmem>>) target(%dma_start3A_87 : memref<10240x64xf32, #tpu.memory_space<vmem_shared>>) offsets(%dma_start3A_84 : memref<128xi32, #tpu.memory_space<vmem>>) semaphore(%run_scoped3A_79 : memref<!tpu.dma_semaphore, #tpu.memory_space<semaphore_mem>>) {add = true}
      %dma_wait3A = arith.constant 640 : i32
      %dma_wait3A_88 = arith.constant 0 : i32
      %dma_wait3A_89 = tpu.memref_slice %arg6[%dma_wait3A, %dma_wait3A_88] : memref<1024x64xf32, #tpu.memory_space<vmem>> -> memref<128x64xf32, #tpu.memory_space<vmem>>
      %dma_wait3A_90 = arith.constant 0 : i32
      %dma_wait3A_91 = tpu.memref_slice %arg5[%run_scoped3A_44, %dma_wait3A_90] : memref<8x128xi32, #tpu.memory_space<vmem>> -> memref<1x128xi32, #tpu.memory_space<vmem>>
      %dma_wait3A_92 = tpu.memref_squeeze %dma_wait3A_91 : memref<1x128xi32, #tpu.memory_space<vmem>> -> memref<128xi32, #tpu.memory_space<vmem>>
      %dma_wait3A_93 = arith.constant 0 : i32
      %dma_wait3A_94 = arith.constant 0 : i32
      %dma_wait3A_95 = tpu.memref_slice %arg7[%dma_wait3A_93, %dma_wait3A_94] : memref<10240x64xf32, #tpu.memory_space<vmem_shared>> -> memref<10240x64xf32, #tpu.memory_space<vmem_shared>>
      tpu.wait_indirect_dma semaphore(%run_scoped3A_79 : memref<!tpu.dma_semaphore, #tpu.memory_space<semaphore_mem>>) src(%dma_wait3A_89 : memref<128x64xf32, #tpu.memory_space<vmem>>) dst(%dma_wait3A_95 : memref<10240x64xf32, #tpu.memory_space<vmem_shared>>)
      tpu.yield
    }) : () -> ()
    %run_scoped3A_45 = arith.constant 6 : i32
    "tpu.region"() ({
      %run_scoped3A_79 = tpu.sem_alloc : memref<!tpu.dma_semaphore, #tpu.memory_space<semaphore_mem>>
      %dma_start3A = arith.constant 768 : i32
      %dma_start3A_80 = arith.constant 0 : i32
      %dma_start3A_81 = tpu.memref_slice %arg6[%dma_start3A, %dma_start3A_80] : memref<1024x64xf32, #tpu.memory_space<vmem>> -> memref<128x64xf32, #tpu.memory_space<vmem>>
      %dma_start3A_82 = arith.constant 0 : i32
      %dma_start3A_83 = tpu.memref_slice %arg5[%run_scoped3A_45, %dma_start3A_82] : memref<8x128xi32, #tpu.memory_space<vmem>> -> memref<1x128xi32, #tpu.memory_space<vmem>>
      %dma_start3A_84 = tpu.memref_squeeze %dma_start3A_83 : memref<1x128xi32, #tpu.memory_space<vmem>> -> memref<128xi32, #tpu.memory_space<vmem>>
      %dma_start3A_85 = arith.constant 0 : i32
      %dma_start3A_86 = arith.constant 0 : i32
      %dma_start3A_87 = tpu.memref_slice %arg7[%dma_start3A_85, %dma_start3A_86] : memref<10240x64xf32, #tpu.memory_space<vmem_shared>> -> memref<10240x64xf32, #tpu.memory_space<vmem_shared>>
      tpu.enqueue_indirect_dma source(%dma_start3A_81 : memref<128x64xf32, #tpu.memory_space<vmem>>) target(%dma_start3A_87 : memref<10240x64xf32, #tpu.memory_space<vmem_shared>>) offsets(%dma_start3A_84 : memref<128xi32, #tpu.memory_space<vmem>>) semaphore(%run_scoped3A_79 : memref<!tpu.dma_semaphore, #tpu.memory_space<semaphore_mem>>) {add = true}
      %dma_wait3A = arith.constant 768 : i32
      %dma_wait3A_88 = arith.constant 0 : i32
      %dma_wait3A_89 = tpu.memref_slice %arg6[%dma_wait3A, %dma_wait3A_88] : memref<1024x64xf32, #tpu.memory_space<vmem>> -> memref<128x64xf32, #tpu.memory_space<vmem>>
      %dma_wait3A_90 = arith.constant 0 : i32
      %dma_wait3A_91 = tpu.memref_slice %arg5[%run_scoped3A_45, %dma_wait3A_90] : memref<8x128xi32, #tpu.memory_space<vmem>> -> memref<1x128xi32, #tpu.memory_space<vmem>>
      %dma_wait3A_92 = tpu.memref_squeeze %dma_wait3A_91 : memref<1x128xi32, #tpu.memory_space<vmem>> -> memref<128xi32, #tpu.memory_space<vmem>>
      %dma_wait3A_93 = arith.constant 0 : i32
      %dma_wait3A_94 = arith.constant 0 : i32
      %dma_wait3A_95 = tpu.memref_slice %arg7[%dma_wait3A_93, %dma_wait3A_94] : memref<10240x64xf32, #tpu.memory_space<vmem_shared>> -> memref<10240x64xf32, #tpu.memory_space<vmem_shared>>
      tpu.wait_indirect_dma semaphore(%run_scoped3A_79 : memref<!tpu.dma_semaphore, #tpu.memory_space<semaphore_mem>>) src(%dma_wait3A_89 : memref<128x64xf32, #tpu.memory_space<vmem>>) dst(%dma_wait3A_95 : memref<10240x64xf32, #tpu.memory_space<vmem_shared>>)
      tpu.yield
    }) : () -> ()
    %run_scoped3A_46 = arith.constant 7 : i32
    "tpu.region"() ({
      %run_scoped3A_79 = tpu.sem_alloc : memref<!tpu.dma_semaphore, #tpu.memory_space<semaphore_mem>>
      %dma_start3A = arith.constant 896 : i32
      %dma_start3A_80 = arith.constant 0 : i32
      %dma_start3A_81 = tpu.memref_slice %arg6[%dma_start3A, %dma_start3A_80] : memref<1024x64xf32, #tpu.memory_space<vmem>> -> memref<128x64xf32, #tpu.memory_space<vmem>>
      %dma_start3A_82 = arith.constant 0 : i32
      %dma_start3A_83 = tpu.memref_slice %arg5[%run_scoped3A_46, %dma_start3A_82] : memref<8x128xi32, #tpu.memory_space<vmem>> -> memref<1x128xi32, #tpu.memory_space<vmem>>
      %dma_start3A_84 = tpu.memref_squeeze %dma_start3A_83 : memref<1x128xi32, #tpu.memory_space<vmem>> -> memref<128xi32, #tpu.memory_space<vmem>>
      %dma_start3A_85 = arith.constant 0 : i32
      %dma_start3A_86 = arith.constant 0 : i32
      %dma_start3A_87 = tpu.memref_slice %arg7[%dma_start3A_85, %dma_start3A_86] : memref<10240x64xf32, #tpu.memory_space<vmem_shared>> -> memref<10240x64xf32, #tpu.memory_space<vmem_shared>>
      tpu.enqueue_indirect_dma source(%dma_start3A_81 : memref<128x64xf32, #tpu.memory_space<vmem>>) target(%dma_start3A_87 : memref<10240x64xf32, #tpu.memory_space<vmem_shared>>) offsets(%dma_start3A_84 : memref<128xi32, #tpu.memory_space<vmem>>) semaphore(%run_scoped3A_79 : memref<!tpu.dma_semaphore, #tpu.memory_space<semaphore_mem>>) {add = true}
      %dma_wait3A = arith.constant 896 : i32
      %dma_wait3A_88 = arith.constant 0 : i32
      %dma_wait3A_89 = tpu.memref_slice %arg6[%dma_wait3A, %dma_wait3A_88] : memref<1024x64xf32, #tpu.memory_space<vmem>> -> memref<128x64xf32, #tpu.memory_space<vmem>>
      %dma_wait3A_90 = arith.constant 0 : i32
      %dma_wait3A_91 = tpu.memref_slice %arg5[%run_scoped3A_46, %dma_wait3A_90] : memref<8x128xi32, #tpu.memory_space<vmem>> -> memref<1x128xi32, #tpu.memory_space<vmem>>
      %dma_wait3A_92 = tpu.memref_squeeze %dma_wait3A_91 : memref<1x128xi32, #tpu.memory_space<vmem>> -> memref<128xi32, #tpu.memory_space<vmem>>
      %dma_wait3A_93 = arith.constant 0 : i32
      %dma_wait3A_94 = arith.constant 0 : i32
      %dma_wait3A_95 = tpu.memref_slice %arg7[%dma_wait3A_93, %dma_wait3A_94] : memref<10240x64xf32, #tpu.memory_space<vmem_shared>> -> memref<10240x64xf32, #tpu.memory_space<vmem_shared>>
      tpu.wait_indirect_dma semaphore(%run_scoped3A_79 : memref<!tpu.dma_semaphore, #tpu.memory_space<semaphore_mem>>) src(%dma_wait3A_89 : memref<128x64xf32, #tpu.memory_space<vmem>>) dst(%dma_wait3A_95 : memref<10240x64xf32, #tpu.memory_space<vmem_shared>>)
      tpu.yield
    }) : () -> ()
    %add3A_47 = arith.constant 24 : i32
    %add3A_48 = arith.addi %mul3A_9, %add3A_47 : i32
    "tpu.region"() ({
      %run_scoped3A_79 = tpu.sem_alloc : memref<!tpu.dma_semaphore, #tpu.memory_space<semaphore_mem>>
      %dma_start3A = arith.constant 0 : i32
      %dma_start3A_80 = tpu.memref_slice %arg3[%add3A_48, %dma_start3A] : memref<1280x128xi32, #tpu.memory_space<hbm>> -> memref<8x128xi32, #tpu.memory_space<hbm>>
      %dma_start3A_81 = arith.constant 0 : i32
      %dma_start3A_82 = tpu.memref_slice %arg3[%add3A_48, %dma_start3A_81] : memref<1280x128xi32, #tpu.memory_space<hbm>> -> memref<8x128xi32, #tpu.memory_space<hbm>>
      tpu.enqueue_dma source(%dma_start3A_82 : memref<8x128xi32, #tpu.memory_space<hbm>>) target(%arg5 : memref<8x128xi32, #tpu.memory_space<vmem>>) target_semaphore(%run_scoped3A_79 : memref<!tpu.dma_semaphore, #tpu.memory_space<semaphore_mem>>)
      %dma_wait3A = arith.constant 0 : i32
      %dma_wait3A_83 = tpu.memref_slice %arg3[%add3A_48, %dma_wait3A] : memref<1280x128xi32, #tpu.memory_space<hbm>> -> memref<8x128xi32, #tpu.memory_space<hbm>>
      %dma_wait3A_84 = arith.constant 0 : i32
      %dma_wait3A_85 = tpu.memref_slice %arg3[%add3A_48, %dma_wait3A_84] : memref<1280x128xi32, #tpu.memory_space<hbm>> -> memref<8x128xi32, #tpu.memory_space<hbm>>
      tpu.wait_dma2 semaphore(%run_scoped3A_79 : memref<!tpu.dma_semaphore, #tpu.memory_space<semaphore_mem>>) src(%dma_wait3A_85 : memref<8x128xi32, #tpu.memory_space<hbm>>) dst(%arg5 : memref<8x128xi32, #tpu.memory_space<vmem>>)
      tpu.yield
    }) : () -> ()
    %add3A_49 = arith.constant 3072 : i32
    %add3A_50 = arith.addi %mul3A_11, %add3A_49 : i32
    "tpu.region"() ({
      %run_scoped3A_79 = tpu.sem_alloc : memref<!tpu.dma_semaphore, #tpu.memory_space<semaphore_mem>>
      %dma_start3A = arith.constant 0 : i32
      %dma_start3A_80 = tpu.memref_slice %arg2[%add3A_50, %dma_start3A] : memref<163840x128xf32, #tpu.memory_space<hbm>> -> memref<1024x64xf32, #tpu.memory_space<hbm>>
      %dma_start3A_81 = arith.constant 0 : i32
      %dma_start3A_82 = tpu.memref_slice %arg2[%add3A_50, %dma_start3A_81] : memref<163840x128xf32, #tpu.memory_space<hbm>> -> memref<1024x64xf32, #tpu.memory_space<hbm>>
      tpu.enqueue_dma source(%dma_start3A_82 : memref<1024x64xf32, #tpu.memory_space<hbm>>) target(%arg6 : memref<1024x64xf32, #tpu.memory_space<vmem>>) target_semaphore(%run_scoped3A_79 : memref<!tpu.dma_semaphore, #tpu.memory_space<semaphore_mem>>)
      %dma_wait3A = arith.constant 0 : i32
      %dma_wait3A_83 = tpu.memref_slice %arg2[%add3A_50, %dma_wait3A] : memref<163840x128xf32, #tpu.memory_space<hbm>> -> memref<1024x64xf32, #tpu.memory_space<hbm>>
      %dma_wait3A_84 = arith.constant 0 : i32
      %dma_wait3A_85 = tpu.memref_slice %arg2[%add3A_50, %dma_wait3A_84] : memref<163840x128xf32, #tpu.memory_space<hbm>> -> memref<1024x64xf32, #tpu.memory_space<hbm>>
      tpu.wait_dma2 semaphore(%run_scoped3A_79 : memref<!tpu.dma_semaphore, #tpu.memory_space<semaphore_mem>>) src(%dma_wait3A_85 : memref<1024x64xf32, #tpu.memory_space<hbm>>) dst(%arg6 : memref<1024x64xf32, #tpu.memory_space<vmem>>)
      tpu.yield
    }) : () -> ()
    %run_scoped3A_51 = arith.constant 0 : i32
    "tpu.region"() ({
      %run_scoped3A_79 = tpu.sem_alloc : memref<!tpu.dma_semaphore, #tpu.memory_space<semaphore_mem>>
      %dma_start3A = arith.constant 0 : i32
      %dma_start3A_80 = arith.constant 0 : i32
      %dma_start3A_81 = tpu.memref_slice %arg6[%dma_start3A, %dma_start3A_80] : memref<1024x64xf32, #tpu.memory_space<vmem>> -> memref<128x64xf32, #tpu.memory_space<vmem>>
      %dma_start3A_82 = arith.constant 0 : i32
      %dma_start3A_83 = tpu.memref_slice %arg5[%run_scoped3A_51, %dma_start3A_82] : memref<8x128xi32, #tpu.memory_space<vmem>> -> memref<1x128xi32, #tpu.memory_space<vmem>>
      %dma_start3A_84 = tpu.memref_squeeze %dma_start3A_83 : memref<1x128xi32, #tpu.memory_space<vmem>> -> memref<128xi32, #tpu.memory_space<vmem>>
      %dma_start3A_85 = arith.constant 0 : i32
      %dma_start3A_86 = arith.constant 0 : i32
      %dma_start3A_87 = tpu.memref_slice %arg7[%dma_start3A_85, %dma_start3A_86] : memref<10240x64xf32, #tpu.memory_space<vmem_shared>> -> memref<10240x64xf32, #tpu.memory_space<vmem_shared>>
      tpu.enqueue_indirect_dma source(%dma_start3A_81 : memref<128x64xf32, #tpu.memory_space<vmem>>) target(%dma_start3A_87 : memref<10240x64xf32, #tpu.memory_space<vmem_shared>>) offsets(%dma_start3A_84 : memref<128xi32, #tpu.memory_space<vmem>>) semaphore(%run_scoped3A_79 : memref<!tpu.dma_semaphore, #tpu.memory_space<semaphore_mem>>) {add = true}
      %dma_wait3A = arith.constant 0 : i32
      %dma_wait3A_88 = arith.constant 0 : i32
      %dma_wait3A_89 = tpu.memref_slice %arg6[%dma_wait3A, %dma_wait3A_88] : memref<1024x64xf32, #tpu.memory_space<vmem>> -> memref<128x64xf32, #tpu.memory_space<vmem>>
      %dma_wait3A_90 = arith.constant 0 : i32
      %dma_wait3A_91 = tpu.memref_slice %arg5[%run_scoped3A_51, %dma_wait3A_90] : memref<8x128xi32, #tpu.memory_space<vmem>> -> memref<1x128xi32, #tpu.memory_space<vmem>>
      %dma_wait3A_92 = tpu.memref_squeeze %dma_wait3A_91 : memref<1x128xi32, #tpu.memory_space<vmem>> -> memref<128xi32, #tpu.memory_space<vmem>>
      %dma_wait3A_93 = arith.constant 0 : i32
      %dma_wait3A_94 = arith.constant 0 : i32
      %dma_wait3A_95 = tpu.memref_slice %arg7[%dma_wait3A_93, %dma_wait3A_94] : memref<10240x64xf32, #tpu.memory_space<vmem_shared>> -> memref<10240x64xf32, #tpu.memory_space<vmem_shared>>
      tpu.wait_indirect_dma semaphore(%run_scoped3A_79 : memref<!tpu.dma_semaphore, #tpu.memory_space<semaphore_mem>>) src(%dma_wait3A_89 : memref<128x64xf32, #tpu.memory_space<vmem>>) dst(%dma_wait3A_95 : memref<10240x64xf32, #tpu.memory_space<vmem_shared>>)
      tpu.yield
    }) : () -> ()
    %run_scoped3A_52 = arith.constant 1 : i32
    "tpu.region"() ({
      %run_scoped3A_79 = tpu.sem_alloc : memref<!tpu.dma_semaphore, #tpu.memory_space<semaphore_mem>>
      %dma_start3A = arith.constant 128 : i32
      %dma_start3A_80 = arith.constant 0 : i32
      %dma_start3A_81 = tpu.memref_slice %arg6[%dma_start3A, %dma_start3A_80] : memref<1024x64xf32, #tpu.memory_space<vmem>> -> memref<128x64xf32, #tpu.memory_space<vmem>>
      %dma_start3A_82 = arith.constant 0 : i32
      %dma_start3A_83 = tpu.memref_slice %arg5[%run_scoped3A_52, %dma_start3A_82] : memref<8x128xi32, #tpu.memory_space<vmem>> -> memref<1x128xi32, #tpu.memory_space<vmem>>
      %dma_start3A_84 = tpu.memref_squeeze %dma_start3A_83 : memref<1x128xi32, #tpu.memory_space<vmem>> -> memref<128xi32, #tpu.memory_space<vmem>>
      %dma_start3A_85 = arith.constant 0 : i32
      %dma_start3A_86 = arith.constant 0 : i32
      %dma_start3A_87 = tpu.memref_slice %arg7[%dma_start3A_85, %dma_start3A_86] : memref<10240x64xf32, #tpu.memory_space<vmem_shared>> -> memref<10240x64xf32, #tpu.memory_space<vmem_shared>>
      tpu.enqueue_indirect_dma source(%dma_start3A_81 : memref<128x64xf32, #tpu.memory_space<vmem>>) target(%dma_start3A_87 : memref<10240x64xf32, #tpu.memory_space<vmem_shared>>) offsets(%dma_start3A_84 : memref<128xi32, #tpu.memory_space<vmem>>) semaphore(%run_scoped3A_79 : memref<!tpu.dma_semaphore, #tpu.memory_space<semaphore_mem>>) {add = true}
      %dma_wait3A = arith.constant 128 : i32
      %dma_wait3A_88 = arith.constant 0 : i32
      %dma_wait3A_89 = tpu.memref_slice %arg6[%dma_wait3A, %dma_wait3A_88] : memref<1024x64xf32, #tpu.memory_space<vmem>> -> memref<128x64xf32, #tpu.memory_space<vmem>>
      %dma_wait3A_90 = arith.constant 0 : i32
      %dma_wait3A_91 = tpu.memref_slice %arg5[%run_scoped3A_52, %dma_wait3A_90] : memref<8x128xi32, #tpu.memory_space<vmem>> -> memref<1x128xi32, #tpu.memory_space<vmem>>
      %dma_wait3A_92 = tpu.memref_squeeze %dma_wait3A_91 : memref<1x128xi32, #tpu.memory_space<vmem>> -> memref<128xi32, #tpu.memory_space<vmem>>
      %dma_wait3A_93 = arith.constant 0 : i32
      %dma_wait3A_94 = arith.constant 0 : i32
      %dma_wait3A_95 = tpu.memref_slice %arg7[%dma_wait3A_93, %dma_wait3A_94] : memref<10240x64xf32, #tpu.memory_space<vmem_shared>> -> memref<10240x64xf32, #tpu.memory_space<vmem_shared>>
      tpu.wait_indirect_dma semaphore(%run_scoped3A_79 : memref<!tpu.dma_semaphore, #tpu.memory_space<semaphore_mem>>) src(%dma_wait3A_89 : memref<128x64xf32, #tpu.memory_space<vmem>>) dst(%dma_wait3A_95 : memref<10240x64xf32, #tpu.memory_space<vmem_shared>>)
      tpu.yield
    }) : () -> ()
    %run_scoped3A_53 = arith.constant 2 : i32
    "tpu.region"() ({
      %run_scoped3A_79 = tpu.sem_alloc : memref<!tpu.dma_semaphore, #tpu.memory_space<semaphore_mem>>
      %dma_start3A = arith.constant 256 : i32
      %dma_start3A_80 = arith.constant 0 : i32
      %dma_start3A_81 = tpu.memref_slice %arg6[%dma_start3A, %dma_start3A_80] : memref<1024x64xf32, #tpu.memory_space<vmem>> -> memref<128x64xf32, #tpu.memory_space<vmem>>
      %dma_start3A_82 = arith.constant 0 : i32
      %dma_start3A_83 = tpu.memref_slice %arg5[%run_scoped3A_53, %dma_start3A_82] : memref<8x128xi32, #tpu.memory_space<vmem>> -> memref<1x128xi32, #tpu.memory_space<vmem>>
      %dma_start3A_84 = tpu.memref_squeeze %dma_start3A_83 : memref<1x128xi32, #tpu.memory_space<vmem>> -> memref<128xi32, #tpu.memory_space<vmem>>
      %dma_start3A_85 = arith.constant 0 : i32
      %dma_start3A_86 = arith.constant 0 : i32
      %dma_start3A_87 = tpu.memref_slice %arg7[%dma_start3A_85, %dma_start3A_86] : memref<10240x64xf32, #tpu.memory_space<vmem_shared>> -> memref<10240x64xf32, #tpu.memory_space<vmem_shared>>
      tpu.enqueue_indirect_dma source(%dma_start3A_81 : memref<128x64xf32, #tpu.memory_space<vmem>>) target(%dma_start3A_87 : memref<10240x64xf32, #tpu.memory_space<vmem_shared>>) offsets(%dma_start3A_84 : memref<128xi32, #tpu.memory_space<vmem>>) semaphore(%run_scoped3A_79 : memref<!tpu.dma_semaphore, #tpu.memory_space<semaphore_mem>>) {add = true}
      %dma_wait3A = arith.constant 256 : i32
      %dma_wait3A_88 = arith.constant 0 : i32
      %dma_wait3A_89 = tpu.memref_slice %arg6[%dma_wait3A, %dma_wait3A_88] : memref<1024x64xf32, #tpu.memory_space<vmem>> -> memref<128x64xf32, #tpu.memory_space<vmem>>
      %dma_wait3A_90 = arith.constant 0 : i32
      %dma_wait3A_91 = tpu.memref_slice %arg5[%run_scoped3A_53, %dma_wait3A_90] : memref<8x128xi32, #tpu.memory_space<vmem>> -> memref<1x128xi32, #tpu.memory_space<vmem>>
      %dma_wait3A_92 = tpu.memref_squeeze %dma_wait3A_91 : memref<1x128xi32, #tpu.memory_space<vmem>> -> memref<128xi32, #tpu.memory_space<vmem>>
      %dma_wait3A_93 = arith.constant 0 : i32
      %dma_wait3A_94 = arith.constant 0 : i32
      %dma_wait3A_95 = tpu.memref_slice %arg7[%dma_wait3A_93, %dma_wait3A_94] : memref<10240x64xf32, #tpu.memory_space<vmem_shared>> -> memref<10240x64xf32, #tpu.memory_space<vmem_shared>>
      tpu.wait_indirect_dma semaphore(%run_scoped3A_79 : memref<!tpu.dma_semaphore, #tpu.memory_space<semaphore_mem>>) src(%dma_wait3A_89 : memref<128x64xf32, #tpu.memory_space<vmem>>) dst(%dma_wait3A_95 : memref<10240x64xf32, #tpu.memory_space<vmem_shared>>)
      tpu.yield
    }) : () -> ()
    %run_scoped3A_54 = arith.constant 3 : i32
    "tpu.region"() ({
      %run_scoped3A_79 = tpu.sem_alloc : memref<!tpu.dma_semaphore, #tpu.memory_space<semaphore_mem>>
      %dma_start3A = arith.constant 384 : i32
      %dma_start3A_80 = arith.constant 0 : i32
      %dma_start3A_81 = tpu.memref_slice %arg6[%dma_start3A, %dma_start3A_80] : memref<1024x64xf32, #tpu.memory_space<vmem>> -> memref<128x64xf32, #tpu.memory_space<vmem>>
      %dma_start3A_82 = arith.constant 0 : i32
      %dma_start3A_83 = tpu.memref_slice %arg5[%run_scoped3A_54, %dma_start3A_82] : memref<8x128xi32, #tpu.memory_space<vmem>> -> memref<1x128xi32, #tpu.memory_space<vmem>>
      %dma_start3A_84 = tpu.memref_squeeze %dma_start3A_83 : memref<1x128xi32, #tpu.memory_space<vmem>> -> memref<128xi32, #tpu.memory_space<vmem>>
      %dma_start3A_85 = arith.constant 0 : i32
      %dma_start3A_86 = arith.constant 0 : i32
      %dma_start3A_87 = tpu.memref_slice %arg7[%dma_start3A_85, %dma_start3A_86] : memref<10240x64xf32, #tpu.memory_space<vmem_shared>> -> memref<10240x64xf32, #tpu.memory_space<vmem_shared>>
      tpu.enqueue_indirect_dma source(%dma_start3A_81 : memref<128x64xf32, #tpu.memory_space<vmem>>) target(%dma_start3A_87 : memref<10240x64xf32, #tpu.memory_space<vmem_shared>>) offsets(%dma_start3A_84 : memref<128xi32, #tpu.memory_space<vmem>>) semaphore(%run_scoped3A_79 : memref<!tpu.dma_semaphore, #tpu.memory_space<semaphore_mem>>) {add = true}
      %dma_wait3A = arith.constant 384 : i32
      %dma_wait3A_88 = arith.constant 0 : i32
      %dma_wait3A_89 = tpu.memref_slice %arg6[%dma_wait3A, %dma_wait3A_88] : memref<1024x64xf32, #tpu.memory_space<vmem>> -> memref<128x64xf32, #tpu.memory_space<vmem>>
      %dma_wait3A_90 = arith.constant 0 : i32
      %dma_wait3A_91 = tpu.memref_slice %arg5[%run_scoped3A_54, %dma_wait3A_90] : memref<8x128xi32, #tpu.memory_space<vmem>> -> memref<1x128xi32, #tpu.memory_space<vmem>>
      %dma_wait3A_92 = tpu.memref_squeeze %dma_wait3A_91 : memref<1x128xi32, #tpu.memory_space<vmem>> -> memref<128xi32, #tpu.memory_space<vmem>>
      %dma_wait3A_93 = arith.constant 0 : i32
      %dma_wait3A_94 = arith.constant 0 : i32
      %dma_wait3A_95 = tpu.memref_slice %arg7[%dma_wait3A_93, %dma_wait3A_94] : memref<10240x64xf32, #tpu.memory_space<vmem_shared>> -> memref<10240x64xf32, #tpu.memory_space<vmem_shared>>
      tpu.wait_indirect_dma semaphore(%run_scoped3A_79 : memref<!tpu.dma_semaphore, #tpu.memory_space<semaphore_mem>>) src(%dma_wait3A_89 : memref<128x64xf32, #tpu.memory_space<vmem>>) dst(%dma_wait3A_95 : memref<10240x64xf32, #tpu.memory_space<vmem_shared>>)
      tpu.yield
    }) : () -> ()
    %run_scoped3A_55 = arith.constant 4 : i32
    "tpu.region"() ({
      %run_scoped3A_79 = tpu.sem_alloc : memref<!tpu.dma_semaphore, #tpu.memory_space<semaphore_mem>>
      %dma_start3A = arith.constant 512 : i32
      %dma_start3A_80 = arith.constant 0 : i32
      %dma_start3A_81 = tpu.memref_slice %arg6[%dma_start3A, %dma_start3A_80] : memref<1024x64xf32, #tpu.memory_space<vmem>> -> memref<128x64xf32, #tpu.memory_space<vmem>>
      %dma_start3A_82 = arith.constant 0 : i32
      %dma_start3A_83 = tpu.memref_slice %arg5[%run_scoped3A_55, %dma_start3A_82] : memref<8x128xi32, #tpu.memory_space<vmem>> -> memref<1x128xi32, #tpu.memory_space<vmem>>
      %dma_start3A_84 = tpu.memref_squeeze %dma_start3A_83 : memref<1x128xi32, #tpu.memory_space<vmem>> -> memref<128xi32, #tpu.memory_space<vmem>>
      %dma_start3A_85 = arith.constant 0 : i32
      %dma_start3A_86 = arith.constant 0 : i32
      %dma_start3A_87 = tpu.memref_slice %arg7[%dma_start3A_85, %dma_start3A_86] : memref<10240x64xf32, #tpu.memory_space<vmem_shared>> -> memref<10240x64xf32, #tpu.memory_space<vmem_shared>>
      tpu.enqueue_indirect_dma source(%dma_start3A_81 : memref<128x64xf32, #tpu.memory_space<vmem>>) target(%dma_start3A_87 : memref<10240x64xf32, #tpu.memory_space<vmem_shared>>) offsets(%dma_start3A_84 : memref<128xi32, #tpu.memory_space<vmem>>) semaphore(%run_scoped3A_79 : memref<!tpu.dma_semaphore, #tpu.memory_space<semaphore_mem>>) {add = true}
      %dma_wait3A = arith.constant 512 : i32
      %dma_wait3A_88 = arith.constant 0 : i32
      %dma_wait3A_89 = tpu.memref_slice %arg6[%dma_wait3A, %dma_wait3A_88] : memref<1024x64xf32, #tpu.memory_space<vmem>> -> memref<128x64xf32, #tpu.memory_space<vmem>>
      %dma_wait3A_90 = arith.constant 0 : i32
      %dma_wait3A_91 = tpu.memref_slice %arg5[%run_scoped3A_55, %dma_wait3A_90] : memref<8x128xi32, #tpu.memory_space<vmem>> -> memref<1x128xi32, #tpu.memory_space<vmem>>
      %dma_wait3A_92 = tpu.memref_squeeze %dma_wait3A_91 : memref<1x128xi32, #tpu.memory_space<vmem>> -> memref<128xi32, #tpu.memory_space<vmem>>
      %dma_wait3A_93 = arith.constant 0 : i32
      %dma_wait3A_94 = arith.constant 0 : i32
      %dma_wait3A_95 = tpu.memref_slice %arg7[%dma_wait3A_93, %dma_wait3A_94] : memref<10240x64xf32, #tpu.memory_space<vmem_shared>> -> memref<10240x64xf32, #tpu.memory_space<vmem_shared>>
      tpu.wait_indirect_dma semaphore(%run_scoped3A_79 : memref<!tpu.dma_semaphore, #tpu.memory_space<semaphore_mem>>) src(%dma_wait3A_89 : memref<128x64xf32, #tpu.memory_space<vmem>>) dst(%dma_wait3A_95 : memref<10240x64xf32, #tpu.memory_space<vmem_shared>>)
      tpu.yield
    }) : () -> ()
    %run_scoped3A_56 = arith.constant 5 : i32
    "tpu.region"() ({
      %run_scoped3A_79 = tpu.sem_alloc : memref<!tpu.dma_semaphore, #tpu.memory_space<semaphore_mem>>
      %dma_start3A = arith.constant 640 : i32
      %dma_start3A_80 = arith.constant 0 : i32
      %dma_start3A_81 = tpu.memref_slice %arg6[%dma_start3A, %dma_start3A_80] : memref<1024x64xf32, #tpu.memory_space<vmem>> -> memref<128x64xf32, #tpu.memory_space<vmem>>
      %dma_start3A_82 = arith.constant 0 : i32
      %dma_start3A_83 = tpu.memref_slice %arg5[%run_scoped3A_56, %dma_start3A_82] : memref<8x128xi32, #tpu.memory_space<vmem>> -> memref<1x128xi32, #tpu.memory_space<vmem>>
      %dma_start3A_84 = tpu.memref_squeeze %dma_start3A_83 : memref<1x128xi32, #tpu.memory_space<vmem>> -> memref<128xi32, #tpu.memory_space<vmem>>
      %dma_start3A_85 = arith.constant 0 : i32
      %dma_start3A_86 = arith.constant 0 : i32
      %dma_start3A_87 = tpu.memref_slice %arg7[%dma_start3A_85, %dma_start3A_86] : memref<10240x64xf32, #tpu.memory_space<vmem_shared>> -> memref<10240x64xf32, #tpu.memory_space<vmem_shared>>
      tpu.enqueue_indirect_dma source(%dma_start3A_81 : memref<128x64xf32, #tpu.memory_space<vmem>>) target(%dma_start3A_87 : memref<10240x64xf32, #tpu.memory_space<vmem_shared>>) offsets(%dma_start3A_84 : memref<128xi32, #tpu.memory_space<vmem>>) semaphore(%run_scoped3A_79 : memref<!tpu.dma_semaphore, #tpu.memory_space<semaphore_mem>>) {add = true}
      %dma_wait3A = arith.constant 640 : i32
      %dma_wait3A_88 = arith.constant 0 : i32
      %dma_wait3A_89 = tpu.memref_slice %arg6[%dma_wait3A, %dma_wait3A_88] : memref<1024x64xf32, #tpu.memory_space<vmem>> -> memref<128x64xf32, #tpu.memory_space<vmem>>
      %dma_wait3A_90 = arith.constant 0 : i32
      %dma_wait3A_91 = tpu.memref_slice %arg5[%run_scoped3A_56, %dma_wait3A_90] : memref<8x128xi32, #tpu.memory_space<vmem>> -> memref<1x128xi32, #tpu.memory_space<vmem>>
      %dma_wait3A_92 = tpu.memref_squeeze %dma_wait3A_91 : memref<1x128xi32, #tpu.memory_space<vmem>> -> memref<128xi32, #tpu.memory_space<vmem>>
      %dma_wait3A_93 = arith.constant 0 : i32
      %dma_wait3A_94 = arith.constant 0 : i32
      %dma_wait3A_95 = tpu.memref_slice %arg7[%dma_wait3A_93, %dma_wait3A_94] : memref<10240x64xf32, #tpu.memory_space<vmem_shared>> -> memref<10240x64xf32, #tpu.memory_space<vmem_shared>>
      tpu.wait_indirect_dma semaphore(%run_scoped3A_79 : memref<!tpu.dma_semaphore, #tpu.memory_space<semaphore_mem>>) src(%dma_wait3A_89 : memref<128x64xf32, #tpu.memory_space<vmem>>) dst(%dma_wait3A_95 : memref<10240x64xf32, #tpu.memory_space<vmem_shared>>)
      tpu.yield
    }) : () -> ()
    %run_scoped3A_57 = arith.constant 6 : i32
    "tpu.region"() ({
      %run_scoped3A_79 = tpu.sem_alloc : memref<!tpu.dma_semaphore, #tpu.memory_space<semaphore_mem>>
      %dma_start3A = arith.constant 768 : i32
      %dma_start3A_80 = arith.constant 0 : i32
      %dma_start3A_81 = tpu.memref_slice %arg6[%dma_start3A, %dma_start3A_80] : memref<1024x64xf32, #tpu.memory_space<vmem>> -> memref<128x64xf32, #tpu.memory_space<vmem>>
      %dma_start3A_82 = arith.constant 0 : i32
      %dma_start3A_83 = tpu.memref_slice %arg5[%run_scoped3A_57, %dma_start3A_82] : memref<8x128xi32, #tpu.memory_space<vmem>> -> memref<1x128xi32, #tpu.memory_space<vmem>>
      %dma_start3A_84 = tpu.memref_squeeze %dma_start3A_83 : memref<1x128xi32, #tpu.memory_space<vmem>> -> memref<128xi32, #tpu.memory_space<vmem>>
      %dma_start3A_85 = arith.constant 0 : i32
      %dma_start3A_86 = arith.constant 0 : i32
      %dma_start3A_87 = tpu.memref_slice %arg7[%dma_start3A_85, %dma_start3A_86] : memref<10240x64xf32, #tpu.memory_space<vmem_shared>> -> memref<10240x64xf32, #tpu.memory_space<vmem_shared>>
      tpu.enqueue_indirect_dma source(%dma_start3A_81 : memref<128x64xf32, #tpu.memory_space<vmem>>) target(%dma_start3A_87 : memref<10240x64xf32, #tpu.memory_space<vmem_shared>>) offsets(%dma_start3A_84 : memref<128xi32, #tpu.memory_space<vmem>>) semaphore(%run_scoped3A_79 : memref<!tpu.dma_semaphore, #tpu.memory_space<semaphore_mem>>) {add = true}
      %dma_wait3A = arith.constant 768 : i32
      %dma_wait3A_88 = arith.constant 0 : i32
      %dma_wait3A_89 = tpu.memref_slice %arg6[%dma_wait3A, %dma_wait3A_88] : memref<1024x64xf32, #tpu.memory_space<vmem>> -> memref<128x64xf32, #tpu.memory_space<vmem>>
      %dma_wait3A_90 = arith.constant 0 : i32
      %dma_wait3A_91 = tpu.memref_slice %arg5[%run_scoped3A_57, %dma_wait3A_90] : memref<8x128xi32, #tpu.memory_space<vmem>> -> memref<1x128xi32, #tpu.memory_space<vmem>>
      %dma_wait3A_92 = tpu.memref_squeeze %dma_wait3A_91 : memref<1x128xi32, #tpu.memory_space<vmem>> -> memref<128xi32, #tpu.memory_space<vmem>>
      %dma_wait3A_93 = arith.constant 0 : i32
      %dma_wait3A_94 = arith.constant 0 : i32
      %dma_wait3A_95 = tpu.memref_slice %arg7[%dma_wait3A_93, %dma_wait3A_94] : memref<10240x64xf32, #tpu.memory_space<vmem_shared>> -> memref<10240x64xf32, #tpu.memory_space<vmem_shared>>
      tpu.wait_indirect_dma semaphore(%run_scoped3A_79 : memref<!tpu.dma_semaphore, #tpu.memory_space<semaphore_mem>>) src(%dma_wait3A_89 : memref<128x64xf32, #tpu.memory_space<vmem>>) dst(%dma_wait3A_95 : memref<10240x64xf32, #tpu.memory_space<vmem_shared>>)
      tpu.yield
    }) : () -> ()
    %run_scoped3A_58 = arith.constant 7 : i32
    "tpu.region"() ({
      %run_scoped3A_79 = tpu.sem_alloc : memref<!tpu.dma_semaphore, #tpu.memory_space<semaphore_mem>>
      %dma_start3A = arith.constant 896 : i32
      %dma_start3A_80 = arith.constant 0 : i32
      %dma_start3A_81 = tpu.memref_slice %arg6[%dma_start3A, %dma_start3A_80] : memref<1024x64xf32, #tpu.memory_space<vmem>> -> memref<128x64xf32, #tpu.memory_space<vmem>>
      %dma_start3A_82 = arith.constant 0 : i32
      %dma_start3A_83 = tpu.memref_slice %arg5[%run_scoped3A_58, %dma_start3A_82] : memref<8x128xi32, #tpu.memory_space<vmem>> -> memref<1x128xi32, #tpu.memory_space<vmem>>
      %dma_start3A_84 = tpu.memref_squeeze %dma_start3A_83 : memref<1x128xi32, #tpu.memory_space<vmem>> -> memref<128xi32, #tpu.memory_space<vmem>>
      %dma_start3A_85 = arith.constant 0 : i32
      %dma_start3A_86 = arith.constant 0 : i32
      %dma_start3A_87 = tpu.memref_slice %arg7[%dma_start3A_85, %dma_start3A_86] : memref<10240x64xf32, #tpu.memory_space<vmem_shared>> -> memref<10240x64xf32, #tpu.memory_space<vmem_shared>>
      tpu.enqueue_indirect_dma source(%dma_start3A_81 : memref<128x64xf32, #tpu.memory_space<vmem>>) target(%dma_start3A_87 : memref<10240x64xf32, #tpu.memory_space<vmem_shared>>) offsets(%dma_start3A_84 : memref<128xi32, #tpu.memory_space<vmem>>) semaphore(%run_scoped3A_79 : memref<!tpu.dma_semaphore, #tpu.memory_space<semaphore_mem>>) {add = true}
      %dma_wait3A = arith.constant 896 : i32
      %dma_wait3A_88 = arith.constant 0 : i32
      %dma_wait3A_89 = tpu.memref_slice %arg6[%dma_wait3A, %dma_wait3A_88] : memref<1024x64xf32, #tpu.memory_space<vmem>> -> memref<128x64xf32, #tpu.memory_space<vmem>>
      %dma_wait3A_90 = arith.constant 0 : i32
      %dma_wait3A_91 = tpu.memref_slice %arg5[%run_scoped3A_58, %dma_wait3A_90] : memref<8x128xi32, #tpu.memory_space<vmem>> -> memref<1x128xi32, #tpu.memory_space<vmem>>
      %dma_wait3A_92 = tpu.memref_squeeze %dma_wait3A_91 : memref<1x128xi32, #tpu.memory_space<vmem>> -> memref<128xi32, #tpu.memory_space<vmem>>
      %dma_wait3A_93 = arith.constant 0 : i32
      %dma_wait3A_94 = arith.constant 0 : i32
      %dma_wait3A_95 = tpu.memref_slice %arg7[%dma_wait3A_93, %dma_wait3A_94] : memref<10240x64xf32, #tpu.memory_space<vmem_shared>> -> memref<10240x64xf32, #tpu.memory_space<vmem_shared>>
      tpu.wait_indirect_dma semaphore(%run_scoped3A_79 : memref<!tpu.dma_semaphore, #tpu.memory_space<semaphore_mem>>) src(%dma_wait3A_89 : memref<128x64xf32, #tpu.memory_space<vmem>>) dst(%dma_wait3A_95 : memref<10240x64xf32, #tpu.memory_space<vmem_shared>>)
      tpu.yield
    }) : () -> ()
    %add3A_59 = arith.constant 32 : i32
    %add3A_60 = arith.addi %mul3A_9, %add3A_59 : i32
    "tpu.region"() ({
      %run_scoped3A_79 = tpu.sem_alloc : memref<!tpu.dma_semaphore, #tpu.memory_space<semaphore_mem>>
      %dma_start3A = arith.constant 0 : i32
      %dma_start3A_80 = tpu.memref_slice %arg3[%add3A_60, %dma_start3A] : memref<1280x128xi32, #tpu.memory_space<hbm>> -> memref<8x128xi32, #tpu.memory_space<hbm>>
      %dma_start3A_81 = arith.constant 0 : i32
      %dma_start3A_82 = tpu.memref_slice %arg3[%add3A_60, %dma_start3A_81] : memref<1280x128xi32, #tpu.memory_space<hbm>> -> memref<8x128xi32, #tpu.memory_space<hbm>>
      tpu.enqueue_dma source(%dma_start3A_82 : memref<8x128xi32, #tpu.memory_space<hbm>>) target(%arg5 : memref<8x128xi32, #tpu.memory_space<vmem>>) target_semaphore(%run_scoped3A_79 : memref<!tpu.dma_semaphore, #tpu.memory_space<semaphore_mem>>)
      %dma_wait3A = arith.constant 0 : i32
      %dma_wait3A_83 = tpu.memref_slice %arg3[%add3A_60, %dma_wait3A] : memref<1280x128xi32, #tpu.memory_space<hbm>> -> memref<8x128xi32, #tpu.memory_space<hbm>>
      %dma_wait3A_84 = arith.constant 0 : i32
      %dma_wait3A_85 = tpu.memref_slice %arg3[%add3A_60, %dma_wait3A_84] : memref<1280x128xi32, #tpu.memory_space<hbm>> -> memref<8x128xi32, #tpu.memory_space<hbm>>
      tpu.wait_dma2 semaphore(%run_scoped3A_79 : memref<!tpu.dma_semaphore, #tpu.memory_space<semaphore_mem>>) src(%dma_wait3A_85 : memref<8x128xi32, #tpu.memory_space<hbm>>) dst(%arg5 : memref<8x128xi32, #tpu.memory_space<vmem>>)
      tpu.yield
    }) : () -> ()
    %add3A_61 = arith.constant 4096 : i32
    %add3A_62 = arith.addi %mul3A_11, %add3A_61 : i32
    "tpu.region"() ({
      %run_scoped3A_79 = tpu.sem_alloc : memref<!tpu.dma_semaphore, #tpu.memory_space<semaphore_mem>>
      %dma_start3A = arith.constant 0 : i32
      %dma_start3A_80 = tpu.memref_slice %arg2[%add3A_62, %dma_start3A] : memref<163840x128xf32, #tpu.memory_space<hbm>> -> memref<1024x64xf32, #tpu.memory_space<hbm>>
      %dma_start3A_81 = arith.constant 0 : i32
      %dma_start3A_82 = tpu.memref_slice %arg2[%add3A_62, %dma_start3A_81] : memref<163840x128xf32, #tpu.memory_space<hbm>> -> memref<1024x64xf32, #tpu.memory_space<hbm>>
      tpu.enqueue_dma source(%dma_start3A_82 : memref<1024x64xf32, #tpu.memory_space<hbm>>) target(%arg6 : memref<1024x64xf32, #tpu.memory_space<vmem>>) target_semaphore(%run_scoped3A_79 : memref<!tpu.dma_semaphore, #tpu.memory_space<semaphore_mem>>)
      %dma_wait3A = arith.constant 0 : i32
      %dma_wait3A_83 = tpu.memref_slice %arg2[%add3A_62, %dma_wait3A] : memref<163840x128xf32, #tpu.memory_space<hbm>> -> memref<1024x64xf32, #tpu.memory_space<hbm>>
      %dma_wait3A_84 = arith.constant 0 : i32
      %dma_wait3A_85 = tpu.memref_slice %arg2[%add3A_62, %dma_wait3A_84] : memref<163840x128xf32, #tpu.memory_space<hbm>> -> memref<1024x64xf32, #tpu.memory_space<hbm>>
      tpu.wait_dma2 semaphore(%run_scoped3A_79 : memref<!tpu.dma_semaphore, #tpu.memory_space<semaphore_mem>>) src(%dma_wait3A_85 : memref<1024x64xf32, #tpu.memory_space<hbm>>) dst(%arg6 : memref<1024x64xf32, #tpu.memory_space<vmem>>)
      tpu.yield
    }) : () -> ()
    %run_scoped3A_63 = arith.constant 0 : i32
    "tpu.region"() ({
      %run_scoped3A_79 = tpu.sem_alloc : memref<!tpu.dma_semaphore, #tpu.memory_space<semaphore_mem>>
      %dma_start3A = arith.constant 0 : i32
      %dma_start3A_80 = arith.constant 0 : i32
      %dma_start3A_81 = tpu.memref_slice %arg6[%dma_start3A, %dma_start3A_80] : memref<1024x64xf32, #tpu.memory_space<vmem>> -> memref<128x64xf32, #tpu.memory_space<vmem>>
      %dma_start3A_82 = arith.constant 0 : i32
      %dma_start3A_83 = tpu.memref_slice %arg5[%run_scoped3A_63, %dma_start3A_82] : memref<8x128xi32, #tpu.memory_space<vmem>> -> memref<1x128xi32, #tpu.memory_space<vmem>>
      %dma_start3A_84 = tpu.memref_squeeze %dma_start3A_83 : memref<1x128xi32, #tpu.memory_space<vmem>> -> memref<128xi32, #tpu.memory_space<vmem>>
      %dma_start3A_85 = arith.constant 0 : i32
      %dma_start3A_86 = arith.constant 0 : i32
      %dma_start3A_87 = tpu.memref_slice %arg7[%dma_start3A_85, %dma_start3A_86] : memref<10240x64xf32, #tpu.memory_space<vmem_shared>> -> memref<10240x64xf32, #tpu.memory_space<vmem_shared>>
      tpu.enqueue_indirect_dma source(%dma_start3A_81 : memref<128x64xf32, #tpu.memory_space<vmem>>) target(%dma_start3A_87 : memref<10240x64xf32, #tpu.memory_space<vmem_shared>>) offsets(%dma_start3A_84 : memref<128xi32, #tpu.memory_space<vmem>>) semaphore(%run_scoped3A_79 : memref<!tpu.dma_semaphore, #tpu.memory_space<semaphore_mem>>) {add = true}
      %dma_wait3A = arith.constant 0 : i32
      %dma_wait3A_88 = arith.constant 0 : i32
      %dma_wait3A_89 = tpu.memref_slice %arg6[%dma_wait3A, %dma_wait3A_88] : memref<1024x64xf32, #tpu.memory_space<vmem>> -> memref<128x64xf32, #tpu.memory_space<vmem>>
      %dma_wait3A_90 = arith.constant 0 : i32
      %dma_wait3A_91 = tpu.memref_slice %arg5[%run_scoped3A_63, %dma_wait3A_90] : memref<8x128xi32, #tpu.memory_space<vmem>> -> memref<1x128xi32, #tpu.memory_space<vmem>>
      %dma_wait3A_92 = tpu.memref_squeeze %dma_wait3A_91 : memref<1x128xi32, #tpu.memory_space<vmem>> -> memref<128xi32, #tpu.memory_space<vmem>>
      %dma_wait3A_93 = arith.constant 0 : i32
      %dma_wait3A_94 = arith.constant 0 : i32
      %dma_wait3A_95 = tpu.memref_slice %arg7[%dma_wait3A_93, %dma_wait3A_94] : memref<10240x64xf32, #tpu.memory_space<vmem_shared>> -> memref<10240x64xf32, #tpu.memory_space<vmem_shared>>
      tpu.wait_indirect_dma semaphore(%run_scoped3A_79 : memref<!tpu.dma_semaphore, #tpu.memory_space<semaphore_mem>>) src(%dma_wait3A_89 : memref<128x64xf32, #tpu.memory_space<vmem>>) dst(%dma_wait3A_95 : memref<10240x64xf32, #tpu.memory_space<vmem_shared>>)
      tpu.yield
    }) : () -> ()
    %run_scoped3A_64 = arith.constant 1 : i32
    "tpu.region"() ({
      %run_scoped3A_79 = tpu.sem_alloc : memref<!tpu.dma_semaphore, #tpu.memory_space<semaphore_mem>>
      %dma_start3A = arith.constant 128 : i32
      %dma_start3A_80 = arith.constant 0 : i32
      %dma_start3A_81 = tpu.memref_slice %arg6[%dma_start3A, %dma_start3A_80] : memref<1024x64xf32, #tpu.memory_space<vmem>> -> memref<128x64xf32, #tpu.memory_space<vmem>>
      %dma_start3A_82 = arith.constant 0 : i32
      %dma_start3A_83 = tpu.memref_slice %arg5[%run_scoped3A_64, %dma_start3A_82] : memref<8x128xi32, #tpu.memory_space<vmem>> -> memref<1x128xi32, #tpu.memory_space<vmem>>
      %dma_start3A_84 = tpu.memref_squeeze %dma_start3A_83 : memref<1x128xi32, #tpu.memory_space<vmem>> -> memref<128xi32, #tpu.memory_space<vmem>>
      %dma_start3A_85 = arith.constant 0 : i32
      %dma_start3A_86 = arith.constant 0 : i32
      %dma_start3A_87 = tpu.memref_slice %arg7[%dma_start3A_85, %dma_start3A_86] : memref<10240x64xf32, #tpu.memory_space<vmem_shared>> -> memref<10240x64xf32, #tpu.memory_space<vmem_shared>>
      tpu.enqueue_indirect_dma source(%dma_start3A_81 : memref<128x64xf32, #tpu.memory_space<vmem>>) target(%dma_start3A_87 : memref<10240x64xf32, #tpu.memory_space<vmem_shared>>) offsets(%dma_start3A_84 : memref<128xi32, #tpu.memory_space<vmem>>) semaphore(%run_scoped3A_79 : memref<!tpu.dma_semaphore, #tpu.memory_space<semaphore_mem>>) {add = true}
      %dma_wait3A = arith.constant 128 : i32
      %dma_wait3A_88 = arith.constant 0 : i32
      %dma_wait3A_89 = tpu.memref_slice %arg6[%dma_wait3A, %dma_wait3A_88] : memref<1024x64xf32, #tpu.memory_space<vmem>> -> memref<128x64xf32, #tpu.memory_space<vmem>>
      %dma_wait3A_90 = arith.constant 0 : i32
      %dma_wait3A_91 = tpu.memref_slice %arg5[%run_scoped3A_64, %dma_wait3A_90] : memref<8x128xi32, #tpu.memory_space<vmem>> -> memref<1x128xi32, #tpu.memory_space<vmem>>
      %dma_wait3A_92 = tpu.memref_squeeze %dma_wait3A_91 : memref<1x128xi32, #tpu.memory_space<vmem>> -> memref<128xi32, #tpu.memory_space<vmem>>
      %dma_wait3A_93 = arith.constant 0 : i32
      %dma_wait3A_94 = arith.constant 0 : i32
      %dma_wait3A_95 = tpu.memref_slice %arg7[%dma_wait3A_93, %dma_wait3A_94] : memref<10240x64xf32, #tpu.memory_space<vmem_shared>> -> memref<10240x64xf32, #tpu.memory_space<vmem_shared>>
      tpu.wait_indirect_dma semaphore(%run_scoped3A_79 : memref<!tpu.dma_semaphore, #tpu.memory_space<semaphore_mem>>) src(%dma_wait3A_89 : memref<128x64xf32, #tpu.memory_space<vmem>>) dst(%dma_wait3A_95 : memref<10240x64xf32, #tpu.memory_space<vmem_shared>>)
      tpu.yield
    }) : () -> ()
    %run_scoped3A_65 = arith.constant 2 : i32
    "tpu.region"() ({
      %run_scoped3A_79 = tpu.sem_alloc : memref<!tpu.dma_semaphore, #tpu.memory_space<semaphore_mem>>
      %dma_start3A = arith.constant 256 : i32
      %dma_start3A_80 = arith.constant 0 : i32
      %dma_start3A_81 = tpu.memref_slice %arg6[%dma_start3A, %dma_start3A_80] : memref<1024x64xf32, #tpu.memory_space<vmem>> -> memref<128x64xf32, #tpu.memory_space<vmem>>
      %dma_start3A_82 = arith.constant 0 : i32
      %dma_start3A_83 = tpu.memref_slice %arg5[%run_scoped3A_65, %dma_start3A_82] : memref<8x128xi32, #tpu.memory_space<vmem>> -> memref<1x128xi32, #tpu.memory_space<vmem>>
      %dma_start3A_84 = tpu.memref_squeeze %dma_start3A_83 : memref<1x128xi32, #tpu.memory_space<vmem>> -> memref<128xi32, #tpu.memory_space<vmem>>
      %dma_start3A_85 = arith.constant 0 : i32
      %dma_start3A_86 = arith.constant 0 : i32
      %dma_start3A_87 = tpu.memref_slice %arg7[%dma_start3A_85, %dma_start3A_86] : memref<10240x64xf32, #tpu.memory_space<vmem_shared>> -> memref<10240x64xf32, #tpu.memory_space<vmem_shared>>
      tpu.enqueue_indirect_dma source(%dma_start3A_81 : memref<128x64xf32, #tpu.memory_space<vmem>>) target(%dma_start3A_87 : memref<10240x64xf32, #tpu.memory_space<vmem_shared>>) offsets(%dma_start3A_84 : memref<128xi32, #tpu.memory_space<vmem>>) semaphore(%run_scoped3A_79 : memref<!tpu.dma_semaphore, #tpu.memory_space<semaphore_mem>>) {add = true}
      %dma_wait3A = arith.constant 256 : i32
      %dma_wait3A_88 = arith.constant 0 : i32
      %dma_wait3A_89 = tpu.memref_slice %arg6[%dma_wait3A, %dma_wait3A_88] : memref<1024x64xf32, #tpu.memory_space<vmem>> -> memref<128x64xf32, #tpu.memory_space<vmem>>
      %dma_wait3A_90 = arith.constant 0 : i32
      %dma_wait3A_91 = tpu.memref_slice %arg5[%run_scoped3A_65, %dma_wait3A_90] : memref<8x128xi32, #tpu.memory_space<vmem>> -> memref<1x128xi32, #tpu.memory_space<vmem>>
      %dma_wait3A_92 = tpu.memref_squeeze %dma_wait3A_91 : memref<1x128xi32, #tpu.memory_space<vmem>> -> memref<128xi32, #tpu.memory_space<vmem>>
      %dma_wait3A_93 = arith.constant 0 : i32
      %dma_wait3A_94 = arith.constant 0 : i32
      %dma_wait3A_95 = tpu.memref_slice %arg7[%dma_wait3A_93, %dma_wait3A_94] : memref<10240x64xf32, #tpu.memory_space<vmem_shared>> -> memref<10240x64xf32, #tpu.memory_space<vmem_shared>>
      tpu.wait_indirect_dma semaphore(%run_scoped3A_79 : memref<!tpu.dma_semaphore, #tpu.memory_space<semaphore_mem>>) src(%dma_wait3A_89 : memref<128x64xf32, #tpu.memory_space<vmem>>) dst(%dma_wait3A_95 : memref<10240x64xf32, #tpu.memory_space<vmem_shared>>)
      tpu.yield
    }) : () -> ()
    %run_scoped3A_66 = arith.constant 3 : i32
    "tpu.region"() ({
      %run_scoped3A_79 = tpu.sem_alloc : memref<!tpu.dma_semaphore, #tpu.memory_space<semaphore_mem>>
      %dma_start3A = arith.constant 384 : i32
      %dma_start3A_80 = arith.constant 0 : i32
      %dma_start3A_81 = tpu.memref_slice %arg6[%dma_start3A, %dma_start3A_80] : memref<1024x64xf32, #tpu.memory_space<vmem>> -> memref<128x64xf32, #tpu.memory_space<vmem>>
      %dma_start3A_82 = arith.constant 0 : i32
      %dma_start3A_83 = tpu.memref_slice %arg5[%run_scoped3A_66, %dma_start3A_82] : memref<8x128xi32, #tpu.memory_space<vmem>> -> memref<1x128xi32, #tpu.memory_space<vmem>>
      %dma_start3A_84 = tpu.memref_squeeze %dma_start3A_83 : memref<1x128xi32, #tpu.memory_space<vmem>> -> memref<128xi32, #tpu.memory_space<vmem>>
      %dma_start3A_85 = arith.constant 0 : i32
      %dma_start3A_86 = arith.constant 0 : i32
      %dma_start3A_87 = tpu.memref_slice %arg7[%dma_start3A_85, %dma_start3A_86] : memref<10240x64xf32, #tpu.memory_space<vmem_shared>> -> memref<10240x64xf32, #tpu.memory_space<vmem_shared>>
      tpu.enqueue_indirect_dma source(%dma_start3A_81 : memref<128x64xf32, #tpu.memory_space<vmem>>) target(%dma_start3A_87 : memref<10240x64xf32, #tpu.memory_space<vmem_shared>>) offsets(%dma_start3A_84 : memref<128xi32, #tpu.memory_space<vmem>>) semaphore(%run_scoped3A_79 : memref<!tpu.dma_semaphore, #tpu.memory_space<semaphore_mem>>) {add = true}
      %dma_wait3A = arith.constant 384 : i32
      %dma_wait3A_88 = arith.constant 0 : i32
      %dma_wait3A_89 = tpu.memref_slice %arg6[%dma_wait3A, %dma_wait3A_88] : memref<1024x64xf32, #tpu.memory_space<vmem>> -> memref<128x64xf32, #tpu.memory_space<vmem>>
      %dma_wait3A_90 = arith.constant 0 : i32
      %dma_wait3A_91 = tpu.memref_slice %arg5[%run_scoped3A_66, %dma_wait3A_90] : memref<8x128xi32, #tpu.memory_space<vmem>> -> memref<1x128xi32, #tpu.memory_space<vmem>>
      %dma_wait3A_92 = tpu.memref_squeeze %dma_wait3A_91 : memref<1x128xi32, #tpu.memory_space<vmem>> -> memref<128xi32, #tpu.memory_space<vmem>>
      %dma_wait3A_93 = arith.constant 0 : i32
      %dma_wait3A_94 = arith.constant 0 : i32
      %dma_wait3A_95 = tpu.memref_slice %arg7[%dma_wait3A_93, %dma_wait3A_94] : memref<10240x64xf32, #tpu.memory_space<vmem_shared>> -> memref<10240x64xf32, #tpu.memory_space<vmem_shared>>
      tpu.wait_indirect_dma semaphore(%run_scoped3A_79 : memref<!tpu.dma_semaphore, #tpu.memory_space<semaphore_mem>>) src(%dma_wait3A_89 : memref<128x64xf32, #tpu.memory_space<vmem>>) dst(%dma_wait3A_95 : memref<10240x64xf32, #tpu.memory_space<vmem_shared>>)
      tpu.yield
    }) : () -> ()
    %run_scoped3A_67 = arith.constant 4 : i32
    "tpu.region"() ({
      %run_scoped3A_79 = tpu.sem_alloc : memref<!tpu.dma_semaphore, #tpu.memory_space<semaphore_mem>>
      %dma_start3A = arith.constant 512 : i32
      %dma_start3A_80 = arith.constant 0 : i32
      %dma_start3A_81 = tpu.memref_slice %arg6[%dma_start3A, %dma_start3A_80] : memref<1024x64xf32, #tpu.memory_space<vmem>> -> memref<128x64xf32, #tpu.memory_space<vmem>>
      %dma_start3A_82 = arith.constant 0 : i32
      %dma_start3A_83 = tpu.memref_slice %arg5[%run_scoped3A_67, %dma_start3A_82] : memref<8x128xi32, #tpu.memory_space<vmem>> -> memref<1x128xi32, #tpu.memory_space<vmem>>
      %dma_start3A_84 = tpu.memref_squeeze %dma_start3A_83 : memref<1x128xi32, #tpu.memory_space<vmem>> -> memref<128xi32, #tpu.memory_space<vmem>>
      %dma_start3A_85 = arith.constant 0 : i32
      %dma_start3A_86 = arith.constant 0 : i32
      %dma_start3A_87 = tpu.memref_slice %arg7[%dma_start3A_85, %dma_start3A_86] : memref<10240x64xf32, #tpu.memory_space<vmem_shared>> -> memref<10240x64xf32, #tpu.memory_space<vmem_shared>>
      tpu.enqueue_indirect_dma source(%dma_start3A_81 : memref<128x64xf32, #tpu.memory_space<vmem>>) target(%dma_start3A_87 : memref<10240x64xf32, #tpu.memory_space<vmem_shared>>) offsets(%dma_start3A_84 : memref<128xi32, #tpu.memory_space<vmem>>) semaphore(%run_scoped3A_79 : memref<!tpu.dma_semaphore, #tpu.memory_space<semaphore_mem>>) {add = true}
      %dma_wait3A = arith.constant 512 : i32
      %dma_wait3A_88 = arith.constant 0 : i32
      %dma_wait3A_89 = tpu.memref_slice %arg6[%dma_wait3A, %dma_wait3A_88] : memref<1024x64xf32, #tpu.memory_space<vmem>> -> memref<128x64xf32, #tpu.memory_space<vmem>>
      %dma_wait3A_90 = arith.constant 0 : i32
      %dma_wait3A_91 = tpu.memref_slice %arg5[%run_scoped3A_67, %dma_wait3A_90] : memref<8x128xi32, #tpu.memory_space<vmem>> -> memref<1x128xi32, #tpu.memory_space<vmem>>
      %dma_wait3A_92 = tpu.memref_squeeze %dma_wait3A_91 : memref<1x128xi32, #tpu.memory_space<vmem>> -> memref<128xi32, #tpu.memory_space<vmem>>
      %dma_wait3A_93 = arith.constant 0 : i32
      %dma_wait3A_94 = arith.constant 0 : i32
      %dma_wait3A_95 = tpu.memref_slice %arg7[%dma_wait3A_93, %dma_wait3A_94] : memref<10240x64xf32, #tpu.memory_space<vmem_shared>> -> memref<10240x64xf32, #tpu.memory_space<vmem_shared>>
      tpu.wait_indirect_dma semaphore(%run_scoped3A_79 : memref<!tpu.dma_semaphore, #tpu.memory_space<semaphore_mem>>) src(%dma_wait3A_89 : memref<128x64xf32, #tpu.memory_space<vmem>>) dst(%dma_wait3A_95 : memref<10240x64xf32, #tpu.memory_space<vmem_shared>>)
      tpu.yield
    }) : () -> ()
    %run_scoped3A_68 = arith.constant 5 : i32
    "tpu.region"() ({
      %run_scoped3A_79 = tpu.sem_alloc : memref<!tpu.dma_semaphore, #tpu.memory_space<semaphore_mem>>
      %dma_start3A = arith.constant 640 : i32
      %dma_start3A_80 = arith.constant 0 : i32
      %dma_start3A_81 = tpu.memref_slice %arg6[%dma_start3A, %dma_start3A_80] : memref<1024x64xf32, #tpu.memory_space<vmem>> -> memref<128x64xf32, #tpu.memory_space<vmem>>
      %dma_start3A_82 = arith.constant 0 : i32
      %dma_start3A_83 = tpu.memref_slice %arg5[%run_scoped3A_68, %dma_start3A_82] : memref<8x128xi32, #tpu.memory_space<vmem>> -> memref<1x128xi32, #tpu.memory_space<vmem>>
      %dma_start3A_84 = tpu.memref_squeeze %dma_start3A_83 : memref<1x128xi32, #tpu.memory_space<vmem>> -> memref<128xi32, #tpu.memory_space<vmem>>
      %dma_start3A_85 = arith.constant 0 : i32
      %dma_start3A_86 = arith.constant 0 : i32
      %dma_start3A_87 = tpu.memref_slice %arg7[%dma_start3A_85, %dma_start3A_86] : memref<10240x64xf32, #tpu.memory_space<vmem_shared>> -> memref<10240x64xf32, #tpu.memory_space<vmem_shared>>
      tpu.enqueue_indirect_dma source(%dma_start3A_81 : memref<128x64xf32, #tpu.memory_space<vmem>>) target(%dma_start3A_87 : memref<10240x64xf32, #tpu.memory_space<vmem_shared>>) offsets(%dma_start3A_84 : memref<128xi32, #tpu.memory_space<vmem>>) semaphore(%run_scoped3A_79 : memref<!tpu.dma_semaphore, #tpu.memory_space<semaphore_mem>>) {add = true}
      %dma_wait3A = arith.constant 640 : i32
      %dma_wait3A_88 = arith.constant 0 : i32
      %dma_wait3A_89 = tpu.memref_slice %arg6[%dma_wait3A, %dma_wait3A_88] : memref<1024x64xf32, #tpu.memory_space<vmem>> -> memref<128x64xf32, #tpu.memory_space<vmem>>
      %dma_wait3A_90 = arith.constant 0 : i32
      %dma_wait3A_91 = tpu.memref_slice %arg5[%run_scoped3A_68, %dma_wait3A_90] : memref<8x128xi32, #tpu.memory_space<vmem>> -> memref<1x128xi32, #tpu.memory_space<vmem>>
      %dma_wait3A_92 = tpu.memref_squeeze %dma_wait3A_91 : memref<1x128xi32, #tpu.memory_space<vmem>> -> memref<128xi32, #tpu.memory_space<vmem>>
      %dma_wait3A_93 = arith.constant 0 : i32
      %dma_wait3A_94 = arith.constant 0 : i32
      %dma_wait3A_95 = tpu.memref_slice %arg7[%dma_wait3A_93, %dma_wait3A_94] : memref<10240x64xf32, #tpu.memory_space<vmem_shared>> -> memref<10240x64xf32, #tpu.memory_space<vmem_shared>>
      tpu.wait_indirect_dma semaphore(%run_scoped3A_79 : memref<!tpu.dma_semaphore, #tpu.memory_space<semaphore_mem>>) src(%dma_wait3A_89 : memref<128x64xf32, #tpu.memory_space<vmem>>) dst(%dma_wait3A_95 : memref<10240x64xf32, #tpu.memory_space<vmem_shared>>)
      tpu.yield
    }) : () -> ()
    %run_scoped3A_69 = arith.constant 6 : i32
    "tpu.region"() ({
      %run_scoped3A_79 = tpu.sem_alloc : memref<!tpu.dma_semaphore, #tpu.memory_space<semaphore_mem>>
      %dma_start3A = arith.constant 768 : i32
      %dma_start3A_80 = arith.constant 0 : i32
      %dma_start3A_81 = tpu.memref_slice %arg6[%dma_start3A, %dma_start3A_80] : memref<1024x64xf32, #tpu.memory_space<vmem>> -> memref<128x64xf32, #tpu.memory_space<vmem>>
      %dma_start3A_82 = arith.constant 0 : i32
      %dma_start3A_83 = tpu.memref_slice %arg5[%run_scoped3A_69, %dma_start3A_82] : memref<8x128xi32, #tpu.memory_space<vmem>> -> memref<1x128xi32, #tpu.memory_space<vmem>>
      %dma_start3A_84 = tpu.memref_squeeze %dma_start3A_83 : memref<1x128xi32, #tpu.memory_space<vmem>> -> memref<128xi32, #tpu.memory_space<vmem>>
      %dma_start3A_85 = arith.constant 0 : i32
      %dma_start3A_86 = arith.constant 0 : i32
      %dma_start3A_87 = tpu.memref_slice %arg7[%dma_start3A_85, %dma_start3A_86] : memref<10240x64xf32, #tpu.memory_space<vmem_shared>> -> memref<10240x64xf32, #tpu.memory_space<vmem_shared>>
      tpu.enqueue_indirect_dma source(%dma_start3A_81 : memref<128x64xf32, #tpu.memory_space<vmem>>) target(%dma_start3A_87 : memref<10240x64xf32, #tpu.memory_space<vmem_shared>>) offsets(%dma_start3A_84 : memref<128xi32, #tpu.memory_space<vmem>>) semaphore(%run_scoped3A_79 : memref<!tpu.dma_semaphore, #tpu.memory_space<semaphore_mem>>) {add = true}
      %dma_wait3A = arith.constant 768 : i32
      %dma_wait3A_88 = arith.constant 0 : i32
      %dma_wait3A_89 = tpu.memref_slice %arg6[%dma_wait3A, %dma_wait3A_88] : memref<1024x64xf32, #tpu.memory_space<vmem>> -> memref<128x64xf32, #tpu.memory_space<vmem>>
      %dma_wait3A_90 = arith.constant 0 : i32
      %dma_wait3A_91 = tpu.memref_slice %arg5[%run_scoped3A_69, %dma_wait3A_90] : memref<8x128xi32, #tpu.memory_space<vmem>> -> memref<1x128xi32, #tpu.memory_space<vmem>>
      %dma_wait3A_92 = tpu.memref_squeeze %dma_wait3A_91 : memref<1x128xi32, #tpu.memory_space<vmem>> -> memref<128xi32, #tpu.memory_space<vmem>>
      %dma_wait3A_93 = arith.constant 0 : i32
      %dma_wait3A_94 = arith.constant 0 : i32
      %dma_wait3A_95 = tpu.memref_slice %arg7[%dma_wait3A_93, %dma_wait3A_94] : memref<10240x64xf32, #tpu.memory_space<vmem_shared>> -> memref<10240x64xf32, #tpu.memory_space<vmem_shared>>
      tpu.wait_indirect_dma semaphore(%run_scoped3A_79 : memref<!tpu.dma_semaphore, #tpu.memory_space<semaphore_mem>>) src(%dma_wait3A_89 : memref<128x64xf32, #tpu.memory_space<vmem>>) dst(%dma_wait3A_95 : memref<10240x64xf32, #tpu.memory_space<vmem_shared>>)
      tpu.yield
    }) : () -> ()
    %run_scoped3A_70 = arith.constant 7 : i32
    "tpu.region"() ({
      %run_scoped3A_79 = tpu.sem_alloc : memref<!tpu.dma_semaphore, #tpu.memory_space<semaphore_mem>>
      %dma_start3A = arith.constant 896 : i32
      %dma_start3A_80 = arith.constant 0 : i32
      %dma_start3A_81 = tpu.memref_slice %arg6[%dma_start3A, %dma_start3A_80] : memref<1024x64xf32, #tpu.memory_space<vmem>> -> memref<128x64xf32, #tpu.memory_space<vmem>>
      %dma_start3A_82 = arith.constant 0 : i32
      %dma_start3A_83 = tpu.memref_slice %arg5[%run_scoped3A_70, %dma_start3A_82] : memref<8x128xi32, #tpu.memory_space<vmem>> -> memref<1x128xi32, #tpu.memory_space<vmem>>
      %dma_start3A_84 = tpu.memref_squeeze %dma_start3A_83 : memref<1x128xi32, #tpu.memory_space<vmem>> -> memref<128xi32, #tpu.memory_space<vmem>>
      %dma_start3A_85 = arith.constant 0 : i32
      %dma_start3A_86 = arith.constant 0 : i32
      %dma_start3A_87 = tpu.memref_slice %arg7[%dma_start3A_85, %dma_start3A_86] : memref<10240x64xf32, #tpu.memory_space<vmem_shared>> -> memref<10240x64xf32, #tpu.memory_space<vmem_shared>>
      tpu.enqueue_indirect_dma source(%dma_start3A_81 : memref<128x64xf32, #tpu.memory_space<vmem>>) target(%dma_start3A_87 : memref<10240x64xf32, #tpu.memory_space<vmem_shared>>) offsets(%dma_start3A_84 : memref<128xi32, #tpu.memory_space<vmem>>) semaphore(%run_scoped3A_79 : memref<!tpu.dma_semaphore, #tpu.memory_space<semaphore_mem>>) {add = true}
      %dma_wait3A = arith.constant 896 : i32
      %dma_wait3A_88 = arith.constant 0 : i32
      %dma_wait3A_89 = tpu.memref_slice %arg6[%dma_wait3A, %dma_wait3A_88] : memref<1024x64xf32, #tpu.memory_space<vmem>> -> memref<128x64xf32, #tpu.memory_space<vmem>>
      %dma_wait3A_90 = arith.constant 0 : i32
      %dma_wait3A_91 = tpu.memref_slice %arg5[%run_scoped3A_70, %dma_wait3A_90] : memref<8x128xi32, #tpu.memory_space<vmem>> -> memref<1x128xi32, #tpu.memory_space<vmem>>
      %dma_wait3A_92 = tpu.memref_squeeze %dma_wait3A_91 : memref<1x128xi32, #tpu.memory_space<vmem>> -> memref<128xi32, #tpu.memory_space<vmem>>
      %dma_wait3A_93 = arith.constant 0 : i32
      %dma_wait3A_94 = arith.constant 0 : i32
      %dma_wait3A_95 = tpu.memref_slice %arg7[%dma_wait3A_93, %dma_wait3A_94] : memref<10240x64xf32, #tpu.memory_space<vmem_shared>> -> memref<10240x64xf32, #tpu.memory_space<vmem_shared>>
      tpu.wait_indirect_dma semaphore(%run_scoped3A_79 : memref<!tpu.dma_semaphore, #tpu.memory_space<semaphore_mem>>) src(%dma_wait3A_89 : memref<128x64xf32, #tpu.memory_space<vmem>>) dst(%dma_wait3A_95 : memref<10240x64xf32, #tpu.memory_space<vmem_shared>>)
      tpu.yield
    }) : () -> ()
    %barrier3A_71 = arith.constant 0 : index
    tpu.barrier barrier_id(%barrier3A_71)
    %mul3A_72 = arith.constant 640 : i32
    %mul3A_73 = arith.muli %arg1, %mul3A_72 : i32
    %mul3A_74 = arith.constant 10240 : i32
    %mul3A_75 = arith.muli %arg0, %mul3A_74 : i32
    %mul3A_76 = arith.constant 640 : i32
    %mul3A_77 = arith.muli %arg1, %mul3A_76 : i32
    %add3A_78 = arith.addi %mul3A_75, %mul3A_77 : i32
    "tpu.region"() ({
      %run_scoped3A_79 = tpu.sem_alloc : memref<!tpu.dma_semaphore, #tpu.memory_space<semaphore_mem>>
      %dma_start3A = arith.constant 0 : i32
      %dma_start3A_80 = tpu.memref_slice %arg4[%add3A_78, %dma_start3A] : memref<20480x64xf32, #tpu.memory_space<hbm>> -> memref<640x64xf32, #tpu.memory_space<hbm>>
      %dma_start3A_81 = arith.constant 0 : i32
      %dma_start3A_82 = tpu.memref_slice %arg7[%mul3A_73, %dma_start3A_81] : memref<10240x64xf32, #tpu.memory_space<vmem_shared>> -> memref<640x64xf32, #tpu.memory_space<vmem_shared>>
      tpu.enqueue_dma source(%dma_start3A_82 : memref<640x64xf32, #tpu.memory_space<vmem_shared>>) target(%dma_start3A_80 : memref<640x64xf32, #tpu.memory_space<hbm>>) target_semaphore(%run_scoped3A_79 : memref<!tpu.dma_semaphore, #tpu.memory_space<semaphore_mem>>)
      %dma_wait3A = arith.constant 0 : i32
      %dma_wait3A_83 = tpu.memref_slice %arg4[%add3A_78, %dma_wait3A] : memref<20480x64xf32, #tpu.memory_space<hbm>> -> memref<640x64xf32, #tpu.memory_space<hbm>>
      %dma_wait3A_84 = arith.constant 0 : i32
      %dma_wait3A_85 = tpu.memref_slice %arg7[%mul3A_73, %dma_wait3A_84] : memref<10240x64xf32, #tpu.memory_space<vmem_shared>> -> memref<640x64xf32, #tpu.memory_space<vmem_shared>>
      tpu.wait_dma2 semaphore(%run_scoped3A_79 : memref<!tpu.dma_semaphore, #tpu.memory_space<semaphore_mem>>) src(%dma_wait3A_85 : memref<640x64xf32, #tpu.memory_space<vmem_shared>>) dst(%dma_wait3A_83 : memref<640x64xf32, #tpu.memory_space<hbm>>)
      tpu.yield
    }) : () -> ()
    return
  }
}

module attributes {stable_mosaic.version = 14 : i64} {
  func.func @_edge_kernel(%arg0: i32, %arg1: memref<8x2048xf32, #tpu.memory_space<vmem>>, %arg2: memref<2048x128xf32, #tpu.memory_space<vmem>>, %arg3: memref<8x128xf32, #tpu.memory_space<vmem>>, %arg4: memref<8x64xf32, #tpu.memory_space<vmem>>, %arg5: memref<128x64xbf16, #tpu.memory_space<vmem>>, %arg6: memref<64x896xbf16, #tpu.memory_space<vmem>>, %arg7: memref<64x896xbf16, #tpu.memory_space<vmem>>, %arg8: memref<896x64xbf16, #tpu.memory_space<vmem>>, %arg9: memref<2048x128xf32, #tpu.memory_space<vmem>>) attributes {dimension_semantics = [#tpu.dimension_semantics<arbitrary>], iteration_bounds = array<i64: 80>, scalar_prefetch = 0 : i64, scratch_operands = 0 : i64, tpu.core_type = #tpu.core_type<tc>, window_params = [{transform_indices = @transform_0, window_bounds = array<i64: 8, 2048>}, {transform_indices = @transform_1, window_bounds = array<i64: 2048, 128>}, {pipeline_mode = #tpu.pipeline_mode<synchronous>, transform_indices = @transform_2, window_bounds = array<i64: 8, 128>}, {pipeline_mode = #tpu.pipeline_mode<synchronous>, transform_indices = @transform_3, window_bounds = array<i64: 8, 64>}, {pipeline_mode = #tpu.pipeline_mode<synchronous>, transform_indices = @transform_4, window_bounds = array<i64: 128, 64>}, {pipeline_mode = #tpu.pipeline_mode<synchronous>, transform_indices = @transform_5, window_bounds = array<i64: 64, 896>}, {pipeline_mode = #tpu.pipeline_mode<synchronous>, transform_indices = @transform_6, window_bounds = array<i64: 64, 896>}, {pipeline_mode = #tpu.pipeline_mode<synchronous>, transform_indices = @transform_7, window_bounds = array<i64: 896, 64>}, {transform_indices = @transform_8, window_bounds = array<i64: 2048, 128>}]} {
    %get3A = arith.constant 0 : index
    %get3A_0 = arith.constant 0 : index
    %get3A_1 = vector.load %arg1[%get3A, %get3A_0] : memref<8x2048xf32, #tpu.memory_space<vmem>>, vector<8x2048xf32>
    %get3A_2 = arith.constant 0 : index
    %get3A_3 = arith.constant 0 : index
    %get3A_4 = vector.load %arg2[%get3A_2, %get3A_3] : memref<2048x128xf32, #tpu.memory_space<vmem>>, vector<2048x128xf32>
    %slice3A = vector.extract_strided_slice %get3A_4 {offsets = [0, 0], sizes = [2048, 64], strides = [1, 1]} : vector<2048x128xf32> to vector<2048x64xf32>
    %get3A_5 = arith.constant 0 : index
    %get3A_6 = arith.constant 0 : index
    %get3A_7 = vector.load %arg3[%get3A_5, %get3A_6] : memref<8x128xf32, #tpu.memory_space<vmem>>, vector<8x128xf32>
    %dot_general3A = arith.constant dense<0.000000e+00> : vector<2048x128xf32>
    %dot_general3A_8 = tpu.matmul %get3A_1, %get3A_7, %dot_general3A {dimension_numbers = #tpu.dot_dimension_numbers<[0], [0], [1], [1], [0, 1, 1, 1], [], []>, transpose_lhs_hint = false} : vector<8x2048xf32>, vector<8x128xf32>, vector<2048x128xf32> -> vector<2048x128xf32>
    %iota3A = tpu.iota {dimensions = array<i32: 1>} : vector<1x8xi32>
    %convert_element_type3A = arith.sitofp %iota3A : vector<1x8xi32> to vector<1x8xf32>
    %mul3A = arith.constant 0.714285731 : f32
    %mul3A_9 = vector.broadcast %mul3A : f32 to vector<1x8xf32>
    %mul3A_10 = arith.mulf %convert_element_type3A, %mul3A_9 : vector<1x8xf32>
    %slice3A_11 = vector.extract_strided_slice %dot_general3A_8 {offsets = [0, 40], sizes = [2048, 8], strides = [1, 1]} : vector<2048x128xf32> to vector<2048x8xf32>
    %sub3A = vector.broadcast %mul3A_10 : vector<1x8xf32> to vector<2048x8xf32>
    %sub3A_12 = arith.subf %slice3A_11, %sub3A : vector<2048x8xf32>
    %integer_pow3A = arith.mulf %sub3A_12, %sub3A_12 : vector<2048x8xf32>
    %mul3A_13 = arith.constant -5.000000e-01 : f32
    %mul3A_14 = vector.broadcast %mul3A_13 : f32 to vector<2048x8xf32>
    %mul3A_15 = arith.mulf %mul3A_14, %integer_pow3A : vector<2048x8xf32>
    %exp3A = math.exp %mul3A_15 : vector<2048x8xf32>
    %get3A_16 = arith.constant 0 : index
    %get3A_17 = arith.constant 0 : index
    %get3A_18 = vector.load %arg4[%get3A_16, %get3A_17] : memref<8x64xf32, #tpu.memory_space<vmem>>, vector<8x64xf32>
    %dot_general3A_19 = arith.constant dense<0.000000e+00> : vector<2048x64xf32>
    %dot_general3A_20 = tpu.matmul %exp3A, %get3A_18, %dot_general3A_19 {dimension_numbers = #tpu.dot_dimension_numbers<[1], [0], [0], [1], [0, 0, 1, 1], [], []>, transpose_lhs_hint = false} : vector<2048x8xf32>, vector<8x64xf32>, vector<2048x64xf32> -> vector<2048x64xf32>
    %logistic3A = arith.negf %dot_general3A_20 : vector<2048x64xf32>
    %logistic3A_21 = math.exp %logistic3A : vector<2048x64xf32>
    %logistic3A_22 = arith.constant 1.000000e+00 : f32
    %logistic3A_23 = vector.broadcast %logistic3A_22 : f32 to vector<2048x64xf32>
    %logistic3A_24 = arith.addf %logistic3A_23, %logistic3A_21 : vector<2048x64xf32>
    %logistic3A_25 = arith.divf %logistic3A_23, %logistic3A_24 : vector<2048x64xf32>
    %mul3A_26 = arith.mulf %dot_general3A_20, %logistic3A_25 : vector<2048x64xf32>
    %convert_element_type3A_27 = arith.truncf %mul3A_26 : vector<2048x64xf32> to vector<2048x64xbf16>
    %get3A_28 = arith.constant 0 : index
    %get3A_29 = arith.constant 0 : index
    %get3A_30 = vector.load %arg6[%get3A_28, %get3A_29] : memref<64x896xbf16, #tpu.memory_space<vmem>>, vector<64x896xbf16>
    %dot_general3A_31 = arith.constant dense<0.000000e+00> : vector<2048x896xf32>
    %dot_general3A_32 = tpu.matmul %convert_element_type3A_27, %get3A_30, %dot_general3A_31 {dimension_numbers = #tpu.dot_dimension_numbers<[1], [0], [0], [1], [0, 0, 1, 1], [], []>, transpose_lhs_hint = false} : vector<2048x64xbf16>, vector<64x896xbf16>, vector<2048x896xf32> -> vector<2048x896xf32>
    %convert_element_type3A_33 = arith.truncf %dot_general3A_32 : vector<2048x896xf32> to vector<2048x896xbf16>
    %slice3A_34 = vector.extract_strided_slice %dot_general3A_8 {offsets = [0, 0], sizes = [2048, 64], strides = [1, 1]} : vector<2048x128xf32> to vector<2048x64xf32>
    %mul3A_35 = arith.mulf %slice3A, %slice3A_34 : vector<2048x64xf32>
    %slice3A_36 = vector.extract_strided_slice %dot_general3A_8 {offsets = [0, 64], sizes = [2048, 64], strides = [1, 1]} : vector<2048x128xf32> to vector<2048x64xf32>
    %mul3A_37 = arith.mulf %slice3A, %slice3A_36 : vector<2048x64xf32>
    %concatenate3A = tpu.concatenate %mul3A_35, %mul3A_37 in 1 : vector<2048x64xf32>, vector<2048x64xf32> -> vector<2048x128xf32>
    %convert_element_type3A_38 = arith.truncf %concatenate3A : vector<2048x128xf32> to vector<2048x128xbf16>
    %get3A_39 = arith.constant 0 : index
    %get3A_40 = arith.constant 0 : index
    %get3A_41 = vector.load %arg5[%get3A_39, %get3A_40] : memref<128x64xbf16, #tpu.memory_space<vmem>>, vector<128x64xbf16>
    %dot_general3A_42 = arith.constant dense<0.000000e+00> : vector<2048x64xf32>
    %dot_general3A_43 = tpu.matmul %convert_element_type3A_38, %get3A_41, %dot_general3A_42 {dimension_numbers = #tpu.dot_dimension_numbers<[1], [0], [0], [1], [0, 0, 1, 1], [], []>, transpose_lhs_hint = false} : vector<2048x128xbf16>, vector<128x64xbf16>, vector<2048x64xf32> -> vector<2048x64xf32>
    %convert_element_type3A_44 = arith.truncf %dot_general3A_43 : vector<2048x64xf32> to vector<2048x64xbf16>
    %get3A_45 = arith.constant 0 : index
    %get3A_46 = arith.constant 0 : index
    %get3A_47 = vector.load %arg7[%get3A_45, %get3A_46] : memref<64x896xbf16, #tpu.memory_space<vmem>>, vector<64x896xbf16>
    %dot_general3A_48 = arith.constant dense<0.000000e+00> : vector<2048x896xf32>
    %dot_general3A_49 = tpu.matmul %convert_element_type3A_44, %get3A_47, %dot_general3A_48 {dimension_numbers = #tpu.dot_dimension_numbers<[1], [0], [0], [1], [0, 0, 1, 1], [], []>, transpose_lhs_hint = false} : vector<2048x64xbf16>, vector<64x896xbf16>, vector<2048x896xf32> -> vector<2048x896xf32>
    %convert_element_type3A_50 = arith.truncf %dot_general3A_49 : vector<2048x896xf32> to vector<2048x896xbf16>
    %mul3A_51 = arith.mulf %convert_element_type3A_33, %convert_element_type3A_50 : vector<2048x896xbf16>
    %get3A_52 = arith.constant 0 : index
    %get3A_53 = arith.constant 0 : index
    %get3A_54 = vector.load %arg8[%get3A_52, %get3A_53] : memref<896x64xbf16, #tpu.memory_space<vmem>>, vector<896x64xbf16>
    %dot_general3A_55 = arith.constant dense<0.000000e+00> : vector<2048x64xf32>
    %dot_general3A_56 = tpu.matmul %mul3A_51, %get3A_54, %dot_general3A_55 {dimension_numbers = #tpu.dot_dimension_numbers<[1], [0], [0], [1], [0, 0, 1, 1], [], []>, transpose_lhs_hint = false} : vector<2048x896xbf16>, vector<896x64xbf16>, vector<2048x64xf32> -> vector<2048x64xf32>
    %slice3A_57 = vector.extract_strided_slice %dot_general3A_56 {offsets = [0, 48], sizes = [2048, 8], strides = [1, 1]} : vector<2048x64xf32> to vector<2048x8xf32>
    %slice3A_58 = vector.extract_strided_slice %dot_general3A_56 {offsets = [0, 24], sizes = [2048, 8], strides = [1, 1]} : vector<2048x64xf32> to vector<2048x8xf32>
    %slice3A_59 = vector.extract_strided_slice %dot_general3A_8 {offsets = [0, 16], sizes = [2048, 8], strides = [1, 1]} : vector<2048x128xf32> to vector<2048x8xf32>
    %mul3A_60 = arith.mulf %slice3A_57, %slice3A_59 : vector<2048x8xf32>
    %add3A = arith.addf %slice3A_58, %mul3A_60 : vector<2048x8xf32>
    %slice3A_61 = vector.extract_strided_slice %dot_general3A_56 {offsets = [0, 32], sizes = [2048, 8], strides = [1, 1]} : vector<2048x64xf32> to vector<2048x8xf32>
    %slice3A_62 = vector.extract_strided_slice %dot_general3A_8 {offsets = [0, 24], sizes = [2048, 8], strides = [1, 1]} : vector<2048x128xf32> to vector<2048x8xf32>
    %mul3A_63 = arith.mulf %slice3A_57, %slice3A_62 : vector<2048x8xf32>
    %add3A_64 = arith.addf %slice3A_61, %mul3A_63 : vector<2048x8xf32>
    %slice3A_65 = vector.extract_strided_slice %dot_general3A_56 {offsets = [0, 40], sizes = [2048, 8], strides = [1, 1]} : vector<2048x64xf32> to vector<2048x8xf32>
    %slice3A_66 = vector.extract_strided_slice %dot_general3A_8 {offsets = [0, 32], sizes = [2048, 8], strides = [1, 1]} : vector<2048x128xf32> to vector<2048x8xf32>
    %mul3A_67 = arith.mulf %slice3A_57, %slice3A_66 : vector<2048x8xf32>
    %add3A_68 = arith.addf %slice3A_65, %mul3A_67 : vector<2048x8xf32>
    %iota3A_69 = tpu.iota {dimensions = array<i32: 1>} : vector<2048x16xi32>
    %eq3A = arith.constant 0 : i32
    %eq3A_70 = vector.broadcast %eq3A : i32 to vector<2048x16xi32>
    %eq3A_71 = arith.cmpi eq, %iota3A_69, %eq3A_70 : vector<2048x16xi32>
    %jit3A = arith.constant 1.000000e+00 : f32
    %jit3A_72 = arith.constant 0.000000e+00 : f32
    %broadcast_in_dim3A = vector.broadcast %jit3A : f32 to vector<2048x16xf32>
    %broadcast_in_dim3A_73 = vector.broadcast %jit3A_72 : f32 to vector<2048x16xf32>
    %select_n3A = arith.select %eq3A_71, %broadcast_in_dim3A, %broadcast_in_dim3A_73 : vector<2048x16xi1>, vector<2048x16xf32>
    %slice3A_74 = vector.extract_strided_slice %dot_general3A_56 {offsets = [0, 0], sizes = [2048, 24], strides = [1, 1]} : vector<2048x64xf32> to vector<2048x24xf32>
    %broadcast_in_dim3A_75 = arith.constant 0.000000e+00 : f32
    %broadcast_in_dim3A_76 = vector.broadcast %broadcast_in_dim3A_75 : f32 to vector<2048x64xf32>
    %concatenate3A_77 = tpu.concatenate %slice3A_74, %add3A, %add3A_64, %add3A_68, %select_n3A, %broadcast_in_dim3A_76 in 1 : vector<2048x24xf32>, vector<2048x8xf32>, vector<2048x8xf32>, vector<2048x8xf32>, vector<2048x16xf32>, vector<2048x64xf32> -> vector<2048x128xf32>
    %swap3A = arith.constant 0 : index
    %swap3A_78 = arith.constant 0 : index
    %swap3A_79 = vector.load %arg9[%swap3A, %swap3A_78] : memref<2048x128xf32, #tpu.memory_space<vmem>>, vector<2048x128xf32>
    tpu.vector_store %arg9[%swap3A, %swap3A_78], %concatenate3A_77 {strides = array<i32>} : memref<2048x128xf32, #tpu.memory_space<vmem>>, vector<2048x128xf32>,
    return
  }
  func.func @transform_0(%arg0: i32) -> (i32, i32) {
    %c0_i32 = arith.constant 0 : i32
    %c0_i32_0 = arith.constant 0 : i32
    return %c0_i32, %arg0 : i32, i32
  }
  func.func @transform_1(%arg0: i32) -> (i32, i32) {
    %c0_i32 = arith.constant 0 : i32
    %c0_i32_0 = arith.constant 0 : i32
    return %arg0, %c0_i32 : i32, i32
  }
  func.func @transform_2(%arg0: i32) -> (i32, i32) {
    %c0_i32 = arith.constant 0 : i32
    %c0_i32_0 = arith.constant 0 : i32
    %c0_i32_1 = arith.constant 0 : i32
    return %c0_i32, %c0_i32_0 : i32, i32
  }
  func.func @transform_3(%arg0: i32) -> (i32, i32) {
    %c0_i32 = arith.constant 0 : i32
    %c0_i32_0 = arith.constant 0 : i32
    %c0_i32_1 = arith.constant 0 : i32
    return %c0_i32, %c0_i32_0 : i32, i32
  }
  func.func @transform_4(%arg0: i32) -> (i32, i32) {
    %c0_i32 = arith.constant 0 : i32
    %c0_i32_0 = arith.constant 0 : i32
    %c0_i32_1 = arith.constant 0 : i32
    return %c0_i32, %c0_i32_0 : i32, i32
  }
  func.func @transform_5(%arg0: i32) -> (i32, i32) {
    %c0_i32 = arith.constant 0 : i32
    %c0_i32_0 = arith.constant 0 : i32
    %c0_i32_1 = arith.constant 0 : i32
    return %c0_i32, %c0_i32_0 : i32, i32
  }
  func.func @transform_6(%arg0: i32) -> (i32, i32) {
    %c0_i32 = arith.constant 0 : i32
    %c0_i32_0 = arith.constant 0 : i32
    %c0_i32_1 = arith.constant 0 : i32
    return %c0_i32, %c0_i32_0 : i32, i32
  }
  func.func @transform_7(%arg0: i32) -> (i32, i32) {
    %c0_i32 = arith.constant 0 : i32
    %c0_i32_0 = arith.constant 0 : i32
    %c0_i32_1 = arith.constant 0 : i32
    return %c0_i32, %c0_i32_0 : i32, i32
  }
  func.func @transform_8(%arg0: i32) -> (i32, i32) {
    %c0_i32 = arith.constant 0 : i32
    %c0_i32_0 = arith.constant 0 : i32
    return %arg0, %c0_i32 : i32, i32
  }
}

module attributes {stable_mosaic.version = 14 : i64} {
  func.func @_node_kernel(%arg0: i32, %arg1: memref<1024x64xf32, #tpu.memory_space<vmem>>, %arg2: memref<1024x64xf32, #tpu.memory_space<vmem>>, %arg3: memref<1024x64xf32, #tpu.memory_space<vmem>>, %arg4: memref<16x16xf32, #tpu.memory_space<vmem>>, %arg5: memref<8x8xf32, #tpu.memory_space<vmem>>, %arg6: memref<1024x24xf32, #tpu.memory_space<vmem>>) attributes {dimension_semantics = [#tpu.dimension_semantics<arbitrary>], iteration_bounds = array<i64: 10>, scalar_prefetch = 0 : i64, scratch_operands = 0 : i64, tpu.core_type = #tpu.core_type<tc>, window_params = [{transform_indices = @transform_0, window_bounds = array<i64: 1024, 64>}, {transform_indices = @transform_1, window_bounds = array<i64: 1024, 64>}, {transform_indices = @transform_2, window_bounds = array<i64: 1024, 64>}, {pipeline_mode = #tpu.pipeline_mode<synchronous>, transform_indices = @transform_3, window_bounds = array<i64: 16, 16>}, {pipeline_mode = #tpu.pipeline_mode<synchronous>, transform_indices = @transform_4, window_bounds = array<i64: 8, 8>}, {transform_indices = @transform_5, window_bounds = array<i64: 1024, 24>}]} {
    %get3A = arith.constant 0 : index
    %get3A_0 = arith.constant 0 : index
    %get3A_1 = vector.load %arg1[%get3A, %get3A_0] : memref<1024x64xf32, #tpu.memory_space<vmem>>, vector<1024x64xf32>
    %get3A_2 = arith.constant 0 : index
    %get3A_3 = arith.constant 0 : index
    %get3A_4 = vector.load %arg2[%get3A_2, %get3A_3] : memref<1024x64xf32, #tpu.memory_space<vmem>>, vector<1024x64xf32>
    %add3A = arith.addf %get3A_1, %get3A_4 : vector<1024x64xf32>
    %get3A_5 = arith.constant 0 : index
    %get3A_6 = arith.constant 0 : index
    %get3A_7 = vector.load %arg3[%get3A_5, %get3A_6] : memref<1024x64xf32, #tpu.memory_space<vmem>>, vector<1024x64xf32>
    %slice3A = vector.extract_strided_slice %add3A {offsets = [0, 48], sizes = [1024, 1], strides = [1, 1]} : vector<1024x64xf32> to vector<1024x1xf32>
    %max3A = arith.constant 1.000000e+00 : f32
    %max3A_8 = vector.broadcast %max3A : f32 to vector<1024x1xf32>
    %max3A_9 = arith.maximumf %slice3A, %max3A_8 : vector<1024x1xf32>
    %div3A = arith.constant 1.000000e+00 : f32
    %div3A_10 = vector.broadcast %div3A : f32 to vector<1024x1xf32>
    %div3A_11 = arith.divf %div3A_10, %max3A_9 : vector<1024x1xf32>
    %slice3A_12 = vector.extract_strided_slice %add3A {offsets = [0, 0], sizes = [1024, 16], strides = [1, 1]} : vector<1024x64xf32> to vector<1024x16xf32>
    %mul3A = vector.broadcast %div3A_11 : vector<1024x1xf32> to vector<1024x16xf32>
    %mul3A_13 = arith.mulf %slice3A_12, %mul3A : vector<1024x16xf32>
    %logistic3A = arith.negf %mul3A_13 : vector<1024x16xf32>
    %logistic3A_14 = math.exp %logistic3A : vector<1024x16xf32>
    %logistic3A_15 = arith.constant 1.000000e+00 : f32
    %logistic3A_16 = vector.broadcast %logistic3A_15 : f32 to vector<1024x16xf32>
    %logistic3A_17 = arith.addf %logistic3A_16, %logistic3A_14 : vector<1024x16xf32>
    %logistic3A_18 = arith.divf %logistic3A_16, %logistic3A_17 : vector<1024x16xf32>
    %mul3A_19 = arith.mulf %mul3A_13, %logistic3A_18 : vector<1024x16xf32>
    %slice3A_20 = vector.extract_strided_slice %add3A {offsets = [0, 16], sizes = [1024, 8], strides = [1, 1]} : vector<1024x64xf32> to vector<1024x8xf32>
    %mul3A_21 = vector.broadcast %div3A_11 : vector<1024x1xf32> to vector<1024x8xf32>
    %mul3A_22 = arith.mulf %slice3A_20, %mul3A_21 : vector<1024x8xf32>
    %logistic3A_23 = arith.negf %mul3A_22 : vector<1024x8xf32>
    %logistic3A_24 = math.exp %logistic3A_23 : vector<1024x8xf32>
    %logistic3A_25 = arith.constant 1.000000e+00 : f32
    %logistic3A_26 = vector.broadcast %logistic3A_25 : f32 to vector<1024x8xf32>
    %logistic3A_27 = arith.addf %logistic3A_26, %logistic3A_24 : vector<1024x8xf32>
    %logistic3A_28 = arith.divf %logistic3A_26, %logistic3A_27 : vector<1024x8xf32>
    %slice3A_29 = vector.extract_strided_slice %get3A_7 {offsets = [0, 0], sizes = [1024, 16], strides = [1, 1]} : vector<1024x64xf32> to vector<1024x16xf32>
    %get3A_30 = arith.constant 0 : index
    %get3A_31 = arith.constant 0 : index
    %get3A_32 = vector.load %arg4[%get3A_30, %get3A_31] : memref<16x16xf32, #tpu.memory_space<vmem>>, vector<16x16xf32>
    %dot_general3A = arith.constant dense<0.000000e+00> : vector<1024x16xf32>
    %dot_general3A_33 = tpu.matmul %slice3A_29, %get3A_32, %dot_general3A {dimension_numbers = #tpu.dot_dimension_numbers<[1], [0], [0], [1], [0, 0, 1, 1], [], []>, transpose_lhs_hint = false} : vector<1024x16xf32>, vector<16x16xf32>, vector<1024x16xf32> -> vector<1024x16xf32>
    %mul3A_34 = arith.constant 2.500000e-01 : f32
    %mul3A_35 = vector.broadcast %mul3A_34 : f32 to vector<1024x16xf32>
    %mul3A_36 = arith.mulf %dot_general3A_33, %mul3A_35 : vector<1024x16xf32>
    %get3A_37 = arith.constant 0 : index
    %get3A_38 = arith.constant 0 : index
    %get3A_39 = vector.load %arg5[%get3A_37, %get3A_38] : memref<8x8xf32, #tpu.memory_space<vmem>>, vector<8x8xf32>
    %add3A_40 = arith.addf %mul3A_19, %mul3A_36 : vector<1024x16xf32>
    %slice3A_41 = vector.extract_strided_slice %add3A {offsets = [0, 24], sizes = [1024, 8], strides = [1, 1]} : vector<1024x64xf32> to vector<1024x8xf32>
    %mul3A_42 = vector.broadcast %div3A_11 : vector<1024x1xf32> to vector<1024x8xf32>
    %mul3A_43 = arith.mulf %slice3A_41, %mul3A_42 : vector<1024x8xf32>
    %mul3A_44 = arith.mulf %mul3A_43, %logistic3A_28 : vector<1024x8xf32>
    %slice3A_45 = vector.extract_strided_slice %get3A_7 {offsets = [0, 16], sizes = [1024, 8], strides = [1, 1]} : vector<1024x64xf32> to vector<1024x8xf32>
    %dot_general3A_46 = arith.constant dense<0.000000e+00> : vector<1024x8xf32>
    %dot_general3A_47 = tpu.matmul %slice3A_45, %get3A_39, %dot_general3A_46 {dimension_numbers = #tpu.dot_dimension_numbers<[1], [0], [0], [1], [0, 0, 1, 1], [], []>, transpose_lhs_hint = false} : vector<1024x8xf32>, vector<8x8xf32>, vector<1024x8xf32> -> vector<1024x8xf32>
    %mul3A_48 = arith.constant 0.353553385 : f32
    %mul3A_49 = vector.broadcast %mul3A_48 : f32 to vector<1024x8xf32>
    %mul3A_50 = arith.mulf %dot_general3A_47, %mul3A_49 : vector<1024x8xf32>
    %add3A_51 = arith.addf %mul3A_44, %mul3A_50 : vector<1024x8xf32>
    %slice3A_52 = vector.extract_strided_slice %add3A {offsets = [0, 32], sizes = [1024, 8], strides = [1, 1]} : vector<1024x64xf32> to vector<1024x8xf32>
    %mul3A_53 = vector.broadcast %div3A_11 : vector<1024x1xf32> to vector<1024x8xf32>
    %mul3A_54 = arith.mulf %slice3A_52, %mul3A_53 : vector<1024x8xf32>
    %mul3A_55 = arith.mulf %mul3A_54, %logistic3A_28 : vector<1024x8xf32>
    %slice3A_56 = vector.extract_strided_slice %get3A_7 {offsets = [0, 24], sizes = [1024, 8], strides = [1, 1]} : vector<1024x64xf32> to vector<1024x8xf32>
    %dot_general3A_57 = arith.constant dense<0.000000e+00> : vector<1024x8xf32>
    %dot_general3A_58 = tpu.matmul %slice3A_56, %get3A_39, %dot_general3A_57 {dimension_numbers = #tpu.dot_dimension_numbers<[1], [0], [0], [1], [0, 0, 1, 1], [], []>, transpose_lhs_hint = false} : vector<1024x8xf32>, vector<8x8xf32>, vector<1024x8xf32> -> vector<1024x8xf32>
    %mul3A_59 = arith.constant 0.353553385 : f32
    %mul3A_60 = vector.broadcast %mul3A_59 : f32 to vector<1024x8xf32>
    %mul3A_61 = arith.mulf %dot_general3A_58, %mul3A_60 : vector<1024x8xf32>
    %add3A_62 = arith.addf %mul3A_55, %mul3A_61 : vector<1024x8xf32>
    %slice3A_63 = vector.extract_strided_slice %add3A {offsets = [0, 40], sizes = [1024, 8], strides = [1, 1]} : vector<1024x64xf32> to vector<1024x8xf32>
    %mul3A_64 = vector.broadcast %div3A_11 : vector<1024x1xf32> to vector<1024x8xf32>
    %mul3A_65 = arith.mulf %slice3A_63, %mul3A_64 : vector<1024x8xf32>
    %mul3A_66 = arith.mulf %mul3A_65, %logistic3A_28 : vector<1024x8xf32>
    %slice3A_67 = vector.extract_strided_slice %get3A_7 {offsets = [0, 32], sizes = [1024, 8], strides = [1, 1]} : vector<1024x64xf32> to vector<1024x8xf32>
    %dot_general3A_68 = arith.constant dense<0.000000e+00> : vector<1024x8xf32>
    %dot_general3A_69 = tpu.matmul %slice3A_67, %get3A_39, %dot_general3A_68 {dimension_numbers = #tpu.dot_dimension_numbers<[1], [0], [0], [1], [0, 0, 1, 1], [], []>, transpose_lhs_hint = false} : vector<1024x8xf32>, vector<8x8xf32>, vector<1024x8xf32> -> vector<1024x8xf32>
    %mul3A_70 = arith.constant 0.353553385 : f32
    %mul3A_71 = vector.broadcast %mul3A_70 : f32 to vector<1024x8xf32>
    %mul3A_72 = arith.mulf %dot_general3A_69, %mul3A_71 : vector<1024x8xf32>
    %add3A_73 = arith.addf %mul3A_66, %mul3A_72 : vector<1024x8xf32>
    %mul3A_74 = arith.mulf %add3A_51, %add3A_51 : vector<1024x8xf32>
    %mul3A_75 = arith.mulf %add3A_62, %add3A_62 : vector<1024x8xf32>
    %add3A_76 = arith.addf %mul3A_74, %mul3A_75 : vector<1024x8xf32>
    %mul3A_77 = arith.mulf %add3A_73, %add3A_73 : vector<1024x8xf32>
    %add3A_78 = arith.addf %add3A_76, %mul3A_77 : vector<1024x8xf32>
    %sqrt3A = math.sqrt %add3A_78 : vector<1024x8xf32>
    %abs3A = math.absf %add3A_40 : vector<1024x16xf32>
    %concatenate3A = tpu.concatenate %abs3A, %sqrt3A in 1 : vector<1024x16xf32>, vector<1024x8xf32> -> vector<1024x24xf32>
    %swap3A = arith.constant 0 : index
    %swap3A_79 = arith.constant 0 : index
    %swap3A_80 = vector.load %arg6[%swap3A, %swap3A_79] : memref<1024x24xf32, #tpu.memory_space<vmem>>, vector<1024x24xf32>
    tpu.vector_store %arg6[%swap3A, %swap3A_79], %concatenate3A {strides = array<i32>} : memref<1024x24xf32, #tpu.memory_space<vmem>>, vector<1024x24xf32>,
    return
  }
  func.func @transform_0(%arg0: i32) -> (i32, i32) {
    %c0_i32 = arith.constant 0 : i32
    %c0_i32_0 = arith.constant 0 : i32
    return %arg0, %c0_i32 : i32, i32
  }
  func.func @transform_1(%arg0: i32) -> (i32, i32) {
    %add3A = arith.constant 10 : i32
    %add3A_0 = arith.addi %arg0, %add3A : i32
    %c0_i32 = arith.constant 0 : i32
    %c0_i32_1 = arith.constant 0 : i32
    return %add3A_0, %c0_i32 : i32, i32
  }
  func.func @transform_2(%arg0: i32) -> (i32, i32) {
    %c0_i32 = arith.constant 0 : i32
    %c0_i32_0 = arith.constant 0 : i32
    return %arg0, %c0_i32 : i32, i32
  }
  func.func @transform_3(%arg0: i32) -> (i32, i32) {
    %c0_i32 = arith.constant 0 : i32
    %c0_i32_0 = arith.constant 0 : i32
    %c0_i32_1 = arith.constant 0 : i32
    return %c0_i32, %c0_i32_0 : i32, i32
  }
  func.func @transform_4(%arg0: i32) -> (i32, i32) {
    %c0_i32 = arith.constant 0 : i32
    %c0_i32_0 = arith.constant 0 : i32
    %c0_i32_1 = arith.constant 0 : i32
    return %c0_i32, %c0_i32_0 : i32, i32
  }
  func.func @transform_5(%arg0: i32) -> (i32, i32) {
    %c0_i32 = arith.constant 0 : i32
    %c0_i32_0 = arith.constant 0 : i32
    return %arg0, %c0_i32 : i32, i32
  }
}

</mosaic_0001>

<sc_bundles>
// kernel: kernel.6.cloned.1.call-start
scs
__scs_entry_jumppad:
0x0: {  	(pc) =	sbr.rel $0x88, $3  }
0x1: {  	(tag) =	ssettag $0x0;
	lr =	simm.s32 $0x1  }
0x2: {  	[smem:$0x3F98] =	sst lr;
	_ =	strace $0xD0000000  }
0x3: {  	_ = 	snop  }
0x4: {  	_ = 	snop  }
0x5: {  	_ = 	snop  }
0x6: {  	_ = 	snop  }
0x7: {  	_ = 	snop  }
__scs_overlays_trampoline_lowered:
0x8: {  	[smem:$0x3FA7] =	sst s0  }
0x9: {  	[smem:$0x3FA8] =	sst s1  }
0xa: {  	[smem:$0x3FA9] =	sst s2  }
0xb: {  	[smem:$0x3FAA] =	sst s3  }
0xc: {  	[smem:$0x3FAB] =	sst s4  }
0xd: {  	[smem:$0x3FAC] =	sst s5  }
0xe: {  	[smem:$0x3FAD] =	sst s6  }
0xf: {  	[smem:$0x3FAE] =	sst s7  }
0x10: {  	[smem:$0x3FAF] =	sst s8  }
0x11: {  	[smem:$0x3FB0] =	sst s9;
	s0 =	simm.s32 @!p0 $0x0  }
0x12: {  	s1 =	sld [smem:$0x3F96];
	s0 =	simm.s32 @p0 $0x1  }
0x13: {  	[smem:$0x3FB1] =	sst s0;
	s0 =	simm.s32 @!p1 $0x0  }
0x14: {  	s2 =	sld [smem:$0x3F95];
	s0 =	simm.s32 @p1 $0x1  }
0x15: {  	[smem:$0x3FB2] =	sst s0;
	s0 =	simm.s32 @!p2 $0x0  }
0x16: {  	s3 =	sld [smem:$0x3FDB];
	s0 =	simm.s32 @p2 $0x1  }
0x17: {  	s4 =	simm.s32 $0x1BF5;
	[smem:$0x3FB4] =	sst s0  }
0x18: {  	s0 =	sld [smem:$0x3F97];
	_ =	swait.ge [sflag:s4], $0x0  }
0x19: {  	s7 =	sld [smem:$0x3F98]  }
0x1a: {  	s8 =	sadd.s32 $0xFFFFE003, lr  }
0x1b: {  	s9 =	sadd.s32 $0xFFFFFEF7, lr;
	s5 =	simm.s32 $0xFFFFFFFF;
	p2 =	slt.u32 s8, $0xFFFFF086  }
0x1c: {  	p1 =	slt.u32 s9, $0xF7A;
	s5 =	simm.s32 @!p2 $0x0  }
0x1d: {  	s5 =	simm.s32 @p1 $0x1;
	p0 =	seq.s32 s7, s2  }
0x1e: {  	s7 =	smul.u32 @!p0 $0xF7A, s2;
	p2 =	seq.s32 @!p0 s5, $0x0  }
0x1f: {  	s9 =	smul.u32 $0xF7A, s1;
	s8 =	simm.s32 @!p0 $0x1BF5;
	p2 =	por !p2, p0  }
0x20: {  	[sflag:s8] =	ssyncset.s32 @!p0 $0xFFFFF086;
	s6 =	sadd.s32 @!p0 s3, s7;
	s7 =	simm.s32 @!p0 $0x108  }
0x21: {  	s3 =	sadd.s32 s3, s9;
	s6 =	sadd.s32 @!p0 $0x88, s6;
	s7 =	simm.s32 @p2 $0x1082  }
0x22: {  	[simem:s7], [sflag:s8] =	dma.local @!p0 [hbm:s6], $0xF7A  }
0x23: {  	s9 =	sor.u32 $0xD0000000, s2;
	s6 =	simm.s32 $0x108;
	_ =	swait.ge @!p0 [sflag:s8], $0x0  }
0x24: {  	s3 =	sadd.s32 $0x88, s3;
	s6 =	simm.s32 @!p1 $0x1082;
	[sflag:s4] =	ssyncset.s32 $0xFFFFF086  }
0x25: {  	[simem:s6], [sflag:s4] =	dma.local [hbm:s3], $0xF7A  }
0x26: {  	[smem:$0x3F98] =	sst s1;
	(tag) =	ssettag s2;
	_ =	strace s9  }
0x27: {  	s1 =	sld [smem:$0x3FA8]  }
0x28: {  	s2 =	sld [smem:$0x3FA9]  }
0x29: {  	s4 =	sld [smem:$0x3FAB]  }
0x2a: {  	p0 =	seq.s32 s5, $0x0;
	s5 =	sld [smem:$0x3FAC]  }
0x2b: {  	s6 =	sld [smem:$0x3FAD]  }
0x2c: {  	s7 =	sld [smem:$0x3FAE]  }
0x2d: {  	s3 =	simm.s32 $0x108;
	s8 =	sld [smem:$0x3FAF]  }
0x2e: {  	s3 =	simm.s32 @!p0 $0x1082;
	s9 =	sld [smem:$0x3FB0]  }
0x2f: {  	lr =	sadd.s32 s0, s3;
	s0 =	sld [smem:$0x3FA7]  }
0x30: {  	s3 =	sld [smem:$0x3FAA]  }
0x31: {  	[smem:$0x3FB3] =	sst s10  }
0x32: {  	s10 =	sld [smem:$0x3FB1];
	_ =	sdelay $0x3  }
0x33: {  	p0 =	seq.s32 s10, $0x1;
	s10 =	sld [smem:$0x3FB3];
	_ =	sdelay $0x3  }
0x34: {  	[smem:$0x3FB3] =	sst s10  }
0x35: {  	s10 =	sld [smem:$0x3FB2];
	_ =	sdelay $0x3  }
0x36: {  	p1 =	seq.s32 s10, $0x1;
	s10 =	sld [smem:$0x3FB3];
	_ =	sdelay $0x3  }
0x37: {  	[smem:$0x3FB3] =	sst s10  }
0x38: {  	s10 =	sld [smem:$0x3FB4]  }
0x39: {  	_ = 	snop;
	(pc) =	sbr.ind lr, $3  }
0x3a: {  	_ = 	snop  }
0x3b: {  	_ = 	snop  }
0x3c: {  	p2 =	seq.s32 s10, $0x1;
	s10 =	sld [smem:$0x3FB3]  }
0x3d: {  	_ =	shalt  }
0x3e: {  	_ =	shalt  }
0x3f: {  	_ =	shalt  }
0x40: {  	_ =	shalt  }
0x41: {  	_ =	shalt  }
0x42: {  	_ =	shalt  }
0x43: {  	_ =	shalt  }
0x44: {  	_ =	shalt  }
0x45: {  	_ =	shalt  }
0x46: {  	_ =	shalt  }
0x47: {  	_ =	shalt  }
0x48: {  	_ =	shalt  }
0x49: {  	_ =	shalt  }
0x4a: {  	_ =	shalt  }
0x4b: {  	_ =	shalt  }
0x4c: {  	_ =	shalt  }
0x4d: {  	_ =	shalt  }
0x4e: {  	_ =	shalt  }
0x4f: {  	_ =	shalt  }
0x50: {  	_ =	shalt  }
0x51: {  	_ =	shalt  }
0x52: {  	_ =	shalt  }
0x53: {  	_ =	shalt  }
0x54: {  	_ =	shalt  }
0x55: {  	_ =	shalt  }
0x56: {  	_ =	shalt  }
0x57: {  	_ =	shalt  }
0x58: {  	_ =	shalt  }
0x59: {  	_ =	shalt  }
0x5a: {  	_ =	shalt  }
0x5b: {  	_ =	shalt  }
0x5c: {  	_ =	shalt  }
0x5d: {  	_ =	shalt  }
0x5e: {  	_ =	shalt  }
0x5f: {  	_ =	shalt  }
0x60: {  	_ =	shalt  }
0x61: {  	_ =	shalt  }
0x62: {  	_ =	shalt  }
0x63: {  	_ =	shalt  }
0x64: {  	_ =	shalt  }
0x65: {  	_ =	shalt  }
0x66: {  	_ =	shalt  }
0x67: {  	_ =	shalt  }
0x68: {  	_ =	shalt  }
0x69: {  	_ =	shalt  }
0x6a: {  	_ =	shalt  }
0x6b: {  	_ =	shalt  }
0x6c: {  	_ =	shalt  }
0x6d: {  	_ =	shalt  }
0x6e: {  	_ =	shalt  }
0x6f: {  	_ =	shalt  }
0x70: {  	_ =	shalt  }
0x71: {  	_ =	shalt  }
0x72: {  	_ =	shalt  }
0x73: {  	_ =	shalt  }
0x74: {  	_ =	shalt  }
0x75: {  	_ =	shalt  }
0x76: {  	_ =	shalt  }
0x77: {  	_ =	shalt  }
0x78: {  	_ =	shalt  }
0x79: {  	_ =	shalt  }
0x7a: {  	_ =	shalt  }
0x7b: {  	_ =	shalt  }
0x7c: {  	_ =	shalt  }
0x7d: {  	_ =	shalt  }
0x7e: {  	_ =	shalt  }
0x7f: {  	_ =	shalt  }
0x80: {  	_ =	shalt  }
0x81: {  	_ =	shalt  }
0x82: {  	_ =	shalt  }
0x83: {  	_ =	shalt  }
0x84: {  	_ =	shalt  }
0x85: {  	_ =	shalt  }
0x86: {  	_ =	shalt  }
0x87: {  	_ =	shalt  }
.Lfunc_end0:
.L_simem_size_0:
called_computation_lowered:
.L_overlay_start_0:
0x88: {  	s2 =	sld [smem:$0x3FD9]  }
0x89: {  	s3 =	sld [smem:$0x3FFE];
	_ =	sdelay $0x1  }
0x8a: {  	s1 =	srdreg.scid  }
0x8b: {  	s0 =	sand.u32 $0x1, s1  }
0x8c: {  	s17 =	sshll.u32 s0, $0xA;
	s2 =	sadd.s32 s3, s2  }
0x8d: {  	s2 =	sadd.s32 s2, s17  }
0x8e: {  	[smem:$0x3FBF] =	sst s2  }
0x8f: {  	_ = 	snop  }
0x90: {  	s2 =	sld [smem:$0x3FD0];
	(tm) =	ssettm $0x1  }
0x91: {  	s18 =	sld [smem:$0x3FFB];
	_ =	sdelay $0x3  }
0x92: {  	_ =	strace s18  }
0x93: {  	s3 =	sld [smem:$0x3FFC];
	_ =	sdelay $0x3  }
0x94: {  	_ =	strace s3  }
0x95: {  	s3 =	sld [smem:$0x3FFD];
	_ =	sdelay $0x3  }
0x96: {  	_ =	strace s3  }
0x97: {  	_ =	strace $0x8FFFFFFF  }
0x98: {  	s19 =	sld [smem:$0x3FDB];
	_ =	sdelay $0x1  }
0x99: {  	s4 =	simm.s32 $_scs_section_size  }
0x9a: {  	s5 =	simm.s32 $_size__tile_overlayer_lowered;
	s6 =	simm.s32 $_tile_overlayer_lowered  }
0x9b: {  	s22 =	simm.s32 $0x1BFF;
	s21 =	sshll.u32 s6, $0x1;
	s3 =	sadd.s32 s4, s19  }
0x9c: {  	s7 =	simm.s32 $0x0;
	s20 =	sshll.u32 s5, $0x1;
	s5 =	sadd.s32 s21, s3  }
0x9d: {  	[timem:s7], [sflag:s22] =	dma.local [hbm:s5], s20  }
0x9e: {  	_ =	swait.ge [sflag:s22], s20  }
0x9f: {  	s4 =	ssub.s32 $0x0, s20;
	[sflag:s22] =	ssyncset.done $0x0  }
0xa0: {  	[sflag:s22] =	ssyncadd.s32 s4;
	_ =	sdelay $0x1  }
0xa1: {  	s23 =	simm.s32 $0x1B8B  }
0xa2: {  	_ =	swait.ge [sflag:s23], $0x1  }
0xa3: {  	[sflag:s23] =	ssyncset.done $0x0  }
0xa4: {  	s25 =	simm.s32 $0x1B8E;
	s24 =	sld [smem:$0x3FFE];
	[sflag:s23] =	ssyncadd.s32 $0xFFFFFFFF  }
0xa5: {  	s26 =	simm.s32 $execute0_lowered;
	[smem:$0x3FD2] =	sst s25  }
0xa6: {  	s5 =	sshll.u32 s26, $0x1;
	_ =	strace $0x80000046;
	[dreg:$0x1] =	wrdreg $0xFFFFFFFF  }
0xa7: {  	s28 =	simm.s32 $_size_execute0_lowered;
	s3 =	sadd.s32 s3, s5;
	[dreg:$0x0] =	wrdreg $0x0  }
0xa8: {  	s5 =	sshll.u32 s28, $0x1;
	[dreg:$0x2] =	wrdreg s3  }
0xa9: {  	[dreg:$0x3] =	wrdreg s5  }
0xaa: {  	[dreg:$0x4] =	wrdreg $0xC0  }
0xab: {  	_ =	task [dreg:s7], $0x5FFFF  }
0xac: {  	[dreg:$0x1] =	wrdreg $0xFFFFFFFF  }
0xad: {  	[dreg:$0x0] =	wrdreg $0x60  }
0xae: {  	[dreg:$0x2] =	wrdreg s24  }
0xaf: {  	[dreg:$0x3] =	wrdreg s2  }
0xb0: {  	[dreg:$0x4] =	wrdreg $0x104000  }
0xb1: {  	[dreg:$0x5] =	wrdreg $0x9  }
0xb2: {  	_ =	task.clear_ibuf [dreg:s7], $0x6FFFF;
	_ =	strace $0x90000046  }
0xb3: {  	s29 =	simm.s32 $0x9;
	_ =	strace $0x80000048  }
0xb4: {  	_ =	swait.ge [sflag:s29], $0x1  }
0xb5: {  	[sflag:s29] =	ssyncadd.s32 $0xFFFFFFFF  }
0xb6: {  	_ =	strace $0x90000048  }
0xb7: {  	_ =	sfence  }
0xb8: {  	s30 =	sld [smem:$0x0];
	_ =	sdelay $0x2  }
0xb9: {  	s31 =	sshll.u32 s1, $0xD;
	s1 =	sshrl.u32 s1, $0x2  }
0xba: {  	s3 =	sand.u32 $0x4000, s31;
	s1 =	sadd.s32 s1, s30  }
0xbb: {  	s0 =	sor.u32 s3, s0;
	s1 =	sshll.u32 s1, $0x11  }
0xbc: {  	s0 =	sor.u32 s1, s0  }
0xbd: {  	s0 =	sadd.s32 $0x8F2B, s0  }
0xbe: {  	[sflag:s0] =	ssyncadd.remote.s32 $0x1  }
0xbf: {  	_ =	sfence.sel $0xFFFF  }
0xc0: {  	[dreg:$0x0] =	wrdreg $0xFFFFFFFF;
	(pc) =	sbr.abs _section_cstart, $3  }
0xc1: {  	[dreg:$0x1] =	wrdreg $0xFFFFFFFF  }
0xc2: {  	_ =	task.clear_ibuf [dreg:s7], $0x2FFFF;
	_ =	strace $0x9FFFFFFF  }
0xc3: {  	(tm) =	ssettm $0x7FFFFFFF  }
tec
execute0_lowered:
.L_overlay_start_1:
0x0: {  	(tag) =	ssettag $0x1  }
0x1: {  	s0 =	rddreg [dreg:$0x0]  }
0x2: {  	s1 =	rddreg [dreg:$0x1]  }
0x3: {  	s2 =	rddreg [dreg:$0x2]  }
0x4: {  	s10 =	stileid.u32;
	s3 =	simm.s32 $0x0;
	s5 =	srdreg.scid  }
0x5: {  	s11 =	simm.s32 $0x2400;
	s12 =	simm.s32 $0x100;
	s14 =	simm.s32 $0x4400  }
0x6: {  	s15 =	simm.s32 $0x180;
	p0 =	por $0x0, $0x0;
	s4 =	smul.u32 $0xA000, s10  }
0x7: {  	[smem:$0x7FF] =	sst s3;
	s5 =	sand.u32 $0x1, s5;
	s8 =	sshll.u32 s10, $0x1  }
0x8: {  	s18 =	sshll.u32 s10, $0x6;
	s7 =	ssub.s32 $0x2, s5;
	s5 =	sor.u32 s5, s8  }
0x9: {  	_ =	strace $0x80000047;
	s20 =	sor.u32 $0x1C02, s18;
	s17 =	smul.u32 $0x280, s5  }
0xa: {  	s18 =	simm.s32 $0x8400;
	s8 =	simm.s32 $0x1;
	s19 =	smul.u32 $0x1400, s5  }
0xb: {  	s6 =	sshrl.u32 s4, $0x3;
	s9 =	sshrl.u32 s7, $0x1;
	s21 =	smul.u32 $0xA0000, s5  }
0xc: {  	s16 =	sadd.s32 s4, s2;
	[dreg:$0x5] =	wrdreg s20;
	s5 =	smul.u32 $0x14000, s5  }
0xd: {  	s20 =	simm.s32 $0xA400;
	s6 =	sadd.s32 s6, s0;
	s0 =	sadd.s32 $0x3F000, s0  }
0xe: {  	s7 =	ssub.s32 s7, s9;
	s31 =	sshrl.u32 s16, $0x3;
	s16 =	simm.s32 $0x6400  }
0xf: {  	s9 =	simm.s32 $0x40;
	s6 =	sadd.s32 $0x2B000, s6;
	s4 =	sadd.s32 s1, s17  }
0x10: {  	s22 =	sshrl.u32 s19, $0x3;
	s23 =	sshrl.u32 s21, $0x3;
	s5 =	sadd.s32 s0, s5  }
0x11: {  	s24 =	smax.u32 s7, $0x1;
	s7 =	simm.s32 $0x400;
	s17 =	simm.s32 $0x200  }
0x12: {  	s19 =	simm.s32 $0x280;
	s21 =	simm.s32 $0x300;
	[dreg:$0x4] =	wrdreg s6  }
0x13: {  	[dreg:$0x6] =	wrdreg s4;
	s1 =	sadd.s32 s1, s22;
	s0 =	sadd.s32 s0, s23  }
0x14: {  	[dreg:$0x7] =	wrdreg s5;
	s5 =	simm.s32 $0x2;
	p1 =	sne.s32 s24, $0x1  }
.Ltmp0:
0x15: {  	s6 =	simm.s32 $0x80;
	s22 =	simm.s32 $0xC400;
	(pc) =	sbr.rel @!p1 .LBB2_5-.Ltmp0, $4  }
0x16: {  	s23 =	simm.s32 $0x380;
	s30 =	sadd.s32 $0x80, s1;
	s29 =	sadd.s32 $0x4000, s0  }
0x17: {  	s28 =	sadd.s32 $0x100, s1;
	s26 =	sadd.s32 $0x8000, s0;
	s25 =	sadd.s32 $0x180, s1  }
0x18: {  	s13 =	sadd.s32 $0xC000, s0;
	s10 =	sadd.s32 $0x200, s1;
	s4 =	sadd.s32 $0x10000, s0  }
0x19: {  	s0 =	sadd.s32 $0xFFFFFFFF, s24;
	s24 =	simm.s32 $0xE400;
	s1 =	rddreg [dreg:$0x4]  }
0x1a: {  	[dreg:$0x9] =	wrdreg s0  }
0x1b: {  	s0 =	rddreg [dreg:$0x5]  }
0x1c: {  	[spmem:s31], [sflag:s0] =	dma.local [hbm:s1], $0x1400  }
0x1d: {  	_ =	swait.ge [sflag:s5], $0x1400  }
0x1e: {  	[sflag:s5] =	ssyncset.done $0x0  }
0x1f: {  	[sflag:s5] =	ssyncadd.s32 $0xFFFFEC00  }
0x20: {  	[bflag:$0x0] =	sbarrier.arrive $0xFFFF  }
0x21: {  	s1 =	rddreg [dreg:$0x6]  }
0x22: {  	[tilespmem:s3], [sflag:$0x2] =	stream.linear.gather [hbm4b:s1+s3], $0x400, $0x38;
	[tilespmem:$0x1A400] =	vst v63  }
0x23: {  	_ =	swait.ge [sflag:s5], $0x400  }
0x24: {  	[sflag:s5] =	ssyncset.done $0x0  }
0x25: {  	[sflag:s5] =	ssyncadd.s32 $0xFFFFFC00  }
0x26: {  	[tilespmem:s7], [sflag:$0x1] =	stream.indirect.gather [spmem:s2], $0x40, s3, s6, $0xb8;
	[tilespmem:$0x1A400] =	vst v63  }
0x27: {  	_ = 	snop  }
0x28: {  	[tilespmem:s11], [sflag:$0x1] =	stream.indirect.gather [spmem:s2], $0x40, s6, s6, $0xb8;
	[tilespmem:$0x1A400] =	vst v63  }
0x29: {  	_ = 	snop  }
0x2a: {  	[tilespmem:s14], [sflag:$0x1] =	stream.indirect.gather [spmem:s2], $0x40, s12, s6, $0xb8;
	[tilespmem:$0x1A400] =	vst v63  }
0x2b: {  	_ = 	snop  }
0x2c: {  	[tilespmem:s16], [sflag:$0x1] =	stream.indirect.gather [spmem:s2], $0x40, s15, s6, $0xb8;
	[tilespmem:$0x1A400] =	vst v63  }
0x2d: {  	_ = 	snop  }
0x2e: {  	[tilespmem:s18], [sflag:$0x1] =	stream.indirect.gather [spmem:s2], $0x40, s17, s6, $0xb8;
	[tilespmem:$0x1A400] =	vst v63  }
0x2f: {  	_ = 	snop  }
0x30: {  	[tilespmem:s20], [sflag:$0x1] =	stream.indirect.gather [spmem:s2], $0x40, s19, s6, $0xb8;
	[tilespmem:$0x1A400] =	vst v63  }
0x31: {  	_ = 	snop  }
0x32: {  	[tilespmem:s22], [sflag:$0x1] =	stream.indirect.gather [spmem:s2], $0x40, s21, s6, $0xb8;
	[tilespmem:$0x1A400] =	vst v63  }
0x33: {  	_ = 	snop  }
0x34: {  	[tilespmem:s24], [sflag:$0x1] =	stream.indirect.gather [spmem:s2], $0x40, s23, s6, $0xb8;
	[tilespmem:$0x1A400] =	vst v63  }
0x35: {  	_ =	swait.ge [sflag:s8], $0x2000  }
0x36: {  	[sflag:s8] =	ssyncset.done $0x0  }
0x37: {  	[sflag:s8] =	ssyncadd.s32 $0xFFFFE000  }
0x38: {  	_ =	swait.ge [sflag:s8], $0x2000  }
0x39: {  	[sflag:s8] =	ssyncset.done $0x0  }
0x3a: {  	[sflag:s8] =	ssyncadd.s32 $0xFFFFE000  }
0x3b: {  	_ =	swait.ge [sflag:s8], $0x2000  }
0x3c: {  	[sflag:s8] =	ssyncset.done $0x0  }
0x3d: {  	[sflag:s8] =	ssyncadd.s32 $0xFFFFE000  }
0x3e: {  	_ =	swait.ge [sflag:s8], $0x2000  }
0x3f: {  	[sflag:s8] =	ssyncset.done $0x0  }
0x40: {  	[sflag:s8] =	ssyncadd.s32 $0xFFFFE000  }
0x41: {  	_ =	swait.ge [sflag:s8], $0x2000  }
0x42: {  	[sflag:s8] =	ssyncset.done $0x0  }
0x43: {  	[sflag:s8] =	ssyncadd.s32 $0xFFFFE000  }
0x44: {  	_ =	swait.ge [sflag:s8], $0x2000  }
0x45: {  	[sflag:s8] =	ssyncset.done $0x0  }
0x46: {  	[sflag:s8] =	ssyncadd.s32 $0xFFFFE000  }
0x47: {  	_ =	swait.ge [sflag:s8], $0x2000  }
0x48: {  	[sflag:s8] =	ssyncset.done $0x0  }
0x49: {  	[sflag:s8] =	ssyncadd.s32 $0xFFFFE000  }
0x4a: {  	_ =	swait.ge [sflag:s8], $0x2000  }
0x4b: {  	[sflag:s8] =	ssyncset.done $0x0  }
0x4c: {  	s1 =	rddreg [dreg:$0x7];
	[sflag:s8] =	ssyncadd.s32 $0xFFFFE000  }
0x4d: {  	[hbm4b:s1+s9] =	stream.strided.scatter [tilespmem:s7], [sflag:$0x2], $0x10000, s6, s9, $0x38;
	[tilespmem:$0x1A400] =	vst v63  }
0x4e: {  	_ =	swait.ge [sflag:s5], $0x10000  }
0x4f: {  	[sflag:s5] =	ssyncset.done $0x0  }
0x50: {  	[sflag:s5] =	ssyncadd.s32 $0xFFFF0000  }
0x51: {  	[tilespmem:s3], [sflag:$0x2] =	stream.linear.gather [hbm4b:s30+s3], $0x400, $0x38;
	[tilespmem:$0x1A400] =	vst v63  }
0x52: {  	_ =	swait.ge [sflag:s5], $0x400  }
0x53: {  	[sflag:s5] =	ssyncset.done $0x0  }
0x54: {  	[sflag:s5] =	ssyncadd.s32 $0xFFFFFC00  }
0x55: {  	[tilespmem:s7], [sflag:$0x1] =	stream.indirect.gather [spmem:s2], $0x40, s3, s6, $0xb8;
	[tilespmem:$0x1A400] =	vst v63  }
0x56: {  	_ = 	snop  }
0x57: {  	[tilespmem:s11], [sflag:$0x1] =	stream.indirect.gather [spmem:s2], $0x40, s6, s6, $0xb8;
	[tilespmem:$0x1A400] =	vst v63  }
0x58: {  	_ = 	snop  }
0x59: {  	[tilespmem:s14], [sflag:$0x1] =	stream.indirect.gather [spmem:s2], $0x40, s12, s6, $0xb8;
	[tilespmem:$0x1A400] =	vst v63  }
0x5a: {  	_ = 	snop  }
0x5b: {  	[tilespmem:s16], [sflag:$0x1] =	stream.indirect.gather [spmem:s2], $0x40, s15, s6, $0xb8;
	[tilespmem:$0x1A400] =	vst v63  }
0x5c: {  	_ = 	snop  }
0x5d: {  	[tilespmem:s18], [sflag:$0x1] =	stream.indirect.gather [spmem:s2], $0x40, s17, s6, $0xb8;
	[tilespmem:$0x1A400] =	vst v63  }
0x5e: {  	_ = 	snop  }
0x5f: {  	[tilespmem:s20], [sflag:$0x1] =	stream.indirect.gather [spmem:s2], $0x40, s19, s6, $0xb8;
	[tilespmem:$0x1A400] =	vst v63  }
0x60: {  	_ = 	snop  }
0x61: {  	[tilespmem:s22], [sflag:$0x1] =	stream.indirect.gather [spmem:s2], $0x40, s21, s6, $0xb8;
	[tilespmem:$0x1A400] =	vst v63  }
0x62: {  	_ = 	snop  }
0x63: {  	[tilespmem:s24], [sflag:$0x1] =	stream.indirect.gather [spmem:s2], $0x40, s23, s6, $0xb8;
	[tilespmem:$0x1A400] =	vst v63  }
0x64: {  	_ =	swait.ge [sflag:s8], $0x2000  }
0x65: {  	[sflag:s8] =	ssyncset.done $0x0  }
0x66: {  	[sflag:s8] =	ssyncadd.s32 $0xFFFFE000  }
0x67: {  	_ =	swait.ge [sflag:s8], $0x2000  }
0x68: {  	[sflag:s8] =	ssyncset.done $0x0  }
0x69: {  	[sflag:s8] =	ssyncadd.s32 $0xFFFFE000  }
0x6a: {  	_ =	swait.ge [sflag:s8], $0x2000  }
0x6b: {  	[sflag:s8] =	ssyncset.done $0x0  }
0x6c: {  	[sflag:s8] =	ssyncadd.s32 $0xFFFFE000  }
0x6d: {  	_ =	swait.ge [sflag:s8], $0x2000  }
0x6e: {  	[sflag:s8] =	ssyncset.done $0x0  }
0x6f: {  	[sflag:s8] =	ssyncadd.s32 $0xFFFFE000  }
0x70: {  	_ =	swait.ge [sflag:s8], $0x2000  }
0x71: {  	[sflag:s8] =	ssyncset.done $0x0  }
0x72: {  	[sflag:s8] =	ssyncadd.s32 $0xFFFFE000  }
0x73: {  	_ =	swait.ge [sflag:s8], $0x2000  }
0x74: {  	[sflag:s8] =	ssyncset.done $0x0  }
0x75: {  	[sflag:s8] =	ssyncadd.s32 $0xFFFFE000  }
0x76: {  	_ =	swait.ge [sflag:s8], $0x2000  }
0x77: {  	[sflag:s8] =	ssyncset.done $0x0  }
0x78: {  	[sflag:s8] =	ssyncadd.s32 $0xFFFFE000  }
0x79: {  	_ =	swait.ge [sflag:s8], $0x2000  }
0x7a: {  	[sflag:s8] =	ssyncset.done $0x0  }
0x7b: {  	[sflag:s8] =	ssyncadd.s32 $0xFFFFE000  }
0x7c: {  	[hbm4b:s29+s9] =	stream.strided.scatter [tilespmem:s7], [sflag:$0x2], $0x10000, s6, s9, $0x38;
	[tilespmem:$0x1A400] =	vst v63  }
0x7d: {  	_ =	swait.ge [sflag:s5], $0x10000  }
0x7e: {  	[sflag:s5] =	ssyncset.done $0x0  }
0x7f: {  	[sflag:s5] =	ssyncadd.s32 $0xFFFF0000  }
0x80: {  	[tilespmem:s3], [sflag:$0x2] =	stream.linear.gather [hbm4b:s28+s3], $0x400, $0x38;
	[tilespmem:$0x1A400] =	vst v63  }
0x81: {  	_ =	swait.ge [sflag:s5], $0x400  }
0x82: {  	[sflag:s5] =	ssyncset.done $0x0  }
0x83: {  	[sflag:s5] =	ssyncadd.s32 $0xFFFFFC00  }
0x84: {  	[tilespmem:s7], [sflag:$0x1] =	stream.indirect.gather [spmem:s2], $0x40, s3, s6, $0xb8;
	[tilespmem:$0x1A400] =	vst v63  }
0x85: {  	_ = 	snop  }
0x86: {  	[tilespmem:s11], [sflag:$0x1] =	stream.indirect.gather [spmem:s2], $0x40, s6, s6, $0xb8;
	[tilespmem:$0x1A400] =	vst v63  }
0x87: {  	_ = 	snop  }
0x88: {  	[tilespmem:s14], [sflag:$0x1] =	stream.indirect.gather [spmem:s2], $0x40, s12, s6, $0xb8;
	[tilespmem:$0x1A400] =	vst v63  }
0x89: {  	_ = 	snop  }
0x8a: {  	[tilespmem:s16], [sflag:$0x1] =	stream.indirect.gather [spmem:s2], $0x40, s15, s6, $0xb8;
	[tilespmem:$0x1A400] =	vst v63  }
0x8b: {  	_ = 	snop  }
0x8c: {  	[tilespmem:s18], [sflag:$0x1] =	stream.indirect.gather [spmem:s2], $0x40, s17, s6, $0xb8;
	[tilespmem:$0x1A400] =	vst v63  }
0x8d: {  	_ = 	snop  }
0x8e: {  	[tilespmem:s20], [sflag:$0x1] =	stream.indirect.gather [spmem:s2], $0x40, s19, s6, $0xb8;
	[tilespmem:$0x1A400] =	vst v63  }
0x8f: {  	_ = 	snop  }
0x90: {  	[tilespmem:s22], [sflag:$0x1] =	stream.indirect.gather [spmem:s2], $0x40, s21, s6, $0xb8;
	[tilespmem:$0x1A400] =	vst v63  }
0x91: {  	_ = 	snop  }
0x92: {  	[tilespmem:s24], [sflag:$0x1] =	stream.indirect.gather [spmem:s2], $0x40, s23, s6, $0xb8;
	[tilespmem:$0x1A400] =	vst v63  }
0x93: {  	_ =	swait.ge [sflag:s8], $0x2000  }
0x94: {  	[sflag:s8] =	ssyncset.done $0x0  }
0x95: {  	[sflag:s8] =	ssyncadd.s32 $0xFFFFE000  }
0x96: {  	_ =	swait.ge [sflag:s8], $0x2000  }
0x97: {  	[sflag:s8] =	ssyncset.done $0x0  }
0x98: {  	[sflag:s8] =	ssyncadd.s32 $0xFFFFE000  }
0x99: {  	_ =	swait.ge [sflag:s8], $0x2000  }
0x9a: {  	[sflag:s8] =	ssyncset.done $0x0  }
0x9b: {  	[sflag:s8] =	ssyncadd.s32 $0xFFFFE000  }
0x9c: {  	_ =	swait.ge [sflag:s8], $0x2000  }
0x9d: {  	[sflag:s8] =	ssyncset.done $0x0  }
0x9e: {  	[sflag:s8] =	ssyncadd.s32 $0xFFFFE000  }
0x9f: {  	_ =	swait.ge [sflag:s8], $0x2000  }
0xa0: {  	[sflag:s8] =	ssyncset.done $0x0  }
0xa1: {  	[sflag:s8] =	ssyncadd.s32 $0xFFFFE000  }
0xa2: {  	_ =	swait.ge [sflag:s8], $0x2000  }
0xa3: {  	[sflag:s8] =	ssyncset.done $0x0  }
0xa4: {  	[sflag:s8] =	ssyncadd.s32 $0xFFFFE000  }
0xa5: {  	_ =	swait.ge [sflag:s8], $0x2000  }
0xa6: {  	[sflag:s8] =	ssyncset.done $0x0  }
0xa7: {  	[sflag:s8] =	ssyncadd.s32 $0xFFFFE000  }
0xa8: {  	_ =	swait.ge [sflag:s8], $0x2000  }
0xa9: {  	[sflag:s8] =	ssyncset.done $0x0  }
0xaa: {  	[sflag:s8] =	ssyncadd.s32 $0xFFFFE000  }
0xab: {  	[hbm4b:s26+s9] =	stream.strided.scatter [tilespmem:s7], [sflag:$0x2], $0x10000, s6, s9, $0x38;
	[tilespmem:$0x1A400] =	vst v63  }
0xac: {  	_ =	swait.ge [sflag:s5], $0x10000  }
0xad: {  	[sflag:s5] =	ssyncset.done $0x0  }
0xae: {  	[sflag:s5] =	ssyncadd.s32 $0xFFFF0000  }
0xaf: {  	[tilespmem:s3], [sflag:$0x2] =	stream.linear.gather [hbm4b:s25+s3], $0x400, $0x38;
	[tilespmem:$0x1A400] =	vst v63  }
0xb0: {  	_ =	swait.ge [sflag:s5], $0x400  }
0xb1: {  	[sflag:s5] =	ssyncset.done $0x0  }
0xb2: {  	[sflag:s5] =	ssyncadd.s32 $0xFFFFFC00  }
0xb3: {  	[tilespmem:s7], [sflag:$0x1] =	stream.indirect.gather [spmem:s2], $0x40, s3, s6, $0xb8;
	[tilespmem:$0x1A400] =	vst v63  }
0xb4: {  	_ = 	snop  }
0xb5: {  	[tilespmem:s11], [sflag:$0x1] =	stream.indirect.gather [spmem:s2], $0x40, s6, s6, $0xb8;
	[tilespmem:$0x1A400] =	vst v63  }
0xb6: {  	_ = 	snop  }
0xb7: {  	[tilespmem:s14], [sflag:$0x1] =	stream.indirect.gather [spmem:s2], $0x40, s12, s6, $0xb8;
	[tilespmem:$0x1A400] =	vst v63  }
0xb8: {  	_ = 	snop  }
0xb9: {  	[tilespmem:s16], [sflag:$0x1] =	stream.indirect.gather [spmem:s2], $0x40, s15, s6, $0xb8;
	[tilespmem:$0x1A400] =	vst v63  }
0xba: {  	_ = 	snop  }
0xbb: {  	[tilespmem:s18], [sflag:$0x1] =	stream.indirect.gather [spmem:s2], $0x40, s17, s6, $0xb8;
	[tilespmem:$0x1A400] =	vst v63  }
0xbc: {  	_ = 	snop  }
0xbd: {  	[tilespmem:s20], [sflag:$0x1] =	stream.indirect.gather [spmem:s2], $0x40, s19, s6, $0xb8;
	[tilespmem:$0x1A400] =	vst v63  }
0xbe: {  	_ = 	snop  }
0xbf: {  	[tilespmem:s22], [sflag:$0x1] =	stream.indirect.gather [spmem:s2], $0x40, s21, s6, $0xb8;
	[tilespmem:$0x1A400] =	vst v63  }
0xc0: {  	_ = 	snop  }
0xc1: {  	[tilespmem:s24], [sflag:$0x1] =	stream.indirect.gather [spmem:s2], $0x40, s23, s6, $0xb8;
	[tilespmem:$0x1A400] =	vst v63  }
0xc2: {  	_ =	swait.ge [sflag:s8], $0x2000  }
0xc3: {  	[sflag:s8] =	ssyncset.done $0x0  }
0xc4: {  	[sflag:s8] =	ssyncadd.s32 $0xFFFFE000  }
0xc5: {  	_ =	swait.ge [sflag:s8], $0x2000  }
0xc6: {  	[sflag:s8] =	ssyncset.done $0x0  }
0xc7: {  	[sflag:s8] =	ssyncadd.s32 $0xFFFFE000  }
0xc8: {  	_ =	swait.ge [sflag:s8], $0x2000  }
0xc9: {  	[sflag:s8] =	ssyncset.done $0x0  }
0xca: {  	[sflag:s8] =	ssyncadd.s32 $0xFFFFE000  }
0xcb: {  	_ =	swait.ge [sflag:s8], $0x2000  }
0xcc: {  	[sflag:s8] =	ssyncset.done $0x0  }
0xcd: {  	[sflag:s8] =	ssyncadd.s32 $0xFFFFE000  }
0xce: {  	_ =	swait.ge [sflag:s8], $0x2000  }
0xcf: {  	[sflag:s8] =	ssyncset.done $0x0  }
0xd0: {  	[sflag:s8] =	ssyncadd.s32 $0xFFFFE000  }
0xd1: {  	_ =	swait.ge [sflag:s8], $0x2000  }
0xd2: {  	[sflag:s8] =	ssyncset.done $0x0  }
0xd3: {  	[sflag:s8] =	ssyncadd.s32 $0xFFFFE000  }
0xd4: {  	_ =	swait.ge [sflag:s8], $0x2000  }
0xd5: {  	[sflag:s8] =	ssyncset.done $0x0  }
0xd6: {  	[sflag:s8] =	ssyncadd.s32 $0xFFFFE000  }
0xd7: {  	_ =	swait.ge [sflag:s8], $0x2000  }
0xd8: {  	[sflag:s8] =	ssyncset.done $0x0  }
0xd9: {  	[sflag:s8] =	ssyncadd.s32 $0xFFFFE000  }
0xda: {  	[hbm4b:s13+s9] =	stream.strided.scatter [tilespmem:s7], [sflag:$0x2], $0x10000, s6, s9, $0x38;
	[tilespmem:$0x1A400] =	vst v63  }
0xdb: {  	_ =	swait.ge [sflag:s5], $0x10000  }
0xdc: {  	[sflag:s5] =	ssyncset.done $0x0  }
0xdd: {  	[sflag:s5] =	ssyncadd.s32 $0xFFFF0000  }
0xde: {  	[tilespmem:s3], [sflag:$0x2] =	stream.linear.gather [hbm4b:s10+s3], $0x400, $0x38;
	[tilespmem:$0x1A400] =	vst v63  }
0xdf: {  	_ =	swait.ge [sflag:s5], $0x400  }
0xe0: {  	[sflag:s5] =	ssyncset.done $0x0  }
0xe1: {  	[sflag:s5] =	ssyncadd.s32 $0xFFFFFC00  }
0xe2: {  	[tilespmem:s7], [sflag:$0x1] =	stream.indirect.gather [spmem:s2], $0x40, s3, s6, $0xb8;
	[tilespmem:$0x1A400] =	vst v63  }
0xe3: {  	_ = 	snop  }
0xe4: {  	[tilespmem:s11], [sflag:$0x1] =	stream.indirect.gather [spmem:s2], $0x40, s6, s6, $0xb8;
	[tilespmem:$0x1A400] =	vst v63  }
0xe5: {  	_ = 	snop  }
0xe6: {  	[tilespmem:s14], [sflag:$0x1] =	stream.indirect.gather [spmem:s2], $0x40, s12, s6, $0xb8;
	[tilespmem:$0x1A400] =	vst v63  }
0xe7: {  	_ = 	snop  }
0xe8: {  	[tilespmem:s16], [sflag:$0x1] =	stream.indirect.gather [spmem:s2], $0x40, s15, s6, $0xb8;
	[tilespmem:$0x1A400] =	vst v63  }
0xe9: {  	_ = 	snop  }
0xea: {  	[tilespmem:s18], [sflag:$0x1] =	stream.indirect.gather [spmem:s2], $0x40, s17, s6, $0xb8;
	[tilespmem:$0x1A400] =	vst v63  }
0xeb: {  	_ = 	snop  }
0xec: {  	[tilespmem:s20], [sflag:$0x1] =	stream.indirect.gather [spmem:s2], $0x40, s19, s6, $0xb8;
	[tilespmem:$0x1A400] =	vst v63  }
0xed: {  	_ = 	snop  }
0xee: {  	[tilespmem:s22], [sflag:$0x1] =	stream.indirect.gather [spmem:s2], $0x40, s21, s6, $0xb8;
	[tilespmem:$0x1A400] =	vst v63  }
0xef: {  	_ = 	snop  }
0xf0: {  	[tilespmem:s24], [sflag:$0x1] =	stream.indirect.gather [spmem:s2], $0x40, s23, s6, $0xb8;
	[tilespmem:$0x1A400] =	vst v63  }
0xf1: {  	_ =	swait.ge [sflag:s8], $0x2000  }
0xf2: {  	[sflag:s8] =	ssyncset.done $0x0  }
0xf3: {  	[sflag:s8] =	ssyncadd.s32 $0xFFFFE000  }
0xf4: {  	_ =	swait.ge [sflag:s8], $0x2000  }
0xf5: {  	[sflag:s8] =	ssyncset.done $0x0  }
0xf6: {  	[sflag:s8] =	ssyncadd.s32 $0xFFFFE000  }
0xf7: {  	_ =	swait.ge [sflag:s8], $0x2000  }
0xf8: {  	[sflag:s8] =	ssyncset.done $0x0  }
0xf9: {  	[sflag:s8] =	ssyncadd.s32 $0xFFFFE000  }
0xfa: {  	_ =	swait.ge [sflag:s8], $0x2000  }
0xfb: {  	[sflag:s8] =	ssyncset.done $0x0  }
0xfc: {  	[sflag:s8] =	ssyncadd.s32 $0xFFFFE000  }
0xfd: {  	_ =	swait.ge [sflag:s8], $0x2000  }
0xfe: {  	[sflag:s8] =	ssyncset.done $0x0  }
0xff: {  	[sflag:s8] =	ssyncadd.s32 $0xFFFFE000  }
0x100: {  	_ =	swait.ge [sflag:s8], $0x2000  }
0x101: {  	[sflag:s8] =	ssyncset.done $0x0  }
0x102: {  	[sflag:s8] =	ssyncadd.s32 $0xFFFFE000  }
0x103: {  	_ =	swait.ge [sflag:s8], $0x2000  }
0x104: {  	[sflag:s8] =	ssyncset.done $0x0  }
0x105: {  	[sflag:s8] =	ssyncadd.s32 $0xFFFFE000  }
0x106: {  	_ =	swait.ge [sflag:s8], $0x2000  }
0x107: {  	s1 =	rddreg [dreg:$0x9]  }
0x108: {  	p1 =	sne.s32 s1, $0x1  }
.Ltmp1:
0x109: {  	[sflag:s8] =	ssyncset.done $0x0;
	(pc) =	sbr.rel @!p1 .LBB2_2-.Ltmp1, $4  }
0x10a: {  	[sflag:s8] =	ssyncadd.s32 $0xFFFFE000  }
0x10b: {  	[hbm4b:s4+s9] =	stream.strided.scatter [tilespmem:s7], [sflag:$0x2], $0x10000, s6, s9, $0x38;
	[tilespmem:$0x1A400] =	vst v63  }
0x10c: {  	p0 =	por $0x1, $0x1;
	_ =	swait.ge [sflag:s5], $0x10000;
	[dreg:$0x8] =	wrdreg s31  }
0x10d: {  	s0 =	sadd.s32 $0xFFFFFFFF, s1;
	s1 =	rddreg [dreg:$0x4];
	[sflag:s5] =	ssyncset.done $0x0  }
.LBB2_3:
0x10e: {  	s31 =	smov.u32 s30;
	s30 =	smov.u32 s29;
	s29 =	smov.u32 s28  }
0x10f: {  	s28 =	smov.u32 s26;
	s26 =	smov.u32 s25;
	s25 =	smov.u32 s13  }
0x110: {  	s13 =	smov.u32 s10;
	s10 =	smov.u32 s4;
	s4 =	rddreg [dreg:$0x5]  }
0x111: {  	[sflag:s5] =	ssyncadd.s32 $0xFFFF0000;
	s9 =	rddreg [dreg:$0x8]  }
0x112: {  	[spmem:s9], [sflag:s4] =	dma.local [hbm:s1], $0x1400  }
0x113: {  	_ =	swait.ge [sflag:s5], $0x1400  }
0x114: {  	[sflag:s5] =	ssyncset.done $0x0  }
0x115: {  	[sflag:s5] =	ssyncadd.s32 $0xFFFFEC00  }
0x116: {  	[bflag:$0x0] =	sbarrier.arrive $0xFFFF  }
0x117: {  	s1 =	rddreg [dreg:$0x6]  }
0x118: {  	[tilespmem:s3], [sflag:$0x2] =	stream.linear.gather [hbm4b:s1+s3], $0x400, $0x38;
	[tilespmem:$0x1A400] =	vst v63  }
0x119: {  	_ =	swait.ge [sflag:s5], $0x400  }
0x11a: {  	[sflag:s5] =	ssyncset.done $0x0  }
0x11b: {  	[sflag:s5] =	ssyncadd.s32 $0xFFFFFC00  }
0x11c: {  	[tilespmem:s7], [sflag:$0x1] =	stream.indirect.gather [spmem:s2], $0x40, s3, s6, $0xb8;
	[tilespmem:$0x1A400] =	vst v63  }
0x11d: {  	_ = 	snop  }
0x11e: {  	[tilespmem:s11], [sflag:$0x1] =	stream.indirect.gather [spmem:s2], $0x40, s6, s6, $0xb8;
	[tilespmem:$0x1A400] =	vst v63  }
0x11f: {  	_ = 	snop  }
0x120: {  	[tilespmem:s14], [sflag:$0x1] =	stream.indirect.gather [spmem:s2], $0x40, s12, s6, $0xb8;
	[tilespmem:$0x1A400] =	vst v63  }
0x121: {  	_ = 	snop  }
0x122: {  	[tilespmem:s16], [sflag:$0x1] =	stream.indirect.gather [spmem:s2], $0x40, s15, s6, $0xb8;
	[tilespmem:$0x1A400] =	vst v63  }
0x123: {  	_ = 	snop  }
0x124: {  	[tilespmem:s18], [sflag:$0x1] =	stream.indirect.gather [spmem:s2], $0x40, s17, s6, $0xb8;
	[tilespmem:$0x1A400] =	vst v63  }
0x125: {  	_ = 	snop  }
0x126: {  	[tilespmem:s20], [sflag:$0x1] =	stream.indirect.gather [spmem:s2], $0x40, s19, s6, $0xb8;
	[tilespmem:$0x1A400] =	vst v63  }
0x127: {  	_ = 	snop  }
0x128: {  	[tilespmem:s22], [sflag:$0x1] =	stream.indirect.gather [spmem:s2], $0x40, s21, s6, $0xb8;
	[tilespmem:$0x1A400] =	vst v63  }
0x129: {  	_ = 	snop  }
0x12a: {  	[tilespmem:s24], [sflag:$0x1] =	stream.indirect.gather [spmem:s2], $0x40, s23, s6, $0xb8;
	[tilespmem:$0x1A400] =	vst v63  }
0x12b: {  	_ =	swait.ge [sflag:s8], $0x2000  }
0x12c: {  	[sflag:s8] =	ssyncset.done $0x0  }
0x12d: {  	[sflag:s8] =	ssyncadd.s32 $0xFFFFE000  }
0x12e: {  	_ =	swait.ge [sflag:s8], $0x2000  }
0x12f: {  	[sflag:s8] =	ssyncset.done $0x0  }
0x130: {  	[sflag:s8] =	ssyncadd.s32 $0xFFFFE000  }
0x131: {  	_ =	swait.ge [sflag:s8], $0x2000  }
0x132: {  	[sflag:s8] =	ssyncset.done $0x0  }
0x133: {  	[sflag:s8] =	ssyncadd.s32 $0xFFFFE000  }
0x134: {  	_ =	swait.ge [sflag:s8], $0x2000  }
0x135: {  	[sflag:s8] =	ssyncset.done $0x0  }
0x136: {  	[sflag:s8] =	ssyncadd.s32 $0xFFFFE000  }
0x137: {  	_ =	swait.ge [sflag:s8], $0x2000  }
0x138: {  	[sflag:s8] =	ssyncset.done $0x0  }
0x139: {  	[sflag:s8] =	ssyncadd.s32 $0xFFFFE000  }
0x13a: {  	_ =	swait.ge [sflag:s8], $0x2000  }
0x13b: {  	[sflag:s8] =	ssyncset.done $0x0  }
0x13c: {  	[sflag:s8] =	ssyncadd.s32 $0xFFFFE000  }
0x13d: {  	_ =	swait.ge [sflag:s8], $0x2000  }
0x13e: {  	[sflag:s8] =	ssyncset.done $0x0  }
0x13f: {  	[sflag:s8] =	ssyncadd.s32 $0xFFFFE000  }
0x140: {  	_ =	swait.ge [sflag:s8], $0x2000  }
0x141: {  	[sflag:s8] =	ssyncset.done $0x0  }
0x142: {  	s9 =	simm.s32 $0x40;
	s1 =	rddreg [dreg:$0x7];
	[sflag:s8] =	ssyncadd.s32 $0xFFFFE000  }
0x143: {  	[hbm4b:s1+s9] =	stream.strided.scatter [tilespmem:s7], [sflag:$0x2], $0x10000, s6, s9, $0x38;
	[tilespmem:$0x1A400] =	vst v63  }
0x144: {  	_ =	swait.ge [sflag:s5], $0x10000  }
0x145: {  	[sflag:s5] =	ssyncset.done $0x0  }
0x146: {  	[sflag:s5] =	ssyncadd.s32 $0xFFFF0000  }
0x147: {  	[tilespmem:s3], [sflag:$0x2] =	stream.linear.gather [hbm4b:s31+s3], $0x400, $0x38;
	[tilespmem:$0x1A400] =	vst v63  }
0x148: {  	_ =	swait.ge [sflag:s5], $0x400  }
0x149: {  	[sflag:s5] =	ssyncset.done $0x0  }
0x14a: {  	[sflag:s5] =	ssyncadd.s32 $0xFFFFFC00  }
0x14b: {  	[tilespmem:s7], [sflag:$0x1] =	stream.indirect.gather [spmem:s2], $0x40, s3, s6, $0xb8;
	[tilespmem:$0x1A400] =	vst v63  }
0x14c: {  	_ = 	snop  }
0x14d: {  	[tilespmem:s11], [sflag:$0x1] =	stream.indirect.gather [spmem:s2], $0x40, s6, s6, $0xb8;
	[tilespmem:$0x1A400] =	vst v63  }
0x14e: {  	_ = 	snop  }
0x14f: {  	[tilespmem:s14], [sflag:$0x1] =	stream.indirect.gather [spmem:s2], $0x40, s12, s6, $0xb8;
	[tilespmem:$0x1A400] =	vst v63  }
0x150: {  	_ = 	snop  }
0x151: {  	[tilespmem:s16], [sflag:$0x1] =	stream.indirect.gather [spmem:s2], $0x40, s15, s6, $0xb8;
	[tilespmem:$0x1A400] =	vst v63  }
0x152: {  	_ = 	snop  }
0x153: {  	[tilespmem:s18], [sflag:$0x1] =	stream.indirect.gather [spmem:s2], $0x40, s17, s6, $0xb8;
	[tilespmem:$0x1A400] =	vst v63  }
0x154: {  	_ = 	snop  }
0x155: {  	[tilespmem:s20], [sflag:$0x1] =	stream.indirect.gather [spmem:s2], $0x40, s19, s6, $0xb8;
	[tilespmem:$0x1A400] =	vst v63  }
0x156: {  	_ = 	snop  }
0x157: {  	[tilespmem:s22], [sflag:$0x1] =	stream.indirect.gather [spmem:s2], $0x40, s21, s6, $0xb8;
	[tilespmem:$0x1A400] =	vst v63  }
0x158: {  	_ = 	snop  }
0x159: {  	[tilespmem:s24], [sflag:$0x1] =	stream.indirect.gather [spmem:s2], $0x40, s23, s6, $0xb8;
	[tilespmem:$0x1A400] =	vst v63  }
0x15a: {  	_ =	swait.ge [sflag:s8], $0x2000  }
0x15b: {  	[sflag:s8] =	ssyncset.done $0x0  }
0x15c: {  	[sflag:s8] =	ssyncadd.s32 $0xFFFFE000  }
0x15d: {  	_ =	swait.ge [sflag:s8], $0x2000  }
0x15e: {  	[sflag:s8] =	ssyncset.done $0x0  }
0x15f: {  	[sflag:s8] =	ssyncadd.s32 $0xFFFFE000  }
0x160: {  	_ =	swait.ge [sflag:s8], $0x2000  }
0x161: {  	[sflag:s8] =	ssyncset.done $0x0  }
0x162: {  	[sflag:s8] =	ssyncadd.s32 $0xFFFFE000  }
0x163: {  	_ =	swait.ge [sflag:s8], $0x2000  }
0x164: {  	[sflag:s8] =	ssyncset.done $0x0  }
0x165: {  	[sflag:s8] =	ssyncadd.s32 $0xFFFFE000  }
0x166: {  	_ =	swait.ge [sflag:s8], $0x2000  }
0x167: {  	[sflag:s8] =	ssyncset.done $0x0  }
0x168: {  	[sflag:s8] =	ssyncadd.s32 $0xFFFFE000  }
0x169: {  	_ =	swait.ge [sflag:s8], $0x2000  }
0x16a: {  	[sflag:s8] =	ssyncset.done $0x0  }
0x16b: {  	[sflag:s8] =	ssyncadd.s32 $0xFFFFE000  }
0x16c: {  	_ =	swait.ge [sflag:s8], $0x2000  }
0x16d: {  	[sflag:s8] =	ssyncset.done $0x0  }
0x16e: {  	s4 =	smov.u32 s10;
	[sflag:s8] =	ssyncadd.s32 $0xFFFFE000  }
0x16f: {  	s10 =	smov.u32 s13;
	s13 =	smov.u32 s25;
	_ =	swait.ge [sflag:s8], $0x2000  }
0x170: {  	s25 =	smov.u32 s26;
	s26 =	smov.u32 s28;
	[sflag:s8] =	ssyncset.done $0x0  }
0x171: {  	s28 =	smov.u32 s29;
	s29 =	smov.u32 s30;
	[sflag:s8] =	ssyncadd.s32 $0xFFFFE000  }
0x172: {  	[hbm4b:s29+s9] =	stream.strided.scatter [tilespmem:s7], [sflag:$0x2], $0x10000, s6, s9, $0x38;
	[tilespmem:$0x1A400] =	vst v63  }
0x173: {  	_ =	swait.ge [sflag:s5], $0x10000  }
0x174: {  	[sflag:s5] =	ssyncset.done $0x0  }
0x175: {  	[sflag:s5] =	ssyncadd.s32 $0xFFFF0000  }
0x176: {  	[tilespmem:s3], [sflag:$0x2] =	stream.linear.gather [hbm4b:s28+s3], $0x400, $0x38;
	[tilespmem:$0x1A400] =	vst v63  }
0x177: {  	_ =	swait.ge [sflag:s5], $0x400  }
0x178: {  	[sflag:s5] =	ssyncset.done $0x0  }
0x179: {  	[sflag:s5] =	ssyncadd.s32 $0xFFFFFC00  }
0x17a: {  	[tilespmem:s7], [sflag:$0x1] =	stream.indirect.gather [spmem:s2], $0x40, s3, s6, $0xb8;
	[tilespmem:$0x1A400] =	vst v63  }
0x17b: {  	_ = 	snop  }
0x17c: {  	[tilespmem:s11], [sflag:$0x1] =	stream.indirect.gather [spmem:s2], $0x40, s6, s6, $0xb8;
	[tilespmem:$0x1A400] =	vst v63  }
0x17d: {  	_ = 	snop  }
0x17e: {  	[tilespmem:s14], [sflag:$0x1] =	stream.indirect.gather [spmem:s2], $0x40, s12, s6, $0xb8;
	[tilespmem:$0x1A400] =	vst v63  }
0x17f: {  	_ = 	snop  }
0x180: {  	[tilespmem:s16], [sflag:$0x1] =	stream.indirect.gather [spmem:s2], $0x40, s15, s6, $0xb8;
	[tilespmem:$0x1A400] =	vst v63  }
0x181: {  	_ = 	snop  }
0x182: {  	[tilespmem:s18], [sflag:$0x1] =	stream.indirect.gather [spmem:s2], $0x40, s17, s6, $0xb8;
	[tilespmem:$0x1A400] =	vst v63  }
0x183: {  	_ = 	snop  }
0x184: {  	[tilespmem:s20], [sflag:$0x1] =	stream.indirect.gather [spmem:s2], $0x40, s19, s6, $0xb8;
	[tilespmem:$0x1A400] =	vst v63  }
0x185: {  	_ = 	snop  }
0x186: {  	[tilespmem:s22], [sflag:$0x1] =	stream.indirect.gather [spmem:s2], $0x40, s21, s6, $0xb8;
	[tilespmem:$0x1A400] =	vst v63  }
0x187: {  	_ = 	snop  }
0x188: {  	[tilespmem:s24], [sflag:$0x1] =	stream.indirect.gather [spmem:s2], $0x40, s23, s6, $0xb8;
	[tilespmem:$0x1A400] =	vst v63  }
0x189: {  	_ =	swait.ge [sflag:s8], $0x2000  }
0x18a: {  	[sflag:s8] =	ssyncset.done $0x0  }
0x18b: {  	[sflag:s8] =	ssyncadd.s32 $0xFFFFE000  }
0x18c: {  	_ =	swait.ge [sflag:s8], $0x2000  }
0x18d: {  	[sflag:s8] =	ssyncset.done $0x0  }
0x18e: {  	[sflag:s8] =	ssyncadd.s32 $0xFFFFE000  }
0x18f: {  	_ =	swait.ge [sflag:s8], $0x2000  }
0x190: {  	[sflag:s8] =	ssyncset.done $0x0  }
0x191: {  	[sflag:s8] =	ssyncadd.s32 $0xFFFFE000  }
0x192: {  	_ =	swait.ge [sflag:s8], $0x2000  }
0x193: {  	[sflag:s8] =	ssyncset.done $0x0  }
0x194: {  	[sflag:s8] =	ssyncadd.s32 $0xFFFFE000  }
0x195: {  	_ =	swait.ge [sflag:s8], $0x2000  }
0x196: {  	[sflag:s8] =	ssyncset.done $0x0  }
0x197: {  	[sflag:s8] =	ssyncadd.s32 $0xFFFFE000  }
0x198: {  	_ =	swait.ge [sflag:s8], $0x2000  }
0x199: {  	[sflag:s8] =	ssyncset.done $0x0  }
0x19a: {  	[sflag:s8] =	ssyncadd.s32 $0xFFFFE000  }
0x19b: {  	_ =	swait.ge [sflag:s8], $0x2000  }
0x19c: {  	[sflag:s8] =	ssyncset.done $0x0  }
0x19d: {  	[sflag:s8] =	ssyncadd.s32 $0xFFFFE000  }
0x19e: {  	_ =	swait.ge [sflag:s8], $0x2000  }
0x19f: {  	[sflag:s8] =	ssyncset.done $0x0  }
0x1a0: {  	[sflag:s8] =	ssyncadd.s32 $0xFFFFE000  }
0x1a1: {  	[hbm4b:s26+s9] =	stream.strided.scatter [tilespmem:s7], [sflag:$0x2], $0x10000, s6, s9, $0x38;
	[tilespmem:$0x1A400] =	vst v63  }
0x1a2: {  	_ =	swait.ge [sflag:s5], $0x10000  }
0x1a3: {  	[sflag:s5] =	ssyncset.done $0x0  }
0x1a4: {  	[sflag:s5] =	ssyncadd.s32 $0xFFFF0000  }
0x1a5: {  	[tilespmem:s3], [sflag:$0x2] =	stream.linear.gather [hbm4b:s25+s3], $0x400, $0x38;
	[tilespmem:$0x1A400] =	vst v63  }
0x1a6: {  	_ =	swait.ge [sflag:s5], $0x400  }
0x1a7: {  	[sflag:s5] =	ssyncset.done $0x0  }
0x1a8: {  	[sflag:s5] =	ssyncadd.s32 $0xFFFFFC00  }
0x1a9: {  	[tilespmem:s7], [sflag:$0x1] =	stream.indirect.gather [spmem:s2], $0x40, s3, s6, $0xb8;
	[tilespmem:$0x1A400] =	vst v63  }
0x1aa: {  	_ = 	snop  }
0x1ab: {  	[tilespmem:s11], [sflag:$0x1] =	stream.indirect.gather [spmem:s2], $0x40, s6, s6, $0xb8;
	[tilespmem:$0x1A400] =	vst v63  }
0x1ac: {  	_ = 	snop  }
0x1ad: {  	[tilespmem:s14], [sflag:$0x1] =	stream.indirect.gather [spmem:s2], $0x40, s12, s6, $0xb8;
	[tilespmem:$0x1A400] =	vst v63  }
0x1ae: {  	_ = 	snop  }
0x1af: {  	[tilespmem:s16], [sflag:$0x1] =	stream.indirect.gather [spmem:s2], $0x40, s15, s6, $0xb8;
	[tilespmem:$0x1A400] =	vst v63  }
0x1b0: {  	_ = 	snop  }
0x1b1: {  	[tilespmem:s18], [sflag:$0x1] =	stream.indirect.gather [spmem:s2], $0x40, s17, s6, $0xb8;
	[tilespmem:$0x1A400] =	vst v63  }
0x1b2: {  	_ = 	snop  }
0x1b3: {  	[tilespmem:s20], [sflag:$0x1] =	stream.indirect.gather [spmem:s2], $0x40, s19, s6, $0xb8;
	[tilespmem:$0x1A400] =	vst v63  }
0x1b4: {  	_ = 	snop  }
0x1b5: {  	[tilespmem:s22], [sflag:$0x1] =	stream.indirect.gather [spmem:s2], $0x40, s21, s6, $0xb8;
	[tilespmem:$0x1A400] =	vst v63  }
0x1b6: {  	_ = 	snop  }
0x1b7: {  	[tilespmem:s24], [sflag:$0x1] =	stream.indirect.gather [spmem:s2], $0x40, s23, s6, $0xb8;
	[tilespmem:$0x1A400] =	vst v63  }
0x1b8: {  	_ =	swait.ge [sflag:s8], $0x2000  }
0x1b9: {  	[sflag:s8] =	ssyncset.done $0x0  }
0x1ba: {  	[sflag:s8] =	ssyncadd.s32 $0xFFFFE000  }
0x1bb: {  	_ =	swait.ge [sflag:s8], $0x2000  }
0x1bc: {  	[sflag:s8] =	ssyncset.done $0x0  }
0x1bd: {  	[sflag:s8] =	ssyncadd.s32 $0xFFFFE000  }
0x1be: {  	_ =	swait.ge [sflag:s8], $0x2000  }
0x1bf: {  	[sflag:s8] =	ssyncset.done $0x0  }
0x1c0: {  	[sflag:s8] =	ssyncadd.s32 $0xFFFFE000  }
0x1c1: {  	_ =	swait.ge [sflag:s8], $0x2000  }
0x1c2: {  	[sflag:s8] =	ssyncset.done $0x0  }
0x1c3: {  	[sflag:s8] =	ssyncadd.s32 $0xFFFFE000  }
0x1c4: {  	_ =	swait.ge [sflag:s8], $0x2000  }
0x1c5: {  	[sflag:s8] =	ssyncset.done $0x0  }
0x1c6: {  	[sflag:s8] =	ssyncadd.s32 $0xFFFFE000  }
0x1c7: {  	_ =	swait.ge [sflag:s8], $0x2000  }
0x1c8: {  	[sflag:s8] =	ssyncset.done $0x0  }
0x1c9: {  	[sflag:s8] =	ssyncadd.s32 $0xFFFFE000  }
0x1ca: {  	_ =	swait.ge [sflag:s8], $0x2000  }
0x1cb: {  	[sflag:s8] =	ssyncset.done $0x0  }
0x1cc: {  	[sflag:s8] =	ssyncadd.s32 $0xFFFFE000  }
0x1cd: {  	_ =	swait.ge [sflag:s8], $0x2000  }
0x1ce: {  	[sflag:s8] =	ssyncset.done $0x0  }
0x1cf: {  	[sflag:s8] =	ssyncadd.s32 $0xFFFFE000  }
0x1d0: {  	[hbm4b:s13+s9] =	stream.strided.scatter [tilespmem:s7], [sflag:$0x2], $0x10000, s6, s9, $0x38;
	[tilespmem:$0x1A400] =	vst v63  }
0x1d1: {  	_ =	swait.ge [sflag:s5], $0x10000  }
0x1d2: {  	[sflag:s5] =	ssyncset.done $0x0  }
0x1d3: {  	[sflag:s5] =	ssyncadd.s32 $0xFFFF0000  }
0x1d4: {  	[tilespmem:s3], [sflag:$0x2] =	stream.linear.gather [hbm4b:s10+s3], $0x400, $0x38;
	[tilespmem:$0x1A400] =	vst v63  }
0x1d5: {  	_ =	swait.ge [sflag:s5], $0x400  }
0x1d6: {  	[sflag:s5] =	ssyncset.done $0x0  }
0x1d7: {  	[sflag:s5] =	ssyncadd.s32 $0xFFFFFC00  }
0x1d8: {  	[tilespmem:s7], [sflag:$0x1] =	stream.indirect.gather [spmem:s2], $0x40, s3, s6, $0xb8;
	[tilespmem:$0x1A400] =	vst v63  }
0x1d9: {  	_ = 	snop  }
0x1da: {  	[tilespmem:s11], [sflag:$0x1] =	stream.indirect.gather [spmem:s2], $0x40, s6, s6, $0xb8;
	[tilespmem:$0x1A400] =	vst v63  }
0x1db: {  	_ = 	snop  }
0x1dc: {  	[tilespmem:s14], [sflag:$0x1] =	stream.indirect.gather [spmem:s2], $0x40, s12, s6, $0xb8;
	[tilespmem:$0x1A400] =	vst v63  }
0x1dd: {  	_ = 	snop  }
0x1de: {  	[tilespmem:s16], [sflag:$0x1] =	stream.indirect.gather [spmem:s2], $0x40, s15, s6, $0xb8;
	[tilespmem:$0x1A400] =	vst v63  }
0x1df: {  	_ = 	snop  }
0x1e0: {  	[tilespmem:s18], [sflag:$0x1] =	stream.indirect.gather [spmem:s2], $0x40, s17, s6, $0xb8;
	[tilespmem:$0x1A400] =	vst v63  }
0x1e1: {  	_ = 	snop  }
0x1e2: {  	[tilespmem:s20], [sflag:$0x1] =	stream.indirect.gather [spmem:s2], $0x40, s19, s6, $0xb8;
	[tilespmem:$0x1A400] =	vst v63  }
0x1e3: {  	_ = 	snop  }
0x1e4: {  	[tilespmem:s22], [sflag:$0x1] =	stream.indirect.gather [spmem:s2], $0x40, s21, s6, $0xb8;
	[tilespmem:$0x1A400] =	vst v63  }
0x1e5: {  	_ = 	snop  }
0x1e6: {  	[tilespmem:s24], [sflag:$0x1] =	stream.indirect.gather [spmem:s2], $0x40, s23, s6, $0xb8;
	[tilespmem:$0x1A400] =	vst v63  }
0x1e7: {  	_ =	swait.ge [sflag:s8], $0x2000  }
0x1e8: {  	[sflag:s8] =	ssyncset.done $0x0  }
0x1e9: {  	[sflag:s8] =	ssyncadd.s32 $0xFFFFE000  }
0x1ea: {  	_ =	swait.ge [sflag:s8], $0x2000  }
0x1eb: {  	[sflag:s8] =	ssyncset.done $0x0  }
0x1ec: {  	[sflag:s8] =	ssyncadd.s32 $0xFFFFE000  }
0x1ed: {  	_ =	swait.ge [sflag:s8], $0x2000  }
0x1ee: {  	[sflag:s8] =	ssyncset.done $0x0  }
0x1ef: {  	[sflag:s8] =	ssyncadd.s32 $0xFFFFE000  }
0x1f0: {  	_ =	swait.ge [sflag:s8], $0x2000  }
0x1f1: {  	[sflag:s8] =	ssyncset.done $0x0  }
0x1f2: {  	[sflag:s8] =	ssyncadd.s32 $0xFFFFE000  }
0x1f3: {  	_ =	swait.ge [sflag:s8], $0x2000  }
0x1f4: {  	[sflag:s8] =	ssyncset.done $0x0  }
0x1f5: {  	[sflag:s8] =	ssyncadd.s32 $0xFFFFE000  }
0x1f6: {  	_ =	swait.ge [sflag:s8], $0x2000  }
0x1f7: {  	[sflag:s8] =	ssyncset.done $0x0  }
0x1f8: {  	[sflag:s8] =	ssyncadd.s32 $0xFFFFE000  }
0x1f9: {  	_ =	swait.ge [sflag:s8], $0x2000  }
0x1fa: {  	[sflag:s8] =	ssyncset.done $0x0  }
0x1fb: {  	[sflag:s8] =	ssyncadd.s32 $0xFFFFE000  }
0x1fc: {  	p1 =	sne.s32 s0, $0x1;
	_ =	swait.ge [sflag:s8], $0x2000  }
.Ltmp2:
0x1fd: {  	[sflag:s8] =	ssyncset.done $0x0;
	(pc) =	sbr.rel @p1 .LBB2_3-.Ltmp2, $4  }
0x1fe: {  	[sflag:s8] =	ssyncadd.s32 $0xFFFFE000  }
0x1ff: {  	[hbm4b:s4+s9] =	stream.strided.scatter [tilespmem:s7], [sflag:$0x2], $0x10000, s6, s9, $0x38;
	[tilespmem:$0x1A400] =	vst v63  }
0x200: {  	s0 =	sadd.s32 $0xFFFFFFFF, s0;
	_ =	swait.ge [sflag:s5], $0x10000  }
0x201: {  	s30 =	smov.u32 s31;
	s1 =	rddreg [dreg:$0x4];
	[sflag:s5] =	ssyncset.done $0x0  }
0x202: {  	s31 =	rddreg [dreg:$0x8]  }
.LBB2_5:
0x203: {  	s0 =	rddreg [dreg:$0x5];
	[sflag:s5] =	ssyncadd.s32 @p0 $0xFFFF0000  }
0x204: {  	[spmem:s31], [sflag:s0] =	dma.local [hbm:s1], $0x1400  }
0x205: {  	_ =	swait.ge [sflag:s5], $0x1400  }
0x206: {  	[sflag:s5] =	ssyncset.done $0x0  }
0x207: {  	[sflag:s5] =	ssyncadd.s32 $0xFFFFEC00  }
0x208: {  	[bflag:$0x0] =	sbarrier.arrive $0xFFFF  }
0x209: {  	s31 =	rddreg [dreg:$0x6]  }
0x20a: {  	[tilespmem:s3], [sflag:$0x2] =	stream.linear.gather [hbm4b:s31+s3], $0x400, $0x38;
	[tilespmem:$0x1A400] =	vst v63  }
0x20b: {  	_ =	swait.ge [sflag:s5], $0x400  }
0x20c: {  	[sflag:s5] =	ssyncset.done $0x0  }
0x20d: {  	[sflag:s5] =	ssyncadd.s32 $0xFFFFFC00  }
0x20e: {  	[tilespmem:s7], [sflag:$0x1] =	stream.indirect.gather [spmem:s2], $0x40, s3, s6, $0xb8;
	[tilespmem:$0x1A400] =	vst v63  }
0x20f: {  	_ = 	snop  }
0x210: {  	[tilespmem:s11], [sflag:$0x1] =	stream.indirect.gather [spmem:s2], $0x40, s6, s6, $0xb8;
	[tilespmem:$0x1A400] =	vst v63  }
0x211: {  	_ = 	snop  }
0x212: {  	[tilespmem:s14], [sflag:$0x1] =	stream.indirect.gather [spmem:s2], $0x40, s12, s6, $0xb8;
	[tilespmem:$0x1A400] =	vst v63  }
0x213: {  	_ = 	snop  }
0x214: {  	[tilespmem:s16], [sflag:$0x1] =	stream.indirect.gather [spmem:s2], $0x40, s15, s6, $0xb8;
	[tilespmem:$0x1A400] =	vst v63  }
0x215: {  	_ = 	snop  }
0x216: {  	[tilespmem:s18], [sflag:$0x1] =	stream.indirect.gather [spmem:s2], $0x40, s17, s6, $0xb8;
	[tilespmem:$0x1A400] =	vst v63  }
0x217: {  	_ = 	snop  }
0x218: {  	[tilespmem:s20], [sflag:$0x1] =	stream.indirect.gather [spmem:s2], $0x40, s19, s6, $0xb8;
	[tilespmem:$0x1A400] =	vst v63  }
0x219: {  	_ = 	snop  }
0x21a: {  	[tilespmem:s22], [sflag:$0x1] =	stream.indirect.gather [spmem:s2], $0x40, s21, s6, $0xb8;
	[tilespmem:$0x1A400] =	vst v63  }
0x21b: {  	_ = 	snop  }
0x21c: {  	[tilespmem:s24], [sflag:$0x1] =	stream.indirect.gather [spmem:s2], $0x40, s23, s6, $0xb8;
	[tilespmem:$0x1A400] =	vst v63  }
0x21d: {  	_ =	swait.ge [sflag:s8], $0x2000  }
0x21e: {  	[sflag:s8] =	ssyncset.done $0x0  }
0x21f: {  	[sflag:s8] =	ssyncadd.s32 $0xFFFFE000  }
0x220: {  	_ =	swait.ge [sflag:s8], $0x2000  }
0x221: {  	[sflag:s8] =	ssyncset.done $0x0  }
0x222: {  	[sflag:s8] =	ssyncadd.s32 $0xFFFFE000  }
0x223: {  	_ =	swait.ge [sflag:s8], $0x2000  }
0x224: {  	[sflag:s8] =	ssyncset.done $0x0  }
0x225: {  	[sflag:s8] =	ssyncadd.s32 $0xFFFFE000  }
0x226: {  	_ =	swait.ge [sflag:s8], $0x2000  }
0x227: {  	[sflag:s8] =	ssyncset.done $0x0  }
0x228: {  	[sflag:s8] =	ssyncadd.s32 $0xFFFFE000  }
0x229: {  	_ =	swait.ge [sflag:s8], $0x2000  }
0x22a: {  	[sflag:s8] =	ssyncset.done $0x0  }
0x22b: {  	[sflag:s8] =	ssyncadd.s32 $0xFFFFE000  }
0x22c: {  	_ =	swait.ge [sflag:s8], $0x2000  }
0x22d: {  	[sflag:s8] =	ssyncset.done $0x0  }
0x22e: {  	[sflag:s8] =	ssyncadd.s32 $0xFFFFE000  }
0x22f: {  	_ =	swait.ge [sflag:s8], $0x2000  }
0x230: {  	[sflag:s8] =	ssyncset.done $0x0  }
0x231: {  	[sflag:s8] =	ssyncadd.s32 $0xFFFFE000  }
0x232: {  	_ =	swait.ge [sflag:s8], $0x2000  }
0x233: {  	[sflag:s8] =	ssyncset.done $0x0  }
0x234: {  	s1 =	rddreg [dreg:$0x7];
	[sflag:s8] =	ssyncadd.s32 $0xFFFFE000  }
0x235: {  	[hbm4b:s1+s9] =	stream.strided.scatter [tilespmem:s7], [sflag:$0x2], $0x10000, s6, s9, $0x38;
	[tilespmem:$0x1A400] =	vst v63  }
0x236: {  	_ =	swait.ge [sflag:s5], $0x10000  }
0x237: {  	[sflag:s5] =	ssyncset.done $0x0  }
0x238: {  	[sflag:s5] =	ssyncadd.s32 $0xFFFF0000  }
0x239: {  	[tilespmem:s3], [sflag:$0x2] =	stream.linear.gather [hbm4b:s30+s3], $0x400, $0x38;
	[tilespmem:$0x1A400] =	vst v63  }
0x23a: {  	_ =	swait.ge [sflag:s5], $0x400  }
0x23b: {  	[sflag:s5] =	ssyncset.done $0x0  }
0x23c: {  	[sflag:s5] =	ssyncadd.s32 $0xFFFFFC00  }
0x23d: {  	[tilespmem:s7], [sflag:$0x1] =	stream.indirect.gather [spmem:s2], $0x40, s3, s6, $0xb8;
	[tilespmem:$0x1A400] =	vst v63  }
0x23e: {  	_ = 	snop  }
0x23f: {  	[tilespmem:s11], [sflag:$0x1] =	stream.indirect.gather [spmem:s2], $0x40, s6, s6, $0xb8;
	[tilespmem:$0x1A400] =	vst v63  }
0x240: {  	_ = 	snop  }
0x241: {  	[tilespmem:s14], [sflag:$0x1] =	stream.indirect.gather [spmem:s2], $0x40, s12, s6, $0xb8;
	[tilespmem:$0x1A400] =	vst v63  }
0x242: {  	_ = 	snop  }
0x243: {  	[tilespmem:s16], [sflag:$0x1] =	stream.indirect.gather [spmem:s2], $0x40, s15, s6, $0xb8;
	[tilespmem:$0x1A400] =	vst v63  }
0x244: {  	_ = 	snop  }
0x245: {  	[tilespmem:s18], [sflag:$0x1] =	stream.indirect.gather [spmem:s2], $0x40, s17, s6, $0xb8;
	[tilespmem:$0x1A400] =	vst v63  }
0x246: {  	_ = 	snop  }
0x247: {  	[tilespmem:s20], [sflag:$0x1] =	stream.indirect.gather [spmem:s2], $0x40, s19, s6, $0xb8;
	[tilespmem:$0x1A400] =	vst v63  }
0x248: {  	_ = 	snop  }
0x249: {  	[tilespmem:s22], [sflag:$0x1] =	stream.indirect.gather [spmem:s2], $0x40, s21, s6, $0xb8;
	[tilespmem:$0x1A400] =	vst v63  }
0x24a: {  	_ = 	snop  }
0x24b: {  	[tilespmem:s24], [sflag:$0x1] =	stream.indirect.gather [spmem:s2], $0x40, s23, s6, $0xb8;
	[tilespmem:$0x1A400] =	vst v63  }
0x24c: {  	_ =	swait.ge [sflag:s8], $0x2000  }
0x24d: {  	[sflag:s8] =	ssyncset.done $0x0  }
0x24e: {  	[sflag:s8] =	ssyncadd.s32 $0xFFFFE000  }
0x24f: {  	_ =	swait.ge [sflag:s8], $0x2000  }
0x250: {  	[sflag:s8] =	ssyncset.done $0x0  }
0x251: {  	[sflag:s8] =	ssyncadd.s32 $0xFFFFE000  }
0x252: {  	_ =	swait.ge [sflag:s8], $0x2000  }
0x253: {  	[sflag:s8] =	ssyncset.done $0x0  }
0x254: {  	[sflag:s8] =	ssyncadd.s32 $0xFFFFE000  }
0x255: {  	_ =	swait.ge [sflag:s8], $0x2000  }
0x256: {  	[sflag:s8] =	ssyncset.done $0x0  }
0x257: {  	[sflag:s8] =	ssyncadd.s32 $0xFFFFE000  }
0x258: {  	_ =	swait.ge [sflag:s8], $0x2000  }
0x259: {  	[sflag:s8] =	ssyncset.done $0x0  }
0x25a: {  	[sflag:s8] =	ssyncadd.s32 $0xFFFFE000  }
0x25b: {  	_ =	swait.ge [sflag:s8], $0x2000  }
0x25c: {  	[sflag:s8] =	ssyncset.done $0x0  }
0x25d: {  	[sflag:s8] =	ssyncadd.s32 $0xFFFFE000  }
0x25e: {  	_ =	swait.ge [sflag:s8], $0x2000  }
0x25f: {  	[sflag:s8] =	ssyncset.done $0x0  }
0x260: {  	[sflag:s8] =	ssyncadd.s32 $0xFFFFE000  }
0x261: {  	_ =	swait.ge [sflag:s8], $0x2000  }
0x262: {  	[sflag:s8] =	ssyncset.done $0x0  }
0x263: {  	[sflag:s8] =	ssyncadd.s32 $0xFFFFE000  }
0x264: {  	[hbm4b:s29+s9] =	stream.strided.scatter [tilespmem:s7], [sflag:$0x2], $0x10000, s6, s9, $0x38;
	[tilespmem:$0x1A400] =	vst v63  }
0x265: {  	_ =	swait.ge [sflag:s5], $0x10000  }
0x266: {  	[sflag:s5] =	ssyncset.done $0x0  }
0x267: {  	[sflag:s5] =	ssyncadd.s32 $0xFFFF0000  }
0x268: {  	[tilespmem:s3], [sflag:$0x2] =	stream.linear.gather [hbm4b:s28+s3], $0x400, $0x38;
	[tilespmem:$0x1A400] =	vst v63  }
0x269: {  	_ =	swait.ge [sflag:s5], $0x400  }
0x26a: {  	[sflag:s5] =	ssyncset.done $0x0  }
0x26b: {  	[sflag:s5] =	ssyncadd.s32 $0xFFFFFC00  }
0x26c: {  	[tilespmem:s7], [sflag:$0x1] =	stream.indirect.gather [spmem:s2], $0x40, s3, s6, $0xb8;
	[tilespmem:$0x1A400] =	vst v63  }
0x26d: {  	_ = 	snop  }
0x26e: {  	[tilespmem:s11], [sflag:$0x1] =	stream.indirect.gather [spmem:s2], $0x40, s6, s6, $0xb8;
	[tilespmem:$0x1A400] =	vst v63  }
0x26f: {  	_ = 	snop  }
0x270: {  	[tilespmem:s14], [sflag:$0x1] =	stream.indirect.gather [spmem:s2], $0x40, s12, s6, $0xb8;
	[tilespmem:$0x1A400] =	vst v63  }
0x271: {  	_ = 	snop  }
0x272: {  	[tilespmem:s16], [sflag:$0x1] =	stream.indirect.gather [spmem:s2], $0x40, s15, s6, $0xb8;
	[tilespmem:$0x1A400] =	vst v63  }
0x273: {  	_ = 	snop  }
0x274: {  	[tilespmem:s18], [sflag:$0x1] =	stream.indirect.gather [spmem:s2], $0x40, s17, s6, $0xb8;
	[tilespmem:$0x1A400] =	vst v63  }
0x275: {  	_ = 	snop  }
0x276: {  	[tilespmem:s20], [sflag:$0x1] =	stream.indirect.gather [spmem:s2], $0x40, s19, s6, $0xb8;
	[tilespmem:$0x1A400] =	vst v63  }
0x277: {  	_ = 	snop  }
0x278: {  	[tilespmem:s22], [sflag:$0x1] =	stream.indirect.gather [spmem:s2], $0x40, s21, s6, $0xb8;
	[tilespmem:$0x1A400] =	vst v63  }
0x279: {  	_ = 	snop  }
0x27a: {  	[tilespmem:s24], [sflag:$0x1] =	stream.indirect.gather [spmem:s2], $0x40, s23, s6, $0xb8;
	[tilespmem:$0x1A400] =	vst v63  }
0x27b: {  	_ =	swait.ge [sflag:s8], $0x2000  }
0x27c: {  	[sflag:s8] =	ssyncset.done $0x0  }
0x27d: {  	[sflag:s8] =	ssyncadd.s32 $0xFFFFE000  }
0x27e: {  	_ =	swait.ge [sflag:s8], $0x2000  }
0x27f: {  	[sflag:s8] =	ssyncset.done $0x0  }
0x280: {  	[sflag:s8] =	ssyncadd.s32 $0xFFFFE000  }
0x281: {  	_ =	swait.ge [sflag:s8], $0x2000  }
0x282: {  	[sflag:s8] =	ssyncset.done $0x0  }
0x283: {  	[sflag:s8] =	ssyncadd.s32 $0xFFFFE000  }
0x284: {  	_ =	swait.ge [sflag:s8], $0x2000  }
0x285: {  	[sflag:s8] =	ssyncset.done $0x0  }
0x286: {  	[sflag:s8] =	ssyncadd.s32 $0xFFFFE000  }
0x287: {  	_ =	swait.ge [sflag:s8], $0x2000  }
0x288: {  	[sflag:s8] =	ssyncset.done $0x0  }
0x289: {  	[sflag:s8] =	ssyncadd.s32 $0xFFFFE000  }
0x28a: {  	_ =	swait.ge [sflag:s8], $0x2000  }
0x28b: {  	[sflag:s8] =	ssyncset.done $0x0  }
0x28c: {  	[sflag:s8] =	ssyncadd.s32 $0xFFFFE000  }
0x28d: {  	_ =	swait.ge [sflag:s8], $0x2000  }
0x28e: {  	[sflag:s8] =	ssyncset.done $0x0  }
0x28f: {  	[sflag:s8] =	ssyncadd.s32 $0xFFFFE000  }
0x290: {  	_ =	swait.ge [sflag:s8], $0x2000  }
0x291: {  	[sflag:s8] =	ssyncset.done $0x0  }
0x292: {  	[sflag:s8] =	ssyncadd.s32 $0xFFFFE000  }
0x293: {  	[hbm4b:s26+s9] =	stream.strided.scatter [tilespmem:s7], [sflag:$0x2], $0x10000, s6, s9, $0x38;
	[tilespmem:$0x1A400] =	vst v63  }
0x294: {  	_ =	swait.ge [sflag:s5], $0x10000  }
0x295: {  	[sflag:s5] =	ssyncset.done $0x0  }
0x296: {  	[sflag:s5] =	ssyncadd.s32 $0xFFFF0000  }
0x297: {  	[tilespmem:s3], [sflag:$0x2] =	stream.linear.gather [hbm4b:s25+s3], $0x400, $0x38;
	[tilespmem:$0x1A400] =	vst v63  }
0x298: {  	_ =	swait.ge [sflag:s5], $0x400  }
0x299: {  	[sflag:s5] =	ssyncset.done $0x0  }
0x29a: {  	[sflag:s5] =	ssyncadd.s32 $0xFFFFFC00  }
0x29b: {  	[tilespmem:s7], [sflag:$0x1] =	stream.indirect.gather [spmem:s2], $0x40, s3, s6, $0xb8;
	[tilespmem:$0x1A400] =	vst v63  }
0x29c: {  	_ = 	snop  }
0x29d: {  	[tilespmem:s11], [sflag:$0x1] =	stream.indirect.gather [spmem:s2], $0x40, s6, s6, $0xb8;
	[tilespmem:$0x1A400] =	vst v63  }
0x29e: {  	_ = 	snop  }
0x29f: {  	[tilespmem:s14], [sflag:$0x1] =	stream.indirect.gather [spmem:s2], $0x40, s12, s6, $0xb8;
	[tilespmem:$0x1A400] =	vst v63  }
0x2a0: {  	_ = 	snop  }
0x2a1: {  	[tilespmem:s16], [sflag:$0x1] =	stream.indirect.gather [spmem:s2], $0x40, s15, s6, $0xb8;
	[tilespmem:$0x1A400] =	vst v63  }
0x2a2: {  	_ = 	snop  }
0x2a3: {  	[tilespmem:s18], [sflag:$0x1] =	stream.indirect.gather [spmem:s2], $0x40, s17, s6, $0xb8;
	[tilespmem:$0x1A400] =	vst v63  }
0x2a4: {  	_ = 	snop  }
0x2a5: {  	[tilespmem:s20], [sflag:$0x1] =	stream.indirect.gather [spmem:s2], $0x40, s19, s6, $0xb8;
	[tilespmem:$0x1A400] =	vst v63  }
0x2a6: {  	_ = 	snop  }
0x2a7: {  	[tilespmem:s22], [sflag:$0x1] =	stream.indirect.gather [spmem:s2], $0x40, s21, s6, $0xb8;
	[tilespmem:$0x1A400] =	vst v63  }
0x2a8: {  	_ = 	snop  }
0x2a9: {  	[tilespmem:s24], [sflag:$0x1] =	stream.indirect.gather [spmem:s2], $0x40, s23, s6, $0xb8;
	[tilespmem:$0x1A400] =	vst v63  }
0x2aa: {  	_ =	swait.ge [sflag:s8], $0x2000  }
0x2ab: {  	[sflag:s8] =	ssyncset.done $0x0  }
0x2ac: {  	[sflag:s8] =	ssyncadd.s32 $0xFFFFE000  }
0x2ad: {  	_ =	swait.ge [sflag:s8], $0x2000  }
0x2ae: {  	[sflag:s8] =	ssyncset.done $0x0  }
0x2af: {  	[sflag:s8] =	ssyncadd.s32 $0xFFFFE000  }
0x2b0: {  	_ =	swait.ge [sflag:s8], $0x2000  }
0x2b1: {  	[sflag:s8] =	ssyncset.done $0x0  }
0x2b2: {  	[sflag:s8] =	ssyncadd.s32 $0xFFFFE000  }
0x2b3: {  	_ =	swait.ge [sflag:s8], $0x2000  }
0x2b4: {  	[sflag:s8] =	ssyncset.done $0x0  }
0x2b5: {  	[sflag:s8] =	ssyncadd.s32 $0xFFFFE000  }
0x2b6: {  	_ =	swait.ge [sflag:s8], $0x2000  }
0x2b7: {  	[sflag:s8] =	ssyncset.done $0x0  }
0x2b8: {  	[sflag:s8] =	ssyncadd.s32 $0xFFFFE000  }
0x2b9: {  	_ =	swait.ge [sflag:s8], $0x2000  }
0x2ba: {  	[sflag:s8] =	ssyncset.done $0x0  }
0x2bb: {  	[sflag:s8] =	ssyncadd.s32 $0xFFFFE000  }
0x2bc: {  	_ =	swait.ge [sflag:s8], $0x2000  }
0x2bd: {  	[sflag:s8] =	ssyncset.done $0x0  }
0x2be: {  	[sflag:s8] =	ssyncadd.s32 $0xFFFFE000  }
0x2bf: {  	_ =	swait.ge [sflag:s8], $0x2000  }
0x2c0: {  	[sflag:s8] =	ssyncset.done $0x0  }
0x2c1: {  	[sflag:s8] =	ssyncadd.s32 $0xFFFFE000  }
0x2c2: {  	[hbm4b:s13+s9] =	stream.strided.scatter [tilespmem:s7], [sflag:$0x2], $0x10000, s6, s9, $0x38;
	[tilespmem:$0x1A400] =	vst v63  }
0x2c3: {  	_ =	swait.ge [sflag:s5], $0x10000  }
0x2c4: {  	[sflag:s5] =	ssyncset.done $0x0  }
0x2c5: {  	[sflag:s5] =	ssyncadd.s32 $0xFFFF0000  }
0x2c6: {  	[tilespmem:s3], [sflag:$0x2] =	stream.linear.gather [hbm4b:s10+s3], $0x400, $0x38;
	[tilespmem:$0x1A400] =	vst v63  }
0x2c7: {  	_ =	swait.ge [sflag:s5], $0x400  }
0x2c8: {  	[sflag:s5] =	ssyncset.done $0x0  }
0x2c9: {  	[sflag:s5] =	ssyncadd.s32 $0xFFFFFC00  }
0x2ca: {  	[tilespmem:s7], [sflag:$0x1] =	stream.indirect.gather [spmem:s2], $0x40, s3, s6, $0xb8;
	[tilespmem:$0x1A400] =	vst v63  }
0x2cb: {  	_ = 	snop  }
0x2cc: {  	[tilespmem:s11], [sflag:$0x1] =	stream.indirect.gather [spmem:s2], $0x40, s6, s6, $0xb8;
	[tilespmem:$0x1A400] =	vst v63  }
0x2cd: {  	_ = 	snop  }
0x2ce: {  	[tilespmem:s14], [sflag:$0x1] =	stream.indirect.gather [spmem:s2], $0x40, s12, s6, $0xb8;
	[tilespmem:$0x1A400] =	vst v63  }
0x2cf: {  	_ = 	snop  }
0x2d0: {  	[tilespmem:s16], [sflag:$0x1] =	stream.indirect.gather [spmem:s2], $0x40, s15, s6, $0xb8;
	[tilespmem:$0x1A400] =	vst v63  }
0x2d1: {  	_ = 	snop  }
0x2d2: {  	[tilespmem:s18], [sflag:$0x1] =	stream.indirect.gather [spmem:s2], $0x40, s17, s6, $0xb8;
	[tilespmem:$0x1A400] =	vst v63  }
0x2d3: {  	_ = 	snop  }
0x2d4: {  	[tilespmem:s20], [sflag:$0x1] =	stream.indirect.gather [spmem:s2], $0x40, s19, s6, $0xb8;
	[tilespmem:$0x1A400] =	vst v63  }
0x2d5: {  	_ = 	snop  }
0x2d6: {  	[tilespmem:s22], [sflag:$0x1] =	stream.indirect.gather [spmem:s2], $0x40, s21, s6, $0xb8;
	[tilespmem:$0x1A400] =	vst v63  }
0x2d7: {  	_ = 	snop  }
0x2d8: {  	[tilespmem:s24], [sflag:$0x1] =	stream.indirect.gather [spmem:s2], $0x40, s23, s6, $0xb8;
	[tilespmem:$0x1A400] =	vst v63  }
0x2d9: {  	_ =	swait.ge [sflag:s8], $0x2000  }
0x2da: {  	[sflag:s8] =	ssyncset.done $0x0  }
0x2db: {  	[sflag:s8] =	ssyncadd.s32 $0xFFFFE000  }
0x2dc: {  	_ =	swait.ge [sflag:s8], $0x2000  }
0x2dd: {  	[sflag:s8] =	ssyncset.done $0x0  }
0x2de: {  	[sflag:s8] =	ssyncadd.s32 $0xFFFFE000  }
0x2df: {  	_ =	swait.ge [sflag:s8], $0x2000  }
0x2e0: {  	[sflag:s8] =	ssyncset.done $0x0  }
0x2e1: {  	[sflag:s8] =	ssyncadd.s32 $0xFFFFE000  }
0x2e2: {  	_ =	swait.ge [sflag:s8], $0x2000  }
0x2e3: {  	[sflag:s8] =	ssyncset.done $0x0  }
0x2e4: {  	[sflag:s8] =	ssyncadd.s32 $0xFFFFE000  }
0x2e5: {  	_ =	swait.ge [sflag:s8], $0x2000  }
0x2e6: {  	[sflag:s8] =	ssyncset.done $0x0  }
0x2e7: {  	[sflag:s8] =	ssyncadd.s32 $0xFFFFE000  }
0x2e8: {  	_ =	swait.ge [sflag:s8], $0x2000  }
0x2e9: {  	[sflag:s8] =	ssyncset.done $0x0  }
0x2ea: {  	[sflag:s8] =	ssyncadd.s32 $0xFFFFE000  }
0x2eb: {  	_ =	swait.ge [sflag:s8], $0x2000  }
0x2ec: {  	[sflag:s8] =	ssyncset.done $0x0  }
0x2ed: {  	[sflag:s8] =	ssyncadd.s32 $0xFFFFE000  }
0x2ee: {  	_ =	swait.ge [sflag:s8], $0x2000  }
0x2ef: {  	[sflag:s8] =	ssyncset.done $0x0  }
0x2f0: {  	[sflag:s8] =	ssyncadd.s32 $0xFFFFE000  }
0x2f1: {  	[hbm4b:s4+s9] =	stream.strided.scatter [tilespmem:s7], [sflag:$0x2], $0x10000, s6, s9, $0x38;
	[tilespmem:$0x1A400] =	vst v63  }
0x2f2: {  	_ =	swait.ge [sflag:s5], $0x10000  }
0x2f3: {  	[sflag:s5] =	ssyncset.done $0x0  }
0x2f4: {  	[sflag:s5] =	ssyncadd.s32 $0xFFFF0000  }
0x2f5: {  	_ =	sfence.sel $0x180000  }
0x2f6: {  	[bflag:$0x0] =	sbarrier.arrive $0xFFFF  }
0x2f7: {  	_ =	strace $0x90000047  }
0x2f8: {  	s31 =	stileid.u32;
	[bflag:$0x2] =	sbarrier.arrive $0xFFFF  }
0x2f9: {  	p0 =	sne.s32 s31, $0x0;
	s0 =	rddreg [dreg:$0x3]  }
0x2fa: {  	s0 =	sadd.s32 @!p0 $0x100000, s0  }
0x2fb: {  	[sflag:s0] =	ssyncadd.tile.s32 @!p0 $0x1;
	_ =	shalt  }
.LBB2_2:
.Ltmp3:
0x2fc: {  	(pc) =	sbr.rel .LBB2_5-.Ltmp3, $2  }
0x2fd: {  	_ =	sdelay $0x2  }
0x2fe: {  	s31 =	rddreg [dreg:$0x8]  }
.Lfunc_end2:
_tile_overlayer_lowered:
.L_overlay_start_2:
0x2ff: {  	(tag) =	ssettag $0x2  }
0x300: {  	s0 =	rddreg [dreg:$0x0];
	s2 =	stileid.u32  }
0x301: {  	s1 =	rddreg [dreg:$0x1];
	p0 =	sne.s32 s2, $0x0  }
0x302: {  	s3 =	rddreg [dreg:$0x2];
	[bflag:$0x3] =	sbarrier.arrive $0xFFFF;
	s2 =	simm.s32 @!p0 $0x1C02  }
0x303: {  	[timem:s3], [sflag:s2] =	dma.local @!p0 [hbm:s0], s1  }
0x304: {  	s0 =	simm.s32 @!p0 $0x2  }
0x305: {  	_ =	swait.ge @!p0 [sflag:s0], s1  }
0x306: {  	s1 =	ssub.s32 @!p0 $0x0, s1;
	[sflag:s0] =	ssyncset.done @!p0 $0x0  }
0x307: {  	[sflag:s0] =	ssyncadd.s32 @!p0 s1  }
0x308: {  	[bflag:$0x3] =	sbarrier.arrive $0xFFFF  }
0x309: {  	_ =	shalt  }

// kernel: kernel.9.cloned.1.call-start
scs
__scs_entry_jumppad:
0x0: {  	(pc) =	sbr.rel $0x88, $3  }
0x1: {  	(tag) =	ssettag $0x0;
	lr =	simm.s32 $0x1  }
0x2: {  	[smem:$0x3F98] =	sst lr;
	_ =	strace $0xD0000000  }
0x3: {  	_ = 	snop  }
0x4: {  	_ = 	snop  }
0x5: {  	_ = 	snop  }
0x6: {  	_ = 	snop  }
0x7: {  	_ = 	snop  }
__scs_overlays_trampoline_lowered:
0x8: {  	[smem:$0x3FA7] =	sst s0  }
0x9: {  	[smem:$0x3FA8] =	sst s1  }
0xa: {  	[smem:$0x3FA9] =	sst s2  }
0xb: {  	[smem:$0x3FAA] =	sst s3  }
0xc: {  	[smem:$0x3FAB] =	sst s4  }
0xd: {  	[smem:$0x3FAC] =	sst s5  }
0xe: {  	[smem:$0x3FAD] =	sst s6  }
0xf: {  	[smem:$0x3FAE] =	sst s7  }
0x10: {  	[smem:$0x3FAF] =	sst s8  }
0x11: {  	[smem:$0x3FB0] =	sst s9;
	s0 =	simm.s32 @!p0 $0x0  }
0x12: {  	s1 =	sld [smem:$0x3F96];
	s0 =	simm.s32 @p0 $0x1  }
0x13: {  	[smem:$0x3FB1] =	sst s0;
	s0 =	simm.s32 @!p1 $0x0  }
0x14: {  	s2 =	sld [smem:$0x3F95];
	s0 =	simm.s32 @p1 $0x1  }
0x15: {  	[smem:$0x3FB2] =	sst s0;
	s0 =	simm.s32 @!p2 $0x0  }
0x16: {  	s3 =	sld [smem:$0x3FDB];
	s0 =	simm.s32 @p2 $0x1  }
0x17: {  	s4 =	simm.s32 $0x1BF5;
	[smem:$0x3FB4] =	sst s0  }
0x18: {  	s0 =	sld [smem:$0x3F97];
	_ =	swait.ge [sflag:s4], $0x0  }
0x19: {  	s7 =	sld [smem:$0x3F98]  }
0x1a: {  	s8 =	sadd.s32 $0xFFFFE003, lr  }
0x1b: {  	s9 =	sadd.s32 $0xFFFFFEF7, lr;
	s5 =	simm.s32 $0xFFFFFFFF;
	p2 =	slt.u32 s8, $0xFFFFF086  }
0x1c: {  	p1 =	slt.u32 s9, $0xF7A;
	s5 =	simm.s32 @!p2 $0x0  }
0x1d: {  	s5 =	simm.s32 @p1 $0x1;
	p0 =	seq.s32 s7, s2  }
0x1e: {  	s7 =	smul.u32 @!p0 $0xF7A, s2;
	p2 =	seq.s32 @!p0 s5, $0x0  }
0x1f: {  	s9 =	smul.u32 $0xF7A, s1;
	s8 =	simm.s32 @!p0 $0x1BF5;
	p2 =	por !p2, p0  }
0x20: {  	[sflag:s8] =	ssyncset.s32 @!p0 $0xFFFFF086;
	s6 =	sadd.s32 @!p0 s3, s7;
	s7 =	simm.s32 @!p0 $0x108  }
0x21: {  	s3 =	sadd.s32 s3, s9;
	s6 =	sadd.s32 @!p0 $0x88, s6;
	s7 =	simm.s32 @p2 $0x1082  }
0x22: {  	[simem:s7], [sflag:s8] =	dma.local @!p0 [hbm:s6], $0xF7A  }
0x23: {  	s9 =	sor.u32 $0xD0000000, s2;
	s6 =	simm.s32 $0x108;
	_ =	swait.ge @!p0 [sflag:s8], $0x0  }
0x24: {  	s3 =	sadd.s32 $0x88, s3;
	s6 =	simm.s32 @!p1 $0x1082;
	[sflag:s4] =	ssyncset.s32 $0xFFFFF086  }
0x25: {  	[simem:s6], [sflag:s4] =	dma.local [hbm:s3], $0xF7A  }
0x26: {  	[smem:$0x3F98] =	sst s1;
	(tag) =	ssettag s2;
	_ =	strace s9  }
0x27: {  	s1 =	sld [smem:$0x3FA8]  }
0x28: {  	s2 =	sld [smem:$0x3FA9]  }
0x29: {  	s4 =	sld [smem:$0x3FAB]  }
0x2a: {  	p0 =	seq.s32 s5, $0x0;
	s5 =	sld [smem:$0x3FAC]  }
0x2b: {  	s6 =	sld [smem:$0x3FAD]  }
0x2c: {  	s7 =	sld [smem:$0x3FAE]  }
0x2d: {  	s3 =	simm.s32 $0x108;
	s8 =	sld [smem:$0x3FAF]  }
0x2e: {  	s3 =	simm.s32 @!p0 $0x1082;
	s9 =	sld [smem:$0x3FB0]  }
0x2f: {  	lr =	sadd.s32 s0, s3;
	s0 =	sld [smem:$0x3FA7]  }
0x30: {  	s3 =	sld [smem:$0x3FAA]  }
0x31: {  	[smem:$0x3FB3] =	sst s10  }
0x32: {  	s10 =	sld [smem:$0x3FB1];
	_ =	sdelay $0x3  }
0x33: {  	p0 =	seq.s32 s10, $0x1;
	s10 =	sld [smem:$0x3FB3];
	_ =	sdelay $0x3  }
0x34: {  	[smem:$0x3FB3] =	sst s10  }
0x35: {  	s10 =	sld [smem:$0x3FB2];
	_ =	sdelay $0x3  }
0x36: {  	p1 =	seq.s32 s10, $0x1;
	s10 =	sld [smem:$0x3FB3];
	_ =	sdelay $0x3  }
0x37: {  	[smem:$0x3FB3] =	sst s10  }
0x38: {  	s10 =	sld [smem:$0x3FB4]  }
0x39: {  	_ = 	snop;
	(pc) =	sbr.ind lr, $3  }
0x3a: {  	_ = 	snop  }
0x3b: {  	_ = 	snop  }
0x3c: {  	p2 =	seq.s32 s10, $0x1;
	s10 =	sld [smem:$0x3FB3]  }
0x3d: {  	_ =	shalt  }
0x3e: {  	_ =	shalt  }
0x3f: {  	_ =	shalt  }
0x40: {  	_ =	shalt  }
0x41: {  	_ =	shalt  }
0x42: {  	_ =	shalt  }
0x43: {  	_ =	shalt  }
0x44: {  	_ =	shalt  }
0x45: {  	_ =	shalt  }
0x46: {  	_ =	shalt  }
0x47: {  	_ =	shalt  }
0x48: {  	_ =	shalt  }
0x49: {  	_ =	shalt  }
0x4a: {  	_ =	shalt  }
0x4b: {  	_ =	shalt  }
0x4c: {  	_ =	shalt  }
0x4d: {  	_ =	shalt  }
0x4e: {  	_ =	shalt  }
0x4f: {  	_ =	shalt  }
0x50: {  	_ =	shalt  }
0x51: {  	_ =	shalt  }
0x52: {  	_ =	shalt  }
0x53: {  	_ =	shalt  }
0x54: {  	_ =	shalt  }
0x55: {  	_ =	shalt  }
0x56: {  	_ =	shalt  }
0x57: {  	_ =	shalt  }
0x58: {  	_ =	shalt  }
0x59: {  	_ =	shalt  }
0x5a: {  	_ =	shalt  }
0x5b: {  	_ =	shalt  }
0x5c: {  	_ =	shalt  }
0x5d: {  	_ =	shalt  }
0x5e: {  	_ =	shalt  }
0x5f: {  	_ =	shalt  }
0x60: {  	_ =	shalt  }
0x61: {  	_ =	shalt  }
0x62: {  	_ =	shalt  }
0x63: {  	_ =	shalt  }
0x64: {  	_ =	shalt  }
0x65: {  	_ =	shalt  }
0x66: {  	_ =	shalt  }
0x67: {  	_ =	shalt  }
0x68: {  	_ =	shalt  }
0x69: {  	_ =	shalt  }
0x6a: {  	_ =	shalt  }
0x6b: {  	_ =	shalt  }
0x6c: {  	_ =	shalt  }
0x6d: {  	_ =	shalt  }
0x6e: {  	_ =	shalt  }
0x6f: {  	_ =	shalt  }
0x70: {  	_ =	shalt  }
0x71: {  	_ =	shalt  }
0x72: {  	_ =	shalt  }
0x73: {  	_ =	shalt  }
0x74: {  	_ =	shalt  }
0x75: {  	_ =	shalt  }
0x76: {  	_ =	shalt  }
0x77: {  	_ =	shalt  }
0x78: {  	_ =	shalt  }
0x79: {  	_ =	shalt  }
0x7a: {  	_ =	shalt  }
0x7b: {  	_ =	shalt  }
0x7c: {  	_ =	shalt  }
0x7d: {  	_ =	shalt  }
0x7e: {  	_ =	shalt  }
0x7f: {  	_ =	shalt  }
0x80: {  	_ =	shalt  }
0x81: {  	_ =	shalt  }
0x82: {  	_ =	shalt  }
0x83: {  	_ =	shalt  }
0x84: {  	_ =	shalt  }
0x85: {  	_ =	shalt  }
0x86: {  	_ =	shalt  }
0x87: {  	_ =	shalt  }
.Lfunc_end0:
.L_simem_size_0:
called_computation.1_lowered:
.L_overlay_start_0:
0x88: {  	s2 =	sld [smem:$0x3FD9]  }
0x89: {  	s3 =	sld [smem:$0x3FFE];
	_ =	sdelay $0x1  }
0x8a: {  	s1 =	srdreg.scid  }
0x8b: {  	s0 =	sand.u32 $0x1, s1  }
0x8c: {  	s16 =	sshll.u32 s0, $0xA;
	s2 =	sadd.s32 s3, s2  }
0x8d: {  	s2 =	sadd.s32 s2, s16  }
0x8e: {  	[smem:$0x3FBF] =	sst s2  }
0x8f: {  	_ = 	snop  }
0x90: {  	(tm) =	ssettm $0x1  }
0x91: {  	s17 =	sld [smem:$0x3FFB];
	_ =	sdelay $0x3  }
0x92: {  	_ =	strace s17  }
0x93: {  	s2 =	sld [smem:$0x3FFC];
	_ =	sdelay $0x3  }
0x94: {  	_ =	strace s2  }
0x95: {  	s2 =	sld [smem:$0x3FFD];
	_ =	sdelay $0x3  }
0x96: {  	_ =	strace s2  }
0x97: {  	_ =	strace $0x8FFFFFFF  }
0x98: {  	s18 =	sld [smem:$0x3FDB];
	_ =	sdelay $0x1  }
0x99: {  	s19 =	simm.s32 $_scs_section_size  }
0x9a: {  	s4 =	simm.s32 $_size__tile_overlayer_lowered;
	s5 =	simm.s32 $_tile_overlayer_lowered  }
0x9b: {  	s22 =	simm.s32 $0x1BFF;
	s21 =	sshll.u32 s5, $0x1;
	s2 =	sadd.s32 s19, s18  }
0x9c: {  	s6 =	simm.s32 $0x0;
	s20 =	sshll.u32 s4, $0x1;
	s4 =	sadd.s32 s21, s2  }
0x9d: {  	[timem:s6], [sflag:s22] =	dma.local [hbm:s4], s20  }
0x9e: {  	_ =	swait.ge [sflag:s22], s20  }
0x9f: {  	s3 =	ssub.s32 $0x0, s20;
	[sflag:s22] =	ssyncset.done $0x0  }
0xa0: {  	[sflag:s22] =	ssyncadd.s32 s3;
	_ =	sdelay $0x1  }
0xa1: {  	s23 =	simm.s32 $0x1B8B  }
0xa2: {  	_ =	swait.ge [sflag:s23], $0x1  }
0xa3: {  	[sflag:s23] =	ssyncset.done $0x0  }
0xa4: {  	s25 =	simm.s32 $0x1B8E;
	s24 =	sld [smem:$0x3FFE];
	[sflag:s23] =	ssyncadd.s32 $0xFFFFFFFF  }
0xa5: {  	s26 =	simm.s32 $execute0_lowered;
	[smem:$0x3FD2] =	sst s25  }
0xa6: {  	s4 =	sshll.u32 s26, $0x1;
	_ =	strace $0x80000049;
	[dreg:$0x1] =	wrdreg $0xFFFFFFFF  }
0xa7: {  	s28 =	simm.s32 $_size_execute0_lowered;
	s2 =	sadd.s32 s2, s4;
	[dreg:$0x0] =	wrdreg $0x0  }
0xa8: {  	s4 =	sshll.u32 s28, $0x1;
	[dreg:$0x2] =	wrdreg s2  }
0xa9: {  	[dreg:$0x3] =	wrdreg s4  }
0xaa: {  	[dreg:$0x4] =	wrdreg $0xC0  }
0xab: {  	_ =	task [dreg:s6], $0x5FFFF  }
0xac: {  	[dreg:$0x1] =	wrdreg $0xFFFFFFFF  }
0xad: {  	[dreg:$0x0] =	wrdreg $0x60  }
0xae: {  	[dreg:$0x2] =	wrdreg s24  }
0xaf: {  	[dreg:$0x3] =	wrdreg $0x104000  }
0xb0: {  	[dreg:$0x4] =	wrdreg $0x9  }
0xb1: {  	_ =	task.clear_ibuf [dreg:s6], $0x5FFFF;
	_ =	strace $0x90000049  }
0xb2: {  	s29 =	simm.s32 $0x9;
	_ =	strace $0x8000004B  }
0xb3: {  	_ =	swait.ge [sflag:s29], $0x1  }
0xb4: {  	[sflag:s29] =	ssyncadd.s32 $0xFFFFFFFF  }
0xb5: {  	_ =	strace $0x9000004B  }
0xb6: {  	_ =	sfence  }
0xb7: {  	s30 =	sld [smem:$0x0];
	_ =	sdelay $0x2  }
0xb8: {  	s31 =	sshll.u32 s1, $0xD;
	s1 =	sshrl.u32 s1, $0x2  }
0xb9: {  	s3 =	sand.u32 $0x4000, s31;
	s1 =	sadd.s32 s1, s30  }
0xba: {  	s0 =	sor.u32 s3, s0;
	s1 =	sshll.u32 s1, $0x11  }
0xbb: {  	s0 =	sor.u32 s1, s0  }
0xbc: {  	s0 =	sadd.s32 $0x8F2B, s0  }
0xbd: {  	[sflag:s0] =	ssyncadd.remote.s32 $0x1  }
0xbe: {  	_ =	sfence.sel $0xFFFF  }
0xbf: {  	[dreg:$0x0] =	wrdreg $0xFFFFFFFF;
	(pc) =	sbr.abs _section_cstart, $3  }
0xc0: {  	[dreg:$0x1] =	wrdreg $0xFFFFFFFF  }
0xc1: {  	_ =	task.clear_ibuf [dreg:s6], $0x2FFFF;
	_ =	strace $0x9FFFFFFF  }
0xc2: {  	(tm) =	ssettm $0x7FFFFFFF  }
0xc3: {  	_ =	shalt  }
tec
execute0_lowered:
.L_overlay_start_1:
0x0: {  	(tag) =	ssettag $0x1  }
0x1: {  	s0 =	rddreg [dreg:$0x0]  }
0x2: {  	s1 =	rddreg [dreg:$0x1]  }
0x3: {  	s3 =	simm.s32 $0x0;
	s2 =	srdreg.scid;
	s9 =	stileid.u32  }
0x4: {  	s17 =	simm.s32 $0x400;
	s28 =	simm.s32 $0x8400;
	s29 =	simm.s32 $0x280  }
0x5: {  	s30 =	simm.s32 $0xA400;
	s31 =	simm.s32 $0x300;
	s4 =	smul.u32 $0x1400, s9  }
0x6: {  	s2 =	sand.u32 $0x1, s2;
	s7 =	sshll.u32 s9, $0x1;
	s9 =	smul.u32 $0x28000, s9  }
0x7: {  	[smem:$0x7FF] =	sst s3;
	s6 =	smul.u32 $0x14000, s2;
	s7 =	sor.u32 s2, s7  }
0x8: {  	s5 =	sadd.s32 $0x2C4000, s0;
	s8 =	sadd.s32 $0x2BF000, s0;
	s18 =	smul.u32 $0x280, s7  }
0x9: {  	_ =	strace $0x8000004A;
	s2 =	ssub.s32 $0x2, s2;
	s10 =	smul.u32 $0x1400, s7  }
0xa: {  	s19 =	sshrl.u32 s2, $0x1;
	s20 =	sshrl.u32 s9, $0x2;
	s21 =	smul.u32 $0xA0000, s7  }
0xb: {  	s7 =	smul.u32 $0x14000, s7;
	s4 =	sadd.s32 s4, s6;
	s2 =	ssub.s32 s2, s19  }
0xc: {  	s19 =	simm.s32 $0x40;
	s0 =	sadd.s32 s4, s0;
	s4 =	sadd.s32 s20, s1  }
0xd: {  	s10 =	sshrl.u32 s10, $0x3;
	s6 =	sadd.s32 s8, s18;
	s23 =	sshrl.u32 s21, $0x3  }
0xe: {  	s7 =	sadd.s32 s5, s7;
	s16 =	smax.u32 s2, $0x1;
	s18 =	simm.s32 $0x1  }
0xf: {  	s20 =	simm.s32 $0x80;
	s21 =	simm.s32 $0x2400;
	[dreg:$0x3] =	wrdreg s6  }
0x10: {  	s2 =	simm.s32 $0x380;
	s22 =	sadd.s32 s8, s10;
	[dreg:$0x4] =	wrdreg s7  }
0x11: {  	s5 =	sadd.s32 s5, s23;
	s15 =	sadd.s32 $0x2B000, s0;
	s23 =	simm.s32 $0x4400  }
0x12: {  	s0 =	simm.s32 $0xC400;
	s6 =	simm.s32 $0x0;
	s24 =	sadd.s32 $0x80, s22  }
0x13: {  	s25 =	sadd.s32 $0x4000, s5;
	s26 =	sadd.s32 $0x100, s22;
	s10 =	sadd.s32 $0x8000, s5  }
0x14: {  	s11 =	sadd.s32 $0x180, s22;
	s12 =	sadd.s32 $0xC000, s5;
	[dreg:$0x5] =	wrdreg s24  }
0x15: {  	s13 =	sadd.s32 $0x200, s22;
	s14 =	sadd.s32 $0x10000, s5;
	[dreg:$0x6] =	wrdreg s25  }
0x16: {  	s22 =	simm.s32 $0x100;
	s5 =	simm.s32 $0xE400;
	[dreg:$0x7] =	wrdreg s26  }
0x17: {  	v0 =	vimm.f32 $0.0e+00;
	s24 =	simm.s32 $0x180;
	s25 =	simm.s32 $0x6400;
	s26 =	simm.s32 $0x200  }
.LBB2_1:
0x18: {  	s8 =	simm.s32 $0x100;
	s7 =	simm.s32 $0x0  }
.LBB2_2:
0x19: {  	p0 =	sne.s32 s8, $0x27F00;
	[tilespmem:s7+$0x430] =	vst v0;
	s9 =	smov.u32 s8;
	s8 =	sadd.s32 $0x100, s8  }
.Ltmp0:
0x1a: {  	[tilespmem:s7+$0x420] =	vst v0;
	(pc) =	sbr.rel @p0 .LBB2_2-.Ltmp0, $3  }
0x1b: {  	[tilespmem:s7+$0x400] =	vst v0  }
0x1c: {  	[tilespmem:s7+$0x410] =	vst v0;
	_ =	sdelay $0x1  }
0x1d: {  	s7 =	sshra.s32 s9, $0x2  }
0x1e: {  	[tilespmem:s7+$0x430] =	vst v0  }
0x1f: {  	[tilespmem:s7+$0x420] =	vst v0  }
0x20: {  	[tilespmem:s7+$0x400] =	vst v0  }
0x21: {  	[tilespmem:s7+$0x410] =	vst v0  }
0x22: {  	[spmem:s4] =	stream.linear.scatter [tilespmem:s17], [sflag:$0x1], $0xA000, $0x38;
	[tilespmem:$0x1A400] =	vst v63  }
0x23: {  	_ =	swait.ge [sflag:s18], $0xA000  }
0x24: {  	[sflag:s18] =	ssyncset.done $0x0  }
0x25: {  	[sflag:s18] =	ssyncadd.s32 $0xFFFF6000  }
0x26: {  	[bflag:$0x0] =	sbarrier.arrive $0xFFFF  }
0x27: {  	s8 =	rddreg [dreg:$0x3]  }
0x28: {  	[tilespmem:s3], [sflag:$0x1] =	stream.linear.gather [hbm4b:s8+s3], $0x400, $0x38;
	[tilespmem:$0x1A400] =	vst v63  }
0x29: {  	_ =	swait.ge [sflag:s18], $0x400  }
0x2a: {  	[sflag:s18] =	ssyncset.done $0x0  }
0x2b: {  	s9 =	rddreg [dreg:$0x4];
	[sflag:s18] =	ssyncadd.s32 $0xFFFFFC00  }
0x2c: {  	[tilespmem:s17], [sflag:$0x1] =	stream.strided.gather [hbm4b:s9+s19], $0x10000, s20, s19, $0x38;
	[tilespmem:$0x1A400] =	vst v63  }
0x2d: {  	_ =	swait.ge [sflag:s18], $0x10000  }
0x2e: {  	[sflag:s18] =	ssyncset.done $0x0  }
0x2f: {  	[sflag:s18] =	ssyncadd.s32 $0xFFFF0000  }
0x30: {  	[spmem:s1] =	stream.indirect.scatter.add.f32 [tilespmem:s17], [sflag:$0x1], $0x40, s3, s20, $0xb8;
	[tilespmem:$0x1A400] =	vst v63  }
0x31: {  	_ =	swait.ge [sflag:s18], $0x2000  }
0x32: {  	[sflag:s18] =	ssyncset.done $0x0  }
0x33: {  	[sflag:s18] =	ssyncadd.s32 $0xFFFFE000  }
0x34: {  	[spmem:s1] =	stream.indirect.scatter.add.f32 [tilespmem:s21], [sflag:$0x1], $0x40, s20, s20, $0xb8;
	[tilespmem:$0x1A400] =	vst v63  }
0x35: {  	_ =	swait.ge [sflag:s18], $0x2000  }
0x36: {  	[sflag:s18] =	ssyncset.done $0x0  }
0x37: {  	[sflag:s18] =	ssyncadd.s32 $0xFFFFE000  }
0x38: {  	[spmem:s1] =	stream.indirect.scatter.add.f32 [tilespmem:s23], [sflag:$0x1], $0x40, s22, s20, $0xb8;
	[tilespmem:$0x1A400] =	vst v63  }
0x39: {  	_ =	swait.ge [sflag:s18], $0x2000  }
0x3a: {  	[sflag:s18] =	ssyncset.done $0x0  }
0x3b: {  	[sflag:s18] =	ssyncadd.s32 $0xFFFFE000  }
0x3c: {  	[spmem:s1] =	stream.indirect.scatter.add.f32 [tilespmem:s25], [sflag:$0x1], $0x40, s24, s20, $0xb8;
	[tilespmem:$0x1A400] =	vst v63  }
0x3d: {  	_ =	swait.ge [sflag:s18], $0x2000  }
0x3e: {  	[sflag:s18] =	ssyncset.done $0x0  }
0x3f: {  	[sflag:s18] =	ssyncadd.s32 $0xFFFFE000  }
0x40: {  	[spmem:s1] =	stream.indirect.scatter.add.f32 [tilespmem:s28], [sflag:$0x1], $0x40, s26, s20, $0xb8;
	[tilespmem:$0x1A400] =	vst v63  }
0x41: {  	_ =	swait.ge [sflag:s18], $0x2000  }
0x42: {  	[sflag:s18] =	ssyncset.done $0x0  }
0x43: {  	[sflag:s18] =	ssyncadd.s32 $0xFFFFE000  }
0x44: {  	[spmem:s1] =	stream.indirect.scatter.add.f32 [tilespmem:s30], [sflag:$0x1], $0x40, s29, s20, $0xb8;
	[tilespmem:$0x1A400] =	vst v63  }
0x45: {  	_ =	swait.ge [sflag:s18], $0x2000  }
0x46: {  	[sflag:s18] =	ssyncset.done $0x0  }
0x47: {  	[sflag:s18] =	ssyncadd.s32 $0xFFFFE000  }
0x48: {  	[spmem:s1] =	stream.indirect.scatter.add.f32 [tilespmem:s0], [sflag:$0x1], $0x40, s31, s20, $0xb8;
	[tilespmem:$0x1A400] =	vst v63  }
0x49: {  	_ =	swait.ge [sflag:s18], $0x2000  }
0x4a: {  	[sflag:s18] =	ssyncset.done $0x0  }
0x4b: {  	[sflag:s18] =	ssyncadd.s32 $0xFFFFE000  }
0x4c: {  	[spmem:s1] =	stream.indirect.scatter.add.f32 [tilespmem:s5], [sflag:$0x1], $0x40, s2, s20, $0xb8;
	[tilespmem:$0x1A400] =	vst v63  }
0x4d: {  	_ =	swait.ge [sflag:s18], $0x2000  }
0x4e: {  	[sflag:s18] =	ssyncset.done $0x0  }
0x4f: {  	s8 =	rddreg [dreg:$0x5];
	[sflag:s18] =	ssyncadd.s32 $0xFFFFE000  }
0x50: {  	[tilespmem:s3], [sflag:$0x1] =	stream.linear.gather [hbm4b:s8+s3], $0x400, $0x38;
	[tilespmem:$0x1A400] =	vst v63  }
0x51: {  	_ =	swait.ge [sflag:s18], $0x400  }
0x52: {  	[sflag:s18] =	ssyncset.done $0x0  }
0x53: {  	s9 =	rddreg [dreg:$0x6];
	[sflag:s18] =	ssyncadd.s32 $0xFFFFFC00  }
0x54: {  	[tilespmem:s17], [sflag:$0x1] =	stream.strided.gather [hbm4b:s9+s19], $0x10000, s20, s19, $0x38;
	[tilespmem:$0x1A400] =	vst v63  }
0x55: {  	_ =	swait.ge [sflag:s18], $0x10000  }
0x56: {  	[sflag:s18] =	ssyncset.done $0x0  }
0x57: {  	[sflag:s18] =	ssyncadd.s32 $0xFFFF0000  }
0x58: {  	[spmem:s1] =	stream.indirect.scatter.add.f32 [tilespmem:s17], [sflag:$0x1], $0x40, s3, s20, $0xb8;
	[tilespmem:$0x1A400] =	vst v63  }
0x59: {  	_ =	swait.ge [sflag:s18], $0x2000  }
0x5a: {  	[sflag:s18] =	ssyncset.done $0x0  }
0x5b: {  	[sflag:s18] =	ssyncadd.s32 $0xFFFFE000  }
0x5c: {  	[spmem:s1] =	stream.indirect.scatter.add.f32 [tilespmem:s21], [sflag:$0x1], $0x40, s20, s20, $0xb8;
	[tilespmem:$0x1A400] =	vst v63  }
0x5d: {  	_ =	swait.ge [sflag:s18], $0x2000  }
0x5e: {  	[sflag:s18] =	ssyncset.done $0x0  }
0x5f: {  	[sflag:s18] =	ssyncadd.s32 $0xFFFFE000  }
0x60: {  	[spmem:s1] =	stream.indirect.scatter.add.f32 [tilespmem:s23], [sflag:$0x1], $0x40, s22, s20, $0xb8;
	[tilespmem:$0x1A400] =	vst v63  }
0x61: {  	_ =	swait.ge [sflag:s18], $0x2000  }
0x62: {  	[sflag:s18] =	ssyncset.done $0x0  }
0x63: {  	[sflag:s18] =	ssyncadd.s32 $0xFFFFE000  }
0x64: {  	[spmem:s1] =	stream.indirect.scatter.add.f32 [tilespmem:s25], [sflag:$0x1], $0x40, s24, s20, $0xb8;
	[tilespmem:$0x1A400] =	vst v63  }
0x65: {  	_ =	swait.ge [sflag:s18], $0x2000  }
0x66: {  	[sflag:s18] =	ssyncset.done $0x0  }
0x67: {  	[sflag:s18] =	ssyncadd.s32 $0xFFFFE000  }
0x68: {  	[spmem:s1] =	stream.indirect.scatter.add.f32 [tilespmem:s28], [sflag:$0x1], $0x40, s26, s20, $0xb8;
	[tilespmem:$0x1A400] =	vst v63  }
0x69: {  	_ =	swait.ge [sflag:s18], $0x2000  }
0x6a: {  	[sflag:s18] =	ssyncset.done $0x0  }
0x6b: {  	[sflag:s18] =	ssyncadd.s32 $0xFFFFE000  }
0x6c: {  	[spmem:s1] =	stream.indirect.scatter.add.f32 [tilespmem:s30], [sflag:$0x1], $0x40, s29, s20, $0xb8;
	[tilespmem:$0x1A400] =	vst v63  }
0x6d: {  	_ =	swait.ge [sflag:s18], $0x2000  }
0x6e: {  	[sflag:s18] =	ssyncset.done $0x0  }
0x6f: {  	[sflag:s18] =	ssyncadd.s32 $0xFFFFE000  }
0x70: {  	[spmem:s1] =	stream.indirect.scatter.add.f32 [tilespmem:s0], [sflag:$0x1], $0x40, s31, s20, $0xb8;
	[tilespmem:$0x1A400] =	vst v63  }
0x71: {  	_ =	swait.ge [sflag:s18], $0x2000  }
0x72: {  	[sflag:s18] =	ssyncset.done $0x0  }
0x73: {  	[sflag:s18] =	ssyncadd.s32 $0xFFFFE000  }
0x74: {  	[spmem:s1] =	stream.indirect.scatter.add.f32 [tilespmem:s5], [sflag:$0x1], $0x40, s2, s20, $0xb8;
	[tilespmem:$0x1A400] =	vst v63  }
0x75: {  	_ =	swait.ge [sflag:s18], $0x2000  }
0x76: {  	[sflag:s18] =	ssyncset.done $0x0  }
0x77: {  	s8 =	rddreg [dreg:$0x7];
	[sflag:s18] =	ssyncadd.s32 $0xFFFFE000  }
0x78: {  	[tilespmem:s3], [sflag:$0x1] =	stream.linear.gather [hbm4b:s8+s3], $0x400, $0x38;
	[tilespmem:$0x1A400] =	vst v63  }
0x79: {  	_ =	swait.ge [sflag:s18], $0x400  }
0x7a: {  	[sflag:s18] =	ssyncset.done $0x0  }
0x7b: {  	[sflag:s18] =	ssyncadd.s32 $0xFFFFFC00  }
0x7c: {  	[tilespmem:s17], [sflag:$0x1] =	stream.strided.gather [hbm4b:s10+s19], $0x10000, s20, s19, $0x38;
	[tilespmem:$0x1A400] =	vst v63  }
0x7d: {  	_ =	swait.ge [sflag:s18], $0x10000  }
0x7e: {  	[sflag:s18] =	ssyncset.done $0x0  }
0x7f: {  	[sflag:s18] =	ssyncadd.s32 $0xFFFF0000  }
0x80: {  	[spmem:s1] =	stream.indirect.scatter.add.f32 [tilespmem:s17], [sflag:$0x1], $0x40, s3, s20, $0xb8;
	[tilespmem:$0x1A400] =	vst v63  }
0x81: {  	_ =	swait.ge [sflag:s18], $0x2000  }
0x82: {  	[sflag:s18] =	ssyncset.done $0x0  }
0x83: {  	[sflag:s18] =	ssyncadd.s32 $0xFFFFE000  }
0x84: {  	[spmem:s1] =	stream.indirect.scatter.add.f32 [tilespmem:s21], [sflag:$0x1], $0x40, s20, s20, $0xb8;
	[tilespmem:$0x1A400] =	vst v63  }
0x85: {  	_ =	swait.ge [sflag:s18], $0x2000  }
0x86: {  	[sflag:s18] =	ssyncset.done $0x0  }
0x87: {  	[sflag:s18] =	ssyncadd.s32 $0xFFFFE000  }
0x88: {  	[spmem:s1] =	stream.indirect.scatter.add.f32 [tilespmem:s23], [sflag:$0x1], $0x40, s22, s20, $0xb8;
	[tilespmem:$0x1A400] =	vst v63  }
0x89: {  	_ =	swait.ge [sflag:s18], $0x2000  }
0x8a: {  	[sflag:s18] =	ssyncset.done $0x0  }
0x8b: {  	[sflag:s18] =	ssyncadd.s32 $0xFFFFE000  }
0x8c: {  	[spmem:s1] =	stream.indirect.scatter.add.f32 [tilespmem:s25], [sflag:$0x1], $0x40, s24, s20, $0xb8;
	[tilespmem:$0x1A400] =	vst v63  }
0x8d: {  	_ =	swait.ge [sflag:s18], $0x2000  }
0x8e: {  	[sflag:s18] =	ssyncset.done $0x0  }
0x8f: {  	[sflag:s18] =	ssyncadd.s32 $0xFFFFE000  }
0x90: {  	[spmem:s1] =	stream.indirect.scatter.add.f32 [tilespmem:s28], [sflag:$0x1], $0x40, s26, s20, $0xb8;
	[tilespmem:$0x1A400] =	vst v63  }
0x91: {  	_ =	swait.ge [sflag:s18], $0x2000  }
0x92: {  	[sflag:s18] =	ssyncset.done $0x0  }
0x93: {  	[sflag:s18] =	ssyncadd.s32 $0xFFFFE000  }
0x94: {  	[spmem:s1] =	stream.indirect.scatter.add.f32 [tilespmem:s30], [sflag:$0x1], $0x40, s29, s20, $0xb8;
	[tilespmem:$0x1A400] =	vst v63  }
0x95: {  	_ =	swait.ge [sflag:s18], $0x2000  }
0x96: {  	[sflag:s18] =	ssyncset.done $0x0  }
0x97: {  	[sflag:s18] =	ssyncadd.s32 $0xFFFFE000  }
0x98: {  	[spmem:s1] =	stream.indirect.scatter.add.f32 [tilespmem:s0], [sflag:$0x1], $0x40, s31, s20, $0xb8;
	[tilespmem:$0x1A400] =	vst v63  }
0x99: {  	_ =	swait.ge [sflag:s18], $0x2000  }
0x9a: {  	[sflag:s18] =	ssyncset.done $0x0  }
0x9b: {  	[sflag:s18] =	ssyncadd.s32 $0xFFFFE000  }
0x9c: {  	[spmem:s1] =	stream.indirect.scatter.add.f32 [tilespmem:s5], [sflag:$0x1], $0x40, s2, s20, $0xb8;
	[tilespmem:$0x1A400] =	vst v63  }
0x9d: {  	_ =	swait.ge [sflag:s18], $0x2000  }
0x9e: {  	[sflag:s18] =	ssyncset.done $0x0  }
0x9f: {  	[sflag:s18] =	ssyncadd.s32 $0xFFFFE000  }
0xa0: {  	[tilespmem:s3], [sflag:$0x1] =	stream.linear.gather [hbm4b:s11+s3], $0x400, $0x38;
	[tilespmem:$0x1A400] =	vst v63  }
0xa1: {  	_ =	swait.ge [sflag:s18], $0x400  }
0xa2: {  	[sflag:s18] =	ssyncset.done $0x0  }
0xa3: {  	[sflag:s18] =	ssyncadd.s32 $0xFFFFFC00  }
0xa4: {  	[tilespmem:s17], [sflag:$0x1] =	stream.strided.gather [hbm4b:s12+s19], $0x10000, s20, s19, $0x38;
	[tilespmem:$0x1A400] =	vst v63  }
0xa5: {  	_ =	swait.ge [sflag:s18], $0x10000  }
0xa6: {  	[sflag:s18] =	ssyncset.done $0x0  }
0xa7: {  	[sflag:s18] =	ssyncadd.s32 $0xFFFF0000  }
0xa8: {  	[spmem:s1] =	stream.indirect.scatter.add.f32 [tilespmem:s17], [sflag:$0x1], $0x40, s3, s20, $0xb8;
	[tilespmem:$0x1A400] =	vst v63  }
0xa9: {  	_ =	swait.ge [sflag:s18], $0x2000  }
0xaa: {  	[sflag:s18] =	ssyncset.done $0x0  }
0xab: {  	[sflag:s18] =	ssyncadd.s32 $0xFFFFE000  }
0xac: {  	[spmem:s1] =	stream.indirect.scatter.add.f32 [tilespmem:s21], [sflag:$0x1], $0x40, s20, s20, $0xb8;
	[tilespmem:$0x1A400] =	vst v63  }
0xad: {  	_ =	swait.ge [sflag:s18], $0x2000  }
0xae: {  	[sflag:s18] =	ssyncset.done $0x0  }
0xaf: {  	[sflag:s18] =	ssyncadd.s32 $0xFFFFE000  }
0xb0: {  	[spmem:s1] =	stream.indirect.scatter.add.f32 [tilespmem:s23], [sflag:$0x1], $0x40, s22, s20, $0xb8;
	[tilespmem:$0x1A400] =	vst v63  }
0xb1: {  	_ =	swait.ge [sflag:s18], $0x2000  }
0xb2: {  	[sflag:s18] =	ssyncset.done $0x0  }
0xb3: {  	[sflag:s18] =	ssyncadd.s32 $0xFFFFE000  }
0xb4: {  	[spmem:s1] =	stream.indirect.scatter.add.f32 [tilespmem:s25], [sflag:$0x1], $0x40, s24, s20, $0xb8;
	[tilespmem:$0x1A400] =	vst v63  }
0xb5: {  	_ =	swait.ge [sflag:s18], $0x2000  }
0xb6: {  	[sflag:s18] =	ssyncset.done $0x0  }
0xb7: {  	[sflag:s18] =	ssyncadd.s32 $0xFFFFE000  }
0xb8: {  	[spmem:s1] =	stream.indirect.scatter.add.f32 [tilespmem:s28], [sflag:$0x1], $0x40, s26, s20, $0xb8;
	[tilespmem:$0x1A400] =	vst v63  }
0xb9: {  	_ =	swait.ge [sflag:s18], $0x2000  }
0xba: {  	[sflag:s18] =	ssyncset.done $0x0  }
0xbb: {  	[sflag:s18] =	ssyncadd.s32 $0xFFFFE000  }
0xbc: {  	[spmem:s1] =	stream.indirect.scatter.add.f32 [tilespmem:s30], [sflag:$0x1], $0x40, s29, s20, $0xb8;
	[tilespmem:$0x1A400] =	vst v63  }
0xbd: {  	_ =	swait.ge [sflag:s18], $0x2000  }
0xbe: {  	[sflag:s18] =	ssyncset.done $0x0  }
0xbf: {  	[sflag:s18] =	ssyncadd.s32 $0xFFFFE000  }
0xc0: {  	[spmem:s1] =	stream.indirect.scatter.add.f32 [tilespmem:s0], [sflag:$0x1], $0x40, s31, s20, $0xb8;
	[tilespmem:$0x1A400] =	vst v63  }
0xc1: {  	_ =	swait.ge [sflag:s18], $0x2000  }
0xc2: {  	[sflag:s18] =	ssyncset.done $0x0  }
0xc3: {  	[sflag:s18] =	ssyncadd.s32 $0xFFFFE000  }
0xc4: {  	[spmem:s1] =	stream.indirect.scatter.add.f32 [tilespmem:s5], [sflag:$0x1], $0x40, s2, s20, $0xb8;
	[tilespmem:$0x1A400] =	vst v63  }
0xc5: {  	_ =	swait.ge [sflag:s18], $0x2000  }
0xc6: {  	[sflag:s18] =	ssyncset.done $0x0  }
0xc7: {  	[sflag:s18] =	ssyncadd.s32 $0xFFFFE000  }
0xc8: {  	[tilespmem:s3], [sflag:$0x1] =	stream.linear.gather [hbm4b:s13+s3], $0x400, $0x38;
	[tilespmem:$0x1A400] =	vst v63  }
0xc9: {  	_ =	swait.ge [sflag:s18], $0x400  }
0xca: {  	[sflag:s18] =	ssyncset.done $0x0  }
0xcb: {  	[sflag:s18] =	ssyncadd.s32 $0xFFFFFC00  }
0xcc: {  	[tilespmem:s17], [sflag:$0x1] =	stream.strided.gather [hbm4b:s14+s19], $0x10000, s20, s19, $0x38;
	[tilespmem:$0x1A400] =	vst v63  }
0xcd: {  	_ =	swait.ge [sflag:s18], $0x10000  }
0xce: {  	[sflag:s18] =	ssyncset.done $0x0  }
0xcf: {  	[sflag:s18] =	ssyncadd.s32 $0xFFFF0000  }
0xd0: {  	[spmem:s1] =	stream.indirect.scatter.add.f32 [tilespmem:s17], [sflag:$0x1], $0x40, s3, s20, $0xb8;
	[tilespmem:$0x1A400] =	vst v63  }
0xd1: {  	_ =	swait.ge [sflag:s18], $0x2000  }
0xd2: {  	[sflag:s18] =	ssyncset.done $0x0  }
0xd3: {  	[sflag:s18] =	ssyncadd.s32 $0xFFFFE000  }
0xd4: {  	[spmem:s1] =	stream.indirect.scatter.add.f32 [tilespmem:s21], [sflag:$0x1], $0x40, s20, s20, $0xb8;
	[tilespmem:$0x1A400] =	vst v63  }
0xd5: {  	_ =	swait.ge [sflag:s18], $0x2000  }
0xd6: {  	[sflag:s18] =	ssyncset.done $0x0  }
0xd7: {  	[sflag:s18] =	ssyncadd.s32 $0xFFFFE000  }
0xd8: {  	[spmem:s1] =	stream.indirect.scatter.add.f32 [tilespmem:s23], [sflag:$0x1], $0x40, s22, s20, $0xb8;
	[tilespmem:$0x1A400] =	vst v63  }
0xd9: {  	_ =	swait.ge [sflag:s18], $0x2000  }
0xda: {  	[sflag:s18] =	ssyncset.done $0x0  }
0xdb: {  	[sflag:s18] =	ssyncadd.s32 $0xFFFFE000  }
0xdc: {  	[spmem:s1] =	stream.indirect.scatter.add.f32 [tilespmem:s25], [sflag:$0x1], $0x40, s24, s20, $0xb8;
	[tilespmem:$0x1A400] =	vst v63  }
0xdd: {  	_ =	swait.ge [sflag:s18], $0x2000  }
0xde: {  	[sflag:s18] =	ssyncset.done $0x0  }
0xdf: {  	[sflag:s18] =	ssyncadd.s32 $0xFFFFE000  }
0xe0: {  	[spmem:s1] =	stream.indirect.scatter.add.f32 [tilespmem:s28], [sflag:$0x1], $0x40, s26, s20, $0xb8;
	[tilespmem:$0x1A400] =	vst v63  }
0xe1: {  	_ =	swait.ge [sflag:s18], $0x2000  }
0xe2: {  	[sflag:s18] =	ssyncset.done $0x0  }
0xe3: {  	[sflag:s18] =	ssyncadd.s32 $0xFFFFE000  }
0xe4: {  	[spmem:s1] =	stream.indirect.scatter.add.f32 [tilespmem:s30], [sflag:$0x1], $0x40, s29, s20, $0xb8;
	[tilespmem:$0x1A400] =	vst v63  }
0xe5: {  	_ =	swait.ge [sflag:s18], $0x2000  }
0xe6: {  	[sflag:s18] =	ssyncset.done $0x0  }
0xe7: {  	[sflag:s18] =	ssyncadd.s32 $0xFFFFE000  }
0xe8: {  	[spmem:s1] =	stream.indirect.scatter.add.f32 [tilespmem:s0], [sflag:$0x1], $0x40, s31, s20, $0xb8;
	[tilespmem:$0x1A400] =	vst v63  }
0xe9: {  	_ =	swait.ge [sflag:s18], $0x2000  }
0xea: {  	[sflag:s18] =	ssyncset.done $0x0  }
0xeb: {  	[sflag:s18] =	ssyncadd.s32 $0xFFFFE000  }
0xec: {  	[spmem:s1] =	stream.indirect.scatter.add.f32 [tilespmem:s5], [sflag:$0x1], $0x40, s2, s20, $0xb8;
	[tilespmem:$0x1A400] =	vst v63  }
0xed: {  	s9 =	stileid.u32;
	_ =	swait.ge [sflag:s18], $0x2000  }
0xee: {  	s6 =	sadd.s32 $0x1, s6;
	s7 =	sshll.u32 s9, $0x6;
	[sflag:s18] =	ssyncset.done $0x0  }
0xef: {  	p0 =	sne.s32 s6, s16;
	s7 =	sor.u32 $0x1C01, s7;
	[sflag:s18] =	ssyncadd.s32 $0xFFFFE000  }
.Ltmp1:
0xf0: {  	s8 =	sshrl.u32 s4, $0x3;
	[bflag:$0x0] =	sbarrier.arrive $0xFFFF;
	(pc) =	sbr.rel @p0 .LBB2_1-.Ltmp1, $4  }
0xf1: {  	[hbm:s15], [sflag:s7] =	dma.local [spmem:s8], $0x1400  }
0xf2: {  	_ =	swait.ge [sflag:s18], $0x1400  }
0xf3: {  	[sflag:s18] =	ssyncset.done $0x0  }
0xf4: {  	[sflag:s18] =	ssyncadd.s32 $0xFFFFEC00  }
0xf5: {  	_ =	sfence.sel $0x180000  }
0xf6: {  	[bflag:$0x0] =	sbarrier.arrive $0xFFFF  }
0xf7: {  	_ =	strace $0x9000004A  }
0xf8: {  	s0 =	stileid.u32;
	[bflag:$0x2] =	sbarrier.arrive $0xFFFF  }
0xf9: {  	p0 =	sne.s32 s0, $0x0;
	s0 =	rddreg [dreg:$0x2]  }
0xfa: {  	s0 =	sadd.s32 @!p0 $0x100000, s0  }
0xfb: {  	[sflag:s0] =	ssyncadd.tile.s32 @!p0 $0x1;
	_ =	shalt  }
.Lfunc_end2:
_tile_overlayer_lowered:
.L_overlay_start_2:
0xfc: {  	(tag) =	ssettag $0x2  }
0xfd: {  	s0 =	rddreg [dreg:$0x0];
	s2 =	stileid.u32  }
0xfe: {  	s1 =	rddreg [dreg:$0x1];
	p0 =	sne.s32 s2, $0x0  }
0xff: {  	s3 =	rddreg [dreg:$0x2];
	[bflag:$0x3] =	sbarrier.arrive $0xFFFF;
	s2 =	simm.s32 @!p0 $0x1C01  }
0x100: {  	[timem:s3], [sflag:s2] =	dma.local @!p0 [hbm:s0], s1  }
0x101: {  	s0 =	simm.s32 @!p0 $0x1  }
0x102: {  	_ =	swait.ge @!p0 [sflag:s0], s1  }
0x103: {  	s1 =	ssub.s32 @!p0 $0x0, s1;
	[sflag:s0] =	ssyncset.done @!p0 $0x0  }
0x104: {  	[sflag:s0] =	ssyncadd.s32 @!p0 s1  }
0x105: {  	[bflag:$0x3] =	sbarrier.arrive $0xFFFF  }
0x106: {  	_ =	shalt  }

</sc_bundles>
